<compile_context>
chip_gen: v7x
topology: tpu7x:2x2x1
jax: 0.10.2.dev20260603
libtpu: 0.0.44.dev20260713+nightly
codegen_flags: <defaults>
</compile_context>

<pallas_src>
import functools

import jax
import jax.numpy as jnp
from jax import lax
from jax.experimental import pallas as pl
from jax.experimental.pallas import tpu as pltpu
from jax.experimental.pallas import tpu_sc as plsc

_TILES = 16
_B = 80


def kernel(node_feat, edge_feat, edge_index):
    n, d = node_feat.shape
    e = edge_feat.shape[0]
    h = d // 2

    epw = e // _TILES
    nchunks = epw // _B
    njobs = 2 * nchunks
    n_pad = ((n + _TILES * 8 - 1) // (_TILES * 8)) * (_TILES * 8)
    rows_pt = n_pad // _TILES
    rows_last = n - (_TILES - 1) * rows_pt

    mesh = plsc.VectorSubcoreMesh(core_axis_name="c", subcore_axis_name="s")

    @functools.partial(
        pl.kernel,
        out_type=jax.ShapeDtypeStruct((n, d), jnp.float32),
        mesh=mesh,
        scratch_types=[
            pltpu.VMEM((2, _B), jnp.int32),
            pltpu.VMEM((2, _B), jnp.int32),
            pltpu.VMEM((4, _B), jnp.int32),
            pltpu.VMEM((4, _B), jnp.int32),
            pltpu.VMEM((4, _B, h), jnp.float32),
            pltpu.VMEM_SHARED((n_pad, h), jnp.float32),
            pltpu.SemaphoreType.DMA,
        ]
        + [pltpu.SemaphoreType.DMA] * 4
        + [pltpu.SemaphoreType.DMA] * 4
        + [pltpu.SemaphoreType.DMA] * 2,
    )
    def k(node_hbm, edge_hbm, eidx_hbm, out_hbm,
          sstage, dstage, gidx, didx, buf, acc, zsem,
          g0, g1, g2, g3, s0, s1, s2, s3, l0, l1):
        gsem = [g0, g1, g2, g3]
        ssem = [s0, s1, s2, s3]
        lsem = [l0, l1]

        c = lax.axis_index("c")
        s = lax.axis_index("s")
        base0 = s * epw
        arow = s * rows_pt
        colbase = pl.multiple_of(c * h, h)

        def issue_ld(k_tr, st):
            pltpu.async_copy(eidx_hbm.at[pl.ds(base0 + k_tr * _B, _B)],
                             sstage.at[st], lsem[st])
            pltpu.async_copy(eidx_hbm.at[pl.ds(e + base0 + k_tr * _B, _B)],
                             dstage.at[st], lsem[st])

        def wait_ld(st):
            pltpu.make_async_copy(eidx_hbm.at[pl.ds(base0, _B)],
                                  sstage.at[st], lsem[st]).wait()
            pltpu.make_async_copy(eidx_hbm.at[pl.ds(e + base0, _B)],
                                  dstage.at[st], lsem[st]).wait()

        def gen_node(b, st):
            for j in range(0, _B, 16):
                didx[b, pl.ds(j, 16)] = dstage[st, pl.ds(j, 16)]
                gidx[b, pl.ds(j, 16)] = sstage[st, pl.ds(j, 16)]

        def gen_edge(b, st, k_tr):
            for j in range(0, _B, 16):
                didx[b, pl.ds(j, 16)] = dstage[st, pl.ds(j, 16)]

        def issue_g(b, k_tr):
            if b % 2 == 0:
                pltpu.async_copy(node_hbm.at[gidx.at[b], pl.ds(colbase, h)],
                                 buf.at[b], gsem[b])
            else:
                pltpu.async_copy(
                    edge_hbm.at[pl.ds(base0 + k_tr * _B, _B), pl.ds(colbase, h)],
                    buf.at[b], gsem[b])

        def wait_g(b):
            if b % 2 == 0:
                pltpu.make_async_copy(node_hbm.at[gidx.at[b], pl.ds(colbase, h)],
                                      buf.at[b], gsem[b]).wait()
            else:
                pltpu.make_async_copy(
                    edge_hbm.at[pl.ds(base0, _B), pl.ds(colbase, h)],
                    buf.at[b], gsem[b]).wait()

        def issue_sc(b):
            pltpu.async_copy(buf.at[b], acc.at[didx.at[b]], ssem[b], add=True)

        def wait_sc(b):
            pltpu.make_async_copy(buf.at[b], acc.at[didx.at[b]], ssem[b]).wait()

        issue_ld(0, 0)
        issue_ld(1, 1)

        @pl.loop(0, _B)
        def _(r):
            for j in range(0, h, 16):
                buf[0, r, pl.ds(j, 16)] = jnp.zeros((16,), jnp.float32)

        nfull = rows_pt // _B
        ztail = rows_pt - nfull * _B
        for m in range(nfull):
            pltpu.async_copy(buf.at[0], acc.at[pl.ds(arow + m * _B, _B)], zsem)
        if ztail:
            pltpu.async_copy(buf.at[0, pl.ds(0, ztail)],
                             acc.at[pl.ds(arow + nfull * _B, ztail)], zsem)
        for m in range(nfull):
            pltpu.make_async_copy(buf.at[0],
                                  acc.at[pl.ds(arow + m * _B, _B)], zsem).wait()
        if ztail:
            pltpu.make_async_copy(buf.at[0, pl.ds(0, ztail)],
                                  acc.at[pl.ds(arow + nfull * _B, ztail)],
                                  zsem).wait()
        wait_ld(0)
        gen_node(0, 0)
        issue_g(0, 0)
        gen_edge(1, 0, 0)
        issue_g(1, 0)
        issue_ld(2, 0)
        wait_ld(1)
        gen_node(2, 1)
        issue_g(2, 1)
        gen_edge(3, 1, 1)
        issue_g(3, 1)
        issue_ld(3, 1)
        plsc.subcore_barrier()
        wait_g(0)
        issue_sc(0)
        wait_g(1)
        issue_sc(1)
        wait_g(2)
        issue_sc(2)

        @pl.loop(4, njobs - 2, step=4)
        def _(g0_tr):
            kbase = g0_tr // 2
            for b in range(4):
                k_tr = kbase + (b // 2)
                st = b // 2
                if b % 2 == 0:
                    wait_sc(b)
                    wait_ld(st)
                    gen_node(b, st)
                    issue_g(b, k_tr)
                else:
                    wait_sc(b)
                    gen_edge(b, st, k_tr)
                    issue_g(b, k_tr)

                    @pl.when(k_tr + 2 < nchunks)
                    def _():
                        issue_ld(k_tr + 2, st)
                bp = (b + 3) % 4
                wait_g(bp)
                issue_sc(bp)

        wait_sc(0)
        wait_ld(0)
        gen_node(0, 0)
        issue_g(0, nchunks - 1)
        wait_g(3)
        issue_sc(3)
        wait_sc(1)
        gen_edge(1, 0, nchunks - 1)
        issue_g(1, nchunks - 1)
        wait_g(0)
        issue_sc(0)
        wait_g(1)
        issue_sc(1)
        wait_sc(2)
        wait_sc(3)
        wait_sc(0)
        wait_sc(1)

        plsc.subcore_barrier()

        def writeout(sizes):
            off = 0
            for i, sz in enumerate(sizes):
                wb = i % 2
                if i >= 2:
                    psz = sizes[i - 2]
                    poff = sum(sizes[:i - 2])
                    pltpu.make_async_copy(
                        buf.at[wb, pl.ds(0, psz)],
                        out_hbm.at[pl.ds(arow + poff, psz), pl.ds(colbase, h)],
                        gsem[wb]).wait()
                pltpu.sync_copy(acc.at[pl.ds(arow + off, sz)],
                                buf.at[wb, pl.ds(0, sz)])
                pltpu.async_copy(
                    buf.at[wb, pl.ds(0, sz)],
                    out_hbm.at[pl.ds(arow + off, sz), pl.ds(colbase, h)],
                    gsem[wb])
                off += sz
            for i in range(max(0, len(sizes) - 2), len(sizes)):
                wb = i % 2
                sz = sizes[i]
                poff = sum(sizes[:i])
                pltpu.make_async_copy(
                    buf.at[wb, pl.ds(0, sz)],
                    out_hbm.at[pl.ds(arow + poff, sz), pl.ds(colbase, h)],
                    gsem[wb]).wait()

        @pl.when(s < _TILES - 1)
        def _():
            writeout([_B] * (rows_pt // _B) + [rows_pt % _B])

        @pl.when(s == _TILES - 1)
        def _():
            writeout([_B] * (rows_last // _B) + [rows_last % _B])

    return k(node_feat, edge_feat, edge_index.reshape(2 * e))

# --- scband reference (transcript-rebuilt; emitter-appended) ---
"""Pipeline reference for scband-gin-50972671869202 (READ-ONLY COPY).

The authoritative reference and input builder live on the scoring server;
editing this copy changes nothing except your own understanding.
"""

import jax, jax.numpy as jnp
import numpy as np

N = 10000
E = 160000
D = 256

def setup_inputs(seed: int = 0) -> dict:
    key = jax.random.key(seed)
    k1, k2, k3 = jax.random.split(key, 3)
    node_feat = jax.random.normal(k1, (N, D), dtype=jnp.float32)
    edge_feat = jax.random.normal(k2, (E, D), dtype=jnp.float32)
    edge_index = jax.random.randint(k3, (2, E), 0, N, dtype=jnp.int32)
    return {"node_feat": node_feat, "edge_feat": edge_feat, "edge_index": edge_index}

def reference(node_feat, edge_feat, edge_index):
    # DGL update_all(fn.u_add_e('h','h','m'), fn.sum('m','h_neigh')):
    # message on each edge = src_node_feat + edge_feat; reduce = sum over incoming edges at dst.
    src = edge_index[0]
    dst = edge_index[1]
    msgs = jnp.take(node_feat, src, axis=0) + edge_feat  # gather src features, add edge features
    out = jax.ops.segment_sum(msgs, dst, num_segments=N)  # scatter-add to dst nodes
    return out

if __name__ == "__main__":
    import jax
    _d = setup_inputs()
    print(jax.jit(kernel)(*tuple(_d.values())))

</pallas_src>

<mosaic_0001>
#map = affine_map<(d0, d1) -> (0, 0)>
#map1 = affine_map<(d0, d1) -> (0)>
module attributes {stable_mosaic.version = 14 : i64} {
  func.func @k(%arg0: i32, %arg1: i32, %arg2: memref<10000x256xf32, #tpu.memory_space<hbm>>, %arg3: memref<160000x256xf32, #tpu.memory_space<hbm>>, %arg4: memref<320000xi32, #tpu.memory_space<hbm>>, %arg5: memref<10000x256xf32, #tpu.memory_space<hbm>>, %arg6: memref<2x80xi32, #tpu.memory_space<vmem>>, %arg7: memref<2x80xi32, #tpu.memory_space<vmem>>, %arg8: memref<4x80xi32, #tpu.memory_space<vmem>>, %arg9: memref<4x80xi32, #tpu.memory_space<vmem>>, %arg10: memref<4x80x128xf32, #tpu.memory_space<vmem>>, %arg11: memref<10112x128xf32, #tpu.memory_space<vmem_shared>>, %arg12: memref<!tpu.dma_semaphore, #tpu.memory_space<semaphore_mem>>, %arg13: memref<!tpu.dma_semaphore, #tpu.memory_space<semaphore_mem>>, %arg14: memref<!tpu.dma_semaphore, #tpu.memory_space<semaphore_mem>>, %arg15: memref<!tpu.dma_semaphore, #tpu.memory_space<semaphore_mem>>, %arg16: memref<!tpu.dma_semaphore, #tpu.memory_space<semaphore_mem>>, %arg17: memref<!tpu.dma_semaphore, #tpu.memory_space<semaphore_mem>>, %arg18: memref<!tpu.dma_semaphore, #tpu.memory_space<semaphore_mem>>, %arg19: memref<!tpu.dma_semaphore, #tpu.memory_space<semaphore_mem>>, %arg20: memref<!tpu.dma_semaphore, #tpu.memory_space<semaphore_mem>>, %arg21: memref<!tpu.dma_semaphore, #tpu.memory_space<semaphore_mem>>, %arg22: memref<!tpu.dma_semaphore, #tpu.memory_space<semaphore_mem>>) attributes {dimension_semantics = [#tpu.dimension_semantics<core_parallel>, #tpu.dimension_semantics<subcore_parallel>], iteration_bounds = array<i64: 2, 16>, scalar_prefetch = 0 : i64, scratch_operands = 17 : i64, tpu.core_type = #tpu.core_type<sc_vector_subcore>, window_params = [{transform_indices = #map}, {transform_indices = #map}, {transform_indices = #map1}, {transform_indices = #map}]} {
    %mul3A = arith.constant 10000 : i32
    %mul3A_0 = arith.muli %arg1, %mul3A : i32
    %mul3A_1 = arith.constant 632 : i32
    %mul3A_2 = arith.muli %arg1, %mul3A_1 : i32
    %mul3A_3 = arith.constant 128 : i32
    %mul3A_4 = arith.muli %arg0, %mul3A_3 : i32
    %multiple_of3A = tpu.assume_multiple %mul3A_4, 128 : i32
    %add3A = arith.constant 0 : i32
    %add3A_5 = arith.addi %mul3A_0, %add3A : i32
    %dma_start3A = arith.constant 0 : i32
    %dma_start3A_6 = arith.constant 0 : i32
    %dma_start3A_7 = tpu.memref_slice %arg6[%dma_start3A, %dma_start3A_6] : memref<2x80xi32, #tpu.memory_space<vmem>> -> memref<1x80xi32, #tpu.memory_space<vmem>>
    %dma_start3A_8 = tpu.memref_squeeze %dma_start3A_7 : memref<1x80xi32, #tpu.memory_space<vmem>> -> memref<80xi32, #tpu.memory_space<vmem>>
    %dma_start3A_9 = tpu.memref_slice %arg4[%add3A_5] : memref<320000xi32, #tpu.memory_space<hbm>> -> memref<80xi32, #tpu.memory_space<hbm>>
    %dma_start3A_10 = arith.constant 0 : i32
    %dma_start3A_11 = tpu.memref_slice %arg6[%dma_start3A, %dma_start3A_10] : memref<2x80xi32, #tpu.memory_space<vmem>> -> memref<1x80xi32, #tpu.memory_space<vmem>>
    %dma_start3A_12 = tpu.memref_squeeze %dma_start3A_11 : memref<1x80xi32, #tpu.memory_space<vmem>> -> memref<80xi32, #tpu.memory_space<vmem>>
    %dma_start3A_13 = tpu.memref_slice %arg4[%add3A_5] : memref<320000xi32, #tpu.memory_space<hbm>> -> memref<80xi32, #tpu.memory_space<hbm>>
    tpu.enqueue_dma source(%dma_start3A_13 : memref<80xi32, #tpu.memory_space<hbm>>) target(%dma_start3A_12 : memref<80xi32, #tpu.memory_space<vmem>>) target_semaphore(%arg21 : memref<!tpu.dma_semaphore, #tpu.memory_space<semaphore_mem>>)
    %add3A_14 = arith.constant 160000 : i32
    %add3A_15 = arith.addi %add3A_14, %mul3A_0 : i32
    %add3A_16 = arith.constant 0 : i32
    %add3A_17 = arith.addi %add3A_15, %add3A_16 : i32
    %dma_start3A_18 = arith.constant 0 : i32
    %dma_start3A_19 = arith.constant 0 : i32
    %dma_start3A_20 = tpu.memref_slice %arg7[%dma_start3A_18, %dma_start3A_19] : memref<2x80xi32, #tpu.memory_space<vmem>> -> memref<1x80xi32, #tpu.memory_space<vmem>>
    %dma_start3A_21 = tpu.memref_squeeze %dma_start3A_20 : memref<1x80xi32, #tpu.memory_space<vmem>> -> memref<80xi32, #tpu.memory_space<vmem>>
    %dma_start3A_22 = tpu.memref_slice %arg4[%add3A_17] : memref<320000xi32, #tpu.memory_space<hbm>> -> memref<80xi32, #tpu.memory_space<hbm>>
    %dma_start3A_23 = arith.constant 0 : i32
    %dma_start3A_24 = tpu.memref_slice %arg7[%dma_start3A_18, %dma_start3A_23] : memref<2x80xi32, #tpu.memory_space<vmem>> -> memref<1x80xi32, #tpu.memory_space<vmem>>
    %dma_start3A_25 = tpu.memref_squeeze %dma_start3A_24 : memref<1x80xi32, #tpu.memory_space<vmem>> -> memref<80xi32, #tpu.memory_space<vmem>>
    %dma_start3A_26 = tpu.memref_slice %arg4[%add3A_17] : memref<320000xi32, #tpu.memory_space<hbm>> -> memref<80xi32, #tpu.memory_space<hbm>>
    tpu.enqueue_dma source(%dma_start3A_26 : memref<80xi32, #tpu.memory_space<hbm>>) target(%dma_start3A_25 : memref<80xi32, #tpu.memory_space<vmem>>) target_semaphore(%arg21 : memref<!tpu.dma_semaphore, #tpu.memory_space<semaphore_mem>>)
    %add3A_27 = arith.constant 80 : i32
    %add3A_28 = arith.addi %mul3A_0, %add3A_27 : i32
    %dma_start3A_29 = arith.constant 1 : i32
    %dma_start3A_30 = arith.constant 0 : i32
    %dma_start3A_31 = tpu.memref_slice %arg6[%dma_start3A_29, %dma_start3A_30] : memref<2x80xi32, #tpu.memory_space<vmem>> -> memref<1x80xi32, #tpu.memory_space<vmem>>
    %dma_start3A_32 = tpu.memref_squeeze %dma_start3A_31 : memref<1x80xi32, #tpu.memory_space<vmem>> -> memref<80xi32, #tpu.memory_space<vmem>>
    %dma_start3A_33 = tpu.memref_slice %arg4[%add3A_28] : memref<320000xi32, #tpu.memory_space<hbm>> -> memref<80xi32, #tpu.memory_space<hbm>>
    %dma_start3A_34 = arith.constant 0 : i32
    %dma_start3A_35 = tpu.memref_slice %arg6[%dma_start3A_29, %dma_start3A_34] : memref<2x80xi32, #tpu.memory_space<vmem>> -> memref<1x80xi32, #tpu.memory_space<vmem>>
    %dma_start3A_36 = tpu.memref_squeeze %dma_start3A_35 : memref<1x80xi32, #tpu.memory_space<vmem>> -> memref<80xi32, #tpu.memory_space<vmem>>
    %dma_start3A_37 = tpu.memref_slice %arg4[%add3A_28] : memref<320000xi32, #tpu.memory_space<hbm>> -> memref<80xi32, #tpu.memory_space<hbm>>
    tpu.enqueue_dma source(%dma_start3A_37 : memref<80xi32, #tpu.memory_space<hbm>>) target(%dma_start3A_36 : memref<80xi32, #tpu.memory_space<vmem>>) target_semaphore(%arg22 : memref<!tpu.dma_semaphore, #tpu.memory_space<semaphore_mem>>)
    %add3A_38 = arith.constant 160000 : i32
    %add3A_39 = arith.addi %add3A_38, %mul3A_0 : i32
    %add3A_40 = arith.constant 80 : i32
    %add3A_41 = arith.addi %add3A_39, %add3A_40 : i32
    %dma_start3A_42 = arith.constant 1 : i32
    %dma_start3A_43 = arith.constant 0 : i32
    %dma_start3A_44 = tpu.memref_slice %arg7[%dma_start3A_42, %dma_start3A_43] : memref<2x80xi32, #tpu.memory_space<vmem>> -> memref<1x80xi32, #tpu.memory_space<vmem>>
    %dma_start3A_45 = tpu.memref_squeeze %dma_start3A_44 : memref<1x80xi32, #tpu.memory_space<vmem>> -> memref<80xi32, #tpu.memory_space<vmem>>
    %dma_start3A_46 = tpu.memref_slice %arg4[%add3A_41] : memref<320000xi32, #tpu.memory_space<hbm>> -> memref<80xi32, #tpu.memory_space<hbm>>
    %dma_start3A_47 = arith.constant 0 : i32
    %dma_start3A_48 = tpu.memref_slice %arg7[%dma_start3A_42, %dma_start3A_47] : memref<2x80xi32, #tpu.memory_space<vmem>> -> memref<1x80xi32, #tpu.memory_space<vmem>>
    %dma_start3A_49 = tpu.memref_squeeze %dma_start3A_48 : memref<1x80xi32, #tpu.memory_space<vmem>> -> memref<80xi32, #tpu.memory_space<vmem>>
    %dma_start3A_50 = tpu.memref_slice %arg4[%add3A_41] : memref<320000xi32, #tpu.memory_space<hbm>> -> memref<80xi32, #tpu.memory_space<hbm>>
    tpu.enqueue_dma source(%dma_start3A_50 : memref<80xi32, #tpu.memory_space<hbm>>) target(%dma_start3A_49 : memref<80xi32, #tpu.memory_space<vmem>>) target_semaphore(%arg22 : memref<!tpu.dma_semaphore, #tpu.memory_space<semaphore_mem>>)
    %scan3A = arith.constant 0 : i32
    %scan3A_51 = arith.constant 80 : i32
    %scan3A_52 = arith.addi %scan3A, %scan3A_51 : i32
    %scan3A_53 = arith.constant 1 : i32
    scf.for %scan3A_1189 = %scan3A to %scan3A_52 step %scan3A_53  : i32 {
      %mul3A_1190 = arith.constant 1 : i32
      %mul3A_1191 = arith.muli %scan3A_1189, %mul3A_1190 : i32
      %add3A_1192 = arith.constant 0 : i32
      %add3A_1193 = arith.addi %add3A_1192, %mul3A_1191 : i32
      %broadcast_in_dim3A = arith.constant 0.000000e+00 : f32
      %broadcast_in_dim3A_1194 = vector.broadcast %broadcast_in_dim3A : f32 to vector<16xf32>
      %swap3A_1195 = arith.constant 0 : i32
      %swap3A_1196 = arith.index_cast %swap3A_1195 : i32 to index
      %swap3A_1197 = arith.index_cast %add3A_1193 : i32 to index
      %swap3A_1198 = arith.constant 0 : index
      %swap3A_1199 = tpu.vector_load %arg10[%swap3A_1196, %swap3A_1197, %swap3A_1198] {strides = array<i32>} : memref<4x80x128xf32, #tpu.memory_space<vmem>>, vector<1x1x16xf32>,
      %swap3A_1200 = vector.shape_cast %swap3A_1199 : vector<1x1x16xf32> to vector<16xf32>
      %swap3A_1201 = vector.shape_cast %broadcast_in_dim3A_1194 : vector<16xf32> to vector<1x1x16xf32>
      tpu.vector_store %arg10[%swap3A_1196, %swap3A_1197, %swap3A_1198], %swap3A_1201 {strides = array<i32>} : memref<4x80x128xf32, #tpu.memory_space<vmem>>, vector<1x1x16xf32>,
      %broadcast_in_dim3A_1202 = arith.constant 0.000000e+00 : f32
      %broadcast_in_dim3A_1203 = vector.broadcast %broadcast_in_dim3A_1202 : f32 to vector<16xf32>
      %swap3A_1204 = arith.constant 0 : i32
      %swap3A_1205 = arith.index_cast %swap3A_1204 : i32 to index
      %swap3A_1206 = arith.index_cast %add3A_1193 : i32 to index
      %swap3A_1207 = arith.constant 16 : index
      %swap3A_1208 = tpu.vector_load %arg10[%swap3A_1205, %swap3A_1206, %swap3A_1207] {strides = array<i32>} : memref<4x80x128xf32, #tpu.memory_space<vmem>>, vector<1x1x16xf32>,
      %swap3A_1209 = vector.shape_cast %swap3A_1208 : vector<1x1x16xf32> to vector<16xf32>
      %swap3A_1210 = vector.shape_cast %broadcast_in_dim3A_1203 : vector<16xf32> to vector<1x1x16xf32>
      tpu.vector_store %arg10[%swap3A_1205, %swap3A_1206, %swap3A_1207], %swap3A_1210 {strides = array<i32>} : memref<4x80x128xf32, #tpu.memory_space<vmem>>, vector<1x1x16xf32>,
      %broadcast_in_dim3A_1211 = arith.constant 0.000000e+00 : f32
      %broadcast_in_dim3A_1212 = vector.broadcast %broadcast_in_dim3A_1211 : f32 to vector<16xf32>
      %swap3A_1213 = arith.constant 0 : i32
      %swap3A_1214 = arith.index_cast %swap3A_1213 : i32 to index
      %swap3A_1215 = arith.index_cast %add3A_1193 : i32 to index
      %swap3A_1216 = arith.constant 32 : index
      %swap3A_1217 = tpu.vector_load %arg10[%swap3A_1214, %swap3A_1215, %swap3A_1216] {strides = array<i32>} : memref<4x80x128xf32, #tpu.memory_space<vmem>>, vector<1x1x16xf32>,
      %swap3A_1218 = vector.shape_cast %swap3A_1217 : vector<1x1x16xf32> to vector<16xf32>
      %swap3A_1219 = vector.shape_cast %broadcast_in_dim3A_1212 : vector<16xf32> to vector<1x1x16xf32>
      tpu.vector_store %arg10[%swap3A_1214, %swap3A_1215, %swap3A_1216], %swap3A_1219 {strides = array<i32>} : memref<4x80x128xf32, #tpu.memory_space<vmem>>, vector<1x1x16xf32>,
      %broadcast_in_dim3A_1220 = arith.constant 0.000000e+00 : f32
      %broadcast_in_dim3A_1221 = vector.broadcast %broadcast_in_dim3A_1220 : f32 to vector<16xf32>
      %swap3A_1222 = arith.constant 0 : i32
      %swap3A_1223 = arith.index_cast %swap3A_1222 : i32 to index
      %swap3A_1224 = arith.index_cast %add3A_1193 : i32 to index
      %swap3A_1225 = arith.constant 48 : index
      %swap3A_1226 = tpu.vector_load %arg10[%swap3A_1223, %swap3A_1224, %swap3A_1225] {strides = array<i32>} : memref<4x80x128xf32, #tpu.memory_space<vmem>>, vector<1x1x16xf32>,
      %swap3A_1227 = vector.shape_cast %swap3A_1226 : vector<1x1x16xf32> to vector<16xf32>
      %swap3A_1228 = vector.shape_cast %broadcast_in_dim3A_1221 : vector<16xf32> to vector<1x1x16xf32>
      tpu.vector_store %arg10[%swap3A_1223, %swap3A_1224, %swap3A_1225], %swap3A_1228 {strides = array<i32>} : memref<4x80x128xf32, #tpu.memory_space<vmem>>, vector<1x1x16xf32>,
      %broadcast_in_dim3A_1229 = arith.constant 0.000000e+00 : f32
      %broadcast_in_dim3A_1230 = vector.broadcast %broadcast_in_dim3A_1229 : f32 to vector<16xf32>
      %swap3A_1231 = arith.constant 0 : i32
      %swap3A_1232 = arith.index_cast %swap3A_1231 : i32 to index
      %swap3A_1233 = arith.index_cast %add3A_1193 : i32 to index
      %swap3A_1234 = arith.constant 64 : index
      %swap3A_1235 = tpu.vector_load %arg10[%swap3A_1232, %swap3A_1233, %swap3A_1234] {strides = array<i32>} : memref<4x80x128xf32, #tpu.memory_space<vmem>>, vector<1x1x16xf32>,
      %swap3A_1236 = vector.shape_cast %swap3A_1235 : vector<1x1x16xf32> to vector<16xf32>
      %swap3A_1237 = vector.shape_cast %broadcast_in_dim3A_1230 : vector<16xf32> to vector<1x1x16xf32>
      tpu.vector_store %arg10[%swap3A_1232, %swap3A_1233, %swap3A_1234], %swap3A_1237 {strides = array<i32>} : memref<4x80x128xf32, #tpu.memory_space<vmem>>, vector<1x1x16xf32>,
      %broadcast_in_dim3A_1238 = arith.constant 0.000000e+00 : f32
      %broadcast_in_dim3A_1239 = vector.broadcast %broadcast_in_dim3A_1238 : f32 to vector<16xf32>
      %swap3A_1240 = arith.constant 0 : i32
      %swap3A_1241 = arith.index_cast %swap3A_1240 : i32 to index
      %swap3A_1242 = arith.index_cast %add3A_1193 : i32 to index
      %swap3A_1243 = arith.constant 80 : index
      %swap3A_1244 = tpu.vector_load %arg10[%swap3A_1241, %swap3A_1242, %swap3A_1243] {strides = array<i32>} : memref<4x80x128xf32, #tpu.memory_space<vmem>>, vector<1x1x16xf32>,
      %swap3A_1245 = vector.shape_cast %swap3A_1244 : vector<1x1x16xf32> to vector<16xf32>
      %swap3A_1246 = vector.shape_cast %broadcast_in_dim3A_1239 : vector<16xf32> to vector<1x1x16xf32>
      tpu.vector_store %arg10[%swap3A_1241, %swap3A_1242, %swap3A_1243], %swap3A_1246 {strides = array<i32>} : memref<4x80x128xf32, #tpu.memory_space<vmem>>, vector<1x1x16xf32>,
      %broadcast_in_dim3A_1247 = arith.constant 0.000000e+00 : f32
      %broadcast_in_dim3A_1248 = vector.broadcast %broadcast_in_dim3A_1247 : f32 to vector<16xf32>
      %swap3A_1249 = arith.constant 0 : i32
      %swap3A_1250 = arith.index_cast %swap3A_1249 : i32 to index
      %swap3A_1251 = arith.index_cast %add3A_1193 : i32 to index
      %swap3A_1252 = arith.constant 96 : index
      %swap3A_1253 = tpu.vector_load %arg10[%swap3A_1250, %swap3A_1251, %swap3A_1252] {strides = array<i32>} : memref<4x80x128xf32, #tpu.memory_space<vmem>>, vector<1x1x16xf32>,
      %swap3A_1254 = vector.shape_cast %swap3A_1253 : vector<1x1x16xf32> to vector<16xf32>
      %swap3A_1255 = vector.shape_cast %broadcast_in_dim3A_1248 : vector<16xf32> to vector<1x1x16xf32>
      tpu.vector_store %arg10[%swap3A_1250, %swap3A_1251, %swap3A_1252], %swap3A_1255 {strides = array<i32>} : memref<4x80x128xf32, #tpu.memory_space<vmem>>, vector<1x1x16xf32>,
      %broadcast_in_dim3A_1256 = arith.constant 0.000000e+00 : f32
      %broadcast_in_dim3A_1257 = vector.broadcast %broadcast_in_dim3A_1256 : f32 to vector<16xf32>
      %swap3A_1258 = arith.constant 0 : i32
      %swap3A_1259 = arith.index_cast %swap3A_1258 : i32 to index
      %swap3A_1260 = arith.index_cast %add3A_1193 : i32 to index
      %swap3A_1261 = arith.constant 112 : index
      %swap3A_1262 = tpu.vector_load %arg10[%swap3A_1259, %swap3A_1260, %swap3A_1261] {strides = array<i32>} : memref<4x80x128xf32, #tpu.memory_space<vmem>>, vector<1x1x16xf32>,
      %swap3A_1263 = vector.shape_cast %swap3A_1262 : vector<1x1x16xf32> to vector<16xf32>
      %swap3A_1264 = vector.shape_cast %broadcast_in_dim3A_1257 : vector<16xf32> to vector<1x1x16xf32>
      tpu.vector_store %arg10[%swap3A_1259, %swap3A_1260, %swap3A_1261], %swap3A_1264 {strides = array<i32>} : memref<4x80x128xf32, #tpu.memory_space<vmem>>, vector<1x1x16xf32>,
    }
    %scan3A_54 = arith.constant 80 : i32
    %add3A_55 = arith.constant 0 : i32
    %add3A_56 = arith.addi %mul3A_2, %add3A_55 : i32
    %dma_start3A_57 = arith.constant 0 : i32
    %dma_start3A_58 = arith.constant 0 : i32
    %dma_start3A_59 = arith.constant 0 : i32
    %dma_start3A_60 = tpu.memref_slice %arg10[%dma_start3A_57, %dma_start3A_58, %dma_start3A_59] : memref<4x80x128xf32, #tpu.memory_space<vmem>> -> memref<1x80x128xf32, #tpu.memory_space<vmem>>
    %dma_start3A_61 = tpu.memref_squeeze %dma_start3A_60 : memref<1x80x128xf32, #tpu.memory_space<vmem>> -> memref<80x128xf32, #tpu.memory_space<vmem>>
    %dma_start3A_62 = arith.constant 0 : i32
    %dma_start3A_63 = tpu.memref_slice %arg11[%add3A_56, %dma_start3A_62] : memref<10112x128xf32, #tpu.memory_space<vmem_shared>> -> memref<80x128xf32, #tpu.memory_space<vmem_shared>>
    %dma_start3A_64 = arith.constant 0 : i32
    %dma_start3A_65 = tpu.memref_slice %arg11[%add3A_56, %dma_start3A_64] : memref<10112x128xf32, #tpu.memory_space<vmem_shared>> -> memref<80x128xf32, #tpu.memory_space<vmem_shared>>
    %dma_start3A_66 = arith.constant 0 : i32
    %dma_start3A_67 = arith.constant 0 : i32
    %dma_start3A_68 = tpu.memref_slice %arg10[%dma_start3A_57, %dma_start3A_66, %dma_start3A_67] : memref<4x80x128xf32, #tpu.memory_space<vmem>> -> memref<1x80x128xf32, #tpu.memory_space<vmem>>
    %dma_start3A_69 = tpu.memref_squeeze %dma_start3A_68 : memref<1x80x128xf32, #tpu.memory_space<vmem>> -> memref<80x128xf32, #tpu.memory_space<vmem>>
    tpu.enqueue_dma source(%dma_start3A_69 : memref<80x128xf32, #tpu.memory_space<vmem>>) target(%dma_start3A_65 : memref<80x128xf32, #tpu.memory_space<vmem_shared>>) target_semaphore(%arg12 : memref<!tpu.dma_semaphore, #tpu.memory_space<semaphore_mem>>)
    %add3A_70 = arith.constant 80 : i32
    %add3A_71 = arith.addi %mul3A_2, %add3A_70 : i32
    %dma_start3A_72 = arith.constant 0 : i32
    %dma_start3A_73 = arith.constant 0 : i32
    %dma_start3A_74 = arith.constant 0 : i32
    %dma_start3A_75 = tpu.memref_slice %arg10[%dma_start3A_72, %dma_start3A_73, %dma_start3A_74] : memref<4x80x128xf32, #tpu.memory_space<vmem>> -> memref<1x80x128xf32, #tpu.memory_space<vmem>>
    %dma_start3A_76 = tpu.memref_squeeze %dma_start3A_75 : memref<1x80x128xf32, #tpu.memory_space<vmem>> -> memref<80x128xf32, #tpu.memory_space<vmem>>
    %dma_start3A_77 = arith.constant 0 : i32
    %dma_start3A_78 = tpu.memref_slice %arg11[%add3A_71, %dma_start3A_77] : memref<10112x128xf32, #tpu.memory_space<vmem_shared>> -> memref<80x128xf32, #tpu.memory_space<vmem_shared>>
    %dma_start3A_79 = arith.constant 0 : i32
    %dma_start3A_80 = tpu.memref_slice %arg11[%add3A_71, %dma_start3A_79] : memref<10112x128xf32, #tpu.memory_space<vmem_shared>> -> memref<80x128xf32, #tpu.memory_space<vmem_shared>>
    %dma_start3A_81 = arith.constant 0 : i32
    %dma_start3A_82 = arith.constant 0 : i32
    %dma_start3A_83 = tpu.memref_slice %arg10[%dma_start3A_72, %dma_start3A_81, %dma_start3A_82] : memref<4x80x128xf32, #tpu.memory_space<vmem>> -> memref<1x80x128xf32, #tpu.memory_space<vmem>>
    %dma_start3A_84 = tpu.memref_squeeze %dma_start3A_83 : memref<1x80x128xf32, #tpu.memory_space<vmem>> -> memref<80x128xf32, #tpu.memory_space<vmem>>
    tpu.enqueue_dma source(%dma_start3A_84 : memref<80x128xf32, #tpu.memory_space<vmem>>) target(%dma_start3A_80 : memref<80x128xf32, #tpu.memory_space<vmem_shared>>) target_semaphore(%arg12 : memref<!tpu.dma_semaphore, #tpu.memory_space<semaphore_mem>>)
    %add3A_85 = arith.constant 160 : i32
    %add3A_86 = arith.addi %mul3A_2, %add3A_85 : i32
    %dma_start3A_87 = arith.constant 0 : i32
    %dma_start3A_88 = arith.constant 0 : i32
    %dma_start3A_89 = arith.constant 0 : i32
    %dma_start3A_90 = tpu.memref_slice %arg10[%dma_start3A_87, %dma_start3A_88, %dma_start3A_89] : memref<4x80x128xf32, #tpu.memory_space<vmem>> -> memref<1x80x128xf32, #tpu.memory_space<vmem>>
    %dma_start3A_91 = tpu.memref_squeeze %dma_start3A_90 : memref<1x80x128xf32, #tpu.memory_space<vmem>> -> memref<80x128xf32, #tpu.memory_space<vmem>>
    %dma_start3A_92 = arith.constant 0 : i32
    %dma_start3A_93 = tpu.memref_slice %arg11[%add3A_86, %dma_start3A_92] : memref<10112x128xf32, #tpu.memory_space<vmem_shared>> -> memref<80x128xf32, #tpu.memory_space<vmem_shared>>
    %dma_start3A_94 = arith.constant 0 : i32
    %dma_start3A_95 = tpu.memref_slice %arg11[%add3A_86, %dma_start3A_94] : memref<10112x128xf32, #tpu.memory_space<vmem_shared>> -> memref<80x128xf32, #tpu.memory_space<vmem_shared>>
    %dma_start3A_96 = arith.constant 0 : i32
    %dma_start3A_97 = arith.constant 0 : i32
    %dma_start3A_98 = tpu.memref_slice %arg10[%dma_start3A_87, %dma_start3A_96, %dma_start3A_97] : memref<4x80x128xf32, #tpu.memory_space<vmem>> -> memref<1x80x128xf32, #tpu.memory_space<vmem>>
    %dma_start3A_99 = tpu.memref_squeeze %dma_start3A_98 : memref<1x80x128xf32, #tpu.memory_space<vmem>> -> memref<80x128xf32, #tpu.memory_space<vmem>>
    tpu.enqueue_dma source(%dma_start3A_99 : memref<80x128xf32, #tpu.memory_space<vmem>>) target(%dma_start3A_95 : memref<80x128xf32, #tpu.memory_space<vmem_shared>>) target_semaphore(%arg12 : memref<!tpu.dma_semaphore, #tpu.memory_space<semaphore_mem>>)
    %add3A_100 = arith.constant 240 : i32
    %add3A_101 = arith.addi %mul3A_2, %add3A_100 : i32
    %dma_start3A_102 = arith.constant 0 : i32
    %dma_start3A_103 = arith.constant 0 : i32
    %dma_start3A_104 = arith.constant 0 : i32
    %dma_start3A_105 = tpu.memref_slice %arg10[%dma_start3A_102, %dma_start3A_103, %dma_start3A_104] : memref<4x80x128xf32, #tpu.memory_space<vmem>> -> memref<1x80x128xf32, #tpu.memory_space<vmem>>
    %dma_start3A_106 = tpu.memref_squeeze %dma_start3A_105 : memref<1x80x128xf32, #tpu.memory_space<vmem>> -> memref<80x128xf32, #tpu.memory_space<vmem>>
    %dma_start3A_107 = arith.constant 0 : i32
    %dma_start3A_108 = tpu.memref_slice %arg11[%add3A_101, %dma_start3A_107] : memref<10112x128xf32, #tpu.memory_space<vmem_shared>> -> memref<80x128xf32, #tpu.memory_space<vmem_shared>>
    %dma_start3A_109 = arith.constant 0 : i32
    %dma_start3A_110 = tpu.memref_slice %arg11[%add3A_101, %dma_start3A_109] : memref<10112x128xf32, #tpu.memory_space<vmem_shared>> -> memref<80x128xf32, #tpu.memory_space<vmem_shared>>
    %dma_start3A_111 = arith.constant 0 : i32
    %dma_start3A_112 = arith.constant 0 : i32
    %dma_start3A_113 = tpu.memref_slice %arg10[%dma_start3A_102, %dma_start3A_111, %dma_start3A_112] : memref<4x80x128xf32, #tpu.memory_space<vmem>> -> memref<1x80x128xf32, #tpu.memory_space<vmem>>
    %dma_start3A_114 = tpu.memref_squeeze %dma_start3A_113 : memref<1x80x128xf32, #tpu.memory_space<vmem>> -> memref<80x128xf32, #tpu.memory_space<vmem>>
    tpu.enqueue_dma source(%dma_start3A_114 : memref<80x128xf32, #tpu.memory_space<vmem>>) target(%dma_start3A_110 : memref<80x128xf32, #tpu.memory_space<vmem_shared>>) target_semaphore(%arg12 : memref<!tpu.dma_semaphore, #tpu.memory_space<semaphore_mem>>)
    %add3A_115 = arith.constant 320 : i32
    %add3A_116 = arith.addi %mul3A_2, %add3A_115 : i32
    %dma_start3A_117 = arith.constant 0 : i32
    %dma_start3A_118 = arith.constant 0 : i32
    %dma_start3A_119 = arith.constant 0 : i32
    %dma_start3A_120 = tpu.memref_slice %arg10[%dma_start3A_117, %dma_start3A_118, %dma_start3A_119] : memref<4x80x128xf32, #tpu.memory_space<vmem>> -> memref<1x80x128xf32, #tpu.memory_space<vmem>>
    %dma_start3A_121 = tpu.memref_squeeze %dma_start3A_120 : memref<1x80x128xf32, #tpu.memory_space<vmem>> -> memref<80x128xf32, #tpu.memory_space<vmem>>
    %dma_start3A_122 = arith.constant 0 : i32
    %dma_start3A_123 = tpu.memref_slice %arg11[%add3A_116, %dma_start3A_122] : memref<10112x128xf32, #tpu.memory_space<vmem_shared>> -> memref<80x128xf32, #tpu.memory_space<vmem_shared>>
    %dma_start3A_124 = arith.constant 0 : i32
    %dma_start3A_125 = tpu.memref_slice %arg11[%add3A_116, %dma_start3A_124] : memref<10112x128xf32, #tpu.memory_space<vmem_shared>> -> memref<80x128xf32, #tpu.memory_space<vmem_shared>>
    %dma_start3A_126 = arith.constant 0 : i32
    %dma_start3A_127 = arith.constant 0 : i32
    %dma_start3A_128 = tpu.memref_slice %arg10[%dma_start3A_117, %dma_start3A_126, %dma_start3A_127] : memref<4x80x128xf32, #tpu.memory_space<vmem>> -> memref<1x80x128xf32, #tpu.memory_space<vmem>>
    %dma_start3A_129 = tpu.memref_squeeze %dma_start3A_128 : memref<1x80x128xf32, #tpu.memory_space<vmem>> -> memref<80x128xf32, #tpu.memory_space<vmem>>
    tpu.enqueue_dma source(%dma_start3A_129 : memref<80x128xf32, #tpu.memory_space<vmem>>) target(%dma_start3A_125 : memref<80x128xf32, #tpu.memory_space<vmem_shared>>) target_semaphore(%arg12 : memref<!tpu.dma_semaphore, #tpu.memory_space<semaphore_mem>>)
    %add3A_130 = arith.constant 400 : i32
    %add3A_131 = arith.addi %mul3A_2, %add3A_130 : i32
    %dma_start3A_132 = arith.constant 0 : i32
    %dma_start3A_133 = arith.constant 0 : i32
    %dma_start3A_134 = arith.constant 0 : i32
    %dma_start3A_135 = tpu.memref_slice %arg10[%dma_start3A_132, %dma_start3A_133, %dma_start3A_134] : memref<4x80x128xf32, #tpu.memory_space<vmem>> -> memref<1x80x128xf32, #tpu.memory_space<vmem>>
    %dma_start3A_136 = tpu.memref_squeeze %dma_start3A_135 : memref<1x80x128xf32, #tpu.memory_space<vmem>> -> memref<80x128xf32, #tpu.memory_space<vmem>>
    %dma_start3A_137 = arith.constant 0 : i32
    %dma_start3A_138 = tpu.memref_slice %arg11[%add3A_131, %dma_start3A_137] : memref<10112x128xf32, #tpu.memory_space<vmem_shared>> -> memref<80x128xf32, #tpu.memory_space<vmem_shared>>
    %dma_start3A_139 = arith.constant 0 : i32
    %dma_start3A_140 = tpu.memref_slice %arg11[%add3A_131, %dma_start3A_139] : memref<10112x128xf32, #tpu.memory_space<vmem_shared>> -> memref<80x128xf32, #tpu.memory_space<vmem_shared>>
    %dma_start3A_141 = arith.constant 0 : i32
    %dma_start3A_142 = arith.constant 0 : i32
    %dma_start3A_143 = tpu.memref_slice %arg10[%dma_start3A_132, %dma_start3A_141, %dma_start3A_142] : memref<4x80x128xf32, #tpu.memory_space<vmem>> -> memref<1x80x128xf32, #tpu.memory_space<vmem>>
    %dma_start3A_144 = tpu.memref_squeeze %dma_start3A_143 : memref<1x80x128xf32, #tpu.memory_space<vmem>> -> memref<80x128xf32, #tpu.memory_space<vmem>>
    tpu.enqueue_dma source(%dma_start3A_144 : memref<80x128xf32, #tpu.memory_space<vmem>>) target(%dma_start3A_140 : memref<80x128xf32, #tpu.memory_space<vmem_shared>>) target_semaphore(%arg12 : memref<!tpu.dma_semaphore, #tpu.memory_space<semaphore_mem>>)
    %add3A_145 = arith.constant 480 : i32
    %add3A_146 = arith.addi %mul3A_2, %add3A_145 : i32
    %dma_start3A_147 = arith.constant 0 : i32
    %dma_start3A_148 = arith.constant 0 : i32
    %dma_start3A_149 = arith.constant 0 : i32
    %dma_start3A_150 = tpu.memref_slice %arg10[%dma_start3A_147, %dma_start3A_148, %dma_start3A_149] : memref<4x80x128xf32, #tpu.memory_space<vmem>> -> memref<1x80x128xf32, #tpu.memory_space<vmem>>
    %dma_start3A_151 = tpu.memref_squeeze %dma_start3A_150 : memref<1x80x128xf32, #tpu.memory_space<vmem>> -> memref<80x128xf32, #tpu.memory_space<vmem>>
    %dma_start3A_152 = arith.constant 0 : i32
    %dma_start3A_153 = tpu.memref_slice %arg11[%add3A_146, %dma_start3A_152] : memref<10112x128xf32, #tpu.memory_space<vmem_shared>> -> memref<80x128xf32, #tpu.memory_space<vmem_shared>>
    %dma_start3A_154 = arith.constant 0 : i32
    %dma_start3A_155 = tpu.memref_slice %arg11[%add3A_146, %dma_start3A_154] : memref<10112x128xf32, #tpu.memory_space<vmem_shared>> -> memref<80x128xf32, #tpu.memory_space<vmem_shared>>
    %dma_start3A_156 = arith.constant 0 : i32
    %dma_start3A_157 = arith.constant 0 : i32
    %dma_start3A_158 = tpu.memref_slice %arg10[%dma_start3A_147, %dma_start3A_156, %dma_start3A_157] : memref<4x80x128xf32, #tpu.memory_space<vmem>> -> memref<1x80x128xf32, #tpu.memory_space<vmem>>
    %dma_start3A_159 = tpu.memref_squeeze %dma_start3A_158 : memref<1x80x128xf32, #tpu.memory_space<vmem>> -> memref<80x128xf32, #tpu.memory_space<vmem>>
    tpu.enqueue_dma source(%dma_start3A_159 : memref<80x128xf32, #tpu.memory_space<vmem>>) target(%dma_start3A_155 : memref<80x128xf32, #tpu.memory_space<vmem_shared>>) target_semaphore(%arg12 : memref<!tpu.dma_semaphore, #tpu.memory_space<semaphore_mem>>)
    %add3A_160 = arith.constant 560 : i32
    %add3A_161 = arith.addi %mul3A_2, %add3A_160 : i32
    %dma_start3A_162 = arith.constant 0 : i32
    %dma_start3A_163 = arith.constant 0 : i32
    %dma_start3A_164 = arith.constant 0 : i32
    %dma_start3A_165 = tpu.memref_slice %arg10[%dma_start3A_162, %dma_start3A_163, %dma_start3A_164] : memref<4x80x128xf32, #tpu.memory_space<vmem>> -> memref<1x72x128xf32, #tpu.memory_space<vmem>>
    %dma_start3A_166 = tpu.memref_squeeze %dma_start3A_165 : memref<1x72x128xf32, #tpu.memory_space<vmem>> -> memref<72x128xf32, #tpu.memory_space<vmem>>
    %dma_start3A_167 = arith.constant 0 : i32
    %dma_start3A_168 = tpu.memref_slice %arg11[%add3A_161, %dma_start3A_167] : memref<10112x128xf32, #tpu.memory_space<vmem_shared>> -> memref<72x128xf32, #tpu.memory_space<vmem_shared>>
    %dma_start3A_169 = arith.constant 0 : i32
    %dma_start3A_170 = tpu.memref_slice %arg11[%add3A_161, %dma_start3A_169] : memref<10112x128xf32, #tpu.memory_space<vmem_shared>> -> memref<72x128xf32, #tpu.memory_space<vmem_shared>>
    %dma_start3A_171 = arith.constant 0 : i32
    %dma_start3A_172 = arith.constant 0 : i32
    %dma_start3A_173 = tpu.memref_slice %arg10[%dma_start3A_162, %dma_start3A_171, %dma_start3A_172] : memref<4x80x128xf32, #tpu.memory_space<vmem>> -> memref<1x72x128xf32, #tpu.memory_space<vmem>>
    %dma_start3A_174 = tpu.memref_squeeze %dma_start3A_173 : memref<1x72x128xf32, #tpu.memory_space<vmem>> -> memref<72x128xf32, #tpu.memory_space<vmem>>
    tpu.enqueue_dma source(%dma_start3A_174 : memref<72x128xf32, #tpu.memory_space<vmem>>) target(%dma_start3A_170 : memref<72x128xf32, #tpu.memory_space<vmem_shared>>) target_semaphore(%arg12 : memref<!tpu.dma_semaphore, #tpu.memory_space<semaphore_mem>>)
    %add3A_175 = arith.constant 0 : i32
    %add3A_176 = arith.addi %mul3A_2, %add3A_175 : i32
    %dma_wait3A = arith.constant 0 : i32
    %dma_wait3A_177 = arith.constant 0 : i32
    %dma_wait3A_178 = arith.constant 0 : i32
    %dma_wait3A_179 = tpu.memref_slice %arg10[%dma_wait3A, %dma_wait3A_177, %dma_wait3A_178] : memref<4x80x128xf32, #tpu.memory_space<vmem>> -> memref<1x80x128xf32, #tpu.memory_space<vmem>>
    %dma_wait3A_180 = tpu.memref_squeeze %dma_wait3A_179 : memref<1x80x128xf32, #tpu.memory_space<vmem>> -> memref<80x128xf32, #tpu.memory_space<vmem>>
    %dma_wait3A_181 = arith.constant 0 : i32
    %dma_wait3A_182 = tpu.memref_slice %arg11[%add3A_176, %dma_wait3A_181] : memref<10112x128xf32, #tpu.memory_space<vmem_shared>> -> memref<80x128xf32, #tpu.memory_space<vmem_shared>>
    %dma_wait3A_183 = arith.constant 0 : i32
    %dma_wait3A_184 = tpu.memref_slice %arg11[%add3A_176, %dma_wait3A_183] : memref<10112x128xf32, #tpu.memory_space<vmem_shared>> -> memref<80x128xf32, #tpu.memory_space<vmem_shared>>
    %dma_wait3A_185 = arith.constant 0 : i32
    %dma_wait3A_186 = arith.constant 0 : i32
    %dma_wait3A_187 = tpu.memref_slice %arg10[%dma_wait3A, %dma_wait3A_185, %dma_wait3A_186] : memref<4x80x128xf32, #tpu.memory_space<vmem>> -> memref<1x80x128xf32, #tpu.memory_space<vmem>>
    %dma_wait3A_188 = tpu.memref_squeeze %dma_wait3A_187 : memref<1x80x128xf32, #tpu.memory_space<vmem>> -> memref<80x128xf32, #tpu.memory_space<vmem>>
    tpu.wait_dma2 semaphore(%arg12 : memref<!tpu.dma_semaphore, #tpu.memory_space<semaphore_mem>>) src(%dma_wait3A_188 : memref<80x128xf32, #tpu.memory_space<vmem>>) dst(%dma_wait3A_184 : memref<80x128xf32, #tpu.memory_space<vmem_shared>>)
    %add3A_189 = arith.constant 80 : i32
    %add3A_190 = arith.addi %mul3A_2, %add3A_189 : i32
    %dma_wait3A_191 = arith.constant 0 : i32
    %dma_wait3A_192 = arith.constant 0 : i32
    %dma_wait3A_193 = arith.constant 0 : i32
    %dma_wait3A_194 = tpu.memref_slice %arg10[%dma_wait3A_191, %dma_wait3A_192, %dma_wait3A_193] : memref<4x80x128xf32, #tpu.memory_space<vmem>> -> memref<1x80x128xf32, #tpu.memory_space<vmem>>
    %dma_wait3A_195 = tpu.memref_squeeze %dma_wait3A_194 : memref<1x80x128xf32, #tpu.memory_space<vmem>> -> memref<80x128xf32, #tpu.memory_space<vmem>>
    %dma_wait3A_196 = arith.constant 0 : i32
    %dma_wait3A_197 = tpu.memref_slice %arg11[%add3A_190, %dma_wait3A_196] : memref<10112x128xf32, #tpu.memory_space<vmem_shared>> -> memref<80x128xf32, #tpu.memory_space<vmem_shared>>
    %dma_wait3A_198 = arith.constant 0 : i32
    %dma_wait3A_199 = tpu.memref_slice %arg11[%add3A_190, %dma_wait3A_198] : memref<10112x128xf32, #tpu.memory_space<vmem_shared>> -> memref<80x128xf32, #tpu.memory_space<vmem_shared>>
    %dma_wait3A_200 = arith.constant 0 : i32
    %dma_wait3A_201 = arith.constant 0 : i32
    %dma_wait3A_202 = tpu.memref_slice %arg10[%dma_wait3A_191, %dma_wait3A_200, %dma_wait3A_201] : memref<4x80x128xf32, #tpu.memory_space<vmem>> -> memref<1x80x128xf32, #tpu.memory_space<vmem>>
    %dma_wait3A_203 = tpu.memref_squeeze %dma_wait3A_202 : memref<1x80x128xf32, #tpu.memory_space<vmem>> -> memref<80x128xf32, #tpu.memory_space<vmem>>
    tpu.wait_dma2 semaphore(%arg12 : memref<!tpu.dma_semaphore, #tpu.memory_space<semaphore_mem>>) src(%dma_wait3A_203 : memref<80x128xf32, #tpu.memory_space<vmem>>) dst(%dma_wait3A_199 : memref<80x128xf32, #tpu.memory_space<vmem_shared>>)
    %add3A_204 = arith.constant 160 : i32
    %add3A_205 = arith.addi %mul3A_2, %add3A_204 : i32
    %dma_wait3A_206 = arith.constant 0 : i32
    %dma_wait3A_207 = arith.constant 0 : i32
    %dma_wait3A_208 = arith.constant 0 : i32
    %dma_wait3A_209 = tpu.memref_slice %arg10[%dma_wait3A_206, %dma_wait3A_207, %dma_wait3A_208] : memref<4x80x128xf32, #tpu.memory_space<vmem>> -> memref<1x80x128xf32, #tpu.memory_space<vmem>>
    %dma_wait3A_210 = tpu.memref_squeeze %dma_wait3A_209 : memref<1x80x128xf32, #tpu.memory_space<vmem>> -> memref<80x128xf32, #tpu.memory_space<vmem>>
    %dma_wait3A_211 = arith.constant 0 : i32
    %dma_wait3A_212 = tpu.memref_slice %arg11[%add3A_205, %dma_wait3A_211] : memref<10112x128xf32, #tpu.memory_space<vmem_shared>> -> memref<80x128xf32, #tpu.memory_space<vmem_shared>>
    %dma_wait3A_213 = arith.constant 0 : i32
    %dma_wait3A_214 = tpu.memref_slice %arg11[%add3A_205, %dma_wait3A_213] : memref<10112x128xf32, #tpu.memory_space<vmem_shared>> -> memref<80x128xf32, #tpu.memory_space<vmem_shared>>
    %dma_wait3A_215 = arith.constant 0 : i32
    %dma_wait3A_216 = arith.constant 0 : i32
    %dma_wait3A_217 = tpu.memref_slice %arg10[%dma_wait3A_206, %dma_wait3A_215, %dma_wait3A_216] : memref<4x80x128xf32, #tpu.memory_space<vmem>> -> memref<1x80x128xf32, #tpu.memory_space<vmem>>
    %dma_wait3A_218 = tpu.memref_squeeze %dma_wait3A_217 : memref<1x80x128xf32, #tpu.memory_space<vmem>> -> memref<80x128xf32, #tpu.memory_space<vmem>>
    tpu.wait_dma2 semaphore(%arg12 : memref<!tpu.dma_semaphore, #tpu.memory_space<semaphore_mem>>) src(%dma_wait3A_218 : memref<80x128xf32, #tpu.memory_space<vmem>>) dst(%dma_wait3A_214 : memref<80x128xf32, #tpu.memory_space<vmem_shared>>)
    %add3A_219 = arith.constant 240 : i32
    %add3A_220 = arith.addi %mul3A_2, %add3A_219 : i32
    %dma_wait3A_221 = arith.constant 0 : i32
    %dma_wait3A_222 = arith.constant 0 : i32
    %dma_wait3A_223 = arith.constant 0 : i32
    %dma_wait3A_224 = tpu.memref_slice %arg10[%dma_wait3A_221, %dma_wait3A_222, %dma_wait3A_223] : memref<4x80x128xf32, #tpu.memory_space<vmem>> -> memref<1x80x128xf32, #tpu.memory_space<vmem>>
    %dma_wait3A_225 = tpu.memref_squeeze %dma_wait3A_224 : memref<1x80x128xf32, #tpu.memory_space<vmem>> -> memref<80x128xf32, #tpu.memory_space<vmem>>
    %dma_wait3A_226 = arith.constant 0 : i32
    %dma_wait3A_227 = tpu.memref_slice %arg11[%add3A_220, %dma_wait3A_226] : memref<10112x128xf32, #tpu.memory_space<vmem_shared>> -> memref<80x128xf32, #tpu.memory_space<vmem_shared>>
    %dma_wait3A_228 = arith.constant 0 : i32
    %dma_wait3A_229 = tpu.memref_slice %arg11[%add3A_220, %dma_wait3A_228] : memref<10112x128xf32, #tpu.memory_space<vmem_shared>> -> memref<80x128xf32, #tpu.memory_space<vmem_shared>>
    %dma_wait3A_230 = arith.constant 0 : i32
    %dma_wait3A_231 = arith.constant 0 : i32
    %dma_wait3A_232 = tpu.memref_slice %arg10[%dma_wait3A_221, %dma_wait3A_230, %dma_wait3A_231] : memref<4x80x128xf32, #tpu.memory_space<vmem>> -> memref<1x80x128xf32, #tpu.memory_space<vmem>>
    %dma_wait3A_233 = tpu.memref_squeeze %dma_wait3A_232 : memref<1x80x128xf32, #tpu.memory_space<vmem>> -> memref<80x128xf32, #tpu.memory_space<vmem>>
    tpu.wait_dma2 semaphore(%arg12 : memref<!tpu.dma_semaphore, #tpu.memory_space<semaphore_mem>>) src(%dma_wait3A_233 : memref<80x128xf32, #tpu.memory_space<vmem>>) dst(%dma_wait3A_229 : memref<80x128xf32, #tpu.memory_space<vmem_shared>>)
    %add3A_234 = arith.constant 320 : i32
    %add3A_235 = arith.addi %mul3A_2, %add3A_234 : i32
    %dma_wait3A_236 = arith.constant 0 : i32
    %dma_wait3A_237 = arith.constant 0 : i32
    %dma_wait3A_238 = arith.constant 0 : i32
    %dma_wait3A_239 = tpu.memref_slice %arg10[%dma_wait3A_236, %dma_wait3A_237, %dma_wait3A_238] : memref<4x80x128xf32, #tpu.memory_space<vmem>> -> memref<1x80x128xf32, #tpu.memory_space<vmem>>
    %dma_wait3A_240 = tpu.memref_squeeze %dma_wait3A_239 : memref<1x80x128xf32, #tpu.memory_space<vmem>> -> memref<80x128xf32, #tpu.memory_space<vmem>>
    %dma_wait3A_241 = arith.constant 0 : i32
    %dma_wait3A_242 = tpu.memref_slice %arg11[%add3A_235, %dma_wait3A_241] : memref<10112x128xf32, #tpu.memory_space<vmem_shared>> -> memref<80x128xf32, #tpu.memory_space<vmem_shared>>
    %dma_wait3A_243 = arith.constant 0 : i32
    %dma_wait3A_244 = tpu.memref_slice %arg11[%add3A_235, %dma_wait3A_243] : memref<10112x128xf32, #tpu.memory_space<vmem_shared>> -> memref<80x128xf32, #tpu.memory_space<vmem_shared>>
    %dma_wait3A_245 = arith.constant 0 : i32
    %dma_wait3A_246 = arith.constant 0 : i32
    %dma_wait3A_247 = tpu.memref_slice %arg10[%dma_wait3A_236, %dma_wait3A_245, %dma_wait3A_246] : memref<4x80x128xf32, #tpu.memory_space<vmem>> -> memref<1x80x128xf32, #tpu.memory_space<vmem>>
    %dma_wait3A_248 = tpu.memref_squeeze %dma_wait3A_247 : memref<1x80x128xf32, #tpu.memory_space<vmem>> -> memref<80x128xf32, #tpu.memory_space<vmem>>
    tpu.wait_dma2 semaphore(%arg12 : memref<!tpu.dma_semaphore, #tpu.memory_space<semaphore_mem>>) src(%dma_wait3A_248 : memref<80x128xf32, #tpu.memory_space<vmem>>) dst(%dma_wait3A_244 : memref<80x128xf32, #tpu.memory_space<vmem_shared>>)
    %add3A_249 = arith.constant 400 : i32
    %add3A_250 = arith.addi %mul3A_2, %add3A_249 : i32
    %dma_wait3A_251 = arith.constant 0 : i32
    %dma_wait3A_252 = arith.constant 0 : i32
    %dma_wait3A_253 = arith.constant 0 : i32
    %dma_wait3A_254 = tpu.memref_slice %arg10[%dma_wait3A_251, %dma_wait3A_252, %dma_wait3A_253] : memref<4x80x128xf32, #tpu.memory_space<vmem>> -> memref<1x80x128xf32, #tpu.memory_space<vmem>>
    %dma_wait3A_255 = tpu.memref_squeeze %dma_wait3A_254 : memref<1x80x128xf32, #tpu.memory_space<vmem>> -> memref<80x128xf32, #tpu.memory_space<vmem>>
    %dma_wait3A_256 = arith.constant 0 : i32
    %dma_wait3A_257 = tpu.memref_slice %arg11[%add3A_250, %dma_wait3A_256] : memref<10112x128xf32, #tpu.memory_space<vmem_shared>> -> memref<80x128xf32, #tpu.memory_space<vmem_shared>>
    %dma_wait3A_258 = arith.constant 0 : i32
    %dma_wait3A_259 = tpu.memref_slice %arg11[%add3A_250, %dma_wait3A_258] : memref<10112x128xf32, #tpu.memory_space<vmem_shared>> -> memref<80x128xf32, #tpu.memory_space<vmem_shared>>
    %dma_wait3A_260 = arith.constant 0 : i32
    %dma_wait3A_261 = arith.constant 0 : i32
    %dma_wait3A_262 = tpu.memref_slice %arg10[%dma_wait3A_251, %dma_wait3A_260, %dma_wait3A_261] : memref<4x80x128xf32, #tpu.memory_space<vmem>> -> memref<1x80x128xf32, #tpu.memory_space<vmem>>
    %dma_wait3A_263 = tpu.memref_squeeze %dma_wait3A_262 : memref<1x80x128xf32, #tpu.memory_space<vmem>> -> memref<80x128xf32, #tpu.memory_space<vmem>>
    tpu.wait_dma2 semaphore(%arg12 : memref<!tpu.dma_semaphore, #tpu.memory_space<semaphore_mem>>) src(%dma_wait3A_263 : memref<80x128xf32, #tpu.memory_space<vmem>>) dst(%dma_wait3A_259 : memref<80x128xf32, #tpu.memory_space<vmem_shared>>)
    %add3A_264 = arith.constant 480 : i32
    %add3A_265 = arith.addi %mul3A_2, %add3A_264 : i32
    %dma_wait3A_266 = arith.constant 0 : i32
    %dma_wait3A_267 = arith.constant 0 : i32
    %dma_wait3A_268 = arith.constant 0 : i32
    %dma_wait3A_269 = tpu.memref_slice %arg10[%dma_wait3A_266, %dma_wait3A_267, %dma_wait3A_268] : memref<4x80x128xf32, #tpu.memory_space<vmem>> -> memref<1x80x128xf32, #tpu.memory_space<vmem>>
    %dma_wait3A_270 = tpu.memref_squeeze %dma_wait3A_269 : memref<1x80x128xf32, #tpu.memory_space<vmem>> -> memref<80x128xf32, #tpu.memory_space<vmem>>
    %dma_wait3A_271 = arith.constant 0 : i32
    %dma_wait3A_272 = tpu.memref_slice %arg11[%add3A_265, %dma_wait3A_271] : memref<10112x128xf32, #tpu.memory_space<vmem_shared>> -> memref<80x128xf32, #tpu.memory_space<vmem_shared>>
    %dma_wait3A_273 = arith.constant 0 : i32
    %dma_wait3A_274 = tpu.memref_slice %arg11[%add3A_265, %dma_wait3A_273] : memref<10112x128xf32, #tpu.memory_space<vmem_shared>> -> memref<80x128xf32, #tpu.memory_space<vmem_shared>>
    %dma_wait3A_275 = arith.constant 0 : i32
    %dma_wait3A_276 = arith.constant 0 : i32
    %dma_wait3A_277 = tpu.memref_slice %arg10[%dma_wait3A_266, %dma_wait3A_275, %dma_wait3A_276] : memref<4x80x128xf32, #tpu.memory_space<vmem>> -> memref<1x80x128xf32, #tpu.memory_space<vmem>>
    %dma_wait3A_278 = tpu.memref_squeeze %dma_wait3A_277 : memref<1x80x128xf32, #tpu.memory_space<vmem>> -> memref<80x128xf32, #tpu.memory_space<vmem>>
    tpu.wait_dma2 semaphore(%arg12 : memref<!tpu.dma_semaphore, #tpu.memory_space<semaphore_mem>>) src(%dma_wait3A_278 : memref<80x128xf32, #tpu.memory_space<vmem>>) dst(%dma_wait3A_274 : memref<80x128xf32, #tpu.memory_space<vmem_shared>>)
    %add3A_279 = arith.constant 560 : i32
    %add3A_280 = arith.addi %mul3A_2, %add3A_279 : i32
    %dma_wait3A_281 = arith.constant 0 : i32
    %dma_wait3A_282 = arith.constant 0 : i32
    %dma_wait3A_283 = arith.constant 0 : i32
    %dma_wait3A_284 = tpu.memref_slice %arg10[%dma_wait3A_281, %dma_wait3A_282, %dma_wait3A_283] : memref<4x80x128xf32, #tpu.memory_space<vmem>> -> memref<1x72x128xf32, #tpu.memory_space<vmem>>
    %dma_wait3A_285 = tpu.memref_squeeze %dma_wait3A_284 : memref<1x72x128xf32, #tpu.memory_space<vmem>> -> memref<72x128xf32, #tpu.memory_space<vmem>>
    %dma_wait3A_286 = arith.constant 0 : i32
    %dma_wait3A_287 = tpu.memref_slice %arg11[%add3A_280, %dma_wait3A_286] : memref<10112x128xf32, #tpu.memory_space<vmem_shared>> -> memref<72x128xf32, #tpu.memory_space<vmem_shared>>
    %dma_wait3A_288 = arith.constant 0 : i32
    %dma_wait3A_289 = tpu.memref_slice %arg11[%add3A_280, %dma_wait3A_288] : memref<10112x128xf32, #tpu.memory_space<vmem_shared>> -> memref<72x128xf32, #tpu.memory_space<vmem_shared>>
    %dma_wait3A_290 = arith.constant 0 : i32
    %dma_wait3A_291 = arith.constant 0 : i32
    %dma_wait3A_292 = tpu.memref_slice %arg10[%dma_wait3A_281, %dma_wait3A_290, %dma_wait3A_291] : memref<4x80x128xf32, #tpu.memory_space<vmem>> -> memref<1x72x128xf32, #tpu.memory_space<vmem>>
    %dma_wait3A_293 = tpu.memref_squeeze %dma_wait3A_292 : memref<1x72x128xf32, #tpu.memory_space<vmem>> -> memref<72x128xf32, #tpu.memory_space<vmem>>
    tpu.wait_dma2 semaphore(%arg12 : memref<!tpu.dma_semaphore, #tpu.memory_space<semaphore_mem>>) src(%dma_wait3A_293 : memref<72x128xf32, #tpu.memory_space<vmem>>) dst(%dma_wait3A_289 : memref<72x128xf32, #tpu.memory_space<vmem_shared>>)
    %dma_wait3A_294 = arith.constant 0 : i32
    %dma_wait3A_295 = arith.constant 0 : i32
    %dma_wait3A_296 = tpu.memref_slice %arg6[%dma_wait3A_294, %dma_wait3A_295] : memref<2x80xi32, #tpu.memory_space<vmem>> -> memref<1x80xi32, #tpu.memory_space<vmem>>
    %dma_wait3A_297 = tpu.memref_squeeze %dma_wait3A_296 : memref<1x80xi32, #tpu.memory_space<vmem>> -> memref<80xi32, #tpu.memory_space<vmem>>
    %dma_wait3A_298 = tpu.memref_slice %arg4[%mul3A_0] : memref<320000xi32, #tpu.memory_space<hbm>> -> memref<80xi32, #tpu.memory_space<hbm>>
    %dma_wait3A_299 = arith.constant 0 : i32
    %dma_wait3A_300 = tpu.memref_slice %arg6[%dma_wait3A_294, %dma_wait3A_299] : memref<2x80xi32, #tpu.memory_space<vmem>> -> memref<1x80xi32, #tpu.memory_space<vmem>>
    %dma_wait3A_301 = tpu.memref_squeeze %dma_wait3A_300 : memref<1x80xi32, #tpu.memory_space<vmem>> -> memref<80xi32, #tpu.memory_space<vmem>>
    %dma_wait3A_302 = tpu.memref_slice %arg4[%mul3A_0] : memref<320000xi32, #tpu.memory_space<hbm>> -> memref<80xi32, #tpu.memory_space<hbm>>
    tpu.wait_dma2 semaphore(%arg21 : memref<!tpu.dma_semaphore, #tpu.memory_space<semaphore_mem>>) src(%dma_wait3A_302 : memref<80xi32, #tpu.memory_space<hbm>>) dst(%dma_wait3A_301 : memref<80xi32, #tpu.memory_space<vmem>>)
    %add3A_303 = arith.constant 160000 : i32
    %add3A_304 = arith.addi %add3A_303, %mul3A_0 : i32
    %dma_wait3A_305 = arith.constant 0 : i32
    %dma_wait3A_306 = arith.constant 0 : i32
    %dma_wait3A_307 = tpu.memref_slice %arg7[%dma_wait3A_305, %dma_wait3A_306] : memref<2x80xi32, #tpu.memory_space<vmem>> -> memref<1x80xi32, #tpu.memory_space<vmem>>
    %dma_wait3A_308 = tpu.memref_squeeze %dma_wait3A_307 : memref<1x80xi32, #tpu.memory_space<vmem>> -> memref<80xi32, #tpu.memory_space<vmem>>
    %dma_wait3A_309 = tpu.memref_slice %arg4[%add3A_304] : memref<320000xi32, #tpu.memory_space<hbm>> -> memref<80xi32, #tpu.memory_space<hbm>>
    %dma_wait3A_310 = arith.constant 0 : i32
    %dma_wait3A_311 = tpu.memref_slice %arg7[%dma_wait3A_305, %dma_wait3A_310] : memref<2x80xi32, #tpu.memory_space<vmem>> -> memref<1x80xi32, #tpu.memory_space<vmem>>
    %dma_wait3A_312 = tpu.memref_squeeze %dma_wait3A_311 : memref<1x80xi32, #tpu.memory_space<vmem>> -> memref<80xi32, #tpu.memory_space<vmem>>
    %dma_wait3A_313 = tpu.memref_slice %arg4[%add3A_304] : memref<320000xi32, #tpu.memory_space<hbm>> -> memref<80xi32, #tpu.memory_space<hbm>>
    tpu.wait_dma2 semaphore(%arg21 : memref<!tpu.dma_semaphore, #tpu.memory_space<semaphore_mem>>) src(%dma_wait3A_313 : memref<80xi32, #tpu.memory_space<hbm>>) dst(%dma_wait3A_312 : memref<80xi32, #tpu.memory_space<vmem>>)
    %get3A = arith.constant 0 : i32
    %get3A_314 = arith.index_cast %get3A : i32 to index
    %get3A_315 = arith.constant 0 : index
    %get3A_316 = tpu.vector_load %arg7[%get3A_314, %get3A_315] {strides = array<i32>} : memref<2x80xi32, #tpu.memory_space<vmem>>, vector<1x16xi32>,
    %get3A_317 = vector.shape_cast %get3A_316 : vector<1x16xi32> to vector<16xi32>
    %swap3A = arith.constant 0 : i32
    %swap3A_318 = arith.index_cast %swap3A : i32 to index
    %swap3A_319 = arith.constant 0 : index
    %swap3A_320 = tpu.vector_load %arg9[%swap3A_318, %swap3A_319] {strides = array<i32>} : memref<4x80xi32, #tpu.memory_space<vmem>>, vector<1x16xi32>,
    %swap3A_321 = vector.shape_cast %swap3A_320 : vector<1x16xi32> to vector<16xi32>
    %swap3A_322 = vector.shape_cast %get3A_317 : vector<16xi32> to vector<1x16xi32>
    tpu.vector_store %arg9[%swap3A_318, %swap3A_319], %swap3A_322 {strides = array<i32>} : memref<4x80xi32, #tpu.memory_space<vmem>>, vector<1x16xi32>,
    %get3A_323 = arith.constant 0 : i32
    %get3A_324 = arith.index_cast %get3A_323 : i32 to index
    %get3A_325 = arith.constant 0 : index
    %get3A_326 = tpu.vector_load %arg6[%get3A_324, %get3A_325] {strides = array<i32>} : memref<2x80xi32, #tpu.memory_space<vmem>>, vector<1x16xi32>,
    %get3A_327 = vector.shape_cast %get3A_326 : vector<1x16xi32> to vector<16xi32>
    %swap3A_328 = arith.constant 0 : i32
    %swap3A_329 = arith.index_cast %swap3A_328 : i32 to index
    %swap3A_330 = arith.constant 0 : index
    %swap3A_331 = tpu.vector_load %arg8[%swap3A_329, %swap3A_330] {strides = array<i32>} : memref<4x80xi32, #tpu.memory_space<vmem>>, vector<1x16xi32>,
    %swap3A_332 = vector.shape_cast %swap3A_331 : vector<1x16xi32> to vector<16xi32>
    %swap3A_333 = vector.shape_cast %get3A_327 : vector<16xi32> to vector<1x16xi32>
    tpu.vector_store %arg8[%swap3A_329, %swap3A_330], %swap3A_333 {strides = array<i32>} : memref<4x80xi32, #tpu.memory_space<vmem>>, vector<1x16xi32>,
    %get3A_334 = arith.constant 0 : i32
    %get3A_335 = arith.index_cast %get3A_334 : i32 to index
    %get3A_336 = arith.constant 16 : index
    %get3A_337 = tpu.vector_load %arg7[%get3A_335, %get3A_336] {strides = array<i32>} : memref<2x80xi32, #tpu.memory_space<vmem>>, vector<1x16xi32>,
    %get3A_338 = vector.shape_cast %get3A_337 : vector<1x16xi32> to vector<16xi32>
    %swap3A_339 = arith.constant 0 : i32
    %swap3A_340 = arith.index_cast %swap3A_339 : i32 to index
    %swap3A_341 = arith.constant 16 : index
    %swap3A_342 = tpu.vector_load %arg9[%swap3A_340, %swap3A_341] {strides = array<i32>} : memref<4x80xi32, #tpu.memory_space<vmem>>, vector<1x16xi32>,
    %swap3A_343 = vector.shape_cast %swap3A_342 : vector<1x16xi32> to vector<16xi32>
    %swap3A_344 = vector.shape_cast %get3A_338 : vector<16xi32> to vector<1x16xi32>
    tpu.vector_store %arg9[%swap3A_340, %swap3A_341], %swap3A_344 {strides = array<i32>} : memref<4x80xi32, #tpu.memory_space<vmem>>, vector<1x16xi32>,
    %get3A_345 = arith.constant 0 : i32
    %get3A_346 = arith.index_cast %get3A_345 : i32 to index
    %get3A_347 = arith.constant 16 : index
    %get3A_348 = tpu.vector_load %arg6[%get3A_346, %get3A_347] {strides = array<i32>} : memref<2x80xi32, #tpu.memory_space<vmem>>, vector<1x16xi32>,
    %get3A_349 = vector.shape_cast %get3A_348 : vector<1x16xi32> to vector<16xi32>
    %swap3A_350 = arith.constant 0 : i32
    %swap3A_351 = arith.index_cast %swap3A_350 : i32 to index
    %swap3A_352 = arith.constant 16 : index
    %swap3A_353 = tpu.vector_load %arg8[%swap3A_351, %swap3A_352] {strides = array<i32>} : memref<4x80xi32, #tpu.memory_space<vmem>>, vector<1x16xi32>,
    %swap3A_354 = vector.shape_cast %swap3A_353 : vector<1x16xi32> to vector<16xi32>
    %swap3A_355 = vector.shape_cast %get3A_349 : vector<16xi32> to vector<1x16xi32>
    tpu.vector_store %arg8[%swap3A_351, %swap3A_352], %swap3A_355 {strides = array<i32>} : memref<4x80xi32, #tpu.memory_space<vmem>>, vector<1x16xi32>,
    %get3A_356 = arith.constant 0 : i32
    %get3A_357 = arith.index_cast %get3A_356 : i32 to index
    %get3A_358 = arith.constant 32 : index
    %get3A_359 = tpu.vector_load %arg7[%get3A_357, %get3A_358] {strides = array<i32>} : memref<2x80xi32, #tpu.memory_space<vmem>>, vector<1x16xi32>,
    %get3A_360 = vector.shape_cast %get3A_359 : vector<1x16xi32> to vector<16xi32>
    %swap3A_361 = arith.constant 0 : i32
    %swap3A_362 = arith.index_cast %swap3A_361 : i32 to index
    %swap3A_363 = arith.constant 32 : index
    %swap3A_364 = tpu.vector_load %arg9[%swap3A_362, %swap3A_363] {strides = array<i32>} : memref<4x80xi32, #tpu.memory_space<vmem>>, vector<1x16xi32>,
    %swap3A_365 = vector.shape_cast %swap3A_364 : vector<1x16xi32> to vector<16xi32>
    %swap3A_366 = vector.shape_cast %get3A_360 : vector<16xi32> to vector<1x16xi32>
    tpu.vector_store %arg9[%swap3A_362, %swap3A_363], %swap3A_366 {strides = array<i32>} : memref<4x80xi32, #tpu.memory_space<vmem>>, vector<1x16xi32>,
    %get3A_367 = arith.constant 0 : i32
    %get3A_368 = arith.index_cast %get3A_367 : i32 to index
    %get3A_369 = arith.constant 32 : index
    %get3A_370 = tpu.vector_load %arg6[%get3A_368, %get3A_369] {strides = array<i32>} : memref<2x80xi32, #tpu.memory_space<vmem>>, vector<1x16xi32>,
    %get3A_371 = vector.shape_cast %get3A_370 : vector<1x16xi32> to vector<16xi32>
    %swap3A_372 = arith.constant 0 : i32
    %swap3A_373 = arith.index_cast %swap3A_372 : i32 to index
    %swap3A_374 = arith.constant 32 : index
    %swap3A_375 = tpu.vector_load %arg8[%swap3A_373, %swap3A_374] {strides = array<i32>} : memref<4x80xi32, #tpu.memory_space<vmem>>, vector<1x16xi32>,
    %swap3A_376 = vector.shape_cast %swap3A_375 : vector<1x16xi32> to vector<16xi32>
    %swap3A_377 = vector.shape_cast %get3A_371 : vector<16xi32> to vector<1x16xi32>
    tpu.vector_store %arg8[%swap3A_373, %swap3A_374], %swap3A_377 {strides = array<i32>} : memref<4x80xi32, #tpu.memory_space<vmem>>, vector<1x16xi32>,
    %get3A_378 = arith.constant 0 : i32
    %get3A_379 = arith.index_cast %get3A_378 : i32 to index
    %get3A_380 = arith.constant 48 : index
    %get3A_381 = tpu.vector_load %arg7[%get3A_379, %get3A_380] {strides = array<i32>} : memref<2x80xi32, #tpu.memory_space<vmem>>, vector<1x16xi32>,
    %get3A_382 = vector.shape_cast %get3A_381 : vector<1x16xi32> to vector<16xi32>
    %swap3A_383 = arith.constant 0 : i32
    %swap3A_384 = arith.index_cast %swap3A_383 : i32 to index
    %swap3A_385 = arith.constant 48 : index
    %swap3A_386 = tpu.vector_load %arg9[%swap3A_384, %swap3A_385] {strides = array<i32>} : memref<4x80xi32, #tpu.memory_space<vmem>>, vector<1x16xi32>,
    %swap3A_387 = vector.shape_cast %swap3A_386 : vector<1x16xi32> to vector<16xi32>
    %swap3A_388 = vector.shape_cast %get3A_382 : vector<16xi32> to vector<1x16xi32>
    tpu.vector_store %arg9[%swap3A_384, %swap3A_385], %swap3A_388 {strides = array<i32>} : memref<4x80xi32, #tpu.memory_space<vmem>>, vector<1x16xi32>,
    %get3A_389 = arith.constant 0 : i32
    %get3A_390 = arith.index_cast %get3A_389 : i32 to index
    %get3A_391 = arith.constant 48 : index
    %get3A_392 = tpu.vector_load %arg6[%get3A_390, %get3A_391] {strides = array<i32>} : memref<2x80xi32, #tpu.memory_space<vmem>>, vector<1x16xi32>,
    %get3A_393 = vector.shape_cast %get3A_392 : vector<1x16xi32> to vector<16xi32>
    %swap3A_394 = arith.constant 0 : i32
    %swap3A_395 = arith.index_cast %swap3A_394 : i32 to index
    %swap3A_396 = arith.constant 48 : index
    %swap3A_397 = tpu.vector_load %arg8[%swap3A_395, %swap3A_396] {strides = array<i32>} : memref<4x80xi32, #tpu.memory_space<vmem>>, vector<1x16xi32>,
    %swap3A_398 = vector.shape_cast %swap3A_397 : vector<1x16xi32> to vector<16xi32>
    %swap3A_399 = vector.shape_cast %get3A_393 : vector<16xi32> to vector<1x16xi32>
    tpu.vector_store %arg8[%swap3A_395, %swap3A_396], %swap3A_399 {strides = array<i32>} : memref<4x80xi32, #tpu.memory_space<vmem>>, vector<1x16xi32>,
    %get3A_400 = arith.constant 0 : i32
    %get3A_401 = arith.index_cast %get3A_400 : i32 to index
    %get3A_402 = arith.constant 64 : index
    %get3A_403 = tpu.vector_load %arg7[%get3A_401, %get3A_402] {strides = array<i32>} : memref<2x80xi32, #tpu.memory_space<vmem>>, vector<1x16xi32>,
    %get3A_404 = vector.shape_cast %get3A_403 : vector<1x16xi32> to vector<16xi32>
    %swap3A_405 = arith.constant 0 : i32
    %swap3A_406 = arith.index_cast %swap3A_405 : i32 to index
    %swap3A_407 = arith.constant 64 : index
    %swap3A_408 = tpu.vector_load %arg9[%swap3A_406, %swap3A_407] {strides = array<i32>} : memref<4x80xi32, #tpu.memory_space<vmem>>, vector<1x16xi32>,
    %swap3A_409 = vector.shape_cast %swap3A_408 : vector<1x16xi32> to vector<16xi32>
    %swap3A_410 = vector.shape_cast %get3A_404 : vector<16xi32> to vector<1x16xi32>
    tpu.vector_store %arg9[%swap3A_406, %swap3A_407], %swap3A_410 {strides = array<i32>} : memref<4x80xi32, #tpu.memory_space<vmem>>, vector<1x16xi32>,
    %get3A_411 = arith.constant 0 : i32
    %get3A_412 = arith.index_cast %get3A_411 : i32 to index
    %get3A_413 = arith.constant 64 : index
    %get3A_414 = tpu.vector_load %arg6[%get3A_412, %get3A_413] {strides = array<i32>} : memref<2x80xi32, #tpu.memory_space<vmem>>, vector<1x16xi32>,
    %get3A_415 = vector.shape_cast %get3A_414 : vector<1x16xi32> to vector<16xi32>
    %swap3A_416 = arith.constant 0 : i32
    %swap3A_417 = arith.index_cast %swap3A_416 : i32 to index
    %swap3A_418 = arith.constant 64 : index
    %swap3A_419 = tpu.vector_load %arg8[%swap3A_417, %swap3A_418] {strides = array<i32>} : memref<4x80xi32, #tpu.memory_space<vmem>>, vector<1x16xi32>,
    %swap3A_420 = vector.shape_cast %swap3A_419 : vector<1x16xi32> to vector<16xi32>
    %swap3A_421 = vector.shape_cast %get3A_415 : vector<16xi32> to vector<1x16xi32>
    tpu.vector_store %arg8[%swap3A_417, %swap3A_418], %swap3A_421 {strides = array<i32>} : memref<4x80xi32, #tpu.memory_space<vmem>>, vector<1x16xi32>,
    %dma_start3A_422 = arith.constant 0 : i32
    %dma_start3A_423 = arith.constant 0 : i32
    %dma_start3A_424 = arith.constant 0 : i32
    %dma_start3A_425 = arith.constant 0 : i32
    %dma_start3A_426 = tpu.memref_slice %arg10[%dma_start3A_423, %dma_start3A_424, %dma_start3A_425] : memref<4x80x128xf32, #tpu.memory_space<vmem>> -> memref<1x80x128xf32, #tpu.memory_space<vmem>>
    %dma_start3A_427 = tpu.memref_squeeze %dma_start3A_426 : memref<1x80x128xf32, #tpu.memory_space<vmem>> -> memref<80x128xf32, #tpu.memory_space<vmem>>
    %dma_start3A_428 = arith.constant 0 : i32
    %dma_start3A_429 = tpu.memref_slice %arg8[%dma_start3A_422, %dma_start3A_428] : memref<4x80xi32, #tpu.memory_space<vmem>> -> memref<1x80xi32, #tpu.memory_space<vmem>>
    %dma_start3A_430 = tpu.memref_squeeze %dma_start3A_429 : memref<1x80xi32, #tpu.memory_space<vmem>> -> memref<80xi32, #tpu.memory_space<vmem>>
    %dma_start3A_431 = arith.constant 0 : i32
    %dma_start3A_432 = tpu.memref_slice %arg2[%dma_start3A_431, %multiple_of3A] : memref<10000x256xf32, #tpu.memory_space<hbm>> -> memref<10000x128xf32, #tpu.memory_space<hbm>>
    tpu.enqueue_indirect_dma source(%dma_start3A_432 : memref<10000x128xf32, #tpu.memory_space<hbm>>) target(%dma_start3A_427 : memref<80x128xf32, #tpu.memory_space<vmem>>) offsets(%dma_start3A_430 : memref<80xi32, #tpu.memory_space<vmem>>) semaphore(%arg13 : memref<!tpu.dma_semaphore, #tpu.memory_space<semaphore_mem>>)
    %get3A_433 = arith.constant 0 : i32
    %get3A_434 = arith.index_cast %get3A_433 : i32 to index
    %get3A_435 = arith.constant 0 : index
    %get3A_436 = tpu.vector_load %arg7[%get3A_434, %get3A_435] {strides = array<i32>} : memref<2x80xi32, #tpu.memory_space<vmem>>, vector<1x16xi32>,
    %get3A_437 = vector.shape_cast %get3A_436 : vector<1x16xi32> to vector<16xi32>
    %swap3A_438 = arith.constant 1 : i32
    %swap3A_439 = arith.index_cast %swap3A_438 : i32 to index
    %swap3A_440 = arith.constant 0 : index
    %swap3A_441 = tpu.vector_load %arg9[%swap3A_439, %swap3A_440] {strides = array<i32>} : memref<4x80xi32, #tpu.memory_space<vmem>>, vector<1x16xi32>,
    %swap3A_442 = vector.shape_cast %swap3A_441 : vector<1x16xi32> to vector<16xi32>
    %swap3A_443 = vector.shape_cast %get3A_437 : vector<16xi32> to vector<1x16xi32>
    tpu.vector_store %arg9[%swap3A_439, %swap3A_440], %swap3A_443 {strides = array<i32>} : memref<4x80xi32, #tpu.memory_space<vmem>>, vector<1x16xi32>,
    %get3A_444 = arith.constant 0 : i32
    %get3A_445 = arith.index_cast %get3A_444 : i32 to index
    %get3A_446 = arith.constant 16 : index
    %get3A_447 = tpu.vector_load %arg7[%get3A_445, %get3A_446] {strides = array<i32>} : memref<2x80xi32, #tpu.memory_space<vmem>>, vector<1x16xi32>,
    %get3A_448 = vector.shape_cast %get3A_447 : vector<1x16xi32> to vector<16xi32>
    %swap3A_449 = arith.constant 1 : i32
    %swap3A_450 = arith.index_cast %swap3A_449 : i32 to index
    %swap3A_451 = arith.constant 16 : index
    %swap3A_452 = tpu.vector_load %arg9[%swap3A_450, %swap3A_451] {strides = array<i32>} : memref<4x80xi32, #tpu.memory_space<vmem>>, vector<1x16xi32>,
    %swap3A_453 = vector.shape_cast %swap3A_452 : vector<1x16xi32> to vector<16xi32>
    %swap3A_454 = vector.shape_cast %get3A_448 : vector<16xi32> to vector<1x16xi32>
    tpu.vector_store %arg9[%swap3A_450, %swap3A_451], %swap3A_454 {strides = array<i32>} : memref<4x80xi32, #tpu.memory_space<vmem>>, vector<1x16xi32>,
    %get3A_455 = arith.constant 0 : i32
    %get3A_456 = arith.index_cast %get3A_455 : i32 to index
    %get3A_457 = arith.constant 32 : index
    %get3A_458 = tpu.vector_load %arg7[%get3A_456, %get3A_457] {strides = array<i32>} : memref<2x80xi32, #tpu.memory_space<vmem>>, vector<1x16xi32>,
    %get3A_459 = vector.shape_cast %get3A_458 : vector<1x16xi32> to vector<16xi32>
    %swap3A_460 = arith.constant 1 : i32
    %swap3A_461 = arith.index_cast %swap3A_460 : i32 to index
    %swap3A_462 = arith.constant 32 : index
    %swap3A_463 = tpu.vector_load %arg9[%swap3A_461, %swap3A_462] {strides = array<i32>} : memref<4x80xi32, #tpu.memory_space<vmem>>, vector<1x16xi32>,
    %swap3A_464 = vector.shape_cast %swap3A_463 : vector<1x16xi32> to vector<16xi32>
    %swap3A_465 = vector.shape_cast %get3A_459 : vector<16xi32> to vector<1x16xi32>
    tpu.vector_store %arg9[%swap3A_461, %swap3A_462], %swap3A_465 {strides = array<i32>} : memref<4x80xi32, #tpu.memory_space<vmem>>, vector<1x16xi32>,
    %get3A_466 = arith.constant 0 : i32
    %get3A_467 = arith.index_cast %get3A_466 : i32 to index
    %get3A_468 = arith.constant 48 : index
    %get3A_469 = tpu.vector_load %arg7[%get3A_467, %get3A_468] {strides = array<i32>} : memref<2x80xi32, #tpu.memory_space<vmem>>, vector<1x16xi32>,
    %get3A_470 = vector.shape_cast %get3A_469 : vector<1x16xi32> to vector<16xi32>
    %swap3A_471 = arith.constant 1 : i32
    %swap3A_472 = arith.index_cast %swap3A_471 : i32 to index
    %swap3A_473 = arith.constant 48 : index
    %swap3A_474 = tpu.vector_load %arg9[%swap3A_472, %swap3A_473] {strides = array<i32>} : memref<4x80xi32, #tpu.memory_space<vmem>>, vector<1x16xi32>,
    %swap3A_475 = vector.shape_cast %swap3A_474 : vector<1x16xi32> to vector<16xi32>
    %swap3A_476 = vector.shape_cast %get3A_470 : vector<16xi32> to vector<1x16xi32>
    tpu.vector_store %arg9[%swap3A_472, %swap3A_473], %swap3A_476 {strides = array<i32>} : memref<4x80xi32, #tpu.memory_space<vmem>>, vector<1x16xi32>,
    %get3A_477 = arith.constant 0 : i32
    %get3A_478 = arith.index_cast %get3A_477 : i32 to index
    %get3A_479 = arith.constant 64 : index
    %get3A_480 = tpu.vector_load %arg7[%get3A_478, %get3A_479] {strides = array<i32>} : memref<2x80xi32, #tpu.memory_space<vmem>>, vector<1x16xi32>,
    %get3A_481 = vector.shape_cast %get3A_480 : vector<1x16xi32> to vector<16xi32>
    %swap3A_482 = arith.constant 1 : i32
    %swap3A_483 = arith.index_cast %swap3A_482 : i32 to index
    %swap3A_484 = arith.constant 64 : index
    %swap3A_485 = tpu.vector_load %arg9[%swap3A_483, %swap3A_484] {strides = array<i32>} : memref<4x80xi32, #tpu.memory_space<vmem>>, vector<1x16xi32>,
    %swap3A_486 = vector.shape_cast %swap3A_485 : vector<1x16xi32> to vector<16xi32>
    %swap3A_487 = vector.shape_cast %get3A_481 : vector<16xi32> to vector<1x16xi32>
    tpu.vector_store %arg9[%swap3A_483, %swap3A_484], %swap3A_487 {strides = array<i32>} : memref<4x80xi32, #tpu.memory_space<vmem>>, vector<1x16xi32>,
    %add3A_488 = arith.constant 0 : i32
    %add3A_489 = arith.addi %mul3A_0, %add3A_488 : i32
    %dma_start3A_490 = arith.constant 1 : i32
    %dma_start3A_491 = arith.constant 0 : i32
    %dma_start3A_492 = arith.constant 0 : i32
    %dma_start3A_493 = tpu.memref_slice %arg10[%dma_start3A_490, %dma_start3A_491, %dma_start3A_492] : memref<4x80x128xf32, #tpu.memory_space<vmem>> -> memref<1x80x128xf32, #tpu.memory_space<vmem>>
    %dma_start3A_494 = tpu.memref_squeeze %dma_start3A_493 : memref<1x80x128xf32, #tpu.memory_space<vmem>> -> memref<80x128xf32, #tpu.memory_space<vmem>>
    %dma_start3A_495 = tpu.memref_slice %arg3[%add3A_489, %multiple_of3A] : memref<160000x256xf32, #tpu.memory_space<hbm>> -> memref<80x128xf32, #tpu.memory_space<hbm>>
    %dma_start3A_496 = arith.constant 0 : i32
    %dma_start3A_497 = arith.constant 0 : i32
    %dma_start3A_498 = tpu.memref_slice %arg10[%dma_start3A_490, %dma_start3A_496, %dma_start3A_497] : memref<4x80x128xf32, #tpu.memory_space<vmem>> -> memref<1x80x128xf32, #tpu.memory_space<vmem>>
    %dma_start3A_499 = tpu.memref_squeeze %dma_start3A_498 : memref<1x80x128xf32, #tpu.memory_space<vmem>> -> memref<80x128xf32, #tpu.memory_space<vmem>>
    %dma_start3A_500 = tpu.memref_slice %arg3[%add3A_489, %multiple_of3A] : memref<160000x256xf32, #tpu.memory_space<hbm>> -> memref<80x128xf32, #tpu.memory_space<hbm>>
    tpu.enqueue_dma source(%dma_start3A_500 : memref<80x128xf32, #tpu.memory_space<hbm>>) target(%dma_start3A_499 : memref<80x128xf32, #tpu.memory_space<vmem>>) target_semaphore(%arg14 : memref<!tpu.dma_semaphore, #tpu.memory_space<semaphore_mem>>)
    %add3A_501 = arith.constant 160 : i32
    %add3A_502 = arith.addi %mul3A_0, %add3A_501 : i32
    %dma_start3A_503 = arith.constant 0 : i32
    %dma_start3A_504 = arith.constant 0 : i32
    %dma_start3A_505 = tpu.memref_slice %arg6[%dma_start3A_503, %dma_start3A_504] : memref<2x80xi32, #tpu.memory_space<vmem>> -> memref<1x80xi32, #tpu.memory_space<vmem>>
    %dma_start3A_506 = tpu.memref_squeeze %dma_start3A_505 : memref<1x80xi32, #tpu.memory_space<vmem>> -> memref<80xi32, #tpu.memory_space<vmem>>
    %dma_start3A_507 = tpu.memref_slice %arg4[%add3A_502] : memref<320000xi32, #tpu.memory_space<hbm>> -> memref<80xi32, #tpu.memory_space<hbm>>
    %dma_start3A_508 = arith.constant 0 : i32
    %dma_start3A_509 = tpu.memref_slice %arg6[%dma_start3A_503, %dma_start3A_508] : memref<2x80xi32, #tpu.memory_space<vmem>> -> memref<1x80xi32, #tpu.memory_space<vmem>>
    %dma_start3A_510 = tpu.memref_squeeze %dma_start3A_509 : memref<1x80xi32, #tpu.memory_space<vmem>> -> memref<80xi32, #tpu.memory_space<vmem>>
    %dma_start3A_511 = tpu.memref_slice %arg4[%add3A_502] : memref<320000xi32, #tpu.memory_space<hbm>> -> memref<80xi32, #tpu.memory_space<hbm>>
    tpu.enqueue_dma source(%dma_start3A_511 : memref<80xi32, #tpu.memory_space<hbm>>) target(%dma_start3A_510 : memref<80xi32, #tpu.memory_space<vmem>>) target_semaphore(%arg21 : memref<!tpu.dma_semaphore, #tpu.memory_space<semaphore_mem>>)
    %add3A_512 = arith.constant 160000 : i32
    %add3A_513 = arith.addi %add3A_512, %mul3A_0 : i32
    %add3A_514 = arith.constant 160 : i32
    %add3A_515 = arith.addi %add3A_513, %add3A_514 : i32
    %dma_start3A_516 = arith.constant 0 : i32
    %dma_start3A_517 = arith.constant 0 : i32
    %dma_start3A_518 = tpu.memref_slice %arg7[%dma_start3A_516, %dma_start3A_517] : memref<2x80xi32, #tpu.memory_space<vmem>> -> memref<1x80xi32, #tpu.memory_space<vmem>>
    %dma_start3A_519 = tpu.memref_squeeze %dma_start3A_518 : memref<1x80xi32, #tpu.memory_space<vmem>> -> memref<80xi32, #tpu.memory_space<vmem>>
    %dma_start3A_520 = tpu.memref_slice %arg4[%add3A_515] : memref<320000xi32, #tpu.memory_space<hbm>> -> memref<80xi32, #tpu.memory_space<hbm>>
    %dma_start3A_521 = arith.constant 0 : i32
    %dma_start3A_522 = tpu.memref_slice %arg7[%dma_start3A_516, %dma_start3A_521] : memref<2x80xi32, #tpu.memory_space<vmem>> -> memref<1x80xi32, #tpu.memory_space<vmem>>
    %dma_start3A_523 = tpu.memref_squeeze %dma_start3A_522 : memref<1x80xi32, #tpu.memory_space<vmem>> -> memref<80xi32, #tpu.memory_space<vmem>>
    %dma_start3A_524 = tpu.memref_slice %arg4[%add3A_515] : memref<320000xi32, #tpu.memory_space<hbm>> -> memref<80xi32, #tpu.memory_space<hbm>>
    tpu.enqueue_dma source(%dma_start3A_524 : memref<80xi32, #tpu.memory_space<hbm>>) target(%dma_start3A_523 : memref<80xi32, #tpu.memory_space<vmem>>) target_semaphore(%arg21 : memref<!tpu.dma_semaphore, #tpu.memory_space<semaphore_mem>>)
    %dma_wait3A_525 = arith.constant 1 : i32
    %dma_wait3A_526 = arith.constant 0 : i32
    %dma_wait3A_527 = tpu.memref_slice %arg6[%dma_wait3A_525, %dma_wait3A_526] : memref<2x80xi32, #tpu.memory_space<vmem>> -> memref<1x80xi32, #tpu.memory_space<vmem>>
    %dma_wait3A_528 = tpu.memref_squeeze %dma_wait3A_527 : memref<1x80xi32, #tpu.memory_space<vmem>> -> memref<80xi32, #tpu.memory_space<vmem>>
    %dma_wait3A_529 = tpu.memref_slice %arg4[%mul3A_0] : memref<320000xi32, #tpu.memory_space<hbm>> -> memref<80xi32, #tpu.memory_space<hbm>>
    %dma_wait3A_530 = arith.constant 0 : i32
    %dma_wait3A_531 = tpu.memref_slice %arg6[%dma_wait3A_525, %dma_wait3A_530] : memref<2x80xi32, #tpu.memory_space<vmem>> -> memref<1x80xi32, #tpu.memory_space<vmem>>
    %dma_wait3A_532 = tpu.memref_squeeze %dma_wait3A_531 : memref<1x80xi32, #tpu.memory_space<vmem>> -> memref<80xi32, #tpu.memory_space<vmem>>
    %dma_wait3A_533 = tpu.memref_slice %arg4[%mul3A_0] : memref<320000xi32, #tpu.memory_space<hbm>> -> memref<80xi32, #tpu.memory_space<hbm>>
    tpu.wait_dma2 semaphore(%arg22 : memref<!tpu.dma_semaphore, #tpu.memory_space<semaphore_mem>>) src(%dma_wait3A_533 : memref<80xi32, #tpu.memory_space<hbm>>) dst(%dma_wait3A_532 : memref<80xi32, #tpu.memory_space<vmem>>)
    %add3A_534 = arith.constant 160000 : i32
    %add3A_535 = arith.addi %add3A_534, %mul3A_0 : i32
    %dma_wait3A_536 = arith.constant 1 : i32
    %dma_wait3A_537 = arith.constant 0 : i32
    %dma_wait3A_538 = tpu.memref_slice %arg7[%dma_wait3A_536, %dma_wait3A_537] : memref<2x80xi32, #tpu.memory_space<vmem>> -> memref<1x80xi32, #tpu.memory_space<vmem>>
    %dma_wait3A_539 = tpu.memref_squeeze %dma_wait3A_538 : memref<1x80xi32, #tpu.memory_space<vmem>> -> memref<80xi32, #tpu.memory_space<vmem>>
    %dma_wait3A_540 = tpu.memref_slice %arg4[%add3A_535] : memref<320000xi32, #tpu.memory_space<hbm>> -> memref<80xi32, #tpu.memory_space<hbm>>
    %dma_wait3A_541 = arith.constant 0 : i32
    %dma_wait3A_542 = tpu.memref_slice %arg7[%dma_wait3A_536, %dma_wait3A_541] : memref<2x80xi32, #tpu.memory_space<vmem>> -> memref<1x80xi32, #tpu.memory_space<vmem>>
    %dma_wait3A_543 = tpu.memref_squeeze %dma_wait3A_542 : memref<1x80xi32, #tpu.memory_space<vmem>> -> memref<80xi32, #tpu.memory_space<vmem>>
    %dma_wait3A_544 = tpu.memref_slice %arg4[%add3A_535] : memref<320000xi32, #tpu.memory_space<hbm>> -> memref<80xi32, #tpu.memory_space<hbm>>
    tpu.wait_dma2 semaphore(%arg22 : memref<!tpu.dma_semaphore, #tpu.memory_space<semaphore_mem>>) src(%dma_wait3A_544 : memref<80xi32, #tpu.memory_space<hbm>>) dst(%dma_wait3A_543 : memref<80xi32, #tpu.memory_space<vmem>>)
    %get3A_545 = arith.constant 1 : i32
    %get3A_546 = arith.index_cast %get3A_545 : i32 to index
    %get3A_547 = arith.constant 0 : index
    %get3A_548 = tpu.vector_load %arg7[%get3A_546, %get3A_547] {strides = array<i32>} : memref<2x80xi32, #tpu.memory_space<vmem>>, vector<1x16xi32>,
    %get3A_549 = vector.shape_cast %get3A_548 : vector<1x16xi32> to vector<16xi32>
    %swap3A_550 = arith.constant 2 : i32
    %swap3A_551 = arith.index_cast %swap3A_550 : i32 to index
    %swap3A_552 = arith.constant 0 : index
    %swap3A_553 = tpu.vector_load %arg9[%swap3A_551, %swap3A_552] {strides = array<i32>} : memref<4x80xi32, #tpu.memory_space<vmem>>, vector<1x16xi32>,
    %swap3A_554 = vector.shape_cast %swap3A_553 : vector<1x16xi32> to vector<16xi32>
    %swap3A_555 = vector.shape_cast %get3A_549 : vector<16xi32> to vector<1x16xi32>
    tpu.vector_store %arg9[%swap3A_551, %swap3A_552], %swap3A_555 {strides = array<i32>} : memref<4x80xi32, #tpu.memory_space<vmem>>, vector<1x16xi32>,
    %get3A_556 = arith.constant 1 : i32
    %get3A_557 = arith.index_cast %get3A_556 : i32 to index
    %get3A_558 = arith.constant 0 : index
    %get3A_559 = tpu.vector_load %arg6[%get3A_557, %get3A_558] {strides = array<i32>} : memref<2x80xi32, #tpu.memory_space<vmem>>, vector<1x16xi32>,
    %get3A_560 = vector.shape_cast %get3A_559 : vector<1x16xi32> to vector<16xi32>
    %swap3A_561 = arith.constant 2 : i32
    %swap3A_562 = arith.index_cast %swap3A_561 : i32 to index
    %swap3A_563 = arith.constant 0 : index
    %swap3A_564 = tpu.vector_load %arg8[%swap3A_562, %swap3A_563] {strides = array<i32>} : memref<4x80xi32, #tpu.memory_space<vmem>>, vector<1x16xi32>,
    %swap3A_565 = vector.shape_cast %swap3A_564 : vector<1x16xi32> to vector<16xi32>
    %swap3A_566 = vector.shape_cast %get3A_560 : vector<16xi32> to vector<1x16xi32>
    tpu.vector_store %arg8[%swap3A_562, %swap3A_563], %swap3A_566 {strides = array<i32>} : memref<4x80xi32, #tpu.memory_space<vmem>>, vector<1x16xi32>,
    %get3A_567 = arith.constant 1 : i32
    %get3A_568 = arith.index_cast %get3A_567 : i32 to index
    %get3A_569 = arith.constant 16 : index
    %get3A_570 = tpu.vector_load %arg7[%get3A_568, %get3A_569] {strides = array<i32>} : memref<2x80xi32, #tpu.memory_space<vmem>>, vector<1x16xi32>,
    %get3A_571 = vector.shape_cast %get3A_570 : vector<1x16xi32> to vector<16xi32>
    %swap3A_572 = arith.constant 2 : i32
    %swap3A_573 = arith.index_cast %swap3A_572 : i32 to index
    %swap3A_574 = arith.constant 16 : index
    %swap3A_575 = tpu.vector_load %arg9[%swap3A_573, %swap3A_574] {strides = array<i32>} : memref<4x80xi32, #tpu.memory_space<vmem>>, vector<1x16xi32>,
    %swap3A_576 = vector.shape_cast %swap3A_575 : vector<1x16xi32> to vector<16xi32>
    %swap3A_577 = vector.shape_cast %get3A_571 : vector<16xi32> to vector<1x16xi32>
    tpu.vector_store %arg9[%swap3A_573, %swap3A_574], %swap3A_577 {strides = array<i32>} : memref<4x80xi32, #tpu.memory_space<vmem>>, vector<1x16xi32>,
    %get3A_578 = arith.constant 1 : i32
    %get3A_579 = arith.index_cast %get3A_578 : i32 to index
    %get3A_580 = arith.constant 16 : index
    %get3A_581 = tpu.vector_load %arg6[%get3A_579, %get3A_580] {strides = array<i32>} : memref<2x80xi32, #tpu.memory_space<vmem>>, vector<1x16xi32>,
    %get3A_582 = vector.shape_cast %get3A_581 : vector<1x16xi32> to vector<16xi32>
    %swap3A_583 = arith.constant 2 : i32
    %swap3A_584 = arith.index_cast %swap3A_583 : i32 to index
    %swap3A_585 = arith.constant 16 : index
    %swap3A_586 = tpu.vector_load %arg8[%swap3A_584, %swap3A_585] {strides = array<i32>} : memref<4x80xi32, #tpu.memory_space<vmem>>, vector<1x16xi32>,
    %swap3A_587 = vector.shape_cast %swap3A_586 : vector<1x16xi32> to vector<16xi32>
    %swap3A_588 = vector.shape_cast %get3A_582 : vector<16xi32> to vector<1x16xi32>
    tpu.vector_store %arg8[%swap3A_584, %swap3A_585], %swap3A_588 {strides = array<i32>} : memref<4x80xi32, #tpu.memory_space<vmem>>, vector<1x16xi32>,
    %get3A_589 = arith.constant 1 : i32
    %get3A_590 = arith.index_cast %get3A_589 : i32 to index
    %get3A_591 = arith.constant 32 : index
    %get3A_592 = tpu.vector_load %arg7[%get3A_590, %get3A_591] {strides = array<i32>} : memref<2x80xi32, #tpu.memory_space<vmem>>, vector<1x16xi32>,
    %get3A_593 = vector.shape_cast %get3A_592 : vector<1x16xi32> to vector<16xi32>
    %swap3A_594 = arith.constant 2 : i32
    %swap3A_595 = arith.index_cast %swap3A_594 : i32 to index
    %swap3A_596 = arith.constant 32 : index
    %swap3A_597 = tpu.vector_load %arg9[%swap3A_595, %swap3A_596] {strides = array<i32>} : memref<4x80xi32, #tpu.memory_space<vmem>>, vector<1x16xi32>,
    %swap3A_598 = vector.shape_cast %swap3A_597 : vector<1x16xi32> to vector<16xi32>
    %swap3A_599 = vector.shape_cast %get3A_593 : vector<16xi32> to vector<1x16xi32>
    tpu.vector_store %arg9[%swap3A_595, %swap3A_596], %swap3A_599 {strides = array<i32>} : memref<4x80xi32, #tpu.memory_space<vmem>>, vector<1x16xi32>,
    %get3A_600 = arith.constant 1 : i32
    %get3A_601 = arith.index_cast %get3A_600 : i32 to index
    %get3A_602 = arith.constant 32 : index
    %get3A_603 = tpu.vector_load %arg6[%get3A_601, %get3A_602] {strides = array<i32>} : memref<2x80xi32, #tpu.memory_space<vmem>>, vector<1x16xi32>,
    %get3A_604 = vector.shape_cast %get3A_603 : vector<1x16xi32> to vector<16xi32>
    %swap3A_605 = arith.constant 2 : i32
    %swap3A_606 = arith.index_cast %swap3A_605 : i32 to index
    %swap3A_607 = arith.constant 32 : index
    %swap3A_608 = tpu.vector_load %arg8[%swap3A_606, %swap3A_607] {strides = array<i32>} : memref<4x80xi32, #tpu.memory_space<vmem>>, vector<1x16xi32>,
    %swap3A_609 = vector.shape_cast %swap3A_608 : vector<1x16xi32> to vector<16xi32>
    %swap3A_610 = vector.shape_cast %get3A_604 : vector<16xi32> to vector<1x16xi32>
    tpu.vector_store %arg8[%swap3A_606, %swap3A_607], %swap3A_610 {strides = array<i32>} : memref<4x80xi32, #tpu.memory_space<vmem>>, vector<1x16xi32>,
    %get3A_611 = arith.constant 1 : i32
    %get3A_612 = arith.index_cast %get3A_611 : i32 to index
    %get3A_613 = arith.constant 48 : index
    %get3A_614 = tpu.vector_load %arg7[%get3A_612, %get3A_613] {strides = array<i32>} : memref<2x80xi32, #tpu.memory_space<vmem>>, vector<1x16xi32>,
    %get3A_615 = vector.shape_cast %get3A_614 : vector<1x16xi32> to vector<16xi32>
    %swap3A_616 = arith.constant 2 : i32
    %swap3A_617 = arith.index_cast %swap3A_616 : i32 to index
    %swap3A_618 = arith.constant 48 : index
    %swap3A_619 = tpu.vector_load %arg9[%swap3A_617, %swap3A_618] {strides = array<i32>} : memref<4x80xi32, #tpu.memory_space<vmem>>, vector<1x16xi32>,
    %swap3A_620 = vector.shape_cast %swap3A_619 : vector<1x16xi32> to vector<16xi32>
    %swap3A_621 = vector.shape_cast %get3A_615 : vector<16xi32> to vector<1x16xi32>
    tpu.vector_store %arg9[%swap3A_617, %swap3A_618], %swap3A_621 {strides = array<i32>} : memref<4x80xi32, #tpu.memory_space<vmem>>, vector<1x16xi32>,
    %get3A_622 = arith.constant 1 : i32
    %get3A_623 = arith.index_cast %get3A_622 : i32 to index
    %get3A_624 = arith.constant 48 : index
    %get3A_625 = tpu.vector_load %arg6[%get3A_623, %get3A_624] {strides = array<i32>} : memref<2x80xi32, #tpu.memory_space<vmem>>, vector<1x16xi32>,
    %get3A_626 = vector.shape_cast %get3A_625 : vector<1x16xi32> to vector<16xi32>
    %swap3A_627 = arith.constant 2 : i32
    %swap3A_628 = arith.index_cast %swap3A_627 : i32 to index
    %swap3A_629 = arith.constant 48 : index
    %swap3A_630 = tpu.vector_load %arg8[%swap3A_628, %swap3A_629] {strides = array<i32>} : memref<4x80xi32, #tpu.memory_space<vmem>>, vector<1x16xi32>,
    %swap3A_631 = vector.shape_cast %swap3A_630 : vector<1x16xi32> to vector<16xi32>
    %swap3A_632 = vector.shape_cast %get3A_626 : vector<16xi32> to vector<1x16xi32>
    tpu.vector_store %arg8[%swap3A_628, %swap3A_629], %swap3A_632 {strides = array<i32>} : memref<4x80xi32, #tpu.memory_space<vmem>>, vector<1x16xi32>,
    %get3A_633 = arith.constant 1 : i32
    %get3A_634 = arith.index_cast %get3A_633 : i32 to index
    %get3A_635 = arith.constant 64 : index
    %get3A_636 = tpu.vector_load %arg7[%get3A_634, %get3A_635] {strides = array<i32>} : memref<2x80xi32, #tpu.memory_space<vmem>>, vector<1x16xi32>,
    %get3A_637 = vector.shape_cast %get3A_636 : vector<1x16xi32> to vector<16xi32>
    %swap3A_638 = arith.constant 2 : i32
    %swap3A_639 = arith.index_cast %swap3A_638 : i32 to index
    %swap3A_640 = arith.constant 64 : index
    %swap3A_641 = tpu.vector_load %arg9[%swap3A_639, %swap3A_640] {strides = array<i32>} : memref<4x80xi32, #tpu.memory_space<vmem>>, vector<1x16xi32>,
    %swap3A_642 = vector.shape_cast %swap3A_641 : vector<1x16xi32> to vector<16xi32>
    %swap3A_643 = vector.shape_cast %get3A_637 : vector<16xi32> to vector<1x16xi32>
    tpu.vector_store %arg9[%swap3A_639, %swap3A_640], %swap3A_643 {strides = array<i32>} : memref<4x80xi32, #tpu.memory_space<vmem>>, vector<1x16xi32>,
    %get3A_644 = arith.constant 1 : i32
    %get3A_645 = arith.index_cast %get3A_644 : i32 to index
    %get3A_646 = arith.constant 64 : index
    %get3A_647 = tpu.vector_load %arg6[%get3A_645, %get3A_646] {strides = array<i32>} : memref<2x80xi32, #tpu.memory_space<vmem>>, vector<1x16xi32>,
    %get3A_648 = vector.shape_cast %get3A_647 : vector<1x16xi32> to vector<16xi32>
    %swap3A_649 = arith.constant 2 : i32
    %swap3A_650 = arith.index_cast %swap3A_649 : i32 to index
    %swap3A_651 = arith.constant 64 : index
    %swap3A_652 = tpu.vector_load %arg8[%swap3A_650, %swap3A_651] {strides = array<i32>} : memref<4x80xi32, #tpu.memory_space<vmem>>, vector<1x16xi32>,
    %swap3A_653 = vector.shape_cast %swap3A_652 : vector<1x16xi32> to vector<16xi32>
    %swap3A_654 = vector.shape_cast %get3A_648 : vector<16xi32> to vector<1x16xi32>
    tpu.vector_store %arg8[%swap3A_650, %swap3A_651], %swap3A_654 {strides = array<i32>} : memref<4x80xi32, #tpu.memory_space<vmem>>, vector<1x16xi32>,
    %dma_start3A_655 = arith.constant 2 : i32
    %dma_start3A_656 = arith.constant 2 : i32
    %dma_start3A_657 = arith.constant 0 : i32
    %dma_start3A_658 = arith.constant 0 : i32
    %dma_start3A_659 = tpu.memref_slice %arg10[%dma_start3A_656, %dma_start3A_657, %dma_start3A_658] : memref<4x80x128xf32, #tpu.memory_space<vmem>> -> memref<1x80x128xf32, #tpu.memory_space<vmem>>
    %dma_start3A_660 = tpu.memref_squeeze %dma_start3A_659 : memref<1x80x128xf32, #tpu.memory_space<vmem>> -> memref<80x128xf32, #tpu.memory_space<vmem>>
    %dma_start3A_661 = arith.constant 0 : i32
    %dma_start3A_662 = tpu.memref_slice %arg8[%dma_start3A_655, %dma_start3A_661] : memref<4x80xi32, #tpu.memory_space<vmem>> -> memref<1x80xi32, #tpu.memory_space<vmem>>
    %dma_start3A_663 = tpu.memref_squeeze %dma_start3A_662 : memref<1x80xi32, #tpu.memory_space<vmem>> -> memref<80xi32, #tpu.memory_space<vmem>>
    %dma_start3A_664 = arith.constant 0 : i32
    %dma_start3A_665 = tpu.memref_slice %arg2[%dma_start3A_664, %multiple_of3A] : memref<10000x256xf32, #tpu.memory_space<hbm>> -> memref<10000x128xf32, #tpu.memory_space<hbm>>
    tpu.enqueue_indirect_dma source(%dma_start3A_665 : memref<10000x128xf32, #tpu.memory_space<hbm>>) target(%dma_start3A_660 : memref<80x128xf32, #tpu.memory_space<vmem>>) offsets(%dma_start3A_663 : memref<80xi32, #tpu.memory_space<vmem>>) semaphore(%arg15 : memref<!tpu.dma_semaphore, #tpu.memory_space<semaphore_mem>>)
    %get3A_666 = arith.constant 1 : i32
    %get3A_667 = arith.index_cast %get3A_666 : i32 to index
    %get3A_668 = arith.constant 0 : index
    %get3A_669 = tpu.vector_load %arg7[%get3A_667, %get3A_668] {strides = array<i32>} : memref<2x80xi32, #tpu.memory_space<vmem>>, vector<1x16xi32>,
    %get3A_670 = vector.shape_cast %get3A_669 : vector<1x16xi32> to vector<16xi32>
    %swap3A_671 = arith.constant 3 : i32
    %swap3A_672 = arith.index_cast %swap3A_671 : i32 to index
    %swap3A_673 = arith.constant 0 : index
    %swap3A_674 = tpu.vector_load %arg9[%swap3A_672, %swap3A_673] {strides = array<i32>} : memref<4x80xi32, #tpu.memory_space<vmem>>, vector<1x16xi32>,
    %swap3A_675 = vector.shape_cast %swap3A_674 : vector<1x16xi32> to vector<16xi32>
    %swap3A_676 = vector.shape_cast %get3A_670 : vector<16xi32> to vector<1x16xi32>
    tpu.vector_store %arg9[%swap3A_672, %swap3A_673], %swap3A_676 {strides = array<i32>} : memref<4x80xi32, #tpu.memory_space<vmem>>, vector<1x16xi32>,
    %get3A_677 = arith.constant 1 : i32
    %get3A_678 = arith.index_cast %get3A_677 : i32 to index
    %get3A_679 = arith.constant 16 : index
    %get3A_680 = tpu.vector_load %arg7[%get3A_678, %get3A_679] {strides = array<i32>} : memref<2x80xi32, #tpu.memory_space<vmem>>, vector<1x16xi32>,
    %get3A_681 = vector.shape_cast %get3A_680 : vector<1x16xi32> to vector<16xi32>
    %swap3A_682 = arith.constant 3 : i32
    %swap3A_683 = arith.index_cast %swap3A_682 : i32 to index
    %swap3A_684 = arith.constant 16 : index
    %swap3A_685 = tpu.vector_load %arg9[%swap3A_683, %swap3A_684] {strides = array<i32>} : memref<4x80xi32, #tpu.memory_space<vmem>>, vector<1x16xi32>,
    %swap3A_686 = vector.shape_cast %swap3A_685 : vector<1x16xi32> to vector<16xi32>
    %swap3A_687 = vector.shape_cast %get3A_681 : vector<16xi32> to vector<1x16xi32>
    tpu.vector_store %arg9[%swap3A_683, %swap3A_684], %swap3A_687 {strides = array<i32>} : memref<4x80xi32, #tpu.memory_space<vmem>>, vector<1x16xi32>,
    %get3A_688 = arith.constant 1 : i32
    %get3A_689 = arith.index_cast %get3A_688 : i32 to index
    %get3A_690 = arith.constant 32 : index
    %get3A_691 = tpu.vector_load %arg7[%get3A_689, %get3A_690] {strides = array<i32>} : memref<2x80xi32, #tpu.memory_space<vmem>>, vector<1x16xi32>,
    %get3A_692 = vector.shape_cast %get3A_691 : vector<1x16xi32> to vector<16xi32>
    %swap3A_693 = arith.constant 3 : i32
    %swap3A_694 = arith.index_cast %swap3A_693 : i32 to index
    %swap3A_695 = arith.constant 32 : index
    %swap3A_696 = tpu.vector_load %arg9[%swap3A_694, %swap3A_695] {strides = array<i32>} : memref<4x80xi32, #tpu.memory_space<vmem>>, vector<1x16xi32>,
    %swap3A_697 = vector.shape_cast %swap3A_696 : vector<1x16xi32> to vector<16xi32>
    %swap3A_698 = vector.shape_cast %get3A_692 : vector<16xi32> to vector<1x16xi32>
    tpu.vector_store %arg9[%swap3A_694, %swap3A_695], %swap3A_698 {strides = array<i32>} : memref<4x80xi32, #tpu.memory_space<vmem>>, vector<1x16xi32>,
    %get3A_699 = arith.constant 1 : i32
    %get3A_700 = arith.index_cast %get3A_699 : i32 to index
    %get3A_701 = arith.constant 48 : index
    %get3A_702 = tpu.vector_load %arg7[%get3A_700, %get3A_701] {strides = array<i32>} : memref<2x80xi32, #tpu.memory_space<vmem>>, vector<1x16xi32>,
    %get3A_703 = vector.shape_cast %get3A_702 : vector<1x16xi32> to vector<16xi32>
    %swap3A_704 = arith.constant 3 : i32
    %swap3A_705 = arith.index_cast %swap3A_704 : i32 to index
    %swap3A_706 = arith.constant 48 : index
    %swap3A_707 = tpu.vector_load %arg9[%swap3A_705, %swap3A_706] {strides = array<i32>} : memref<4x80xi32, #tpu.memory_space<vmem>>, vector<1x16xi32>,
    %swap3A_708 = vector.shape_cast %swap3A_707 : vector<1x16xi32> to vector<16xi32>
    %swap3A_709 = vector.shape_cast %get3A_703 : vector<16xi32> to vector<1x16xi32>
    tpu.vector_store %arg9[%swap3A_705, %swap3A_706], %swap3A_709 {strides = array<i32>} : memref<4x80xi32, #tpu.memory_space<vmem>>, vector<1x16xi32>,
    %get3A_710 = arith.constant 1 : i32
    %get3A_711 = arith.index_cast %get3A_710 : i32 to index
    %get3A_712 = arith.constant 64 : index
    %get3A_713 = tpu.vector_load %arg7[%get3A_711, %get3A_712] {strides = array<i32>} : memref<2x80xi32, #tpu.memory_space<vmem>>, vector<1x16xi32>,
    %get3A_714 = vector.shape_cast %get3A_713 : vector<1x16xi32> to vector<16xi32>
    %swap3A_715 = arith.constant 3 : i32
    %swap3A_716 = arith.index_cast %swap3A_715 : i32 to index
    %swap3A_717 = arith.constant 64 : index
    %swap3A_718 = tpu.vector_load %arg9[%swap3A_716, %swap3A_717] {strides = array<i32>} : memref<4x80xi32, #tpu.memory_space<vmem>>, vector<1x16xi32>,
    %swap3A_719 = vector.shape_cast %swap3A_718 : vector<1x16xi32> to vector<16xi32>
    %swap3A_720 = vector.shape_cast %get3A_714 : vector<16xi32> to vector<1x16xi32>
    tpu.vector_store %arg9[%swap3A_716, %swap3A_717], %swap3A_720 {strides = array<i32>} : memref<4x80xi32, #tpu.memory_space<vmem>>, vector<1x16xi32>,
    %add3A_721 = arith.constant 80 : i32
    %add3A_722 = arith.addi %mul3A_0, %add3A_721 : i32
    %dma_start3A_723 = arith.constant 3 : i32
    %dma_start3A_724 = arith.constant 0 : i32
    %dma_start3A_725 = arith.constant 0 : i32
    %dma_start3A_726 = tpu.memref_slice %arg10[%dma_start3A_723, %dma_start3A_724, %dma_start3A_725] : memref<4x80x128xf32, #tpu.memory_space<vmem>> -> memref<1x80x128xf32, #tpu.memory_space<vmem>>
    %dma_start3A_727 = tpu.memref_squeeze %dma_start3A_726 : memref<1x80x128xf32, #tpu.memory_space<vmem>> -> memref<80x128xf32, #tpu.memory_space<vmem>>
    %dma_start3A_728 = tpu.memref_slice %arg3[%add3A_722, %multiple_of3A] : memref<160000x256xf32, #tpu.memory_space<hbm>> -> memref<80x128xf32, #tpu.memory_space<hbm>>
    %dma_start3A_729 = arith.constant 0 : i32
    %dma_start3A_730 = arith.constant 0 : i32
    %dma_start3A_731 = tpu.memref_slice %arg10[%dma_start3A_723, %dma_start3A_729, %dma_start3A_730] : memref<4x80x128xf32, #tpu.memory_space<vmem>> -> memref<1x80x128xf32, #tpu.memory_space<vmem>>
    %dma_start3A_732 = tpu.memref_squeeze %dma_start3A_731 : memref<1x80x128xf32, #tpu.memory_space<vmem>> -> memref<80x128xf32, #tpu.memory_space<vmem>>
    %dma_start3A_733 = tpu.memref_slice %arg3[%add3A_722, %multiple_of3A] : memref<160000x256xf32, #tpu.memory_space<hbm>> -> memref<80x128xf32, #tpu.memory_space<hbm>>
    tpu.enqueue_dma source(%dma_start3A_733 : memref<80x128xf32, #tpu.memory_space<hbm>>) target(%dma_start3A_732 : memref<80x128xf32, #tpu.memory_space<vmem>>) target_semaphore(%arg16 : memref<!tpu.dma_semaphore, #tpu.memory_space<semaphore_mem>>)
    %add3A_734 = arith.constant 240 : i32
    %add3A_735 = arith.addi %mul3A_0, %add3A_734 : i32
    %dma_start3A_736 = arith.constant 1 : i32
    %dma_start3A_737 = arith.constant 0 : i32
    %dma_start3A_738 = tpu.memref_slice %arg6[%dma_start3A_736, %dma_start3A_737] : memref<2x80xi32, #tpu.memory_space<vmem>> -> memref<1x80xi32, #tpu.memory_space<vmem>>
    %dma_start3A_739 = tpu.memref_squeeze %dma_start3A_738 : memref<1x80xi32, #tpu.memory_space<vmem>> -> memref<80xi32, #tpu.memory_space<vmem>>
    %dma_start3A_740 = tpu.memref_slice %arg4[%add3A_735] : memref<320000xi32, #tpu.memory_space<hbm>> -> memref<80xi32, #tpu.memory_space<hbm>>
    %dma_start3A_741 = arith.constant 0 : i32
    %dma_start3A_742 = tpu.memref_slice %arg6[%dma_start3A_736, %dma_start3A_741] : memref<2x80xi32, #tpu.memory_space<vmem>> -> memref<1x80xi32, #tpu.memory_space<vmem>>
    %dma_start3A_743 = tpu.memref_squeeze %dma_start3A_742 : memref<1x80xi32, #tpu.memory_space<vmem>> -> memref<80xi32, #tpu.memory_space<vmem>>
    %dma_start3A_744 = tpu.memref_slice %arg4[%add3A_735] : memref<320000xi32, #tpu.memory_space<hbm>> -> memref<80xi32, #tpu.memory_space<hbm>>
    tpu.enqueue_dma source(%dma_start3A_744 : memref<80xi32, #tpu.memory_space<hbm>>) target(%dma_start3A_743 : memref<80xi32, #tpu.memory_space<vmem>>) target_semaphore(%arg22 : memref<!tpu.dma_semaphore, #tpu.memory_space<semaphore_mem>>)
    %add3A_745 = arith.constant 160000 : i32
    %add3A_746 = arith.addi %add3A_745, %mul3A_0 : i32
    %add3A_747 = arith.constant 240 : i32
    %add3A_748 = arith.addi %add3A_746, %add3A_747 : i32
    %dma_start3A_749 = arith.constant 1 : i32
    %dma_start3A_750 = arith.constant 0 : i32
    %dma_start3A_751 = tpu.memref_slice %arg7[%dma_start3A_749, %dma_start3A_750] : memref<2x80xi32, #tpu.memory_space<vmem>> -> memref<1x80xi32, #tpu.memory_space<vmem>>
    %dma_start3A_752 = tpu.memref_squeeze %dma_start3A_751 : memref<1x80xi32, #tpu.memory_space<vmem>> -> memref<80xi32, #tpu.memory_space<vmem>>
    %dma_start3A_753 = tpu.memref_slice %arg4[%add3A_748] : memref<320000xi32, #tpu.memory_space<hbm>> -> memref<80xi32, #tpu.memory_space<hbm>>
    %dma_start3A_754 = arith.constant 0 : i32
    %dma_start3A_755 = tpu.memref_slice %arg7[%dma_start3A_749, %dma_start3A_754] : memref<2x80xi32, #tpu.memory_space<vmem>> -> memref<1x80xi32, #tpu.memory_space<vmem>>
    %dma_start3A_756 = tpu.memref_squeeze %dma_start3A_755 : memref<1x80xi32, #tpu.memory_space<vmem>> -> memref<80xi32, #tpu.memory_space<vmem>>
    %dma_start3A_757 = tpu.memref_slice %arg4[%add3A_748] : memref<320000xi32, #tpu.memory_space<hbm>> -> memref<80xi32, #tpu.memory_space<hbm>>
    tpu.enqueue_dma source(%dma_start3A_757 : memref<80xi32, #tpu.memory_space<hbm>>) target(%dma_start3A_756 : memref<80xi32, #tpu.memory_space<vmem>>) target_semaphore(%arg22 : memref<!tpu.dma_semaphore, #tpu.memory_space<semaphore_mem>>)
    %barrier3A = arith.constant 0 : index
    tpu.barrier barrier_id(%barrier3A)
    %dma_wait3A_758 = arith.constant 0 : i32
    %dma_wait3A_759 = arith.constant 0 : i32
    %dma_wait3A_760 = arith.constant 0 : i32
    %dma_wait3A_761 = arith.constant 0 : i32
    %dma_wait3A_762 = tpu.memref_slice %arg10[%dma_wait3A_759, %dma_wait3A_760, %dma_wait3A_761] : memref<4x80x128xf32, #tpu.memory_space<vmem>> -> memref<1x80x128xf32, #tpu.memory_space<vmem>>
    %dma_wait3A_763 = tpu.memref_squeeze %dma_wait3A_762 : memref<1x80x128xf32, #tpu.memory_space<vmem>> -> memref<80x128xf32, #tpu.memory_space<vmem>>
    %dma_wait3A_764 = arith.constant 0 : i32
    %dma_wait3A_765 = tpu.memref_slice %arg8[%dma_wait3A_758, %dma_wait3A_764] : memref<4x80xi32, #tpu.memory_space<vmem>> -> memref<1x80xi32, #tpu.memory_space<vmem>>
    %dma_wait3A_766 = tpu.memref_squeeze %dma_wait3A_765 : memref<1x80xi32, #tpu.memory_space<vmem>> -> memref<80xi32, #tpu.memory_space<vmem>>
    %dma_wait3A_767 = arith.constant 0 : i32
    %dma_wait3A_768 = tpu.memref_slice %arg2[%dma_wait3A_767, %multiple_of3A] : memref<10000x256xf32, #tpu.memory_space<hbm>> -> memref<10000x128xf32, #tpu.memory_space<hbm>>
    tpu.wait_indirect_dma semaphore(%arg13 : memref<!tpu.dma_semaphore, #tpu.memory_space<semaphore_mem>>) src(%dma_wait3A_768 : memref<10000x128xf32, #tpu.memory_space<hbm>>) dst(%dma_wait3A_763 : memref<80x128xf32, #tpu.memory_space<vmem>>)
    %dma_start3A_769 = arith.constant 0 : i32
    %dma_start3A_770 = arith.constant 0 : i32
    %dma_start3A_771 = arith.constant 0 : i32
    %dma_start3A_772 = arith.constant 0 : i32
    %dma_start3A_773 = tpu.memref_slice %arg10[%dma_start3A_769, %dma_start3A_771, %dma_start3A_772] : memref<4x80x128xf32, #tpu.memory_space<vmem>> -> memref<1x80x128xf32, #tpu.memory_space<vmem>>
    %dma_start3A_774 = tpu.memref_squeeze %dma_start3A_773 : memref<1x80x128xf32, #tpu.memory_space<vmem>> -> memref<80x128xf32, #tpu.memory_space<vmem>>
    %dma_start3A_775 = arith.constant 0 : i32
    %dma_start3A_776 = tpu.memref_slice %arg9[%dma_start3A_770, %dma_start3A_775] : memref<4x80xi32, #tpu.memory_space<vmem>> -> memref<1x80xi32, #tpu.memory_space<vmem>>
    %dma_start3A_777 = tpu.memref_squeeze %dma_start3A_776 : memref<1x80xi32, #tpu.memory_space<vmem>> -> memref<80xi32, #tpu.memory_space<vmem>>
    %dma_start3A_778 = arith.constant 0 : i32
    %dma_start3A_779 = arith.constant 0 : i32
    %dma_start3A_780 = tpu.memref_slice %arg11[%dma_start3A_778, %dma_start3A_779] : memref<10112x128xf32, #tpu.memory_space<vmem_shared>> -> memref<10112x128xf32, #tpu.memory_space<vmem_shared>>
    tpu.enqueue_indirect_dma source(%dma_start3A_774 : memref<80x128xf32, #tpu.memory_space<vmem>>) target(%dma_start3A_780 : memref<10112x128xf32, #tpu.memory_space<vmem_shared>>) offsets(%dma_start3A_777 : memref<80xi32, #tpu.memory_space<vmem>>) semaphore(%arg17 : memref<!tpu.dma_semaphore, #tpu.memory_space<semaphore_mem>>) {add = true}
    %dma_wait3A_781 = arith.constant 1 : i32
    %dma_wait3A_782 = arith.constant 0 : i32
    %dma_wait3A_783 = arith.constant 0 : i32
    %dma_wait3A_784 = tpu.memref_slice %arg10[%dma_wait3A_781, %dma_wait3A_782, %dma_wait3A_783] : memref<4x80x128xf32, #tpu.memory_space<vmem>> -> memref<1x80x128xf32, #tpu.memory_space<vmem>>
    %dma_wait3A_785 = tpu.memref_squeeze %dma_wait3A_784 : memref<1x80x128xf32, #tpu.memory_space<vmem>> -> memref<80x128xf32, #tpu.memory_space<vmem>>
    %dma_wait3A_786 = tpu.memref_slice %arg3[%mul3A_0, %multiple_of3A] : memref<160000x256xf32, #tpu.memory_space<hbm>> -> memref<80x128xf32, #tpu.memory_space<hbm>>
    %dma_wait3A_787 = arith.constant 0 : i32
    %dma_wait3A_788 = arith.constant 0 : i32
    %dma_wait3A_789 = tpu.memref_slice %arg10[%dma_wait3A_781, %dma_wait3A_787, %dma_wait3A_788] : memref<4x80x128xf32, #tpu.memory_space<vmem>> -> memref<1x80x128xf32, #tpu.memory_space<vmem>>
    %dma_wait3A_790 = tpu.memref_squeeze %dma_wait3A_789 : memref<1x80x128xf32, #tpu.memory_space<vmem>> -> memref<80x128xf32, #tpu.memory_space<vmem>>
    %dma_wait3A_791 = tpu.memref_slice %arg3[%mul3A_0, %multiple_of3A] : memref<160000x256xf32, #tpu.memory_space<hbm>> -> memref<80x128xf32, #tpu.memory_space<hbm>>
    tpu.wait_dma2 semaphore(%arg14 : memref<!tpu.dma_semaphore, #tpu.memory_space<semaphore_mem>>) src(%dma_wait3A_791 : memref<80x128xf32, #tpu.memory_space<hbm>>) dst(%dma_wait3A_790 : memref<80x128xf32, #tpu.memory_space<vmem>>)
    %dma_start3A_792 = arith.constant 1 : i32
    %dma_start3A_793 = arith.constant 1 : i32
    %dma_start3A_794 = arith.constant 0 : i32
    %dma_start3A_795 = arith.constant 0 : i32
    %dma_start3A_796 = tpu.memref_slice %arg10[%dma_start3A_792, %dma_start3A_794, %dma_start3A_795] : memref<4x80x128xf32, #tpu.memory_space<vmem>> -> memref<1x80x128xf32, #tpu.memory_space<vmem>>
    %dma_start3A_797 = tpu.memref_squeeze %dma_start3A_796 : memref<1x80x128xf32, #tpu.memory_space<vmem>> -> memref<80x128xf32, #tpu.memory_space<vmem>>
    %dma_start3A_798 = arith.constant 0 : i32
    %dma_start3A_799 = tpu.memref_slice %arg9[%dma_start3A_793, %dma_start3A_798] : memref<4x80xi32, #tpu.memory_space<vmem>> -> memref<1x80xi32, #tpu.memory_space<vmem>>
    %dma_start3A_800 = tpu.memref_squeeze %dma_start3A_799 : memref<1x80xi32, #tpu.memory_space<vmem>> -> memref<80xi32, #tpu.memory_space<vmem>>
    %dma_start3A_801 = arith.constant 0 : i32
    %dma_start3A_802 = arith.constant 0 : i32
    %dma_start3A_803 = tpu.memref_slice %arg11[%dma_start3A_801, %dma_start3A_802] : memref<10112x128xf32, #tpu.memory_space<vmem_shared>> -> memref<10112x128xf32, #tpu.memory_space<vmem_shared>>
    tpu.enqueue_indirect_dma source(%dma_start3A_797 : memref<80x128xf32, #tpu.memory_space<vmem>>) target(%dma_start3A_803 : memref<10112x128xf32, #tpu.memory_space<vmem_shared>>) offsets(%dma_start3A_800 : memref<80xi32, #tpu.memory_space<vmem>>) semaphore(%arg18 : memref<!tpu.dma_semaphore, #tpu.memory_space<semaphore_mem>>) {add = true}
    %dma_wait3A_804 = arith.constant 2 : i32
    %dma_wait3A_805 = arith.constant 2 : i32
    %dma_wait3A_806 = arith.constant 0 : i32
    %dma_wait3A_807 = arith.constant 0 : i32
    %dma_wait3A_808 = tpu.memref_slice %arg10[%dma_wait3A_805, %dma_wait3A_806, %dma_wait3A_807] : memref<4x80x128xf32, #tpu.memory_space<vmem>> -> memref<1x80x128xf32, #tpu.memory_space<vmem>>
    %dma_wait3A_809 = tpu.memref_squeeze %dma_wait3A_808 : memref<1x80x128xf32, #tpu.memory_space<vmem>> -> memref<80x128xf32, #tpu.memory_space<vmem>>
    %dma_wait3A_810 = arith.constant 0 : i32
    %dma_wait3A_811 = tpu.memref_slice %arg8[%dma_wait3A_804, %dma_wait3A_810] : memref<4x80xi32, #tpu.memory_space<vmem>> -> memref<1x80xi32, #tpu.memory_space<vmem>>
    %dma_wait3A_812 = tpu.memref_squeeze %dma_wait3A_811 : memref<1x80xi32, #tpu.memory_space<vmem>> -> memref<80xi32, #tpu.memory_space<vmem>>
    %dma_wait3A_813 = arith.constant 0 : i32
    %dma_wait3A_814 = tpu.memref_slice %arg2[%dma_wait3A_813, %multiple_of3A] : memref<10000x256xf32, #tpu.memory_space<hbm>> -> memref<10000x128xf32, #tpu.memory_space<hbm>>
    tpu.wait_indirect_dma semaphore(%arg15 : memref<!tpu.dma_semaphore, #tpu.memory_space<semaphore_mem>>) src(%dma_wait3A_814 : memref<10000x128xf32, #tpu.memory_space<hbm>>) dst(%dma_wait3A_809 : memref<80x128xf32, #tpu.memory_space<vmem>>)
    %dma_start3A_815 = arith.constant 2 : i32
    %dma_start3A_816 = arith.constant 2 : i32
    %dma_start3A_817 = arith.constant 0 : i32
    %dma_start3A_818 = arith.constant 0 : i32
    %dma_start3A_819 = tpu.memref_slice %arg10[%dma_start3A_815, %dma_start3A_817, %dma_start3A_818] : memref<4x80x128xf32, #tpu.memory_space<vmem>> -> memref<1x80x128xf32, #tpu.memory_space<vmem>>
    %dma_start3A_820 = tpu.memref_squeeze %dma_start3A_819 : memref<1x80x128xf32, #tpu.memory_space<vmem>> -> memref<80x128xf32, #tpu.memory_space<vmem>>
    %dma_start3A_821 = arith.constant 0 : i32
    %dma_start3A_822 = tpu.memref_slice %arg9[%dma_start3A_816, %dma_start3A_821] : memref<4x80xi32, #tpu.memory_space<vmem>> -> memref<1x80xi32, #tpu.memory_space<vmem>>
    %dma_start3A_823 = tpu.memref_squeeze %dma_start3A_822 : memref<1x80xi32, #tpu.memory_space<vmem>> -> memref<80xi32, #tpu.memory_space<vmem>>
    %dma_start3A_824 = arith.constant 0 : i32
    %dma_start3A_825 = arith.constant 0 : i32
    %dma_start3A_826 = tpu.memref_slice %arg11[%dma_start3A_824, %dma_start3A_825] : memref<10112x128xf32, #tpu.memory_space<vmem_shared>> -> memref<10112x128xf32, #tpu.memory_space<vmem_shared>>
    tpu.enqueue_indirect_dma source(%dma_start3A_820 : memref<80x128xf32, #tpu.memory_space<vmem>>) target(%dma_start3A_826 : memref<10112x128xf32, #tpu.memory_space<vmem_shared>>) offsets(%dma_start3A_823 : memref<80xi32, #tpu.memory_space<vmem>>) semaphore(%arg19 : memref<!tpu.dma_semaphore, #tpu.memory_space<semaphore_mem>>) {add = true}
    %scan3A_827 = arith.constant 0 : i32
    %scan3A_828 = arith.constant 61 : i32
    %scan3A_829 = arith.addi %scan3A_827, %scan3A_828 : i32
    %scan3A_830 = arith.constant 1 : i32
    scf.for %scan3A_1189 = %scan3A_827 to %scan3A_829 step %scan3A_830  : i32 {
      %mul3A_1190 = arith.constant 4 : i32
      %mul3A_1191 = arith.muli %scan3A_1189, %mul3A_1190 : i32
      %add3A_1192 = arith.constant 4 : i32
      %add3A_1193 = arith.addi %add3A_1192, %mul3A_1191 : i32
      %jit3A = arith.constant 2 : i32
      %div3A = arith.divsi %add3A_1193, %jit3A : i32
      %sign3A = arith.constant 0 : i32
      %sign3A_1194 = arith.cmpi sgt, %add3A_1193, %sign3A : i32
      %sign3A_1195 = arith.extui %sign3A_1194 : i1 to i32
      %sign3A_1196 = arith.constant 0 : i32
      %sign3A_1197 = arith.cmpi slt, %add3A_1193, %sign3A_1196 : i32
      %sign3A_1198 = arith.extui %sign3A_1197 : i1 to i32
      %sign3A_1199 = arith.subi %sign3A_1195, %sign3A_1198 : i32
      %sign3A_1200 = arith.constant 0 : i32
      %sign3A_1201 = arith.cmpi sgt, %jit3A, %sign3A_1200 : i32
      %sign3A_1202 = arith.extui %sign3A_1201 : i1 to i32
      %sign3A_1203 = arith.constant 0 : i32
      %sign3A_1204 = arith.cmpi slt, %jit3A, %sign3A_1203 : i32
      %sign3A_1205 = arith.extui %sign3A_1204 : i1 to i32
      %sign3A_1206 = arith.subi %sign3A_1202, %sign3A_1205 : i32
      %ne3A = arith.cmpi ne, %sign3A_1199, %sign3A_1206 : i32
      %rem3A = arith.remsi %add3A_1193, %jit3A : i32
      %ne3A_1207 = arith.constant 0 : i32
      %ne3A_1208 = arith.cmpi ne, %rem3A, %ne3A_1207 : i32
      %and3A = arith.andi %ne3A, %ne3A_1208 : i1
      %sub3A = arith.constant 1 : i32
      %sub3A_1209 = arith.subi %div3A, %sub3A : i32
      %select_n3A = arith.select %and3A, %sub3A_1209, %div3A : i32
      %add3A_1210 = arith.constant 0 : i32
      %add3A_1211 = arith.addi %select_n3A, %add3A_1210 : i32
      %dma_wait3A_1212 = arith.constant 0 : i32
      %dma_wait3A_1213 = arith.constant 0 : i32
      %dma_wait3A_1214 = arith.constant 0 : i32
      %dma_wait3A_1215 = arith.constant 0 : i32
      %dma_wait3A_1216 = tpu.memref_slice %arg10[%dma_wait3A_1212, %dma_wait3A_1214, %dma_wait3A_1215] : memref<4x80x128xf32, #tpu.memory_space<vmem>> -> memref<1x80x128xf32, #tpu.memory_space<vmem>>
      %dma_wait3A_1217 = tpu.memref_squeeze %dma_wait3A_1216 : memref<1x80x128xf32, #tpu.memory_space<vmem>> -> memref<80x128xf32, #tpu.memory_space<vmem>>
      %dma_wait3A_1218 = arith.constant 0 : i32
      %dma_wait3A_1219 = tpu.memref_slice %arg9[%dma_wait3A_1213, %dma_wait3A_1218] : memref<4x80xi32, #tpu.memory_space<vmem>> -> memref<1x80xi32, #tpu.memory_space<vmem>>
      %dma_wait3A_1220 = tpu.memref_squeeze %dma_wait3A_1219 : memref<1x80xi32, #tpu.memory_space<vmem>> -> memref<80xi32, #tpu.memory_space<vmem>>
      %dma_wait3A_1221 = arith.constant 0 : i32
      %dma_wait3A_1222 = arith.constant 0 : i32
      %dma_wait3A_1223 = tpu.memref_slice %arg11[%dma_wait3A_1221, %dma_wait3A_1222] : memref<10112x128xf32, #tpu.memory_space<vmem_shared>> -> memref<10112x128xf32, #tpu.memory_space<vmem_shared>>
      tpu.wait_indirect_dma semaphore(%arg17 : memref<!tpu.dma_semaphore, #tpu.memory_space<semaphore_mem>>) src(%dma_wait3A_1217 : memref<80x128xf32, #tpu.memory_space<vmem>>) dst(%dma_wait3A_1223 : memref<10112x128xf32, #tpu.memory_space<vmem_shared>>)
      %dma_wait3A_1224 = arith.constant 0 : i32
      %dma_wait3A_1225 = arith.constant 0 : i32
      %dma_wait3A_1226 = tpu.memref_slice %arg6[%dma_wait3A_1224, %dma_wait3A_1225] : memref<2x80xi32, #tpu.memory_space<vmem>> -> memref<1x80xi32, #tpu.memory_space<vmem>>
      %dma_wait3A_1227 = tpu.memref_squeeze %dma_wait3A_1226 : memref<1x80xi32, #tpu.memory_space<vmem>> -> memref<80xi32, #tpu.memory_space<vmem>>
      %dma_wait3A_1228 = tpu.memref_slice %arg4[%mul3A_0] : memref<320000xi32, #tpu.memory_space<hbm>> -> memref<80xi32, #tpu.memory_space<hbm>>
      %dma_wait3A_1229 = arith.constant 0 : i32
      %dma_wait3A_1230 = tpu.memref_slice %arg6[%dma_wait3A_1224, %dma_wait3A_1229] : memref<2x80xi32, #tpu.memory_space<vmem>> -> memref<1x80xi32, #tpu.memory_space<vmem>>
      %dma_wait3A_1231 = tpu.memref_squeeze %dma_wait3A_1230 : memref<1x80xi32, #tpu.memory_space<vmem>> -> memref<80xi32, #tpu.memory_space<vmem>>
      %dma_wait3A_1232 = tpu.memref_slice %arg4[%mul3A_0] : memref<320000xi32, #tpu.memory_space<hbm>> -> memref<80xi32, #tpu.memory_space<hbm>>
      tpu.wait_dma2 semaphore(%arg21 : memref<!tpu.dma_semaphore, #tpu.memory_space<semaphore_mem>>) src(%dma_wait3A_1232 : memref<80xi32, #tpu.memory_space<hbm>>) dst(%dma_wait3A_1231 : memref<80xi32, #tpu.memory_space<vmem>>)
      %add3A_1233 = arith.constant 160000 : i32
      %add3A_1234 = arith.addi %add3A_1233, %mul3A_0 : i32
      %dma_wait3A_1235 = arith.constant 0 : i32
      %dma_wait3A_1236 = arith.constant 0 : i32
      %dma_wait3A_1237 = tpu.memref_slice %arg7[%dma_wait3A_1235, %dma_wait3A_1236] : memref<2x80xi32, #tpu.memory_space<vmem>> -> memref<1x80xi32, #tpu.memory_space<vmem>>
      %dma_wait3A_1238 = tpu.memref_squeeze %dma_wait3A_1237 : memref<1x80xi32, #tpu.memory_space<vmem>> -> memref<80xi32, #tpu.memory_space<vmem>>
      %dma_wait3A_1239 = tpu.memref_slice %arg4[%add3A_1234] : memref<320000xi32, #tpu.memory_space<hbm>> -> memref<80xi32, #tpu.memory_space<hbm>>
      %dma_wait3A_1240 = arith.constant 0 : i32
      %dma_wait3A_1241 = tpu.memref_slice %arg7[%dma_wait3A_1235, %dma_wait3A_1240] : memref<2x80xi32, #tpu.memory_space<vmem>> -> memref<1x80xi32, #tpu.memory_space<vmem>>
      %dma_wait3A_1242 = tpu.memref_squeeze %dma_wait3A_1241 : memref<1x80xi32, #tpu.memory_space<vmem>> -> memref<80xi32, #tpu.memory_space<vmem>>
      %dma_wait3A_1243 = tpu.memref_slice %arg4[%add3A_1234] : memref<320000xi32, #tpu.memory_space<hbm>> -> memref<80xi32, #tpu.memory_space<hbm>>
      tpu.wait_dma2 semaphore(%arg21 : memref<!tpu.dma_semaphore, #tpu.memory_space<semaphore_mem>>) src(%dma_wait3A_1243 : memref<80xi32, #tpu.memory_space<hbm>>) dst(%dma_wait3A_1242 : memref<80xi32, #tpu.memory_space<vmem>>)
      %get3A_1244 = arith.constant 0 : i32
      %get3A_1245 = arith.index_cast %get3A_1244 : i32 to index
      %get3A_1246 = arith.constant 0 : index
      %get3A_1247 = tpu.vector_load %arg7[%get3A_1245, %get3A_1246] {strides = array<i32>} : memref<2x80xi32, #tpu.memory_space<vmem>>, vector<1x16xi32>,
      %get3A_1248 = vector.shape_cast %get3A_1247 : vector<1x16xi32> to vector<16xi32>
      %swap3A_1249 = arith.constant 0 : i32
      %swap3A_1250 = arith.index_cast %swap3A_1249 : i32 to index
      %swap3A_1251 = arith.constant 0 : index
      %swap3A_1252 = tpu.vector_load %arg9[%swap3A_1250, %swap3A_1251] {strides = array<i32>} : memref<4x80xi32, #tpu.memory_space<vmem>>, vector<1x16xi32>,
      %swap3A_1253 = vector.shape_cast %swap3A_1252 : vector<1x16xi32> to vector<16xi32>
      %swap3A_1254 = vector.shape_cast %get3A_1248 : vector<16xi32> to vector<1x16xi32>
      tpu.vector_store %arg9[%swap3A_1250, %swap3A_1251], %swap3A_1254 {strides = array<i32>} : memref<4x80xi32, #tpu.memory_space<vmem>>, vector<1x16xi32>,
      %get3A_1255 = arith.constant 0 : i32
      %get3A_1256 = arith.index_cast %get3A_1255 : i32 to index
      %get3A_1257 = arith.constant 0 : index
      %get3A_1258 = tpu.vector_load %arg6[%get3A_1256, %get3A_1257] {strides = array<i32>} : memref<2x80xi32, #tpu.memory_space<vmem>>, vector<1x16xi32>,
      %get3A_1259 = vector.shape_cast %get3A_1258 : vector<1x16xi32> to vector<16xi32>
      %swap3A_1260 = arith.constant 0 : i32
      %swap3A_1261 = arith.index_cast %swap3A_1260 : i32 to index
      %swap3A_1262 = arith.constant 0 : index
      %swap3A_1263 = tpu.vector_load %arg8[%swap3A_1261, %swap3A_1262] {strides = array<i32>} : memref<4x80xi32, #tpu.memory_space<vmem>>, vector<1x16xi32>,
      %swap3A_1264 = vector.shape_cast %swap3A_1263 : vector<1x16xi32> to vector<16xi32>
      %swap3A_1265 = vector.shape_cast %get3A_1259 : vector<16xi32> to vector<1x16xi32>
      tpu.vector_store %arg8[%swap3A_1261, %swap3A_1262], %swap3A_1265 {strides = array<i32>} : memref<4x80xi32, #tpu.memory_space<vmem>>, vector<1x16xi32>,
      %get3A_1266 = arith.constant 0 : i32
      %get3A_1267 = arith.index_cast %get3A_1266 : i32 to index
      %get3A_1268 = arith.constant 16 : index
      %get3A_1269 = tpu.vector_load %arg7[%get3A_1267, %get3A_1268] {strides = array<i32>} : memref<2x80xi32, #tpu.memory_space<vmem>>, vector<1x16xi32>,
      %get3A_1270 = vector.shape_cast %get3A_1269 : vector<1x16xi32> to vector<16xi32>
      %swap3A_1271 = arith.constant 0 : i32
      %swap3A_1272 = arith.index_cast %swap3A_1271 : i32 to index
      %swap3A_1273 = arith.constant 16 : index
      %swap3A_1274 = tpu.vector_load %arg9[%swap3A_1272, %swap3A_1273] {strides = array<i32>} : memref<4x80xi32, #tpu.memory_space<vmem>>, vector<1x16xi32>,
      %swap3A_1275 = vector.shape_cast %swap3A_1274 : vector<1x16xi32> to vector<16xi32>
      %swap3A_1276 = vector.shape_cast %get3A_1270 : vector<16xi32> to vector<1x16xi32>
      tpu.vector_store %arg9[%swap3A_1272, %swap3A_1273], %swap3A_1276 {strides = array<i32>} : memref<4x80xi32, #tpu.memory_space<vmem>>, vector<1x16xi32>,
      %get3A_1277 = arith.constant 0 : i32
      %get3A_1278 = arith.index_cast %get3A_1277 : i32 to index
      %get3A_1279 = arith.constant 16 : index
      %get3A_1280 = tpu.vector_load %arg6[%get3A_1278, %get3A_1279] {strides = array<i32>} : memref<2x80xi32, #tpu.memory_space<vmem>>, vector<1x16xi32>,
      %get3A_1281 = vector.shape_cast %get3A_1280 : vector<1x16xi32> to vector<16xi32>
      %swap3A_1282 = arith.constant 0 : i32
      %swap3A_1283 = arith.index_cast %swap3A_1282 : i32 to index
      %swap3A_1284 = arith.constant 16 : index
      %swap3A_1285 = tpu.vector_load %arg8[%swap3A_1283, %swap3A_1284] {strides = array<i32>} : memref<4x80xi32, #tpu.memory_space<vmem>>, vector<1x16xi32>,
      %swap3A_1286 = vector.shape_cast %swap3A_1285 : vector<1x16xi32> to vector<16xi32>
      %swap3A_1287 = vector.shape_cast %get3A_1281 : vector<16xi32> to vector<1x16xi32>
      tpu.vector_store %arg8[%swap3A_1283, %swap3A_1284], %swap3A_1287 {strides = array<i32>} : memref<4x80xi32, #tpu.memory_space<vmem>>, vector<1x16xi32>,
      %get3A_1288 = arith.constant 0 : i32
      %get3A_1289 = arith.index_cast %get3A_1288 : i32 to index
      %get3A_1290 = arith.constant 32 : index
      %get3A_1291 = tpu.vector_load %arg7[%get3A_1289, %get3A_1290] {strides = array<i32>} : memref<2x80xi32, #tpu.memory_space<vmem>>, vector<1x16xi32>,
      %get3A_1292 = vector.shape_cast %get3A_1291 : vector<1x16xi32> to vector<16xi32>
      %swap3A_1293 = arith.constant 0 : i32
      %swap3A_1294 = arith.index_cast %swap3A_1293 : i32 to index
      %swap3A_1295 = arith.constant 32 : index
      %swap3A_1296 = tpu.vector_load %arg9[%swap3A_1294, %swap3A_1295] {strides = array<i32>} : memref<4x80xi32, #tpu.memory_space<vmem>>, vector<1x16xi32>,
      %swap3A_1297 = vector.shape_cast %swap3A_1296 : vector<1x16xi32> to vector<16xi32>
      %swap3A_1298 = vector.shape_cast %get3A_1292 : vector<16xi32> to vector<1x16xi32>
      tpu.vector_store %arg9[%swap3A_1294, %swap3A_1295], %swap3A_1298 {strides = array<i32>} : memref<4x80xi32, #tpu.memory_space<vmem>>, vector<1x16xi32>,
      %get3A_1299 = arith.constant 0 : i32
      %get3A_1300 = arith.index_cast %get3A_1299 : i32 to index
      %get3A_1301 = arith.constant 32 : index
      %get3A_1302 = tpu.vector_load %arg6[%get3A_1300, %get3A_1301] {strides = array<i32>} : memref<2x80xi32, #tpu.memory_space<vmem>>, vector<1x16xi32>,
      %get3A_1303 = vector.shape_cast %get3A_1302 : vector<1x16xi32> to vector<16xi32>
      %swap3A_1304 = arith.constant 0 : i32
      %swap3A_1305 = arith.index_cast %swap3A_1304 : i32 to index
      %swap3A_1306 = arith.constant 32 : index
      %swap3A_1307 = tpu.vector_load %arg8[%swap3A_1305, %swap3A_1306] {strides = array<i32>} : memref<4x80xi32, #tpu.memory_space<vmem>>, vector<1x16xi32>,
      %swap3A_1308 = vector.shape_cast %swap3A_1307 : vector<1x16xi32> to vector<16xi32>
      %swap3A_1309 = vector.shape_cast %get3A_1303 : vector<16xi32> to vector<1x16xi32>
      tpu.vector_store %arg8[%swap3A_1305, %swap3A_1306], %swap3A_1309 {strides = array<i32>} : memref<4x80xi32, #tpu.memory_space<vmem>>, vector<1x16xi32>,
      %get3A_1310 = arith.constant 0 : i32
      %get3A_1311 = arith.index_cast %get3A_1310 : i32 to index
      %get3A_1312 = arith.constant 48 : index
      %get3A_1313 = tpu.vector_load %arg7[%get3A_1311, %get3A_1312] {strides = array<i32>} : memref<2x80xi32, #tpu.memory_space<vmem>>, vector<1x16xi32>,
      %get3A_1314 = vector.shape_cast %get3A_1313 : vector<1x16xi32> to vector<16xi32>
      %swap3A_1315 = arith.constant 0 : i32
      %swap3A_1316 = arith.index_cast %swap3A_1315 : i32 to index
      %swap3A_1317 = arith.constant 48 : index
      %swap3A_1318 = tpu.vector_load %arg9[%swap3A_1316, %swap3A_1317] {strides = array<i32>} : memref<4x80xi32, #tpu.memory_space<vmem>>, vector<1x16xi32>,
      %swap3A_1319 = vector.shape_cast %swap3A_1318 : vector<1x16xi32> to vector<16xi32>
      %swap3A_1320 = vector.shape_cast %get3A_1314 : vector<16xi32> to vector<1x16xi32>
      tpu.vector_store %arg9[%swap3A_1316, %swap3A_1317], %swap3A_1320 {strides = array<i32>} : memref<4x80xi32, #tpu.memory_space<vmem>>, vector<1x16xi32>,
      %get3A_1321 = arith.constant 0 : i32
      %get3A_1322 = arith.index_cast %get3A_1321 : i32 to index
      %get3A_1323 = arith.constant 48 : index
      %get3A_1324 = tpu.vector_load %arg6[%get3A_1322, %get3A_1323] {strides = array<i32>} : memref<2x80xi32, #tpu.memory_space<vmem>>, vector<1x16xi32>,
      %get3A_1325 = vector.shape_cast %get3A_1324 : vector<1x16xi32> to vector<16xi32>
      %swap3A_1326 = arith.constant 0 : i32
      %swap3A_1327 = arith.index_cast %swap3A_1326 : i32 to index
      %swap3A_1328 = arith.constant 48 : index
      %swap3A_1329 = tpu.vector_load %arg8[%swap3A_1327, %swap3A_1328] {strides = array<i32>} : memref<4x80xi32, #tpu.memory_space<vmem>>, vector<1x16xi32>,
      %swap3A_1330 = vector.shape_cast %swap3A_1329 : vector<1x16xi32> to vector<16xi32>
      %swap3A_1331 = vector.shape_cast %get3A_1325 : vector<16xi32> to vector<1x16xi32>
      tpu.vector_store %arg8[%swap3A_1327, %swap3A_1328], %swap3A_1331 {strides = array<i32>} : memref<4x80xi32, #tpu.memory_space<vmem>>, vector<1x16xi32>,
      %get3A_1332 = arith.constant 0 : i32
      %get3A_1333 = arith.index_cast %get3A_1332 : i32 to index
      %get3A_1334 = arith.constant 64 : index
      %get3A_1335 = tpu.vector_load %arg7[%get3A_1333, %get3A_1334] {strides = array<i32>} : memref<2x80xi32, #tpu.memory_space<vmem>>, vector<1x16xi32>,
      %get3A_1336 = vector.shape_cast %get3A_1335 : vector<1x16xi32> to vector<16xi32>
      %swap3A_1337 = arith.constant 0 : i32
      %swap3A_1338 = arith.index_cast %swap3A_1337 : i32 to index
      %swap3A_1339 = arith.constant 64 : index
      %swap3A_1340 = tpu.vector_load %arg9[%swap3A_1338, %swap3A_1339] {strides = array<i32>} : memref<4x80xi32, #tpu.memory_space<vmem>>, vector<1x16xi32>,
      %swap3A_1341 = vector.shape_cast %swap3A_1340 : vector<1x16xi32> to vector<16xi32>
      %swap3A_1342 = vector.shape_cast %get3A_1336 : vector<16xi32> to vector<1x16xi32>
      tpu.vector_store %arg9[%swap3A_1338, %swap3A_1339], %swap3A_1342 {strides = array<i32>} : memref<4x80xi32, #tpu.memory_space<vmem>>, vector<1x16xi32>,
      %get3A_1343 = arith.constant 0 : i32
      %get3A_1344 = arith.index_cast %get3A_1343 : i32 to index
      %get3A_1345 = arith.constant 64 : index
      %get3A_1346 = tpu.vector_load %arg6[%get3A_1344, %get3A_1345] {strides = array<i32>} : memref<2x80xi32, #tpu.memory_space<vmem>>, vector<1x16xi32>,
      %get3A_1347 = vector.shape_cast %get3A_1346 : vector<1x16xi32> to vector<16xi32>
      %swap3A_1348 = arith.constant 0 : i32
      %swap3A_1349 = arith.index_cast %swap3A_1348 : i32 to index
      %swap3A_1350 = arith.constant 64 : index
      %swap3A_1351 = tpu.vector_load %arg8[%swap3A_1349, %swap3A_1350] {strides = array<i32>} : memref<4x80xi32, #tpu.memory_space<vmem>>, vector<1x16xi32>,
      %swap3A_1352 = vector.shape_cast %swap3A_1351 : vector<1x16xi32> to vector<16xi32>
      %swap3A_1353 = vector.shape_cast %get3A_1347 : vector<16xi32> to vector<1x16xi32>
      tpu.vector_store %arg8[%swap3A_1349, %swap3A_1350], %swap3A_1353 {strides = array<i32>} : memref<4x80xi32, #tpu.memory_space<vmem>>, vector<1x16xi32>,
      %dma_start3A_1354 = arith.constant 0 : i32
      %dma_start3A_1355 = arith.constant 0 : i32
      %dma_start3A_1356 = arith.constant 0 : i32
      %dma_start3A_1357 = arith.constant 0 : i32
      %dma_start3A_1358 = tpu.memref_slice %arg10[%dma_start3A_1355, %dma_start3A_1356, %dma_start3A_1357] : memref<4x80x128xf32, #tpu.memory_space<vmem>> -> memref<1x80x128xf32, #tpu.memory_space<vmem>>
      %dma_start3A_1359 = tpu.memref_squeeze %dma_start3A_1358 : memref<1x80x128xf32, #tpu.memory_space<vmem>> -> memref<80x128xf32, #tpu.memory_space<vmem>>
      %dma_start3A_1360 = arith.constant 0 : i32
      %dma_start3A_1361 = tpu.memref_slice %arg8[%dma_start3A_1354, %dma_start3A_1360] : memref<4x80xi32, #tpu.memory_space<vmem>> -> memref<1x80xi32, #tpu.memory_space<vmem>>
      %dma_start3A_1362 = tpu.memref_squeeze %dma_start3A_1361 : memref<1x80xi32, #tpu.memory_space<vmem>> -> memref<80xi32, #tpu.memory_space<vmem>>
      %dma_start3A_1363 = arith.constant 0 : i32
      %dma_start3A_1364 = tpu.memref_slice %arg2[%dma_start3A_1363, %multiple_of3A] : memref<10000x256xf32, #tpu.memory_space<hbm>> -> memref<10000x128xf32, #tpu.memory_space<hbm>>
      tpu.enqueue_indirect_dma source(%dma_start3A_1364 : memref<10000x128xf32, #tpu.memory_space<hbm>>) target(%dma_start3A_1359 : memref<80x128xf32, #tpu.memory_space<vmem>>) offsets(%dma_start3A_1362 : memref<80xi32, #tpu.memory_space<vmem>>) semaphore(%arg13 : memref<!tpu.dma_semaphore, #tpu.memory_space<semaphore_mem>>)
      %dma_wait3A_1365 = arith.constant 3 : i32
      %dma_wait3A_1366 = arith.constant 0 : i32
      %dma_wait3A_1367 = arith.constant 0 : i32
      %dma_wait3A_1368 = tpu.memref_slice %arg10[%dma_wait3A_1365, %dma_wait3A_1366, %dma_wait3A_1367] : memref<4x80x128xf32, #tpu.memory_space<vmem>> -> memref<1x80x128xf32, #tpu.memory_space<vmem>>
      %dma_wait3A_1369 = tpu.memref_squeeze %dma_wait3A_1368 : memref<1x80x128xf32, #tpu.memory_space<vmem>> -> memref<80x128xf32, #tpu.memory_space<vmem>>
      %dma_wait3A_1370 = tpu.memref_slice %arg3[%mul3A_0, %multiple_of3A] : memref<160000x256xf32, #tpu.memory_space<hbm>> -> memref<80x128xf32, #tpu.memory_space<hbm>>
      %dma_wait3A_1371 = arith.constant 0 : i32
      %dma_wait3A_1372 = arith.constant 0 : i32
      %dma_wait3A_1373 = tpu.memref_slice %arg10[%dma_wait3A_1365, %dma_wait3A_1371, %dma_wait3A_1372] : memref<4x80x128xf32, #tpu.memory_space<vmem>> -> memref<1x80x128xf32, #tpu.memory_space<vmem>>
      %dma_wait3A_1374 = tpu.memref_squeeze %dma_wait3A_1373 : memref<1x80x128xf32, #tpu.memory_space<vmem>> -> memref<80x128xf32, #tpu.memory_space<vmem>>
      %dma_wait3A_1375 = tpu.memref_slice %arg3[%mul3A_0, %multiple_of3A] : memref<160000x256xf32, #tpu.memory_space<hbm>> -> memref<80x128xf32, #tpu.memory_space<hbm>>
      tpu.wait_dma2 semaphore(%arg16 : memref<!tpu.dma_semaphore, #tpu.memory_space<semaphore_mem>>) src(%dma_wait3A_1375 : memref<80x128xf32, #tpu.memory_space<hbm>>) dst(%dma_wait3A_1374 : memref<80x128xf32, #tpu.memory_space<vmem>>)
      %dma_start3A_1376 = arith.constant 3 : i32
      %dma_start3A_1377 = arith.constant 3 : i32
      %dma_start3A_1378 = arith.constant 0 : i32
      %dma_start3A_1379 = arith.constant 0 : i32
      %dma_start3A_1380 = tpu.memref_slice %arg10[%dma_start3A_1376, %dma_start3A_1378, %dma_start3A_1379] : memref<4x80x128xf32, #tpu.memory_space<vmem>> -> memref<1x80x128xf32, #tpu.memory_space<vmem>>
      %dma_start3A_1381 = tpu.memref_squeeze %dma_start3A_1380 : memref<1x80x128xf32, #tpu.memory_space<vmem>> -> memref<80x128xf32, #tpu.memory_space<vmem>>
      %dma_start3A_1382 = arith.constant 0 : i32
      %dma_start3A_1383 = tpu.memref_slice %arg9[%dma_start3A_1377, %dma_start3A_1382] : memref<4x80xi32, #tpu.memory_space<vmem>> -> memref<1x80xi32, #tpu.memory_space<vmem>>
      %dma_start3A_1384 = tpu.memref_squeeze %dma_start3A_1383 : memref<1x80xi32, #tpu.memory_space<vmem>> -> memref<80xi32, #tpu.memory_space<vmem>>
      %dma_start3A_1385 = arith.constant 0 : i32
      %dma_start3A_1386 = arith.constant 0 : i32
      %dma_start3A_1387 = tpu.memref_slice %arg11[%dma_start3A_1385, %dma_start3A_1386] : memref<10112x128xf32, #tpu.memory_space<vmem_shared>> -> memref<10112x128xf32, #tpu.memory_space<vmem_shared>>
      tpu.enqueue_indirect_dma source(%dma_start3A_1381 : memref<80x128xf32, #tpu.memory_space<vmem>>) target(%dma_start3A_1387 : memref<10112x128xf32, #tpu.memory_space<vmem_shared>>) offsets(%dma_start3A_1384 : memref<80xi32, #tpu.memory_space<vmem>>) semaphore(%arg20 : memref<!tpu.dma_semaphore, #tpu.memory_space<semaphore_mem>>) {add = true}
      %add3A_1388 = arith.constant 0 : i32
      %add3A_1389 = arith.addi %select_n3A, %add3A_1388 : i32
      %dma_wait3A_1390 = arith.constant 1 : i32
      %dma_wait3A_1391 = arith.constant 1 : i32
      %dma_wait3A_1392 = arith.constant 0 : i32
      %dma_wait3A_1393 = arith.constant 0 : i32
      %dma_wait3A_1394 = tpu.memref_slice %arg10[%dma_wait3A_1390, %dma_wait3A_1392, %dma_wait3A_1393] : memref<4x80x128xf32, #tpu.memory_space<vmem>> -> memref<1x80x128xf32, #tpu.memory_space<vmem>>
      %dma_wait3A_1395 = tpu.memref_squeeze %dma_wait3A_1394 : memref<1x80x128xf32, #tpu.memory_space<vmem>> -> memref<80x128xf32, #tpu.memory_space<vmem>>
      %dma_wait3A_1396 = arith.constant 0 : i32
      %dma_wait3A_1397 = tpu.memref_slice %arg9[%dma_wait3A_1391, %dma_wait3A_1396] : memref<4x80xi32, #tpu.memory_space<vmem>> -> memref<1x80xi32, #tpu.memory_space<vmem>>
      %dma_wait3A_1398 = tpu.memref_squeeze %dma_wait3A_1397 : memref<1x80xi32, #tpu.memory_space<vmem>> -> memref<80xi32, #tpu.memory_space<vmem>>
      %dma_wait3A_1399 = arith.constant 0 : i32
      %dma_wait3A_1400 = arith.constant 0 : i32
      %dma_wait3A_1401 = tpu.memref_slice %arg11[%dma_wait3A_1399, %dma_wait3A_1400] : memref<10112x128xf32, #tpu.memory_space<vmem_shared>> -> memref<10112x128xf32, #tpu.memory_space<vmem_shared>>
      tpu.wait_indirect_dma semaphore(%arg18 : memref<!tpu.dma_semaphore, #tpu.memory_space<semaphore_mem>>) src(%dma_wait3A_1395 : memref<80x128xf32, #tpu.memory_space<vmem>>) dst(%dma_wait3A_1401 : memref<10112x128xf32, #tpu.memory_space<vmem_shared>>)
      %get3A_1402 = arith.constant 0 : i32
      %get3A_1403 = arith.index_cast %get3A_1402 : i32 to index
      %get3A_1404 = arith.constant 0 : index
      %get3A_1405 = tpu.vector_load %arg7[%get3A_1403, %get3A_1404] {strides = array<i32>} : memref<2x80xi32, #tpu.memory_space<vmem>>, vector<1x16xi32>,
      %get3A_1406 = vector.shape_cast %get3A_1405 : vector<1x16xi32> to vector<16xi32>
      %swap3A_1407 = arith.constant 1 : i32
      %swap3A_1408 = arith.index_cast %swap3A_1407 : i32 to index
      %swap3A_1409 = arith.constant 0 : index
      %swap3A_1410 = tpu.vector_load %arg9[%swap3A_1408, %swap3A_1409] {strides = array<i32>} : memref<4x80xi32, #tpu.memory_space<vmem>>, vector<1x16xi32>,
      %swap3A_1411 = vector.shape_cast %swap3A_1410 : vector<1x16xi32> to vector<16xi32>
      %swap3A_1412 = vector.shape_cast %get3A_1406 : vector<16xi32> to vector<1x16xi32>
      tpu.vector_store %arg9[%swap3A_1408, %swap3A_1409], %swap3A_1412 {strides = array<i32>} : memref<4x80xi32, #tpu.memory_space<vmem>>, vector<1x16xi32>,
      %get3A_1413 = arith.constant 0 : i32
      %get3A_1414 = arith.index_cast %get3A_1413 : i32 to index
      %get3A_1415 = arith.constant 16 : index
      %get3A_1416 = tpu.vector_load %arg7[%get3A_1414, %get3A_1415] {strides = array<i32>} : memref<2x80xi32, #tpu.memory_space<vmem>>, vector<1x16xi32>,
      %get3A_1417 = vector.shape_cast %get3A_1416 : vector<1x16xi32> to vector<16xi32>
      %swap3A_1418 = arith.constant 1 : i32
      %swap3A_1419 = arith.index_cast %swap3A_1418 : i32 to index
      %swap3A_1420 = arith.constant 16 : index
      %swap3A_1421 = tpu.vector_load %arg9[%swap3A_1419, %swap3A_1420] {strides = array<i32>} : memref<4x80xi32, #tpu.memory_space<vmem>>, vector<1x16xi32>,
      %swap3A_1422 = vector.shape_cast %swap3A_1421 : vector<1x16xi32> to vector<16xi32>
      %swap3A_1423 = vector.shape_cast %get3A_1417 : vector<16xi32> to vector<1x16xi32>
      tpu.vector_store %arg9[%swap3A_1419, %swap3A_1420], %swap3A_1423 {strides = array<i32>} : memref<4x80xi32, #tpu.memory_space<vmem>>, vector<1x16xi32>,
      %get3A_1424 = arith.constant 0 : i32
      %get3A_1425 = arith.index_cast %get3A_1424 : i32 to index
      %get3A_1426 = arith.constant 32 : index
      %get3A_1427 = tpu.vector_load %arg7[%get3A_1425, %get3A_1426] {strides = array<i32>} : memref<2x80xi32, #tpu.memory_space<vmem>>, vector<1x16xi32>,
      %get3A_1428 = vector.shape_cast %get3A_1427 : vector<1x16xi32> to vector<16xi32>
      %swap3A_1429 = arith.constant 1 : i32
      %swap3A_1430 = arith.index_cast %swap3A_1429 : i32 to index
      %swap3A_1431 = arith.constant 32 : index
      %swap3A_1432 = tpu.vector_load %arg9[%swap3A_1430, %swap3A_1431] {strides = array<i32>} : memref<4x80xi32, #tpu.memory_space<vmem>>, vector<1x16xi32>,
      %swap3A_1433 = vector.shape_cast %swap3A_1432 : vector<1x16xi32> to vector<16xi32>
      %swap3A_1434 = vector.shape_cast %get3A_1428 : vector<16xi32> to vector<1x16xi32>
      tpu.vector_store %arg9[%swap3A_1430, %swap3A_1431], %swap3A_1434 {strides = array<i32>} : memref<4x80xi32, #tpu.memory_space<vmem>>, vector<1x16xi32>,
      %get3A_1435 = arith.constant 0 : i32
      %get3A_1436 = arith.index_cast %get3A_1435 : i32 to index
      %get3A_1437 = arith.constant 48 : index
      %get3A_1438 = tpu.vector_load %arg7[%get3A_1436, %get3A_1437] {strides = array<i32>} : memref<2x80xi32, #tpu.memory_space<vmem>>, vector<1x16xi32>,
      %get3A_1439 = vector.shape_cast %get3A_1438 : vector<1x16xi32> to vector<16xi32>
      %swap3A_1440 = arith.constant 1 : i32
      %swap3A_1441 = arith.index_cast %swap3A_1440 : i32 to index
      %swap3A_1442 = arith.constant 48 : index
      %swap3A_1443 = tpu.vector_load %arg9[%swap3A_1441, %swap3A_1442] {strides = array<i32>} : memref<4x80xi32, #tpu.memory_space<vmem>>, vector<1x16xi32>,
      %swap3A_1444 = vector.shape_cast %swap3A_1443 : vector<1x16xi32> to vector<16xi32>
      %swap3A_1445 = vector.shape_cast %get3A_1439 : vector<16xi32> to vector<1x16xi32>
      tpu.vector_store %arg9[%swap3A_1441, %swap3A_1442], %swap3A_1445 {strides = array<i32>} : memref<4x80xi32, #tpu.memory_space<vmem>>, vector<1x16xi32>,
      %get3A_1446 = arith.constant 0 : i32
      %get3A_1447 = arith.index_cast %get3A_1446 : i32 to index
      %get3A_1448 = arith.constant 64 : index
      %get3A_1449 = tpu.vector_load %arg7[%get3A_1447, %get3A_1448] {strides = array<i32>} : memref<2x80xi32, #tpu.memory_space<vmem>>, vector<1x16xi32>,
      %get3A_1450 = vector.shape_cast %get3A_1449 : vector<1x16xi32> to vector<16xi32>
      %swap3A_1451 = arith.constant 1 : i32
      %swap3A_1452 = arith.index_cast %swap3A_1451 : i32 to index
      %swap3A_1453 = arith.constant 64 : index
      %swap3A_1454 = tpu.vector_load %arg9[%swap3A_1452, %swap3A_1453] {strides = array<i32>} : memref<4x80xi32, #tpu.memory_space<vmem>>, vector<1x16xi32>,
      %swap3A_1455 = vector.shape_cast %swap3A_1454 : vector<1x16xi32> to vector<16xi32>
      %swap3A_1456 = vector.shape_cast %get3A_1450 : vector<16xi32> to vector<1x16xi32>
      tpu.vector_store %arg9[%swap3A_1452, %swap3A_1453], %swap3A_1456 {strides = array<i32>} : memref<4x80xi32, #tpu.memory_space<vmem>>, vector<1x16xi32>,
      %mul3A_1457 = arith.constant 80 : i32
      %mul3A_1458 = arith.muli %add3A_1389, %mul3A_1457 : i32
      %add3A_1459 = arith.addi %mul3A_0, %mul3A_1458 : i32
      %dma_start3A_1460 = arith.constant 1 : i32
      %dma_start3A_1461 = arith.constant 0 : i32
      %dma_start3A_1462 = arith.constant 0 : i32
      %dma_start3A_1463 = tpu.memref_slice %arg10[%dma_start3A_1460, %dma_start3A_1461, %dma_start3A_1462] : memref<4x80x128xf32, #tpu.memory_space<vmem>> -> memref<1x80x128xf32, #tpu.memory_space<vmem>>
      %dma_start3A_1464 = tpu.memref_squeeze %dma_start3A_1463 : memref<1x80x128xf32, #tpu.memory_space<vmem>> -> memref<80x128xf32, #tpu.memory_space<vmem>>
      %dma_start3A_1465 = tpu.memref_slice %arg3[%add3A_1459, %multiple_of3A] : memref<160000x256xf32, #tpu.memory_space<hbm>> -> memref<80x128xf32, #tpu.memory_space<hbm>>
      %dma_start3A_1466 = arith.constant 0 : i32
      %dma_start3A_1467 = arith.constant 0 : i32
      %dma_start3A_1468 = tpu.memref_slice %arg10[%dma_start3A_1460, %dma_start3A_1466, %dma_start3A_1467] : memref<4x80x128xf32, #tpu.memory_space<vmem>> -> memref<1x80x128xf32, #tpu.memory_space<vmem>>
      %dma_start3A_1469 = tpu.memref_squeeze %dma_start3A_1468 : memref<1x80x128xf32, #tpu.memory_space<vmem>> -> memref<80x128xf32, #tpu.memory_space<vmem>>
      %dma_start3A_1470 = tpu.memref_slice %arg3[%add3A_1459, %multiple_of3A] : memref<160000x256xf32, #tpu.memory_space<hbm>> -> memref<80x128xf32, #tpu.memory_space<hbm>>
      tpu.enqueue_dma source(%dma_start3A_1470 : memref<80x128xf32, #tpu.memory_space<hbm>>) target(%dma_start3A_1469 : memref<80x128xf32, #tpu.memory_space<vmem>>) target_semaphore(%arg14 : memref<!tpu.dma_semaphore, #tpu.memory_space<semaphore_mem>>)
      %add3A_1471 = arith.constant 2 : i32
      %add3A_1472 = arith.addi %add3A_1389, %add3A_1471 : i32
      %lt3A_1473 = arith.constant 125 : i32
      %lt3A_1474 = arith.cmpi slt, %add3A_1472, %lt3A_1473 : i32
      %convert_element_type3A_1475 = arith.extui %lt3A_1474 : i1 to i32
      %cond3A_1476 = arith.constant 0 : i32
      %cond3A_1477 = arith.cmpi ne, %convert_element_type3A_1475, %cond3A_1476 : i32
      scf.if %cond3A_1477 {
        %add3A_1792 = arith.constant 2 : i32
        %add3A_1793 = arith.addi %add3A_1389, %add3A_1792 : i32
        %mul3A_1794 = arith.constant 80 : i32
        %mul3A_1795 = arith.muli %add3A_1793, %mul3A_1794 : i32
        %add3A_1796 = arith.addi %mul3A_0, %mul3A_1795 : i32
        %dma_start3A_1797 = arith.constant 0 : i32
        %dma_start3A_1798 = arith.constant 0 : i32
        %dma_start3A_1799 = tpu.memref_slice %arg6[%dma_start3A_1797, %dma_start3A_1798] : memref<2x80xi32, #tpu.memory_space<vmem>> -> memref<1x80xi32, #tpu.memory_space<vmem>>
        %dma_start3A_1800 = tpu.memref_squeeze %dma_start3A_1799 : memref<1x80xi32, #tpu.memory_space<vmem>> -> memref<80xi32, #tpu.memory_space<vmem>>
        %dma_start3A_1801 = tpu.memref_slice %arg4[%add3A_1796] : memref<320000xi32, #tpu.memory_space<hbm>> -> memref<80xi32, #tpu.memory_space<hbm>>
        %dma_start3A_1802 = arith.constant 0 : i32
        %dma_start3A_1803 = tpu.memref_slice %arg6[%dma_start3A_1797, %dma_start3A_1802] : memref<2x80xi32, #tpu.memory_space<vmem>> -> memref<1x80xi32, #tpu.memory_space<vmem>>
        %dma_start3A_1804 = tpu.memref_squeeze %dma_start3A_1803 : memref<1x80xi32, #tpu.memory_space<vmem>> -> memref<80xi32, #tpu.memory_space<vmem>>
        %dma_start3A_1805 = tpu.memref_slice %arg4[%add3A_1796] : memref<320000xi32, #tpu.memory_space<hbm>> -> memref<80xi32, #tpu.memory_space<hbm>>
        tpu.enqueue_dma source(%dma_start3A_1805 : memref<80xi32, #tpu.memory_space<hbm>>) target(%dma_start3A_1804 : memref<80xi32, #tpu.memory_space<vmem>>) target_semaphore(%arg21 : memref<!tpu.dma_semaphore, #tpu.memory_space<semaphore_mem>>)
        %add3A_1806 = arith.constant 160000 : i32
        %add3A_1807 = arith.addi %add3A_1806, %mul3A_0 : i32
        %mul3A_1808 = arith.constant 80 : i32
        %mul3A_1809 = arith.muli %add3A_1793, %mul3A_1808 : i32
        %add3A_1810 = arith.addi %add3A_1807, %mul3A_1809 : i32
        %dma_start3A_1811 = arith.constant 0 : i32
        %dma_start3A_1812 = arith.constant 0 : i32
        %dma_start3A_1813 = tpu.memref_slice %arg7[%dma_start3A_1811, %dma_start3A_1812] : memref<2x80xi32, #tpu.memory_space<vmem>> -> memref<1x80xi32, #tpu.memory_space<vmem>>
        %dma_start3A_1814 = tpu.memref_squeeze %dma_start3A_1813 : memref<1x80xi32, #tpu.memory_space<vmem>> -> memref<80xi32, #tpu.memory_space<vmem>>
        %dma_start3A_1815 = tpu.memref_slice %arg4[%add3A_1810] : memref<320000xi32, #tpu.memory_space<hbm>> -> memref<80xi32, #tpu.memory_space<hbm>>
        %dma_start3A_1816 = arith.constant 0 : i32
        %dma_start3A_1817 = tpu.memref_slice %arg7[%dma_start3A_1811, %dma_start3A_1816] : memref<2x80xi32, #tpu.memory_space<vmem>> -> memref<1x80xi32, #tpu.memory_space<vmem>>
        %dma_start3A_1818 = tpu.memref_squeeze %dma_start3A_1817 : memref<1x80xi32, #tpu.memory_space<vmem>> -> memref<80xi32, #tpu.memory_space<vmem>>
        %dma_start3A_1819 = tpu.memref_slice %arg4[%add3A_1810] : memref<320000xi32, #tpu.memory_space<hbm>> -> memref<80xi32, #tpu.memory_space<hbm>>
        tpu.enqueue_dma source(%dma_start3A_1819 : memref<80xi32, #tpu.memory_space<hbm>>) target(%dma_start3A_1818 : memref<80xi32, #tpu.memory_space<vmem>>) target_semaphore(%arg21 : memref<!tpu.dma_semaphore, #tpu.memory_space<semaphore_mem>>)
      } else {
      }
      %dma_wait3A_1478 = arith.constant 0 : i32
      %dma_wait3A_1479 = arith.constant 0 : i32
      %dma_wait3A_1480 = arith.constant 0 : i32
      %dma_wait3A_1481 = arith.constant 0 : i32
      %dma_wait3A_1482 = tpu.memref_slice %arg10[%dma_wait3A_1479, %dma_wait3A_1480, %dma_wait3A_1481] : memref<4x80x128xf32, #tpu.memory_space<vmem>> -> memref<1x80x128xf32, #tpu.memory_space<vmem>>
      %dma_wait3A_1483 = tpu.memref_squeeze %dma_wait3A_1482 : memref<1x80x128xf32, #tpu.memory_space<vmem>> -> memref<80x128xf32, #tpu.memory_space<vmem>>
      %dma_wait3A_1484 = arith.constant 0 : i32
      %dma_wait3A_1485 = tpu.memref_slice %arg8[%dma_wait3A_1478, %dma_wait3A_1484] : memref<4x80xi32, #tpu.memory_space<vmem>> -> memref<1x80xi32, #tpu.memory_space<vmem>>
      %dma_wait3A_1486 = tpu.memref_squeeze %dma_wait3A_1485 : memref<1x80xi32, #tpu.memory_space<vmem>> -> memref<80xi32, #tpu.memory_space<vmem>>
      %dma_wait3A_1487 = arith.constant 0 : i32
      %dma_wait3A_1488 = tpu.memref_slice %arg2[%dma_wait3A_1487, %multiple_of3A] : memref<10000x256xf32, #tpu.memory_space<hbm>> -> memref<10000x128xf32, #tpu.memory_space<hbm>>
      tpu.wait_indirect_dma semaphore(%arg13 : memref<!tpu.dma_semaphore, #tpu.memory_space<semaphore_mem>>) src(%dma_wait3A_1488 : memref<10000x128xf32, #tpu.memory_space<hbm>>) dst(%dma_wait3A_1483 : memref<80x128xf32, #tpu.memory_space<vmem>>)
      %dma_start3A_1489 = arith.constant 0 : i32
      %dma_start3A_1490 = arith.constant 0 : i32
      %dma_start3A_1491 = arith.constant 0 : i32
      %dma_start3A_1492 = arith.constant 0 : i32
      %dma_start3A_1493 = tpu.memref_slice %arg10[%dma_start3A_1489, %dma_start3A_1491, %dma_start3A_1492] : memref<4x80x128xf32, #tpu.memory_space<vmem>> -> memref<1x80x128xf32, #tpu.memory_space<vmem>>
      %dma_start3A_1494 = tpu.memref_squeeze %dma_start3A_1493 : memref<1x80x128xf32, #tpu.memory_space<vmem>> -> memref<80x128xf32, #tpu.memory_space<vmem>>
      %dma_start3A_1495 = arith.constant 0 : i32
      %dma_start3A_1496 = tpu.memref_slice %arg9[%dma_start3A_1490, %dma_start3A_1495] : memref<4x80xi32, #tpu.memory_space<vmem>> -> memref<1x80xi32, #tpu.memory_space<vmem>>
      %dma_start3A_1497 = tpu.memref_squeeze %dma_start3A_1496 : memref<1x80xi32, #tpu.memory_space<vmem>> -> memref<80xi32, #tpu.memory_space<vmem>>
      %dma_start3A_1498 = arith.constant 0 : i32
      %dma_start3A_1499 = arith.constant 0 : i32
      %dma_start3A_1500 = tpu.memref_slice %arg11[%dma_start3A_1498, %dma_start3A_1499] : memref<10112x128xf32, #tpu.memory_space<vmem_shared>> -> memref<10112x128xf32, #tpu.memory_space<vmem_shared>>
      tpu.enqueue_indirect_dma source(%dma_start3A_1494 : memref<80x128xf32, #tpu.memory_space<vmem>>) target(%dma_start3A_1500 : memref<10112x128xf32, #tpu.memory_space<vmem_shared>>) offsets(%dma_start3A_1497 : memref<80xi32, #tpu.memory_space<vmem>>) semaphore(%arg17 : memref<!tpu.dma_semaphore, #tpu.memory_space<semaphore_mem>>) {add = true}
      %add3A_1501 = arith.constant 1 : i32
      %add3A_1502 = arith.addi %select_n3A, %add3A_1501 : i32
      %dma_wait3A_1503 = arith.constant 2 : i32
      %dma_wait3A_1504 = arith.constant 2 : i32
      %dma_wait3A_1505 = arith.constant 0 : i32
      %dma_wait3A_1506 = arith.constant 0 : i32
      %dma_wait3A_1507 = tpu.memref_slice %arg10[%dma_wait3A_1503, %dma_wait3A_1505, %dma_wait3A_1506] : memref<4x80x128xf32, #tpu.memory_space<vmem>> -> memref<1x80x128xf32, #tpu.memory_space<vmem>>
      %dma_wait3A_1508 = tpu.memref_squeeze %dma_wait3A_1507 : memref<1x80x128xf32, #tpu.memory_space<vmem>> -> memref<80x128xf32, #tpu.memory_space<vmem>>
      %dma_wait3A_1509 = arith.constant 0 : i32
      %dma_wait3A_1510 = tpu.memref_slice %arg9[%dma_wait3A_1504, %dma_wait3A_1509] : memref<4x80xi32, #tpu.memory_space<vmem>> -> memref<1x80xi32, #tpu.memory_space<vmem>>
      %dma_wait3A_1511 = tpu.memref_squeeze %dma_wait3A_1510 : memref<1x80xi32, #tpu.memory_space<vmem>> -> memref<80xi32, #tpu.memory_space<vmem>>
      %dma_wait3A_1512 = arith.constant 0 : i32
      %dma_wait3A_1513 = arith.constant 0 : i32
      %dma_wait3A_1514 = tpu.memref_slice %arg11[%dma_wait3A_1512, %dma_wait3A_1513] : memref<10112x128xf32, #tpu.memory_space<vmem_shared>> -> memref<10112x128xf32, #tpu.memory_space<vmem_shared>>
      tpu.wait_indirect_dma semaphore(%arg19 : memref<!tpu.dma_semaphore, #tpu.memory_space<semaphore_mem>>) src(%dma_wait3A_1508 : memref<80x128xf32, #tpu.memory_space<vmem>>) dst(%dma_wait3A_1514 : memref<10112x128xf32, #tpu.memory_space<vmem_shared>>)
      %dma_wait3A_1515 = arith.constant 1 : i32
      %dma_wait3A_1516 = arith.constant 0 : i32
      %dma_wait3A_1517 = tpu.memref_slice %arg6[%dma_wait3A_1515, %dma_wait3A_1516] : memref<2x80xi32, #tpu.memory_space<vmem>> -> memref<1x80xi32, #tpu.memory_space<vmem>>
      %dma_wait3A_1518 = tpu.memref_squeeze %dma_wait3A_1517 : memref<1x80xi32, #tpu.memory_space<vmem>> -> memref<80xi32, #tpu.memory_space<vmem>>
      %dma_wait3A_1519 = tpu.memref_slice %arg4[%mul3A_0] : memref<320000xi32, #tpu.memory_space<hbm>> -> memref<80xi32, #tpu.memory_space<hbm>>
      %dma_wait3A_1520 = arith.constant 0 : i32
      %dma_wait3A_1521 = tpu.memref_slice %arg6[%dma_wait3A_1515, %dma_wait3A_1520] : memref<2x80xi32, #tpu.memory_space<vmem>> -> memref<1x80xi32, #tpu.memory_space<vmem>>
      %dma_wait3A_1522 = tpu.memref_squeeze %dma_wait3A_1521 : memref<1x80xi32, #tpu.memory_space<vmem>> -> memref<80xi32, #tpu.memory_space<vmem>>
      %dma_wait3A_1523 = tpu.memref_slice %arg4[%mul3A_0] : memref<320000xi32, #tpu.memory_space<hbm>> -> memref<80xi32, #tpu.memory_space<hbm>>
      tpu.wait_dma2 semaphore(%arg22 : memref<!tpu.dma_semaphore, #tpu.memory_space<semaphore_mem>>) src(%dma_wait3A_1523 : memref<80xi32, #tpu.memory_space<hbm>>) dst(%dma_wait3A_1522 : memref<80xi32, #tpu.memory_space<vmem>>)
      %add3A_1524 = arith.constant 160000 : i32
      %add3A_1525 = arith.addi %add3A_1524, %mul3A_0 : i32
      %dma_wait3A_1526 = arith.constant 1 : i32
      %dma_wait3A_1527 = arith.constant 0 : i32
      %dma_wait3A_1528 = tpu.memref_slice %arg7[%dma_wait3A_1526, %dma_wait3A_1527] : memref<2x80xi32, #tpu.memory_space<vmem>> -> memref<1x80xi32, #tpu.memory_space<vmem>>
      %dma_wait3A_1529 = tpu.memref_squeeze %dma_wait3A_1528 : memref<1x80xi32, #tpu.memory_space<vmem>> -> memref<80xi32, #tpu.memory_space<vmem>>
      %dma_wait3A_1530 = tpu.memref_slice %arg4[%add3A_1525] : memref<320000xi32, #tpu.memory_space<hbm>> -> memref<80xi32, #tpu.memory_space<hbm>>
      %dma_wait3A_1531 = arith.constant 0 : i32
      %dma_wait3A_1532 = tpu.memref_slice %arg7[%dma_wait3A_1526, %dma_wait3A_1531] : memref<2x80xi32, #tpu.memory_space<vmem>> -> memref<1x80xi32, #tpu.memory_space<vmem>>
      %dma_wait3A_1533 = tpu.memref_squeeze %dma_wait3A_1532 : memref<1x80xi32, #tpu.memory_space<vmem>> -> memref<80xi32, #tpu.memory_space<vmem>>
      %dma_wait3A_1534 = tpu.memref_slice %arg4[%add3A_1525] : memref<320000xi32, #tpu.memory_space<hbm>> -> memref<80xi32, #tpu.memory_space<hbm>>
      tpu.wait_dma2 semaphore(%arg22 : memref<!tpu.dma_semaphore, #tpu.memory_space<semaphore_mem>>) src(%dma_wait3A_1534 : memref<80xi32, #tpu.memory_space<hbm>>) dst(%dma_wait3A_1533 : memref<80xi32, #tpu.memory_space<vmem>>)
      %get3A_1535 = arith.constant 1 : i32
      %get3A_1536 = arith.index_cast %get3A_1535 : i32 to index
      %get3A_1537 = arith.constant 0 : index
      %get3A_1538 = tpu.vector_load %arg7[%get3A_1536, %get3A_1537] {strides = array<i32>} : memref<2x80xi32, #tpu.memory_space<vmem>>, vector<1x16xi32>,
      %get3A_1539 = vector.shape_cast %get3A_1538 : vector<1x16xi32> to vector<16xi32>
      %swap3A_1540 = arith.constant 2 : i32
      %swap3A_1541 = arith.index_cast %swap3A_1540 : i32 to index
      %swap3A_1542 = arith.constant 0 : index
      %swap3A_1543 = tpu.vector_load %arg9[%swap3A_1541, %swap3A_1542] {strides = array<i32>} : memref<4x80xi32, #tpu.memory_space<vmem>>, vector<1x16xi32>,
      %swap3A_1544 = vector.shape_cast %swap3A_1543 : vector<1x16xi32> to vector<16xi32>
      %swap3A_1545 = vector.shape_cast %get3A_1539 : vector<16xi32> to vector<1x16xi32>
      tpu.vector_store %arg9[%swap3A_1541, %swap3A_1542], %swap3A_1545 {strides = array<i32>} : memref<4x80xi32, #tpu.memory_space<vmem>>, vector<1x16xi32>,
      %get3A_1546 = arith.constant 1 : i32
      %get3A_1547 = arith.index_cast %get3A_1546 : i32 to index
      %get3A_1548 = arith.constant 0 : index
      %get3A_1549 = tpu.vector_load %arg6[%get3A_1547, %get3A_1548] {strides = array<i32>} : memref<2x80xi32, #tpu.memory_space<vmem>>, vector<1x16xi32>,
      %get3A_1550 = vector.shape_cast %get3A_1549 : vector<1x16xi32> to vector<16xi32>
      %swap3A_1551 = arith.constant 2 : i32
      %swap3A_1552 = arith.index_cast %swap3A_1551 : i32 to index
      %swap3A_1553 = arith.constant 0 : index
      %swap3A_1554 = tpu.vector_load %arg8[%swap3A_1552, %swap3A_1553] {strides = array<i32>} : memref<4x80xi32, #tpu.memory_space<vmem>>, vector<1x16xi32>,
      %swap3A_1555 = vector.shape_cast %swap3A_1554 : vector<1x16xi32> to vector<16xi32>
      %swap3A_1556 = vector.shape_cast %get3A_1550 : vector<16xi32> to vector<1x16xi32>
      tpu.vector_store %arg8[%swap3A_1552, %swap3A_1553], %swap3A_1556 {strides = array<i32>} : memref<4x80xi32, #tpu.memory_space<vmem>>, vector<1x16xi32>,
      %get3A_1557 = arith.constant 1 : i32
      %get3A_1558 = arith.index_cast %get3A_1557 : i32 to index
      %get3A_1559 = arith.constant 16 : index
      %get3A_1560 = tpu.vector_load %arg7[%get3A_1558, %get3A_1559] {strides = array<i32>} : memref<2x80xi32, #tpu.memory_space<vmem>>, vector<1x16xi32>,
      %get3A_1561 = vector.shape_cast %get3A_1560 : vector<1x16xi32> to vector<16xi32>
      %swap3A_1562 = arith.constant 2 : i32
      %swap3A_1563 = arith.index_cast %swap3A_1562 : i32 to index
      %swap3A_1564 = arith.constant 16 : index
      %swap3A_1565 = tpu.vector_load %arg9[%swap3A_1563, %swap3A_1564] {strides = array<i32>} : memref<4x80xi32, #tpu.memory_space<vmem>>, vector<1x16xi32>,
      %swap3A_1566 = vector.shape_cast %swap3A_1565 : vector<1x16xi32> to vector<16xi32>
      %swap3A_1567 = vector.shape_cast %get3A_1561 : vector<16xi32> to vector<1x16xi32>
      tpu.vector_store %arg9[%swap3A_1563, %swap3A_1564], %swap3A_1567 {strides = array<i32>} : memref<4x80xi32, #tpu.memory_space<vmem>>, vector<1x16xi32>,
      %get3A_1568 = arith.constant 1 : i32
      %get3A_1569 = arith.index_cast %get3A_1568 : i32 to index
      %get3A_1570 = arith.constant 16 : index
      %get3A_1571 = tpu.vector_load %arg6[%get3A_1569, %get3A_1570] {strides = array<i32>} : memref<2x80xi32, #tpu.memory_space<vmem>>, vector<1x16xi32>,
      %get3A_1572 = vector.shape_cast %get3A_1571 : vector<1x16xi32> to vector<16xi32>
      %swap3A_1573 = arith.constant 2 : i32
      %swap3A_1574 = arith.index_cast %swap3A_1573 : i32 to index
      %swap3A_1575 = arith.constant 16 : index
      %swap3A_1576 = tpu.vector_load %arg8[%swap3A_1574, %swap3A_1575] {strides = array<i32>} : memref<4x80xi32, #tpu.memory_space<vmem>>, vector<1x16xi32>,
      %swap3A_1577 = vector.shape_cast %swap3A_1576 : vector<1x16xi32> to vector<16xi32>
      %swap3A_1578 = vector.shape_cast %get3A_1572 : vector<16xi32> to vector<1x16xi32>
      tpu.vector_store %arg8[%swap3A_1574, %swap3A_1575], %swap3A_1578 {strides = array<i32>} : memref<4x80xi32, #tpu.memory_space<vmem>>, vector<1x16xi32>,
      %get3A_1579 = arith.constant 1 : i32
      %get3A_1580 = arith.index_cast %get3A_1579 : i32 to index
      %get3A_1581 = arith.constant 32 : index
      %get3A_1582 = tpu.vector_load %arg7[%get3A_1580, %get3A_1581] {strides = array<i32>} : memref<2x80xi32, #tpu.memory_space<vmem>>, vector<1x16xi32>,
      %get3A_1583 = vector.shape_cast %get3A_1582 : vector<1x16xi32> to vector<16xi32>
      %swap3A_1584 = arith.constant 2 : i32
      %swap3A_1585 = arith.index_cast %swap3A_1584 : i32 to index
      %swap3A_1586 = arith.constant 32 : index
      %swap3A_1587 = tpu.vector_load %arg9[%swap3A_1585, %swap3A_1586] {strides = array<i32>} : memref<4x80xi32, #tpu.memory_space<vmem>>, vector<1x16xi32>,
      %swap3A_1588 = vector.shape_cast %swap3A_1587 : vector<1x16xi32> to vector<16xi32>
      %swap3A_1589 = vector.shape_cast %get3A_1583 : vector<16xi32> to vector<1x16xi32>
      tpu.vector_store %arg9[%swap3A_1585, %swap3A_1586], %swap3A_1589 {strides = array<i32>} : memref<4x80xi32, #tpu.memory_space<vmem>>, vector<1x16xi32>,
      %get3A_1590 = arith.constant 1 : i32
      %get3A_1591 = arith.index_cast %get3A_1590 : i32 to index
      %get3A_1592 = arith.constant 32 : index
      %get3A_1593 = tpu.vector_load %arg6[%get3A_1591, %get3A_1592] {strides = array<i32>} : memref<2x80xi32, #tpu.memory_space<vmem>>, vector<1x16xi32>,
      %get3A_1594 = vector.shape_cast %get3A_1593 : vector<1x16xi32> to vector<16xi32>
      %swap3A_1595 = arith.constant 2 : i32
      %swap3A_1596 = arith.index_cast %swap3A_1595 : i32 to index
      %swap3A_1597 = arith.constant 32 : index
      %swap3A_1598 = tpu.vector_load %arg8[%swap3A_1596, %swap3A_1597] {strides = array<i32>} : memref<4x80xi32, #tpu.memory_space<vmem>>, vector<1x16xi32>,
      %swap3A_1599 = vector.shape_cast %swap3A_1598 : vector<1x16xi32> to vector<16xi32>
      %swap3A_1600 = vector.shape_cast %get3A_1594 : vector<16xi32> to vector<1x16xi32>
      tpu.vector_store %arg8[%swap3A_1596, %swap3A_1597], %swap3A_1600 {strides = array<i32>} : memref<4x80xi32, #tpu.memory_space<vmem>>, vector<1x16xi32>,
      %get3A_1601 = arith.constant 1 : i32
      %get3A_1602 = arith.index_cast %get3A_1601 : i32 to index
      %get3A_1603 = arith.constant 48 : index
      %get3A_1604 = tpu.vector_load %arg7[%get3A_1602, %get3A_1603] {strides = array<i32>} : memref<2x80xi32, #tpu.memory_space<vmem>>, vector<1x16xi32>,
      %get3A_1605 = vector.shape_cast %get3A_1604 : vector<1x16xi32> to vector<16xi32>
      %swap3A_1606 = arith.constant 2 : i32
      %swap3A_1607 = arith.index_cast %swap3A_1606 : i32 to index
      %swap3A_1608 = arith.constant 48 : index
      %swap3A_1609 = tpu.vector_load %arg9[%swap3A_1607, %swap3A_1608] {strides = array<i32>} : memref<4x80xi32, #tpu.memory_space<vmem>>, vector<1x16xi32>,
      %swap3A_1610 = vector.shape_cast %swap3A_1609 : vector<1x16xi32> to vector<16xi32>
      %swap3A_1611 = vector.shape_cast %get3A_1605 : vector<16xi32> to vector<1x16xi32>
      tpu.vector_store %arg9[%swap3A_1607, %swap3A_1608], %swap3A_1611 {strides = array<i32>} : memref<4x80xi32, #tpu.memory_space<vmem>>, vector<1x16xi32>,
      %get3A_1612 = arith.constant 1 : i32
      %get3A_1613 = arith.index_cast %get3A_1612 : i32 to index
      %get3A_1614 = arith.constant 48 : index
      %get3A_1615 = tpu.vector_load %arg6[%get3A_1613, %get3A_1614] {strides = array<i32>} : memref<2x80xi32, #tpu.memory_space<vmem>>, vector<1x16xi32>,
      %get3A_1616 = vector.shape_cast %get3A_1615 : vector<1x16xi32> to vector<16xi32>
      %swap3A_1617 = arith.constant 2 : i32
      %swap3A_1618 = arith.index_cast %swap3A_1617 : i32 to index
      %swap3A_1619 = arith.constant 48 : index
      %swap3A_1620 = tpu.vector_load %arg8[%swap3A_1618, %swap3A_1619] {strides = array<i32>} : memref<4x80xi32, #tpu.memory_space<vmem>>, vector<1x16xi32>,
      %swap3A_1621 = vector.shape_cast %swap3A_1620 : vector<1x16xi32> to vector<16xi32>
      %swap3A_1622 = vector.shape_cast %get3A_1616 : vector<16xi32> to vector<1x16xi32>
      tpu.vector_store %arg8[%swap3A_1618, %swap3A_1619], %swap3A_1622 {strides = array<i32>} : memref<4x80xi32, #tpu.memory_space<vmem>>, vector<1x16xi32>,
      %get3A_1623 = arith.constant 1 : i32
      %get3A_1624 = arith.index_cast %get3A_1623 : i32 to index
      %get3A_1625 = arith.constant 64 : index
      %get3A_1626 = tpu.vector_load %arg7[%get3A_1624, %get3A_1625] {strides = array<i32>} : memref<2x80xi32, #tpu.memory_space<vmem>>, vector<1x16xi32>,
      %get3A_1627 = vector.shape_cast %get3A_1626 : vector<1x16xi32> to vector<16xi32>
      %swap3A_1628 = arith.constant 2 : i32
      %swap3A_1629 = arith.index_cast %swap3A_1628 : i32 to index
      %swap3A_1630 = arith.constant 64 : index
      %swap3A_1631 = tpu.vector_load %arg9[%swap3A_1629, %swap3A_1630] {strides = array<i32>} : memref<4x80xi32, #tpu.memory_space<vmem>>, vector<1x16xi32>,
      %swap3A_1632 = vector.shape_cast %swap3A_1631 : vector<1x16xi32> to vector<16xi32>
      %swap3A_1633 = vector.shape_cast %get3A_1627 : vector<16xi32> to vector<1x16xi32>
      tpu.vector_store %arg9[%swap3A_1629, %swap3A_1630], %swap3A_1633 {strides = array<i32>} : memref<4x80xi32, #tpu.memory_space<vmem>>, vector<1x16xi32>,
      %get3A_1634 = arith.constant 1 : i32
      %get3A_1635 = arith.index_cast %get3A_1634 : i32 to index
      %get3A_1636 = arith.constant 64 : index
      %get3A_1637 = tpu.vector_load %arg6[%get3A_1635, %get3A_1636] {strides = array<i32>} : memref<2x80xi32, #tpu.memory_space<vmem>>, vector<1x16xi32>,
      %get3A_1638 = vector.shape_cast %get3A_1637 : vector<1x16xi32> to vector<16xi32>
      %swap3A_1639 = arith.constant 2 : i32
      %swap3A_1640 = arith.index_cast %swap3A_1639 : i32 to index
      %swap3A_1641 = arith.constant 64 : index
      %swap3A_1642 = tpu.vector_load %arg8[%swap3A_1640, %swap3A_1641] {strides = array<i32>} : memref<4x80xi32, #tpu.memory_space<vmem>>, vector<1x16xi32>,
      %swap3A_1643 = vector.shape_cast %swap3A_1642 : vector<1x16xi32> to vector<16xi32>
      %swap3A_1644 = vector.shape_cast %get3A_1638 : vector<16xi32> to vector<1x16xi32>
      tpu.vector_store %arg8[%swap3A_1640, %swap3A_1641], %swap3A_1644 {strides = array<i32>} : memref<4x80xi32, #tpu.memory_space<vmem>>, vector<1x16xi32>,
      %dma_start3A_1645 = arith.constant 2 : i32
      %dma_start3A_1646 = arith.constant 2 : i32
      %dma_start3A_1647 = arith.constant 0 : i32
      %dma_start3A_1648 = arith.constant 0 : i32
      %dma_start3A_1649 = tpu.memref_slice %arg10[%dma_start3A_1646, %dma_start3A_1647, %dma_start3A_1648] : memref<4x80x128xf32, #tpu.memory_space<vmem>> -> memref<1x80x128xf32, #tpu.memory_space<vmem>>
      %dma_start3A_1650 = tpu.memref_squeeze %dma_start3A_1649 : memref<1x80x128xf32, #tpu.memory_space<vmem>> -> memref<80x128xf32, #tpu.memory_space<vmem>>
      %dma_start3A_1651 = arith.constant 0 : i32
      %dma_start3A_1652 = tpu.memref_slice %arg8[%dma_start3A_1645, %dma_start3A_1651] : memref<4x80xi32, #tpu.memory_space<vmem>> -> memref<1x80xi32, #tpu.memory_space<vmem>>
      %dma_start3A_1653 = tpu.memref_squeeze %dma_start3A_1652 : memref<1x80xi32, #tpu.memory_space<vmem>> -> memref<80xi32, #tpu.memory_space<vmem>>
      %dma_start3A_1654 = arith.constant 0 : i32
      %dma_start3A_1655 = tpu.memref_slice %arg2[%dma_start3A_1654, %multiple_of3A] : memref<10000x256xf32, #tpu.memory_space<hbm>> -> memref<10000x128xf32, #tpu.memory_space<hbm>>
      tpu.enqueue_indirect_dma source(%dma_start3A_1655 : memref<10000x128xf32, #tpu.memory_space<hbm>>) target(%dma_start3A_1650 : memref<80x128xf32, #tpu.memory_space<vmem>>) offsets(%dma_start3A_1653 : memref<80xi32, #tpu.memory_space<vmem>>) semaphore(%arg15 : memref<!tpu.dma_semaphore, #tpu.memory_space<semaphore_mem>>)
      %dma_wait3A_1656 = arith.constant 1 : i32
      %dma_wait3A_1657 = arith.constant 0 : i32
      %dma_wait3A_1658 = arith.constant 0 : i32
      %dma_wait3A_1659 = tpu.memref_slice %arg10[%dma_wait3A_1656, %dma_wait3A_1657, %dma_wait3A_1658] : memref<4x80x128xf32, #tpu.memory_space<vmem>> -> memref<1x80x128xf32, #tpu.memory_space<vmem>>
      %dma_wait3A_1660 = tpu.memref_squeeze %dma_wait3A_1659 : memref<1x80x128xf32, #tpu.memory_space<vmem>> -> memref<80x128xf32, #tpu.memory_space<vmem>>
      %dma_wait3A_1661 = tpu.memref_slice %arg3[%mul3A_0, %multiple_of3A] : memref<160000x256xf32, #tpu.memory_space<hbm>> -> memref<80x128xf32, #tpu.memory_space<hbm>>
      %dma_wait3A_1662 = arith.constant 0 : i32
      %dma_wait3A_1663 = arith.constant 0 : i32
      %dma_wait3A_1664 = tpu.memref_slice %arg10[%dma_wait3A_1656, %dma_wait3A_1662, %dma_wait3A_1663] : memref<4x80x128xf32, #tpu.memory_space<vmem>> -> memref<1x80x128xf32, #tpu.memory_space<vmem>>
      %dma_wait3A_1665 = tpu.memref_squeeze %dma_wait3A_1664 : memref<1x80x128xf32, #tpu.memory_space<vmem>> -> memref<80x128xf32, #tpu.memory_space<vmem>>
      %dma_wait3A_1666 = tpu.memref_slice %arg3[%mul3A_0, %multiple_of3A] : memref<160000x256xf32, #tpu.memory_space<hbm>> -> memref<80x128xf32, #tpu.memory_space<hbm>>
      tpu.wait_dma2 semaphore(%arg14 : memref<!tpu.dma_semaphore, #tpu.memory_space<semaphore_mem>>) src(%dma_wait3A_1666 : memref<80x128xf32, #tpu.memory_space<hbm>>) dst(%dma_wait3A_1665 : memref<80x128xf32, #tpu.memory_space<vmem>>)
      %dma_start3A_1667 = arith.constant 1 : i32
      %dma_start3A_1668 = arith.constant 1 : i32
      %dma_start3A_1669 = arith.constant 0 : i32
      %dma_start3A_1670 = arith.constant 0 : i32
      %dma_start3A_1671 = tpu.memref_slice %arg10[%dma_start3A_1667, %dma_start3A_1669, %dma_start3A_1670] : memref<4x80x128xf32, #tpu.memory_space<vmem>> -> memref<1x80x128xf32, #tpu.memory_space<vmem>>
      %dma_start3A_1672 = tpu.memref_squeeze %dma_start3A_1671 : memref<1x80x128xf32, #tpu.memory_space<vmem>> -> memref<80x128xf32, #tpu.memory_space<vmem>>
      %dma_start3A_1673 = arith.constant 0 : i32
      %dma_start3A_1674 = tpu.memref_slice %arg9[%dma_start3A_1668, %dma_start3A_1673] : memref<4x80xi32, #tpu.memory_space<vmem>> -> memref<1x80xi32, #tpu.memory_space<vmem>>
      %dma_start3A_1675 = tpu.memref_squeeze %dma_start3A_1674 : memref<1x80xi32, #tpu.memory_space<vmem>> -> memref<80xi32, #tpu.memory_space<vmem>>
      %dma_start3A_1676 = arith.constant 0 : i32
      %dma_start3A_1677 = arith.constant 0 : i32
      %dma_start3A_1678 = tpu.memref_slice %arg11[%dma_start3A_1676, %dma_start3A_1677] : memref<10112x128xf32, #tpu.memory_space<vmem_shared>> -> memref<10112x128xf32, #tpu.memory_space<vmem_shared>>
      tpu.enqueue_indirect_dma source(%dma_start3A_1672 : memref<80x128xf32, #tpu.memory_space<vmem>>) target(%dma_start3A_1678 : memref<10112x128xf32, #tpu.memory_space<vmem_shared>>) offsets(%dma_start3A_1675 : memref<80xi32, #tpu.memory_space<vmem>>) semaphore(%arg18 : memref<!tpu.dma_semaphore, #tpu.memory_space<semaphore_mem>>) {add = true}
      %add3A_1679 = arith.constant 1 : i32
      %add3A_1680 = arith.addi %select_n3A, %add3A_1679 : i32
      %dma_wait3A_1681 = arith.constant 3 : i32
      %dma_wait3A_1682 = arith.constant 3 : i32
      %dma_wait3A_1683 = arith.constant 0 : i32
      %dma_wait3A_1684 = arith.constant 0 : i32
      %dma_wait3A_1685 = tpu.memref_slice %arg10[%dma_wait3A_1681, %dma_wait3A_1683, %dma_wait3A_1684] : memref<4x80x128xf32, #tpu.memory_space<vmem>> -> memref<1x80x128xf32, #tpu.memory_space<vmem>>
      %dma_wait3A_1686 = tpu.memref_squeeze %dma_wait3A_1685 : memref<1x80x128xf32, #tpu.memory_space<vmem>> -> memref<80x128xf32, #tpu.memory_space<vmem>>
      %dma_wait3A_1687 = arith.constant 0 : i32
      %dma_wait3A_1688 = tpu.memref_slice %arg9[%dma_wait3A_1682, %dma_wait3A_1687] : memref<4x80xi32, #tpu.memory_space<vmem>> -> memref<1x80xi32, #tpu.memory_space<vmem>>
      %dma_wait3A_1689 = tpu.memref_squeeze %dma_wait3A_1688 : memref<1x80xi32, #tpu.memory_space<vmem>> -> memref<80xi32, #tpu.memory_space<vmem>>
      %dma_wait3A_1690 = arith.constant 0 : i32
      %dma_wait3A_1691 = arith.constant 0 : i32
      %dma_wait3A_1692 = tpu.memref_slice %arg11[%dma_wait3A_1690, %dma_wait3A_1691] : memref<10112x128xf32, #tpu.memory_space<vmem_shared>> -> memref<10112x128xf32, #tpu.memory_space<vmem_shared>>
      tpu.wait_indirect_dma semaphore(%arg20 : memref<!tpu.dma_semaphore, #tpu.memory_space<semaphore_mem>>) src(%dma_wait3A_1686 : memref<80x128xf32, #tpu.memory_space<vmem>>) dst(%dma_wait3A_1692 : memref<10112x128xf32, #tpu.memory_space<vmem_shared>>)
      %get3A_1693 = arith.constant 1 : i32
      %get3A_1694 = arith.index_cast %get3A_1693 : i32 to index
      %get3A_1695 = arith.constant 0 : index
      %get3A_1696 = tpu.vector_load %arg7[%get3A_1694, %get3A_1695] {strides = array<i32>} : memref<2x80xi32, #tpu.memory_space<vmem>>, vector<1x16xi32>,
      %get3A_1697 = vector.shape_cast %get3A_1696 : vector<1x16xi32> to vector<16xi32>
      %swap3A_1698 = arith.constant 3 : i32
      %swap3A_1699 = arith.index_cast %swap3A_1698 : i32 to index
      %swap3A_1700 = arith.constant 0 : index
      %swap3A_1701 = tpu.vector_load %arg9[%swap3A_1699, %swap3A_1700] {strides = array<i32>} : memref<4x80xi32, #tpu.memory_space<vmem>>, vector<1x16xi32>,
      %swap3A_1702 = vector.shape_cast %swap3A_1701 : vector<1x16xi32> to vector<16xi32>
      %swap3A_1703 = vector.shape_cast %get3A_1697 : vector<16xi32> to vector<1x16xi32>
      tpu.vector_store %arg9[%swap3A_1699, %swap3A_1700], %swap3A_1703 {strides = array<i32>} : memref<4x80xi32, #tpu.memory_space<vmem>>, vector<1x16xi32>,
      %get3A_1704 = arith.constant 1 : i32
      %get3A_1705 = arith.index_cast %get3A_1704 : i32 to index
      %get3A_1706 = arith.constant 16 : index
      %get3A_1707 = tpu.vector_load %arg7[%get3A_1705, %get3A_1706] {strides = array<i32>} : memref<2x80xi32, #tpu.memory_space<vmem>>, vector<1x16xi32>,
      %get3A_1708 = vector.shape_cast %get3A_1707 : vector<1x16xi32> to vector<16xi32>
      %swap3A_1709 = arith.constant 3 : i32
      %swap3A_1710 = arith.index_cast %swap3A_1709 : i32 to index
      %swap3A_1711 = arith.constant 16 : index
      %swap3A_1712 = tpu.vector_load %arg9[%swap3A_1710, %swap3A_1711] {strides = array<i32>} : memref<4x80xi32, #tpu.memory_space<vmem>>, vector<1x16xi32>,
      %swap3A_1713 = vector.shape_cast %swap3A_1712 : vector<1x16xi32> to vector<16xi32>
      %swap3A_1714 = vector.shape_cast %get3A_1708 : vector<16xi32> to vector<1x16xi32>
      tpu.vector_store %arg9[%swap3A_1710, %swap3A_1711], %swap3A_1714 {strides = array<i32>} : memref<4x80xi32, #tpu.memory_space<vmem>>, vector<1x16xi32>,
      %get3A_1715 = arith.constant 1 : i32
      %get3A_1716 = arith.index_cast %get3A_1715 : i32 to index
      %get3A_1717 = arith.constant 32 : index
      %get3A_1718 = tpu.vector_load %arg7[%get3A_1716, %get3A_1717] {strides = array<i32>} : memref<2x80xi32, #tpu.memory_space<vmem>>, vector<1x16xi32>,
      %get3A_1719 = vector.shape_cast %get3A_1718 : vector<1x16xi32> to vector<16xi32>
      %swap3A_1720 = arith.constant 3 : i32
      %swap3A_1721 = arith.index_cast %swap3A_1720 : i32 to index
      %swap3A_1722 = arith.constant 32 : index
      %swap3A_1723 = tpu.vector_load %arg9[%swap3A_1721, %swap3A_1722] {strides = array<i32>} : memref<4x80xi32, #tpu.memory_space<vmem>>, vector<1x16xi32>,
      %swap3A_1724 = vector.shape_cast %swap3A_1723 : vector<1x16xi32> to vector<16xi32>
      %swap3A_1725 = vector.shape_cast %get3A_1719 : vector<16xi32> to vector<1x16xi32>
      tpu.vector_store %arg9[%swap3A_1721, %swap3A_1722], %swap3A_1725 {strides = array<i32>} : memref<4x80xi32, #tpu.memory_space<vmem>>, vector<1x16xi32>,
      %get3A_1726 = arith.constant 1 : i32
      %get3A_1727 = arith.index_cast %get3A_1726 : i32 to index
      %get3A_1728 = arith.constant 48 : index
      %get3A_1729 = tpu.vector_load %arg7[%get3A_1727, %get3A_1728] {strides = array<i32>} : memref<2x80xi32, #tpu.memory_space<vmem>>, vector<1x16xi32>,
      %get3A_1730 = vector.shape_cast %get3A_1729 : vector<1x16xi32> to vector<16xi32>
      %swap3A_1731 = arith.constant 3 : i32
      %swap3A_1732 = arith.index_cast %swap3A_1731 : i32 to index
      %swap3A_1733 = arith.constant 48 : index
      %swap3A_1734 = tpu.vector_load %arg9[%swap3A_1732, %swap3A_1733] {strides = array<i32>} : memref<4x80xi32, #tpu.memory_space<vmem>>, vector<1x16xi32>,
      %swap3A_1735 = vector.shape_cast %swap3A_1734 : vector<1x16xi32> to vector<16xi32>
      %swap3A_1736 = vector.shape_cast %get3A_1730 : vector<16xi32> to vector<1x16xi32>
      tpu.vector_store %arg9[%swap3A_1732, %swap3A_1733], %swap3A_1736 {strides = array<i32>} : memref<4x80xi32, #tpu.memory_space<vmem>>, vector<1x16xi32>,
      %get3A_1737 = arith.constant 1 : i32
      %get3A_1738 = arith.index_cast %get3A_1737 : i32 to index
      %get3A_1739 = arith.constant 64 : index
      %get3A_1740 = tpu.vector_load %arg7[%get3A_1738, %get3A_1739] {strides = array<i32>} : memref<2x80xi32, #tpu.memory_space<vmem>>, vector<1x16xi32>,
      %get3A_1741 = vector.shape_cast %get3A_1740 : vector<1x16xi32> to vector<16xi32>
      %swap3A_1742 = arith.constant 3 : i32
      %swap3A_1743 = arith.index_cast %swap3A_1742 : i32 to index
      %swap3A_1744 = arith.constant 64 : index
      %swap3A_1745 = tpu.vector_load %arg9[%swap3A_1743, %swap3A_1744] {strides = array<i32>} : memref<4x80xi32, #tpu.memory_space<vmem>>, vector<1x16xi32>,
      %swap3A_1746 = vector.shape_cast %swap3A_1745 : vector<1x16xi32> to vector<16xi32>
      %swap3A_1747 = vector.shape_cast %get3A_1741 : vector<16xi32> to vector<1x16xi32>
      tpu.vector_store %arg9[%swap3A_1743, %swap3A_1744], %swap3A_1747 {strides = array<i32>} : memref<4x80xi32, #tpu.memory_space<vmem>>, vector<1x16xi32>,
      %mul3A_1748 = arith.constant 80 : i32
      %mul3A_1749 = arith.muli %add3A_1680, %mul3A_1748 : i32
      %add3A_1750 = arith.addi %mul3A_0, %mul3A_1749 : i32
      %dma_start3A_1751 = arith.constant 3 : i32
      %dma_start3A_1752 = arith.constant 0 : i32
      %dma_start3A_1753 = arith.constant 0 : i32
      %dma_start3A_1754 = tpu.memref_slice %arg10[%dma_start3A_1751, %dma_start3A_1752, %dma_start3A_1753] : memref<4x80x128xf32, #tpu.memory_space<vmem>> -> memref<1x80x128xf32, #tpu.memory_space<vmem>>
      %dma_start3A_1755 = tpu.memref_squeeze %dma_start3A_1754 : memref<1x80x128xf32, #tpu.memory_space<vmem>> -> memref<80x128xf32, #tpu.memory_space<vmem>>
      %dma_start3A_1756 = tpu.memref_slice %arg3[%add3A_1750, %multiple_of3A] : memref<160000x256xf32, #tpu.memory_space<hbm>> -> memref<80x128xf32, #tpu.memory_space<hbm>>
      %dma_start3A_1757 = arith.constant 0 : i32
      %dma_start3A_1758 = arith.constant 0 : i32
      %dma_start3A_1759 = tpu.memref_slice %arg10[%dma_start3A_1751, %dma_start3A_1757, %dma_start3A_1758] : memref<4x80x128xf32, #tpu.memory_space<vmem>> -> memref<1x80x128xf32, #tpu.memory_space<vmem>>
      %dma_start3A_1760 = tpu.memref_squeeze %dma_start3A_1759 : memref<1x80x128xf32, #tpu.memory_space<vmem>> -> memref<80x128xf32, #tpu.memory_space<vmem>>
      %dma_start3A_1761 = tpu.memref_slice %arg3[%add3A_1750, %multiple_of3A] : memref<160000x256xf32, #tpu.memory_space<hbm>> -> memref<80x128xf32, #tpu.memory_space<hbm>>
      tpu.enqueue_dma source(%dma_start3A_1761 : memref<80x128xf32, #tpu.memory_space<hbm>>) target(%dma_start3A_1760 : memref<80x128xf32, #tpu.memory_space<vmem>>) target_semaphore(%arg16 : memref<!tpu.dma_semaphore, #tpu.memory_space<semaphore_mem>>)
      %add3A_1762 = arith.constant 2 : i32
      %add3A_1763 = arith.addi %add3A_1680, %add3A_1762 : i32
      %lt3A_1764 = arith.constant 125 : i32
      %lt3A_1765 = arith.cmpi slt, %add3A_1763, %lt3A_1764 : i32
      %convert_element_type3A_1766 = arith.extui %lt3A_1765 : i1 to i32
      %cond3A_1767 = arith.constant 0 : i32
      %cond3A_1768 = arith.cmpi ne, %convert_element_type3A_1766, %cond3A_1767 : i32
      scf.if %cond3A_1768 {
        %add3A_1792 = arith.constant 2 : i32
        %add3A_1793 = arith.addi %add3A_1680, %add3A_1792 : i32
        %mul3A_1794 = arith.constant 80 : i32
        %mul3A_1795 = arith.muli %add3A_1793, %mul3A_1794 : i32
        %add3A_1796 = arith.addi %mul3A_0, %mul3A_1795 : i32
        %dma_start3A_1797 = arith.constant 1 : i32
        %dma_start3A_1798 = arith.constant 0 : i32
        %dma_start3A_1799 = tpu.memref_slice %arg6[%dma_start3A_1797, %dma_start3A_1798] : memref<2x80xi32, #tpu.memory_space<vmem>> -> memref<1x80xi32, #tpu.memory_space<vmem>>
        %dma_start3A_1800 = tpu.memref_squeeze %dma_start3A_1799 : memref<1x80xi32, #tpu.memory_space<vmem>> -> memref<80xi32, #tpu.memory_space<vmem>>
        %dma_start3A_1801 = tpu.memref_slice %arg4[%add3A_1796] : memref<320000xi32, #tpu.memory_space<hbm>> -> memref<80xi32, #tpu.memory_space<hbm>>
        %dma_start3A_1802 = arith.constant 0 : i32
        %dma_start3A_1803 = tpu.memref_slice %arg6[%dma_start3A_1797, %dma_start3A_1802] : memref<2x80xi32, #tpu.memory_space<vmem>> -> memref<1x80xi32, #tpu.memory_space<vmem>>
        %dma_start3A_1804 = tpu.memref_squeeze %dma_start3A_1803 : memref<1x80xi32, #tpu.memory_space<vmem>> -> memref<80xi32, #tpu.memory_space<vmem>>
        %dma_start3A_1805 = tpu.memref_slice %arg4[%add3A_1796] : memref<320000xi32, #tpu.memory_space<hbm>> -> memref<80xi32, #tpu.memory_space<hbm>>
        tpu.enqueue_dma source(%dma_start3A_1805 : memref<80xi32, #tpu.memory_space<hbm>>) target(%dma_start3A_1804 : memref<80xi32, #tpu.memory_space<vmem>>) target_semaphore(%arg22 : memref<!tpu.dma_semaphore, #tpu.memory_space<semaphore_mem>>)
        %add3A_1806 = arith.constant 160000 : i32
        %add3A_1807 = arith.addi %add3A_1806, %mul3A_0 : i32
        %mul3A_1808 = arith.constant 80 : i32
        %mul3A_1809 = arith.muli %add3A_1793, %mul3A_1808 : i32
        %add3A_1810 = arith.addi %add3A_1807, %mul3A_1809 : i32
        %dma_start3A_1811 = arith.constant 1 : i32
        %dma_start3A_1812 = arith.constant 0 : i32
        %dma_start3A_1813 = tpu.memref_slice %arg7[%dma_start3A_1811, %dma_start3A_1812] : memref<2x80xi32, #tpu.memory_space<vmem>> -> memref<1x80xi32, #tpu.memory_space<vmem>>
        %dma_start3A_1814 = tpu.memref_squeeze %dma_start3A_1813 : memref<1x80xi32, #tpu.memory_space<vmem>> -> memref<80xi32, #tpu.memory_space<vmem>>
        %dma_start3A_1815 = tpu.memref_slice %arg4[%add3A_1810] : memref<320000xi32, #tpu.memory_space<hbm>> -> memref<80xi32, #tpu.memory_space<hbm>>
        %dma_start3A_1816 = arith.constant 0 : i32
        %dma_start3A_1817 = tpu.memref_slice %arg7[%dma_start3A_1811, %dma_start3A_1816] : memref<2x80xi32, #tpu.memory_space<vmem>> -> memref<1x80xi32, #tpu.memory_space<vmem>>
        %dma_start3A_1818 = tpu.memref_squeeze %dma_start3A_1817 : memref<1x80xi32, #tpu.memory_space<vmem>> -> memref<80xi32, #tpu.memory_space<vmem>>
        %dma_start3A_1819 = tpu.memref_slice %arg4[%add3A_1810] : memref<320000xi32, #tpu.memory_space<hbm>> -> memref<80xi32, #tpu.memory_space<hbm>>
        tpu.enqueue_dma source(%dma_start3A_1819 : memref<80xi32, #tpu.memory_space<hbm>>) target(%dma_start3A_1818 : memref<80xi32, #tpu.memory_space<vmem>>) target_semaphore(%arg22 : memref<!tpu.dma_semaphore, #tpu.memory_space<semaphore_mem>>)
      } else {
      }
      %dma_wait3A_1769 = arith.constant 2 : i32
      %dma_wait3A_1770 = arith.constant 2 : i32
      %dma_wait3A_1771 = arith.constant 0 : i32
      %dma_wait3A_1772 = arith.constant 0 : i32
      %dma_wait3A_1773 = tpu.memref_slice %arg10[%dma_wait3A_1770, %dma_wait3A_1771, %dma_wait3A_1772] : memref<4x80x128xf32, #tpu.memory_space<vmem>> -> memref<1x80x128xf32, #tpu.memory_space<vmem>>
      %dma_wait3A_1774 = tpu.memref_squeeze %dma_wait3A_1773 : memref<1x80x128xf32, #tpu.memory_space<vmem>> -> memref<80x128xf32, #tpu.memory_space<vmem>>
      %dma_wait3A_1775 = arith.constant 0 : i32
      %dma_wait3A_1776 = tpu.memref_slice %arg8[%dma_wait3A_1769, %dma_wait3A_1775] : memref<4x80xi32, #tpu.memory_space<vmem>> -> memref<1x80xi32, #tpu.memory_space<vmem>>
      %dma_wait3A_1777 = tpu.memref_squeeze %dma_wait3A_1776 : memref<1x80xi32, #tpu.memory_space<vmem>> -> memref<80xi32, #tpu.memory_space<vmem>>
      %dma_wait3A_1778 = arith.constant 0 : i32
      %dma_wait3A_1779 = tpu.memref_slice %arg2[%dma_wait3A_1778, %multiple_of3A] : memref<10000x256xf32, #tpu.memory_space<hbm>> -> memref<10000x128xf32, #tpu.memory_space<hbm>>
      tpu.wait_indirect_dma semaphore(%arg15 : memref<!tpu.dma_semaphore, #tpu.memory_space<semaphore_mem>>) src(%dma_wait3A_1779 : memref<10000x128xf32, #tpu.memory_space<hbm>>) dst(%dma_wait3A_1774 : memref<80x128xf32, #tpu.memory_space<vmem>>)
      %dma_start3A_1780 = arith.constant 2 : i32
      %dma_start3A_1781 = arith.constant 2 : i32
      %dma_start3A_1782 = arith.constant 0 : i32
      %dma_start3A_1783 = arith.constant 0 : i32
      %dma_start3A_1784 = tpu.memref_slice %arg10[%dma_start3A_1780, %dma_start3A_1782, %dma_start3A_1783] : memref<4x80x128xf32, #tpu.memory_space<vmem>> -> memref<1x80x128xf32, #tpu.memory_space<vmem>>
      %dma_start3A_1785 = tpu.memref_squeeze %dma_start3A_1784 : memref<1x80x128xf32, #tpu.memory_space<vmem>> -> memref<80x128xf32, #tpu.memory_space<vmem>>
      %dma_start3A_1786 = arith.constant 0 : i32
      %dma_start3A_1787 = tpu.memref_slice %arg9[%dma_start3A_1781, %dma_start3A_1786] : memref<4x80xi32, #tpu.memory_space<vmem>> -> memref<1x80xi32, #tpu.memory_space<vmem>>
      %dma_start3A_1788 = tpu.memref_squeeze %dma_start3A_1787 : memref<1x80xi32, #tpu.memory_space<vmem>> -> memref<80xi32, #tpu.memory_space<vmem>>
      %dma_start3A_1789 = arith.constant 0 : i32
      %dma_start3A_1790 = arith.constant 0 : i32
      %dma_start3A_1791 = tpu.memref_slice %arg11[%dma_start3A_1789, %dma_start3A_1790] : memref<10112x128xf32, #tpu.memory_space<vmem_shared>> -> memref<10112x128xf32, #tpu.memory_space<vmem_shared>>
      tpu.enqueue_indirect_dma source(%dma_start3A_1785 : memref<80x128xf32, #tpu.memory_space<vmem>>) target(%dma_start3A_1791 : memref<10112x128xf32, #tpu.memory_space<vmem_shared>>) offsets(%dma_start3A_1788 : memref<80xi32, #tpu.memory_space<vmem>>) semaphore(%arg19 : memref<!tpu.dma_semaphore, #tpu.memory_space<semaphore_mem>>) {add = true}
    }
    %scan3A_831 = arith.constant 61 : i32
    %dma_wait3A_832 = arith.constant 0 : i32
    %dma_wait3A_833 = arith.constant 0 : i32
    %dma_wait3A_834 = arith.constant 0 : i32
    %dma_wait3A_835 = arith.constant 0 : i32
    %dma_wait3A_836 = tpu.memref_slice %arg10[%dma_wait3A_832, %dma_wait3A_834, %dma_wait3A_835] : memref<4x80x128xf32, #tpu.memory_space<vmem>> -> memref<1x80x128xf32, #tpu.memory_space<vmem>>
    %dma_wait3A_837 = tpu.memref_squeeze %dma_wait3A_836 : memref<1x80x128xf32, #tpu.memory_space<vmem>> -> memref<80x128xf32, #tpu.memory_space<vmem>>
    %dma_wait3A_838 = arith.constant 0 : i32
    %dma_wait3A_839 = tpu.memref_slice %arg9[%dma_wait3A_833, %dma_wait3A_838] : memref<4x80xi32, #tpu.memory_space<vmem>> -> memref<1x80xi32, #tpu.memory_space<vmem>>
    %dma_wait3A_840 = tpu.memref_squeeze %dma_wait3A_839 : memref<1x80xi32, #tpu.memory_space<vmem>> -> memref<80xi32, #tpu.memory_space<vmem>>
    %dma_wait3A_841 = arith.constant 0 : i32
    %dma_wait3A_842 = arith.constant 0 : i32
    %dma_wait3A_843 = tpu.memref_slice %arg11[%dma_wait3A_841, %dma_wait3A_842] : memref<10112x128xf32, #tpu.memory_space<vmem_shared>> -> memref<10112x128xf32, #tpu.memory_space<vmem_shared>>
    tpu.wait_indirect_dma semaphore(%arg17 : memref<!tpu.dma_semaphore, #tpu.memory_space<semaphore_mem>>) src(%dma_wait3A_837 : memref<80x128xf32, #tpu.memory_space<vmem>>) dst(%dma_wait3A_843 : memref<10112x128xf32, #tpu.memory_space<vmem_shared>>)
    %dma_wait3A_844 = arith.constant 0 : i32
    %dma_wait3A_845 = arith.constant 0 : i32
    %dma_wait3A_846 = tpu.memref_slice %arg6[%dma_wait3A_844, %dma_wait3A_845] : memref<2x80xi32, #tpu.memory_space<vmem>> -> memref<1x80xi32, #tpu.memory_space<vmem>>
    %dma_wait3A_847 = tpu.memref_squeeze %dma_wait3A_846 : memref<1x80xi32, #tpu.memory_space<vmem>> -> memref<80xi32, #tpu.memory_space<vmem>>
    %dma_wait3A_848 = tpu.memref_slice %arg4[%mul3A_0] : memref<320000xi32, #tpu.memory_space<hbm>> -> memref<80xi32, #tpu.memory_space<hbm>>
    %dma_wait3A_849 = arith.constant 0 : i32
    %dma_wait3A_850 = tpu.memref_slice %arg6[%dma_wait3A_844, %dma_wait3A_849] : memref<2x80xi32, #tpu.memory_space<vmem>> -> memref<1x80xi32, #tpu.memory_space<vmem>>
    %dma_wait3A_851 = tpu.memref_squeeze %dma_wait3A_850 : memref<1x80xi32, #tpu.memory_space<vmem>> -> memref<80xi32, #tpu.memory_space<vmem>>
    %dma_wait3A_852 = tpu.memref_slice %arg4[%mul3A_0] : memref<320000xi32, #tpu.memory_space<hbm>> -> memref<80xi32, #tpu.memory_space<hbm>>
    tpu.wait_dma2 semaphore(%arg21 : memref<!tpu.dma_semaphore, #tpu.memory_space<semaphore_mem>>) src(%dma_wait3A_852 : memref<80xi32, #tpu.memory_space<hbm>>) dst(%dma_wait3A_851 : memref<80xi32, #tpu.memory_space<vmem>>)
    %add3A_853 = arith.constant 160000 : i32
    %add3A_854 = arith.addi %add3A_853, %mul3A_0 : i32
    %dma_wait3A_855 = arith.constant 0 : i32
    %dma_wait3A_856 = arith.constant 0 : i32
    %dma_wait3A_857 = tpu.memref_slice %arg7[%dma_wait3A_855, %dma_wait3A_856] : memref<2x80xi32, #tpu.memory_space<vmem>> -> memref<1x80xi32, #tpu.memory_space<vmem>>
    %dma_wait3A_858 = tpu.memref_squeeze %dma_wait3A_857 : memref<1x80xi32, #tpu.memory_space<vmem>> -> memref<80xi32, #tpu.memory_space<vmem>>
    %dma_wait3A_859 = tpu.memref_slice %arg4[%add3A_854] : memref<320000xi32, #tpu.memory_space<hbm>> -> memref<80xi32, #tpu.memory_space<hbm>>
    %dma_wait3A_860 = arith.constant 0 : i32
    %dma_wait3A_861 = tpu.memref_slice %arg7[%dma_wait3A_855, %dma_wait3A_860] : memref<2x80xi32, #tpu.memory_space<vmem>> -> memref<1x80xi32, #tpu.memory_space<vmem>>
    %dma_wait3A_862 = tpu.memref_squeeze %dma_wait3A_861 : memref<1x80xi32, #tpu.memory_space<vmem>> -> memref<80xi32, #tpu.memory_space<vmem>>
    %dma_wait3A_863 = tpu.memref_slice %arg4[%add3A_854] : memref<320000xi32, #tpu.memory_space<hbm>> -> memref<80xi32, #tpu.memory_space<hbm>>
    tpu.wait_dma2 semaphore(%arg21 : memref<!tpu.dma_semaphore, #tpu.memory_space<semaphore_mem>>) src(%dma_wait3A_863 : memref<80xi32, #tpu.memory_space<hbm>>) dst(%dma_wait3A_862 : memref<80xi32, #tpu.memory_space<vmem>>)
    %get3A_864 = arith.constant 0 : i32
    %get3A_865 = arith.index_cast %get3A_864 : i32 to index
    %get3A_866 = arith.constant 0 : index
    %get3A_867 = tpu.vector_load %arg7[%get3A_865, %get3A_866] {strides = array<i32>} : memref<2x80xi32, #tpu.memory_space<vmem>>, vector<1x16xi32>,
    %get3A_868 = vector.shape_cast %get3A_867 : vector<1x16xi32> to vector<16xi32>
    %swap3A_869 = arith.constant 0 : i32
    %swap3A_870 = arith.index_cast %swap3A_869 : i32 to index
    %swap3A_871 = arith.constant 0 : index
    %swap3A_872 = tpu.vector_load %arg9[%swap3A_870, %swap3A_871] {strides = array<i32>} : memref<4x80xi32, #tpu.memory_space<vmem>>, vector<1x16xi32>,
    %swap3A_873 = vector.shape_cast %swap3A_872 : vector<1x16xi32> to vector<16xi32>
    %swap3A_874 = vector.shape_cast %get3A_868 : vector<16xi32> to vector<1x16xi32>
    tpu.vector_store %arg9[%swap3A_870, %swap3A_871], %swap3A_874 {strides = array<i32>} : memref<4x80xi32, #tpu.memory_space<vmem>>, vector<1x16xi32>,
    %get3A_875 = arith.constant 0 : i32
    %get3A_876 = arith.index_cast %get3A_875 : i32 to index
    %get3A_877 = arith.constant 0 : index
    %get3A_878 = tpu.vector_load %arg6[%get3A_876, %get3A_877] {strides = array<i32>} : memref<2x80xi32, #tpu.memory_space<vmem>>, vector<1x16xi32>,
    %get3A_879 = vector.shape_cast %get3A_878 : vector<1x16xi32> to vector<16xi32>
    %swap3A_880 = arith.constant 0 : i32
    %swap3A_881 = arith.index_cast %swap3A_880 : i32 to index
    %swap3A_882 = arith.constant 0 : index
    %swap3A_883 = tpu.vector_load %arg8[%swap3A_881, %swap3A_882] {strides = array<i32>} : memref<4x80xi32, #tpu.memory_space<vmem>>, vector<1x16xi32>,
    %swap3A_884 = vector.shape_cast %swap3A_883 : vector<1x16xi32> to vector<16xi32>
    %swap3A_885 = vector.shape_cast %get3A_879 : vector<16xi32> to vector<1x16xi32>
    tpu.vector_store %arg8[%swap3A_881, %swap3A_882], %swap3A_885 {strides = array<i32>} : memref<4x80xi32, #tpu.memory_space<vmem>>, vector<1x16xi32>,
    %get3A_886 = arith.constant 0 : i32
    %get3A_887 = arith.index_cast %get3A_886 : i32 to index
    %get3A_888 = arith.constant 16 : index
    %get3A_889 = tpu.vector_load %arg7[%get3A_887, %get3A_888] {strides = array<i32>} : memref<2x80xi32, #tpu.memory_space<vmem>>, vector<1x16xi32>,
    %get3A_890 = vector.shape_cast %get3A_889 : vector<1x16xi32> to vector<16xi32>
    %swap3A_891 = arith.constant 0 : i32
    %swap3A_892 = arith.index_cast %swap3A_891 : i32 to index
    %swap3A_893 = arith.constant 16 : index
    %swap3A_894 = tpu.vector_load %arg9[%swap3A_892, %swap3A_893] {strides = array<i32>} : memref<4x80xi32, #tpu.memory_space<vmem>>, vector<1x16xi32>,
    %swap3A_895 = vector.shape_cast %swap3A_894 : vector<1x16xi32> to vector<16xi32>
    %swap3A_896 = vector.shape_cast %get3A_890 : vector<16xi32> to vector<1x16xi32>
    tpu.vector_store %arg9[%swap3A_892, %swap3A_893], %swap3A_896 {strides = array<i32>} : memref<4x80xi32, #tpu.memory_space<vmem>>, vector<1x16xi32>,
    %get3A_897 = arith.constant 0 : i32
    %get3A_898 = arith.index_cast %get3A_897 : i32 to index
    %get3A_899 = arith.constant 16 : index
    %get3A_900 = tpu.vector_load %arg6[%get3A_898, %get3A_899] {strides = array<i32>} : memref<2x80xi32, #tpu.memory_space<vmem>>, vector<1x16xi32>,
    %get3A_901 = vector.shape_cast %get3A_900 : vector<1x16xi32> to vector<16xi32>
    %swap3A_902 = arith.constant 0 : i32
    %swap3A_903 = arith.index_cast %swap3A_902 : i32 to index
    %swap3A_904 = arith.constant 16 : index
    %swap3A_905 = tpu.vector_load %arg8[%swap3A_903, %swap3A_904] {strides = array<i32>} : memref<4x80xi32, #tpu.memory_space<vmem>>, vector<1x16xi32>,
    %swap3A_906 = vector.shape_cast %swap3A_905 : vector<1x16xi32> to vector<16xi32>
    %swap3A_907 = vector.shape_cast %get3A_901 : vector<16xi32> to vector<1x16xi32>
    tpu.vector_store %arg8[%swap3A_903, %swap3A_904], %swap3A_907 {strides = array<i32>} : memref<4x80xi32, #tpu.memory_space<vmem>>, vector<1x16xi32>,
    %get3A_908 = arith.constant 0 : i32
    %get3A_909 = arith.index_cast %get3A_908 : i32 to index
    %get3A_910 = arith.constant 32 : index
    %get3A_911 = tpu.vector_load %arg7[%get3A_909, %get3A_910] {strides = array<i32>} : memref<2x80xi32, #tpu.memory_space<vmem>>, vector<1x16xi32>,
    %get3A_912 = vector.shape_cast %get3A_911 : vector<1x16xi32> to vector<16xi32>
    %swap3A_913 = arith.constant 0 : i32
    %swap3A_914 = arith.index_cast %swap3A_913 : i32 to index
    %swap3A_915 = arith.constant 32 : index
    %swap3A_916 = tpu.vector_load %arg9[%swap3A_914, %swap3A_915] {strides = array<i32>} : memref<4x80xi32, #tpu.memory_space<vmem>>, vector<1x16xi32>,
    %swap3A_917 = vector.shape_cast %swap3A_916 : vector<1x16xi32> to vector<16xi32>
    %swap3A_918 = vector.shape_cast %get3A_912 : vector<16xi32> to vector<1x16xi32>
    tpu.vector_store %arg9[%swap3A_914, %swap3A_915], %swap3A_918 {strides = array<i32>} : memref<4x80xi32, #tpu.memory_space<vmem>>, vector<1x16xi32>,
    %get3A_919 = arith.constant 0 : i32
    %get3A_920 = arith.index_cast %get3A_919 : i32 to index
    %get3A_921 = arith.constant 32 : index
    %get3A_922 = tpu.vector_load %arg6[%get3A_920, %get3A_921] {strides = array<i32>} : memref<2x80xi32, #tpu.memory_space<vmem>>, vector<1x16xi32>,
    %get3A_923 = vector.shape_cast %get3A_922 : vector<1x16xi32> to vector<16xi32>
    %swap3A_924 = arith.constant 0 : i32
    %swap3A_925 = arith.index_cast %swap3A_924 : i32 to index
    %swap3A_926 = arith.constant 32 : index
    %swap3A_927 = tpu.vector_load %arg8[%swap3A_925, %swap3A_926] {strides = array<i32>} : memref<4x80xi32, #tpu.memory_space<vmem>>, vector<1x16xi32>,
    %swap3A_928 = vector.shape_cast %swap3A_927 : vector<1x16xi32> to vector<16xi32>
    %swap3A_929 = vector.shape_cast %get3A_923 : vector<16xi32> to vector<1x16xi32>
    tpu.vector_store %arg8[%swap3A_925, %swap3A_926], %swap3A_929 {strides = array<i32>} : memref<4x80xi32, #tpu.memory_space<vmem>>, vector<1x16xi32>,
    %get3A_930 = arith.constant 0 : i32
    %get3A_931 = arith.index_cast %get3A_930 : i32 to index
    %get3A_932 = arith.constant 48 : index
    %get3A_933 = tpu.vector_load %arg7[%get3A_931, %get3A_932] {strides = array<i32>} : memref<2x80xi32, #tpu.memory_space<vmem>>, vector<1x16xi32>,
    %get3A_934 = vector.shape_cast %get3A_933 : vector<1x16xi32> to vector<16xi32>
    %swap3A_935 = arith.constant 0 : i32
    %swap3A_936 = arith.index_cast %swap3A_935 : i32 to index
    %swap3A_937 = arith.constant 48 : index
    %swap3A_938 = tpu.vector_load %arg9[%swap3A_936, %swap3A_937] {strides = array<i32>} : memref<4x80xi32, #tpu.memory_space<vmem>>, vector<1x16xi32>,
    %swap3A_939 = vector.shape_cast %swap3A_938 : vector<1x16xi32> to vector<16xi32>
    %swap3A_940 = vector.shape_cast %get3A_934 : vector<16xi32> to vector<1x16xi32>
    tpu.vector_store %arg9[%swap3A_936, %swap3A_937], %swap3A_940 {strides = array<i32>} : memref<4x80xi32, #tpu.memory_space<vmem>>, vector<1x16xi32>,
    %get3A_941 = arith.constant 0 : i32
    %get3A_942 = arith.index_cast %get3A_941 : i32 to index
    %get3A_943 = arith.constant 48 : index
    %get3A_944 = tpu.vector_load %arg6[%get3A_942, %get3A_943] {strides = array<i32>} : memref<2x80xi32, #tpu.memory_space<vmem>>, vector<1x16xi32>,
    %get3A_945 = vector.shape_cast %get3A_944 : vector<1x16xi32> to vector<16xi32>
    %swap3A_946 = arith.constant 0 : i32
    %swap3A_947 = arith.index_cast %swap3A_946 : i32 to index
    %swap3A_948 = arith.constant 48 : index
    %swap3A_949 = tpu.vector_load %arg8[%swap3A_947, %swap3A_948] {strides = array<i32>} : memref<4x80xi32, #tpu.memory_space<vmem>>, vector<1x16xi32>,
    %swap3A_950 = vector.shape_cast %swap3A_949 : vector<1x16xi32> to vector<16xi32>
    %swap3A_951 = vector.shape_cast %get3A_945 : vector<16xi32> to vector<1x16xi32>
    tpu.vector_store %arg8[%swap3A_947, %swap3A_948], %swap3A_951 {strides = array<i32>} : memref<4x80xi32, #tpu.memory_space<vmem>>, vector<1x16xi32>,
    %get3A_952 = arith.constant 0 : i32
    %get3A_953 = arith.index_cast %get3A_952 : i32 to index
    %get3A_954 = arith.constant 64 : index
    %get3A_955 = tpu.vector_load %arg7[%get3A_953, %get3A_954] {strides = array<i32>} : memref<2x80xi32, #tpu.memory_space<vmem>>, vector<1x16xi32>,
    %get3A_956 = vector.shape_cast %get3A_955 : vector<1x16xi32> to vector<16xi32>
    %swap3A_957 = arith.constant 0 : i32
    %swap3A_958 = arith.index_cast %swap3A_957 : i32 to index
    %swap3A_959 = arith.constant 64 : index
    %swap3A_960 = tpu.vector_load %arg9[%swap3A_958, %swap3A_959] {strides = array<i32>} : memref<4x80xi32, #tpu.memory_space<vmem>>, vector<1x16xi32>,
    %swap3A_961 = vector.shape_cast %swap3A_960 : vector<1x16xi32> to vector<16xi32>
    %swap3A_962 = vector.shape_cast %get3A_956 : vector<16xi32> to vector<1x16xi32>
    tpu.vector_store %arg9[%swap3A_958, %swap3A_959], %swap3A_962 {strides = array<i32>} : memref<4x80xi32, #tpu.memory_space<vmem>>, vector<1x16xi32>,
    %get3A_963 = arith.constant 0 : i32
    %get3A_964 = arith.index_cast %get3A_963 : i32 to index
    %get3A_965 = arith.constant 64 : index
    %get3A_966 = tpu.vector_load %arg6[%get3A_964, %get3A_965] {strides = array<i32>} : memref<2x80xi32, #tpu.memory_space<vmem>>, vector<1x16xi32>,
    %get3A_967 = vector.shape_cast %get3A_966 : vector<1x16xi32> to vector<16xi32>
    %swap3A_968 = arith.constant 0 : i32
    %swap3A_969 = arith.index_cast %swap3A_968 : i32 to index
    %swap3A_970 = arith.constant 64 : index
    %swap3A_971 = tpu.vector_load %arg8[%swap3A_969, %swap3A_970] {strides = array<i32>} : memref<4x80xi32, #tpu.memory_space<vmem>>, vector<1x16xi32>,
    %swap3A_972 = vector.shape_cast %swap3A_971 : vector<1x16xi32> to vector<16xi32>
    %swap3A_973 = vector.shape_cast %get3A_967 : vector<16xi32> to vector<1x16xi32>
    tpu.vector_store %arg8[%swap3A_969, %swap3A_970], %swap3A_973 {strides = array<i32>} : memref<4x80xi32, #tpu.memory_space<vmem>>, vector<1x16xi32>,
    %dma_start3A_974 = arith.constant 0 : i32
    %dma_start3A_975 = arith.constant 0 : i32
    %dma_start3A_976 = arith.constant 0 : i32
    %dma_start3A_977 = arith.constant 0 : i32
    %dma_start3A_978 = tpu.memref_slice %arg10[%dma_start3A_975, %dma_start3A_976, %dma_start3A_977] : memref<4x80x128xf32, #tpu.memory_space<vmem>> -> memref<1x80x128xf32, #tpu.memory_space<vmem>>
    %dma_start3A_979 = tpu.memref_squeeze %dma_start3A_978 : memref<1x80x128xf32, #tpu.memory_space<vmem>> -> memref<80x128xf32, #tpu.memory_space<vmem>>
    %dma_start3A_980 = arith.constant 0 : i32
    %dma_start3A_981 = tpu.memref_slice %arg8[%dma_start3A_974, %dma_start3A_980] : memref<4x80xi32, #tpu.memory_space<vmem>> -> memref<1x80xi32, #tpu.memory_space<vmem>>
    %dma_start3A_982 = tpu.memref_squeeze %dma_start3A_981 : memref<1x80xi32, #tpu.memory_space<vmem>> -> memref<80xi32, #tpu.memory_space<vmem>>
    %dma_start3A_983 = arith.constant 0 : i32
    %dma_start3A_984 = tpu.memref_slice %arg2[%dma_start3A_983, %multiple_of3A] : memref<10000x256xf32, #tpu.memory_space<hbm>> -> memref<10000x128xf32, #tpu.memory_space<hbm>>
    tpu.enqueue_indirect_dma source(%dma_start3A_984 : memref<10000x128xf32, #tpu.memory_space<hbm>>) target(%dma_start3A_979 : memref<80x128xf32, #tpu.memory_space<vmem>>) offsets(%dma_start3A_982 : memref<80xi32, #tpu.memory_space<vmem>>) semaphore(%arg13 : memref<!tpu.dma_semaphore, #tpu.memory_space<semaphore_mem>>)
    %dma_wait3A_985 = arith.constant 3 : i32
    %dma_wait3A_986 = arith.constant 0 : i32
    %dma_wait3A_987 = arith.constant 0 : i32
    %dma_wait3A_988 = tpu.memref_slice %arg10[%dma_wait3A_985, %dma_wait3A_986, %dma_wait3A_987] : memref<4x80x128xf32, #tpu.memory_space<vmem>> -> memref<1x80x128xf32, #tpu.memory_space<vmem>>
    %dma_wait3A_989 = tpu.memref_squeeze %dma_wait3A_988 : memref<1x80x128xf32, #tpu.memory_space<vmem>> -> memref<80x128xf32, #tpu.memory_space<vmem>>
    %dma_wait3A_990 = tpu.memref_slice %arg3[%mul3A_0, %multiple_of3A] : memref<160000x256xf32, #tpu.memory_space<hbm>> -> memref<80x128xf32, #tpu.memory_space<hbm>>
    %dma_wait3A_991 = arith.constant 0 : i32
    %dma_wait3A_992 = arith.constant 0 : i32
    %dma_wait3A_993 = tpu.memref_slice %arg10[%dma_wait3A_985, %dma_wait3A_991, %dma_wait3A_992] : memref<4x80x128xf32, #tpu.memory_space<vmem>> -> memref<1x80x128xf32, #tpu.memory_space<vmem>>
    %dma_wait3A_994 = tpu.memref_squeeze %dma_wait3A_993 : memref<1x80x128xf32, #tpu.memory_space<vmem>> -> memref<80x128xf32, #tpu.memory_space<vmem>>
    %dma_wait3A_995 = tpu.memref_slice %arg3[%mul3A_0, %multiple_of3A] : memref<160000x256xf32, #tpu.memory_space<hbm>> -> memref<80x128xf32, #tpu.memory_space<hbm>>
    tpu.wait_dma2 semaphore(%arg16 : memref<!tpu.dma_semaphore, #tpu.memory_space<semaphore_mem>>) src(%dma_wait3A_995 : memref<80x128xf32, #tpu.memory_space<hbm>>) dst(%dma_wait3A_994 : memref<80x128xf32, #tpu.memory_space<vmem>>)
    %dma_start3A_996 = arith.constant 3 : i32
    %dma_start3A_997 = arith.constant 3 : i32
    %dma_start3A_998 = arith.constant 0 : i32
    %dma_start3A_999 = arith.constant 0 : i32
    %dma_start3A_1000 = tpu.memref_slice %arg10[%dma_start3A_996, %dma_start3A_998, %dma_start3A_999] : memref<4x80x128xf32, #tpu.memory_space<vmem>> -> memref<1x80x128xf32, #tpu.memory_space<vmem>>
    %dma_start3A_1001 = tpu.memref_squeeze %dma_start3A_1000 : memref<1x80x128xf32, #tpu.memory_space<vmem>> -> memref<80x128xf32, #tpu.memory_space<vmem>>
    %dma_start3A_1002 = arith.constant 0 : i32
    %dma_start3A_1003 = tpu.memref_slice %arg9[%dma_start3A_997, %dma_start3A_1002] : memref<4x80xi32, #tpu.memory_space<vmem>> -> memref<1x80xi32, #tpu.memory_space<vmem>>
    %dma_start3A_1004 = tpu.memref_squeeze %dma_start3A_1003 : memref<1x80xi32, #tpu.memory_space<vmem>> -> memref<80xi32, #tpu.memory_space<vmem>>
    %dma_start3A_1005 = arith.constant 0 : i32
    %dma_start3A_1006 = arith.constant 0 : i32
    %dma_start3A_1007 = tpu.memref_slice %arg11[%dma_start3A_1005, %dma_start3A_1006] : memref<10112x128xf32, #tpu.memory_space<vmem_shared>> -> memref<10112x128xf32, #tpu.memory_space<vmem_shared>>
    tpu.enqueue_indirect_dma source(%dma_start3A_1001 : memref<80x128xf32, #tpu.memory_space<vmem>>) target(%dma_start3A_1007 : memref<10112x128xf32, #tpu.memory_space<vmem_shared>>) offsets(%dma_start3A_1004 : memref<80xi32, #tpu.memory_space<vmem>>) semaphore(%arg20 : memref<!tpu.dma_semaphore, #tpu.memory_space<semaphore_mem>>) {add = true}
    %dma_wait3A_1008 = arith.constant 1 : i32
    %dma_wait3A_1009 = arith.constant 1 : i32
    %dma_wait3A_1010 = arith.constant 0 : i32
    %dma_wait3A_1011 = arith.constant 0 : i32
    %dma_wait3A_1012 = tpu.memref_slice %arg10[%dma_wait3A_1008, %dma_wait3A_1010, %dma_wait3A_1011] : memref<4x80x128xf32, #tpu.memory_space<vmem>> -> memref<1x80x128xf32, #tpu.memory_space<vmem>>
    %dma_wait3A_1013 = tpu.memref_squeeze %dma_wait3A_1012 : memref<1x80x128xf32, #tpu.memory_space<vmem>> -> memref<80x128xf32, #tpu.memory_space<vmem>>
    %dma_wait3A_1014 = arith.constant 0 : i32
    %dma_wait3A_1015 = tpu.memref_slice %arg9[%dma_wait3A_1009, %dma_wait3A_1014] : memref<4x80xi32, #tpu.memory_space<vmem>> -> memref<1x80xi32, #tpu.memory_space<vmem>>
    %dma_wait3A_1016 = tpu.memref_squeeze %dma_wait3A_1015 : memref<1x80xi32, #tpu.memory_space<vmem>> -> memref<80xi32, #tpu.memory_space<vmem>>
    %dma_wait3A_1017 = arith.constant 0 : i32
    %dma_wait3A_1018 = arith.constant 0 : i32
    %dma_wait3A_1019 = tpu.memref_slice %arg11[%dma_wait3A_1017, %dma_wait3A_1018] : memref<10112x128xf32, #tpu.memory_space<vmem_shared>> -> memref<10112x128xf32, #tpu.memory_space<vmem_shared>>
    tpu.wait_indirect_dma semaphore(%arg18 : memref<!tpu.dma_semaphore, #tpu.memory_space<semaphore_mem>>) src(%dma_wait3A_1013 : memref<80x128xf32, #tpu.memory_space<vmem>>) dst(%dma_wait3A_1019 : memref<10112x128xf32, #tpu.memory_space<vmem_shared>>)
    %get3A_1020 = arith.constant 0 : i32
    %get3A_1021 = arith.index_cast %get3A_1020 : i32 to index
    %get3A_1022 = arith.constant 0 : index
    %get3A_1023 = tpu.vector_load %arg7[%get3A_1021, %get3A_1022] {strides = array<i32>} : memref<2x80xi32, #tpu.memory_space<vmem>>, vector<1x16xi32>,
    %get3A_1024 = vector.shape_cast %get3A_1023 : vector<1x16xi32> to vector<16xi32>
    %swap3A_1025 = arith.constant 1 : i32
    %swap3A_1026 = arith.index_cast %swap3A_1025 : i32 to index
    %swap3A_1027 = arith.constant 0 : index
    %swap3A_1028 = tpu.vector_load %arg9[%swap3A_1026, %swap3A_1027] {strides = array<i32>} : memref<4x80xi32, #tpu.memory_space<vmem>>, vector<1x16xi32>,
    %swap3A_1029 = vector.shape_cast %swap3A_1028 : vector<1x16xi32> to vector<16xi32>
    %swap3A_1030 = vector.shape_cast %get3A_1024 : vector<16xi32> to vector<1x16xi32>
    tpu.vector_store %arg9[%swap3A_1026, %swap3A_1027], %swap3A_1030 {strides = array<i32>} : memref<4x80xi32, #tpu.memory_space<vmem>>, vector<1x16xi32>,
    %get3A_1031 = arith.constant 0 : i32
    %get3A_1032 = arith.index_cast %get3A_1031 : i32 to index
    %get3A_1033 = arith.constant 16 : index
    %get3A_1034 = tpu.vector_load %arg7[%get3A_1032, %get3A_1033] {strides = array<i32>} : memref<2x80xi32, #tpu.memory_space<vmem>>, vector<1x16xi32>,
    %get3A_1035 = vector.shape_cast %get3A_1034 : vector<1x16xi32> to vector<16xi32>
    %swap3A_1036 = arith.constant 1 : i32
    %swap3A_1037 = arith.index_cast %swap3A_1036 : i32 to index
    %swap3A_1038 = arith.constant 16 : index
    %swap3A_1039 = tpu.vector_load %arg9[%swap3A_1037, %swap3A_1038] {strides = array<i32>} : memref<4x80xi32, #tpu.memory_space<vmem>>, vector<1x16xi32>,
    %swap3A_1040 = vector.shape_cast %swap3A_1039 : vector<1x16xi32> to vector<16xi32>
    %swap3A_1041 = vector.shape_cast %get3A_1035 : vector<16xi32> to vector<1x16xi32>
    tpu.vector_store %arg9[%swap3A_1037, %swap3A_1038], %swap3A_1041 {strides = array<i32>} : memref<4x80xi32, #tpu.memory_space<vmem>>, vector<1x16xi32>,
    %get3A_1042 = arith.constant 0 : i32
    %get3A_1043 = arith.index_cast %get3A_1042 : i32 to index
    %get3A_1044 = arith.constant 32 : index
    %get3A_1045 = tpu.vector_load %arg7[%get3A_1043, %get3A_1044] {strides = array<i32>} : memref<2x80xi32, #tpu.memory_space<vmem>>, vector<1x16xi32>,
    %get3A_1046 = vector.shape_cast %get3A_1045 : vector<1x16xi32> to vector<16xi32>
    %swap3A_1047 = arith.constant 1 : i32
    %swap3A_1048 = arith.index_cast %swap3A_1047 : i32 to index
    %swap3A_1049 = arith.constant 32 : index
    %swap3A_1050 = tpu.vector_load %arg9[%swap3A_1048, %swap3A_1049] {strides = array<i32>} : memref<4x80xi32, #tpu.memory_space<vmem>>, vector<1x16xi32>,
    %swap3A_1051 = vector.shape_cast %swap3A_1050 : vector<1x16xi32> to vector<16xi32>
    %swap3A_1052 = vector.shape_cast %get3A_1046 : vector<16xi32> to vector<1x16xi32>
    tpu.vector_store %arg9[%swap3A_1048, %swap3A_1049], %swap3A_1052 {strides = array<i32>} : memref<4x80xi32, #tpu.memory_space<vmem>>, vector<1x16xi32>,
    %get3A_1053 = arith.constant 0 : i32
    %get3A_1054 = arith.index_cast %get3A_1053 : i32 to index
    %get3A_1055 = arith.constant 48 : index
    %get3A_1056 = tpu.vector_load %arg7[%get3A_1054, %get3A_1055] {strides = array<i32>} : memref<2x80xi32, #tpu.memory_space<vmem>>, vector<1x16xi32>,
    %get3A_1057 = vector.shape_cast %get3A_1056 : vector<1x16xi32> to vector<16xi32>
    %swap3A_1058 = arith.constant 1 : i32
    %swap3A_1059 = arith.index_cast %swap3A_1058 : i32 to index
    %swap3A_1060 = arith.constant 48 : index
    %swap3A_1061 = tpu.vector_load %arg9[%swap3A_1059, %swap3A_1060] {strides = array<i32>} : memref<4x80xi32, #tpu.memory_space<vmem>>, vector<1x16xi32>,
    %swap3A_1062 = vector.shape_cast %swap3A_1061 : vector<1x16xi32> to vector<16xi32>
    %swap3A_1063 = vector.shape_cast %get3A_1057 : vector<16xi32> to vector<1x16xi32>
    tpu.vector_store %arg9[%swap3A_1059, %swap3A_1060], %swap3A_1063 {strides = array<i32>} : memref<4x80xi32, #tpu.memory_space<vmem>>, vector<1x16xi32>,
    %get3A_1064 = arith.constant 0 : i32
    %get3A_1065 = arith.index_cast %get3A_1064 : i32 to index
    %get3A_1066 = arith.constant 64 : index
    %get3A_1067 = tpu.vector_load %arg7[%get3A_1065, %get3A_1066] {strides = array<i32>} : memref<2x80xi32, #tpu.memory_space<vmem>>, vector<1x16xi32>,
    %get3A_1068 = vector.shape_cast %get3A_1067 : vector<1x16xi32> to vector<16xi32>
    %swap3A_1069 = arith.constant 1 : i32
    %swap3A_1070 = arith.index_cast %swap3A_1069 : i32 to index
    %swap3A_1071 = arith.constant 64 : index
    %swap3A_1072 = tpu.vector_load %arg9[%swap3A_1070, %swap3A_1071] {strides = array<i32>} : memref<4x80xi32, #tpu.memory_space<vmem>>, vector<1x16xi32>,
    %swap3A_1073 = vector.shape_cast %swap3A_1072 : vector<1x16xi32> to vector<16xi32>
    %swap3A_1074 = vector.shape_cast %get3A_1068 : vector<16xi32> to vector<1x16xi32>
    tpu.vector_store %arg9[%swap3A_1070, %swap3A_1071], %swap3A_1074 {strides = array<i32>} : memref<4x80xi32, #tpu.memory_space<vmem>>, vector<1x16xi32>,
    %add3A_1075 = arith.constant 9920 : i32
    %add3A_1076 = arith.addi %mul3A_0, %add3A_1075 : i32
    %dma_start3A_1077 = arith.constant 1 : i32
    %dma_start3A_1078 = arith.constant 0 : i32
    %dma_start3A_1079 = arith.constant 0 : i32
    %dma_start3A_1080 = tpu.memref_slice %arg10[%dma_start3A_1077, %dma_start3A_1078, %dma_start3A_1079] : memref<4x80x128xf32, #tpu.memory_space<vmem>> -> memref<1x80x128xf32, #tpu.memory_space<vmem>>
    %dma_start3A_1081 = tpu.memref_squeeze %dma_start3A_1080 : memref<1x80x128xf32, #tpu.memory_space<vmem>> -> memref<80x128xf32, #tpu.memory_space<vmem>>
    %dma_start3A_1082 = tpu.memref_slice %arg3[%add3A_1076, %multiple_of3A] : memref<160000x256xf32, #tpu.memory_space<hbm>> -> memref<80x128xf32, #tpu.memory_space<hbm>>
    %dma_start3A_1083 = arith.constant 0 : i32
    %dma_start3A_1084 = arith.constant 0 : i32
    %dma_start3A_1085 = tpu.memref_slice %arg10[%dma_start3A_1077, %dma_start3A_1083, %dma_start3A_1084] : memref<4x80x128xf32, #tpu.memory_space<vmem>> -> memref<1x80x128xf32, #tpu.memory_space<vmem>>
    %dma_start3A_1086 = tpu.memref_squeeze %dma_start3A_1085 : memref<1x80x128xf32, #tpu.memory_space<vmem>> -> memref<80x128xf32, #tpu.memory_space<vmem>>
    %dma_start3A_1087 = tpu.memref_slice %arg3[%add3A_1076, %multiple_of3A] : memref<160000x256xf32, #tpu.memory_space<hbm>> -> memref<80x128xf32, #tpu.memory_space<hbm>>
    tpu.enqueue_dma source(%dma_start3A_1087 : memref<80x128xf32, #tpu.memory_space<hbm>>) target(%dma_start3A_1086 : memref<80x128xf32, #tpu.memory_space<vmem>>) target_semaphore(%arg14 : memref<!tpu.dma_semaphore, #tpu.memory_space<semaphore_mem>>)
    %dma_wait3A_1088 = arith.constant 0 : i32
    %dma_wait3A_1089 = arith.constant 0 : i32
    %dma_wait3A_1090 = arith.constant 0 : i32
    %dma_wait3A_1091 = arith.constant 0 : i32
    %dma_wait3A_1092 = tpu.memref_slice %arg10[%dma_wait3A_1089, %dma_wait3A_1090, %dma_wait3A_1091] : memref<4x80x128xf32, #tpu.memory_space<vmem>> -> memref<1x80x128xf32, #tpu.memory_space<vmem>>
    %dma_wait3A_1093 = tpu.memref_squeeze %dma_wait3A_1092 : memref<1x80x128xf32, #tpu.memory_space<vmem>> -> memref<80x128xf32, #tpu.memory_space<vmem>>
    %dma_wait3A_1094 = arith.constant 0 : i32
    %dma_wait3A_1095 = tpu.memref_slice %arg8[%dma_wait3A_1088, %dma_wait3A_1094] : memref<4x80xi32, #tpu.memory_space<vmem>> -> memref<1x80xi32, #tpu.memory_space<vmem>>
    %dma_wait3A_1096 = tpu.memref_squeeze %dma_wait3A_1095 : memref<1x80xi32, #tpu.memory_space<vmem>> -> memref<80xi32, #tpu.memory_space<vmem>>
    %dma_wait3A_1097 = arith.constant 0 : i32
    %dma_wait3A_1098 = tpu.memref_slice %arg2[%dma_wait3A_1097, %multiple_of3A] : memref<10000x256xf32, #tpu.memory_space<hbm>> -> memref<10000x128xf32, #tpu.memory_space<hbm>>
    tpu.wait_indirect_dma semaphore(%arg13 : memref<!tpu.dma_semaphore, #tpu.memory_space<semaphore_mem>>) src(%dma_wait3A_1098 : memref<10000x128xf32, #tpu.memory_space<hbm>>) dst(%dma_wait3A_1093 : memref<80x128xf32, #tpu.memory_space<vmem>>)
    %dma_start3A_1099 = arith.constant 0 : i32
    %dma_start3A_1100 = arith.constant 0 : i32
    %dma_start3A_1101 = arith.constant 0 : i32
    %dma_start3A_1102 = arith.constant 0 : i32
    %dma_start3A_1103 = tpu.memref_slice %arg10[%dma_start3A_1099, %dma_start3A_1101, %dma_start3A_1102] : memref<4x80x128xf32, #tpu.memory_space<vmem>> -> memref<1x80x128xf32, #tpu.memory_space<vmem>>
    %dma_start3A_1104 = tpu.memref_squeeze %dma_start3A_1103 : memref<1x80x128xf32, #tpu.memory_space<vmem>> -> memref<80x128xf32, #tpu.memory_space<vmem>>
    %dma_start3A_1105 = arith.constant 0 : i32
    %dma_start3A_1106 = tpu.memref_slice %arg9[%dma_start3A_1100, %dma_start3A_1105] : memref<4x80xi32, #tpu.memory_space<vmem>> -> memref<1x80xi32, #tpu.memory_space<vmem>>
    %dma_start3A_1107 = tpu.memref_squeeze %dma_start3A_1106 : memref<1x80xi32, #tpu.memory_space<vmem>> -> memref<80xi32, #tpu.memory_space<vmem>>
    %dma_start3A_1108 = arith.constant 0 : i32
    %dma_start3A_1109 = arith.constant 0 : i32
    %dma_start3A_1110 = tpu.memref_slice %arg11[%dma_start3A_1108, %dma_start3A_1109] : memref<10112x128xf32, #tpu.memory_space<vmem_shared>> -> memref<10112x128xf32, #tpu.memory_space<vmem_shared>>
    tpu.enqueue_indirect_dma source(%dma_start3A_1104 : memref<80x128xf32, #tpu.memory_space<vmem>>) target(%dma_start3A_1110 : memref<10112x128xf32, #tpu.memory_space<vmem_shared>>) offsets(%dma_start3A_1107 : memref<80xi32, #tpu.memory_space<vmem>>) semaphore(%arg17 : memref<!tpu.dma_semaphore, #tpu.memory_space<semaphore_mem>>) {add = true}
    %dma_wait3A_1111 = arith.constant 1 : i32
    %dma_wait3A_1112 = arith.constant 0 : i32
    %dma_wait3A_1113 = arith.constant 0 : i32
    %dma_wait3A_1114 = tpu.memref_slice %arg10[%dma_wait3A_1111, %dma_wait3A_1112, %dma_wait3A_1113] : memref<4x80x128xf32, #tpu.memory_space<vmem>> -> memref<1x80x128xf32, #tpu.memory_space<vmem>>
    %dma_wait3A_1115 = tpu.memref_squeeze %dma_wait3A_1114 : memref<1x80x128xf32, #tpu.memory_space<vmem>> -> memref<80x128xf32, #tpu.memory_space<vmem>>
    %dma_wait3A_1116 = tpu.memref_slice %arg3[%mul3A_0, %multiple_of3A] : memref<160000x256xf32, #tpu.memory_space<hbm>> -> memref<80x128xf32, #tpu.memory_space<hbm>>
    %dma_wait3A_1117 = arith.constant 0 : i32
    %dma_wait3A_1118 = arith.constant 0 : i32
    %dma_wait3A_1119 = tpu.memref_slice %arg10[%dma_wait3A_1111, %dma_wait3A_1117, %dma_wait3A_1118] : memref<4x80x128xf32, #tpu.memory_space<vmem>> -> memref<1x80x128xf32, #tpu.memory_space<vmem>>
    %dma_wait3A_1120 = tpu.memref_squeeze %dma_wait3A_1119 : memref<1x80x128xf32, #tpu.memory_space<vmem>> -> memref<80x128xf32, #tpu.memory_space<vmem>>
    %dma_wait3A_1121 = tpu.memref_slice %arg3[%mul3A_0, %multiple_of3A] : memref<160000x256xf32, #tpu.memory_space<hbm>> -> memref<80x128xf32, #tpu.memory_space<hbm>>
    tpu.wait_dma2 semaphore(%arg14 : memref<!tpu.dma_semaphore, #tpu.memory_space<semaphore_mem>>) src(%dma_wait3A_1121 : memref<80x128xf32, #tpu.memory_space<hbm>>) dst(%dma_wait3A_1120 : memref<80x128xf32, #tpu.memory_space<vmem>>)
    %dma_start3A_1122 = arith.constant 1 : i32
    %dma_start3A_1123 = arith.constant 1 : i32
    %dma_start3A_1124 = arith.constant 0 : i32
    %dma_start3A_1125 = arith.constant 0 : i32
    %dma_start3A_1126 = tpu.memref_slice %arg10[%dma_start3A_1122, %dma_start3A_1124, %dma_start3A_1125] : memref<4x80x128xf32, #tpu.memory_space<vmem>> -> memref<1x80x128xf32, #tpu.memory_space<vmem>>
    %dma_start3A_1127 = tpu.memref_squeeze %dma_start3A_1126 : memref<1x80x128xf32, #tpu.memory_space<vmem>> -> memref<80x128xf32, #tpu.memory_space<vmem>>
    %dma_start3A_1128 = arith.constant 0 : i32
    %dma_start3A_1129 = tpu.memref_slice %arg9[%dma_start3A_1123, %dma_start3A_1128] : memref<4x80xi32, #tpu.memory_space<vmem>> -> memref<1x80xi32, #tpu.memory_space<vmem>>
    %dma_start3A_1130 = tpu.memref_squeeze %dma_start3A_1129 : memref<1x80xi32, #tpu.memory_space<vmem>> -> memref<80xi32, #tpu.memory_space<vmem>>
    %dma_start3A_1131 = arith.constant 0 : i32
    %dma_start3A_1132 = arith.constant 0 : i32
    %dma_start3A_1133 = tpu.memref_slice %arg11[%dma_start3A_1131, %dma_start3A_1132] : memref<10112x128xf32, #tpu.memory_space<vmem_shared>> -> memref<10112x128xf32, #tpu.memory_space<vmem_shared>>
    tpu.enqueue_indirect_dma source(%dma_start3A_1127 : memref<80x128xf32, #tpu.memory_space<vmem>>) target(%dma_start3A_1133 : memref<10112x128xf32, #tpu.memory_space<vmem_shared>>) offsets(%dma_start3A_1130 : memref<80xi32, #tpu.memory_space<vmem>>) semaphore(%arg18 : memref<!tpu.dma_semaphore, #tpu.memory_space<semaphore_mem>>) {add = true}
    %dma_wait3A_1134 = arith.constant 2 : i32
    %dma_wait3A_1135 = arith.constant 2 : i32
    %dma_wait3A_1136 = arith.constant 0 : i32
    %dma_wait3A_1137 = arith.constant 0 : i32
    %dma_wait3A_1138 = tpu.memref_slice %arg10[%dma_wait3A_1134, %dma_wait3A_1136, %dma_wait3A_1137] : memref<4x80x128xf32, #tpu.memory_space<vmem>> -> memref<1x80x128xf32, #tpu.memory_space<vmem>>
    %dma_wait3A_1139 = tpu.memref_squeeze %dma_wait3A_1138 : memref<1x80x128xf32, #tpu.memory_space<vmem>> -> memref<80x128xf32, #tpu.memory_space<vmem>>
    %dma_wait3A_1140 = arith.constant 0 : i32
    %dma_wait3A_1141 = tpu.memref_slice %arg9[%dma_wait3A_1135, %dma_wait3A_1140] : memref<4x80xi32, #tpu.memory_space<vmem>> -> memref<1x80xi32, #tpu.memory_space<vmem>>
    %dma_wait3A_1142 = tpu.memref_squeeze %dma_wait3A_1141 : memref<1x80xi32, #tpu.memory_space<vmem>> -> memref<80xi32, #tpu.memory_space<vmem>>
    %dma_wait3A_1143 = arith.constant 0 : i32
    %dma_wait3A_1144 = arith.constant 0 : i32
    %dma_wait3A_1145 = tpu.memref_slice %arg11[%dma_wait3A_1143, %dma_wait3A_1144] : memref<10112x128xf32, #tpu.memory_space<vmem_shared>> -> memref<10112x128xf32, #tpu.memory_space<vmem_shared>>
    tpu.wait_indirect_dma semaphore(%arg19 : memref<!tpu.dma_semaphore, #tpu.memory_space<semaphore_mem>>) src(%dma_wait3A_1139 : memref<80x128xf32, #tpu.memory_space<vmem>>) dst(%dma_wait3A_1145 : memref<10112x128xf32, #tpu.memory_space<vmem_shared>>)
    %dma_wait3A_1146 = arith.constant 3 : i32
    %dma_wait3A_1147 = arith.constant 3 : i32
    %dma_wait3A_1148 = arith.constant 0 : i32
    %dma_wait3A_1149 = arith.constant 0 : i32
    %dma_wait3A_1150 = tpu.memref_slice %arg10[%dma_wait3A_1146, %dma_wait3A_1148, %dma_wait3A_1149] : memref<4x80x128xf32, #tpu.memory_space<vmem>> -> memref<1x80x128xf32, #tpu.memory_space<vmem>>
    %dma_wait3A_1151 = tpu.memref_squeeze %dma_wait3A_1150 : memref<1x80x128xf32, #tpu.memory_space<vmem>> -> memref<80x128xf32, #tpu.memory_space<vmem>>
    %dma_wait3A_1152 = arith.constant 0 : i32
    %dma_wait3A_1153 = tpu.memref_slice %arg9[%dma_wait3A_1147, %dma_wait3A_1152] : memref<4x80xi32, #tpu.memory_space<vmem>> -> memref<1x80xi32, #tpu.memory_space<vmem>>
    %dma_wait3A_1154 = tpu.memref_squeeze %dma_wait3A_1153 : memref<1x80xi32, #tpu.memory_space<vmem>> -> memref<80xi32, #tpu.memory_space<vmem>>
    %dma_wait3A_1155 = arith.constant 0 : i32
    %dma_wait3A_1156 = arith.constant 0 : i32
    %dma_wait3A_1157 = tpu.memref_slice %arg11[%dma_wait3A_1155, %dma_wait3A_1156] : memref<10112x128xf32, #tpu.memory_space<vmem_shared>> -> memref<10112x128xf32, #tpu.memory_space<vmem_shared>>
    tpu.wait_indirect_dma semaphore(%arg20 : memref<!tpu.dma_semaphore, #tpu.memory_space<semaphore_mem>>) src(%dma_wait3A_1151 : memref<80x128xf32, #tpu.memory_space<vmem>>) dst(%dma_wait3A_1157 : memref<10112x128xf32, #tpu.memory_space<vmem_shared>>)
    %dma_wait3A_1158 = arith.constant 0 : i32
    %dma_wait3A_1159 = arith.constant 0 : i32
    %dma_wait3A_1160 = arith.constant 0 : i32
    %dma_wait3A_1161 = arith.constant 0 : i32
    %dma_wait3A_1162 = tpu.memref_slice %arg10[%dma_wait3A_1158, %dma_wait3A_1160, %dma_wait3A_1161] : memref<4x80x128xf32, #tpu.memory_space<vmem>> -> memref<1x80x128xf32, #tpu.memory_space<vmem>>
    %dma_wait3A_1163 = tpu.memref_squeeze %dma_wait3A_1162 : memref<1x80x128xf32, #tpu.memory_space<vmem>> -> memref<80x128xf32, #tpu.memory_space<vmem>>
    %dma_wait3A_1164 = arith.constant 0 : i32
    %dma_wait3A_1165 = tpu.memref_slice %arg9[%dma_wait3A_1159, %dma_wait3A_1164] : memref<4x80xi32, #tpu.memory_space<vmem>> -> memref<1x80xi32, #tpu.memory_space<vmem>>
    %dma_wait3A_1166 = tpu.memref_squeeze %dma_wait3A_1165 : memref<1x80xi32, #tpu.memory_space<vmem>> -> memref<80xi32, #tpu.memory_space<vmem>>
    %dma_wait3A_1167 = arith.constant 0 : i32
    %dma_wait3A_1168 = arith.constant 0 : i32
    %dma_wait3A_1169 = tpu.memref_slice %arg11[%dma_wait3A_1167, %dma_wait3A_1168] : memref<10112x128xf32, #tpu.memory_space<vmem_shared>> -> memref<10112x128xf32, #tpu.memory_space<vmem_shared>>
    tpu.wait_indirect_dma semaphore(%arg17 : memref<!tpu.dma_semaphore, #tpu.memory_space<semaphore_mem>>) src(%dma_wait3A_1163 : memref<80x128xf32, #tpu.memory_space<vmem>>) dst(%dma_wait3A_1169 : memref<10112x128xf32, #tpu.memory_space<vmem_shared>>)
    %dma_wait3A_1170 = arith.constant 1 : i32
    %dma_wait3A_1171 = arith.constant 1 : i32
    %dma_wait3A_1172 = arith.constant 0 : i32
    %dma_wait3A_1173 = arith.constant 0 : i32
    %dma_wait3A_1174 = tpu.memref_slice %arg10[%dma_wait3A_1170, %dma_wait3A_1172, %dma_wait3A_1173] : memref<4x80x128xf32, #tpu.memory_space<vmem>> -> memref<1x80x128xf32, #tpu.memory_space<vmem>>
    %dma_wait3A_1175 = tpu.memref_squeeze %dma_wait3A_1174 : memref<1x80x128xf32, #tpu.memory_space<vmem>> -> memref<80x128xf32, #tpu.memory_space<vmem>>
    %dma_wait3A_1176 = arith.constant 0 : i32
    %dma_wait3A_1177 = tpu.memref_slice %arg9[%dma_wait3A_1171, %dma_wait3A_1176] : memref<4x80xi32, #tpu.memory_space<vmem>> -> memref<1x80xi32, #tpu.memory_space<vmem>>
    %dma_wait3A_1178 = tpu.memref_squeeze %dma_wait3A_1177 : memref<1x80xi32, #tpu.memory_space<vmem>> -> memref<80xi32, #tpu.memory_space<vmem>>
    %dma_wait3A_1179 = arith.constant 0 : i32
    %dma_wait3A_1180 = arith.constant 0 : i32
    %dma_wait3A_1181 = tpu.memref_slice %arg11[%dma_wait3A_1179, %dma_wait3A_1180] : memref<10112x128xf32, #tpu.memory_space<vmem_shared>> -> memref<10112x128xf32, #tpu.memory_space<vmem_shared>>
    tpu.wait_indirect_dma semaphore(%arg18 : memref<!tpu.dma_semaphore, #tpu.memory_space<semaphore_mem>>) src(%dma_wait3A_1175 : memref<80x128xf32, #tpu.memory_space<vmem>>) dst(%dma_wait3A_1181 : memref<10112x128xf32, #tpu.memory_space<vmem_shared>>)
    %barrier3A_1182 = arith.constant 0 : index
    tpu.barrier barrier_id(%barrier3A_1182)
    %lt3A = arith.constant 15 : i32
    %lt3A_1183 = arith.cmpi slt, %arg1, %lt3A : i32
    %convert_element_type3A = arith.extui %lt3A_1183 : i1 to i32
    %cond3A = arith.constant 0 : i32
    %cond3A_1184 = arith.cmpi ne, %convert_element_type3A, %cond3A : i32
    scf.if %cond3A_1184 {
      %add3A_1189 = arith.constant 0 : i32
      %add3A_1190 = arith.addi %mul3A_2, %add3A_1189 : i32
      %run_scoped3A = arith.constant 0 : i32
      "tpu.region"() ({
        %run_scoped3A_1420 = tpu.sem_alloc : memref<!tpu.dma_semaphore, #tpu.memory_space<semaphore_mem>>
        %dma_start3A_1421 = arith.constant 0 : i32
        %dma_start3A_1422 = arith.constant 0 : i32
        %dma_start3A_1423 = tpu.memref_slice %arg10[%run_scoped3A, %dma_start3A_1421, %dma_start3A_1422] : memref<4x80x128xf32, #tpu.memory_space<vmem>> -> memref<1x80x128xf32, #tpu.memory_space<vmem>>
        %dma_start3A_1424 = tpu.memref_squeeze %dma_start3A_1423 : memref<1x80x128xf32, #tpu.memory_space<vmem>> -> memref<80x128xf32, #tpu.memory_space<vmem>>
        %dma_start3A_1425 = arith.constant 0 : i32
        %dma_start3A_1426 = tpu.memref_slice %arg11[%add3A_1190, %dma_start3A_1425] : memref<10112x128xf32, #tpu.memory_space<vmem_shared>> -> memref<80x128xf32, #tpu.memory_space<vmem_shared>>
        %dma_start3A_1427 = arith.constant 0 : i32
        %dma_start3A_1428 = arith.constant 0 : i32
        %dma_start3A_1429 = tpu.memref_slice %arg10[%run_scoped3A, %dma_start3A_1427, %dma_start3A_1428] : memref<4x80x128xf32, #tpu.memory_space<vmem>> -> memref<1x80x128xf32, #tpu.memory_space<vmem>>
        %dma_start3A_1430 = tpu.memref_squeeze %dma_start3A_1429 : memref<1x80x128xf32, #tpu.memory_space<vmem>> -> memref<80x128xf32, #tpu.memory_space<vmem>>
        %dma_start3A_1431 = arith.constant 0 : i32
        %dma_start3A_1432 = tpu.memref_slice %arg11[%add3A_1190, %dma_start3A_1431] : memref<10112x128xf32, #tpu.memory_space<vmem_shared>> -> memref<80x128xf32, #tpu.memory_space<vmem_shared>>
        tpu.enqueue_dma source(%dma_start3A_1432 : memref<80x128xf32, #tpu.memory_space<vmem_shared>>) target(%dma_start3A_1430 : memref<80x128xf32, #tpu.memory_space<vmem>>) target_semaphore(%run_scoped3A_1420 : memref<!tpu.dma_semaphore, #tpu.memory_space<semaphore_mem>>)
        %dma_wait3A_1433 = arith.constant 0 : i32
        %dma_wait3A_1434 = arith.constant 0 : i32
        %dma_wait3A_1435 = tpu.memref_slice %arg10[%run_scoped3A, %dma_wait3A_1433, %dma_wait3A_1434] : memref<4x80x128xf32, #tpu.memory_space<vmem>> -> memref<1x80x128xf32, #tpu.memory_space<vmem>>
        %dma_wait3A_1436 = tpu.memref_squeeze %dma_wait3A_1435 : memref<1x80x128xf32, #tpu.memory_space<vmem>> -> memref<80x128xf32, #tpu.memory_space<vmem>>
        %dma_wait3A_1437 = arith.constant 0 : i32
        %dma_wait3A_1438 = tpu.memref_slice %arg11[%add3A_1190, %dma_wait3A_1437] : memref<10112x128xf32, #tpu.memory_space<vmem_shared>> -> memref<80x128xf32, #tpu.memory_space<vmem_shared>>
        %dma_wait3A_1439 = arith.constant 0 : i32
        %dma_wait3A_1440 = arith.constant 0 : i32
        %dma_wait3A_1441 = tpu.memref_slice %arg10[%run_scoped3A, %dma_wait3A_1439, %dma_wait3A_1440] : memref<4x80x128xf32, #tpu.memory_space<vmem>> -> memref<1x80x128xf32, #tpu.memory_space<vmem>>
        %dma_wait3A_1442 = tpu.memref_squeeze %dma_wait3A_1441 : memref<1x80x128xf32, #tpu.memory_space<vmem>> -> memref<80x128xf32, #tpu.memory_space<vmem>>
        %dma_wait3A_1443 = arith.constant 0 : i32
        %dma_wait3A_1444 = tpu.memref_slice %arg11[%add3A_1190, %dma_wait3A_1443] : memref<10112x128xf32, #tpu.memory_space<vmem_shared>> -> memref<80x128xf32, #tpu.memory_space<vmem_shared>>
        tpu.wait_dma2 semaphore(%run_scoped3A_1420 : memref<!tpu.dma_semaphore, #tpu.memory_space<semaphore_mem>>) src(%dma_wait3A_1444 : memref<80x128xf32, #tpu.memory_space<vmem_shared>>) dst(%dma_wait3A_1442 : memref<80x128xf32, #tpu.memory_space<vmem>>)
        tpu.yield
      }) : () -> ()
      %add3A_1191 = arith.constant 0 : i32
      %add3A_1192 = arith.addi %mul3A_2, %add3A_1191 : i32
      %dma_start3A_1193 = arith.constant 0 : i32
      %dma_start3A_1194 = arith.constant 0 : i32
      %dma_start3A_1195 = arith.constant 0 : i32
      %dma_start3A_1196 = tpu.memref_slice %arg10[%dma_start3A_1193, %dma_start3A_1194, %dma_start3A_1195] : memref<4x80x128xf32, #tpu.memory_space<vmem>> -> memref<1x80x128xf32, #tpu.memory_space<vmem>>
      %dma_start3A_1197 = tpu.memref_squeeze %dma_start3A_1196 : memref<1x80x128xf32, #tpu.memory_space<vmem>> -> memref<80x128xf32, #tpu.memory_space<vmem>>
      %dma_start3A_1198 = tpu.memref_slice %arg5[%add3A_1192, %multiple_of3A] : memref<10000x256xf32, #tpu.memory_space<hbm>> -> memref<80x128xf32, #tpu.memory_space<hbm>>
      %dma_start3A_1199 = tpu.memref_slice %arg5[%add3A_1192, %multiple_of3A] : memref<10000x256xf32, #tpu.memory_space<hbm>> -> memref<80x128xf32, #tpu.memory_space<hbm>>
      %dma_start3A_1200 = arith.constant 0 : i32
      %dma_start3A_1201 = arith.constant 0 : i32
      %dma_start3A_1202 = tpu.memref_slice %arg10[%dma_start3A_1193, %dma_start3A_1200, %dma_start3A_1201] : memref<4x80x128xf32, #tpu.memory_space<vmem>> -> memref<1x80x128xf32, #tpu.memory_space<vmem>>
      %dma_start3A_1203 = tpu.memref_squeeze %dma_start3A_1202 : memref<1x80x128xf32, #tpu.memory_space<vmem>> -> memref<80x128xf32, #tpu.memory_space<vmem>>
      tpu.enqueue_dma source(%dma_start3A_1203 : memref<80x128xf32, #tpu.memory_space<vmem>>) target(%dma_start3A_1199 : memref<80x128xf32, #tpu.memory_space<hbm>>) target_semaphore(%arg13 : memref<!tpu.dma_semaphore, #tpu.memory_space<semaphore_mem>>)
      %add3A_1204 = arith.constant 80 : i32
      %add3A_1205 = arith.addi %mul3A_2, %add3A_1204 : i32
      %run_scoped3A_1206 = arith.constant 1 : i32
      "tpu.region"() ({
        %run_scoped3A_1420 = tpu.sem_alloc : memref<!tpu.dma_semaphore, #tpu.memory_space<semaphore_mem>>
        %dma_start3A_1421 = arith.constant 0 : i32
        %dma_start3A_1422 = arith.constant 0 : i32
        %dma_start3A_1423 = tpu.memref_slice %arg10[%run_scoped3A_1206, %dma_start3A_1421, %dma_start3A_1422] : memref<4x80x128xf32, #tpu.memory_space<vmem>> -> memref<1x80x128xf32, #tpu.memory_space<vmem>>
        %dma_start3A_1424 = tpu.memref_squeeze %dma_start3A_1423 : memref<1x80x128xf32, #tpu.memory_space<vmem>> -> memref<80x128xf32, #tpu.memory_space<vmem>>
        %dma_start3A_1425 = arith.constant 0 : i32
        %dma_start3A_1426 = tpu.memref_slice %arg11[%add3A_1205, %dma_start3A_1425] : memref<10112x128xf32, #tpu.memory_space<vmem_shared>> -> memref<80x128xf32, #tpu.memory_space<vmem_shared>>
        %dma_start3A_1427 = arith.constant 0 : i32
        %dma_start3A_1428 = arith.constant 0 : i32
        %dma_start3A_1429 = tpu.memref_slice %arg10[%run_scoped3A_1206, %dma_start3A_1427, %dma_start3A_1428] : memref<4x80x128xf32, #tpu.memory_space<vmem>> -> memref<1x80x128xf32, #tpu.memory_space<vmem>>
        %dma_start3A_1430 = tpu.memref_squeeze %dma_start3A_1429 : memref<1x80x128xf32, #tpu.memory_space<vmem>> -> memref<80x128xf32, #tpu.memory_space<vmem>>
        %dma_start3A_1431 = arith.constant 0 : i32
        %dma_start3A_1432 = tpu.memref_slice %arg11[%add3A_1205, %dma_start3A_1431] : memref<10112x128xf32, #tpu.memory_space<vmem_shared>> -> memref<80x128xf32, #tpu.memory_space<vmem_shared>>
        tpu.enqueue_dma source(%dma_start3A_1432 : memref<80x128xf32, #tpu.memory_space<vmem_shared>>) target(%dma_start3A_1430 : memref<80x128xf32, #tpu.memory_space<vmem>>) target_semaphore(%run_scoped3A_1420 : memref<!tpu.dma_semaphore, #tpu.memory_space<semaphore_mem>>)
        %dma_wait3A_1433 = arith.constant 0 : i32
        %dma_wait3A_1434 = arith.constant 0 : i32
        %dma_wait3A_1435 = tpu.memref_slice %arg10[%run_scoped3A_1206, %dma_wait3A_1433, %dma_wait3A_1434] : memref<4x80x128xf32, #tpu.memory_space<vmem>> -> memref<1x80x128xf32, #tpu.memory_space<vmem>>
        %dma_wait3A_1436 = tpu.memref_squeeze %dma_wait3A_1435 : memref<1x80x128xf32, #tpu.memory_space<vmem>> -> memref<80x128xf32, #tpu.memory_space<vmem>>
        %dma_wait3A_1437 = arith.constant 0 : i32
        %dma_wait3A_1438 = tpu.memref_slice %arg11[%add3A_1205, %dma_wait3A_1437] : memref<10112x128xf32, #tpu.memory_space<vmem_shared>> -> memref<80x128xf32, #tpu.memory_space<vmem_shared>>
        %dma_wait3A_1439 = arith.constant 0 : i32
        %dma_wait3A_1440 = arith.constant 0 : i32
        %dma_wait3A_1441 = tpu.memref_slice %arg10[%run_scoped3A_1206, %dma_wait3A_1439, %dma_wait3A_1440] : memref<4x80x128xf32, #tpu.memory_space<vmem>> -> memref<1x80x128xf32, #tpu.memory_space<vmem>>
        %dma_wait3A_1442 = tpu.memref_squeeze %dma_wait3A_1441 : memref<1x80x128xf32, #tpu.memory_space<vmem>> -> memref<80x128xf32, #tpu.memory_space<vmem>>
        %dma_wait3A_1443 = arith.constant 0 : i32
        %dma_wait3A_1444 = tpu.memref_slice %arg11[%add3A_1205, %dma_wait3A_1443] : memref<10112x128xf32, #tpu.memory_space<vmem_shared>> -> memref<80x128xf32, #tpu.memory_space<vmem_shared>>
        tpu.wait_dma2 semaphore(%run_scoped3A_1420 : memref<!tpu.dma_semaphore, #tpu.memory_space<semaphore_mem>>) src(%dma_wait3A_1444 : memref<80x128xf32, #tpu.memory_space<vmem_shared>>) dst(%dma_wait3A_1442 : memref<80x128xf32, #tpu.memory_space<vmem>>)
        tpu.yield
      }) : () -> ()
      %add3A_1207 = arith.constant 80 : i32
      %add3A_1208 = arith.addi %mul3A_2, %add3A_1207 : i32
      %dma_start3A_1209 = arith.constant 1 : i32
      %dma_start3A_1210 = arith.constant 0 : i32
      %dma_start3A_1211 = arith.constant 0 : i32
      %dma_start3A_1212 = tpu.memref_slice %arg10[%dma_start3A_1209, %dma_start3A_1210, %dma_start3A_1211] : memref<4x80x128xf32, #tpu.memory_space<vmem>> -> memref<1x80x128xf32, #tpu.memory_space<vmem>>
      %dma_start3A_1213 = tpu.memref_squeeze %dma_start3A_1212 : memref<1x80x128xf32, #tpu.memory_space<vmem>> -> memref<80x128xf32, #tpu.memory_space<vmem>>
      %dma_start3A_1214 = tpu.memref_slice %arg5[%add3A_1208, %multiple_of3A] : memref<10000x256xf32, #tpu.memory_space<hbm>> -> memref<80x128xf32, #tpu.memory_space<hbm>>
      %dma_start3A_1215 = tpu.memref_slice %arg5[%add3A_1208, %multiple_of3A] : memref<10000x256xf32, #tpu.memory_space<hbm>> -> memref<80x128xf32, #tpu.memory_space<hbm>>
      %dma_start3A_1216 = arith.constant 0 : i32
      %dma_start3A_1217 = arith.constant 0 : i32
      %dma_start3A_1218 = tpu.memref_slice %arg10[%dma_start3A_1209, %dma_start3A_1216, %dma_start3A_1217] : memref<4x80x128xf32, #tpu.memory_space<vmem>> -> memref<1x80x128xf32, #tpu.memory_space<vmem>>
      %dma_start3A_1219 = tpu.memref_squeeze %dma_start3A_1218 : memref<1x80x128xf32, #tpu.memory_space<vmem>> -> memref<80x128xf32, #tpu.memory_space<vmem>>
      tpu.enqueue_dma source(%dma_start3A_1219 : memref<80x128xf32, #tpu.memory_space<vmem>>) target(%dma_start3A_1215 : memref<80x128xf32, #tpu.memory_space<hbm>>) target_semaphore(%arg14 : memref<!tpu.dma_semaphore, #tpu.memory_space<semaphore_mem>>)
      %add3A_1220 = arith.constant 0 : i32
      %add3A_1221 = arith.addi %mul3A_2, %add3A_1220 : i32
      %dma_wait3A_1222 = arith.constant 0 : i32
      %dma_wait3A_1223 = arith.constant 0 : i32
      %dma_wait3A_1224 = arith.constant 0 : i32
      %dma_wait3A_1225 = tpu.memref_slice %arg10[%dma_wait3A_1222, %dma_wait3A_1223, %dma_wait3A_1224] : memref<4x80x128xf32, #tpu.memory_space<vmem>> -> memref<1x80x128xf32, #tpu.memory_space<vmem>>
      %dma_wait3A_1226 = tpu.memref_squeeze %dma_wait3A_1225 : memref<1x80x128xf32, #tpu.memory_space<vmem>> -> memref<80x128xf32, #tpu.memory_space<vmem>>
      %dma_wait3A_1227 = tpu.memref_slice %arg5[%add3A_1221, %multiple_of3A] : memref<10000x256xf32, #tpu.memory_space<hbm>> -> memref<80x128xf32, #tpu.memory_space<hbm>>
      %dma_wait3A_1228 = tpu.memref_slice %arg5[%add3A_1221, %multiple_of3A] : memref<10000x256xf32, #tpu.memory_space<hbm>> -> memref<80x128xf32, #tpu.memory_space<hbm>>
      %dma_wait3A_1229 = arith.constant 0 : i32
      %dma_wait3A_1230 = arith.constant 0 : i32
      %dma_wait3A_1231 = tpu.memref_slice %arg10[%dma_wait3A_1222, %dma_wait3A_1229, %dma_wait3A_1230] : memref<4x80x128xf32, #tpu.memory_space<vmem>> -> memref<1x80x128xf32, #tpu.memory_space<vmem>>
      %dma_wait3A_1232 = tpu.memref_squeeze %dma_wait3A_1231 : memref<1x80x128xf32, #tpu.memory_space<vmem>> -> memref<80x128xf32, #tpu.memory_space<vmem>>
      tpu.wait_dma2 semaphore(%arg13 : memref<!tpu.dma_semaphore, #tpu.memory_space<semaphore_mem>>) src(%dma_wait3A_1232 : memref<80x128xf32, #tpu.memory_space<vmem>>) dst(%dma_wait3A_1228 : memref<80x128xf32, #tpu.memory_space<hbm>>)
      %add3A_1233 = arith.constant 160 : i32
      %add3A_1234 = arith.addi %mul3A_2, %add3A_1233 : i32
      %run_scoped3A_1235 = arith.constant 0 : i32
      "tpu.region"() ({
        %run_scoped3A_1420 = tpu.sem_alloc : memref<!tpu.dma_semaphore, #tpu.memory_space<semaphore_mem>>
        %dma_start3A_1421 = arith.constant 0 : i32
        %dma_start3A_1422 = arith.constant 0 : i32
        %dma_start3A_1423 = tpu.memref_slice %arg10[%run_scoped3A_1235, %dma_start3A_1421, %dma_start3A_1422] : memref<4x80x128xf32, #tpu.memory_space<vmem>> -> memref<1x80x128xf32, #tpu.memory_space<vmem>>
        %dma_start3A_1424 = tpu.memref_squeeze %dma_start3A_1423 : memref<1x80x128xf32, #tpu.memory_space<vmem>> -> memref<80x128xf32, #tpu.memory_space<vmem>>
        %dma_start3A_1425 = arith.constant 0 : i32
        %dma_start3A_1426 = tpu.memref_slice %arg11[%add3A_1234, %dma_start3A_1425] : memref<10112x128xf32, #tpu.memory_space<vmem_shared>> -> memref<80x128xf32, #tpu.memory_space<vmem_shared>>
        %dma_start3A_1427 = arith.constant 0 : i32
        %dma_start3A_1428 = arith.constant 0 : i32
        %dma_start3A_1429 = tpu.memref_slice %arg10[%run_scoped3A_1235, %dma_start3A_1427, %dma_start3A_1428] : memref<4x80x128xf32, #tpu.memory_space<vmem>> -> memref<1x80x128xf32, #tpu.memory_space<vmem>>
        %dma_start3A_1430 = tpu.memref_squeeze %dma_start3A_1429 : memref<1x80x128xf32, #tpu.memory_space<vmem>> -> memref<80x128xf32, #tpu.memory_space<vmem>>
        %dma_start3A_1431 = arith.constant 0 : i32
        %dma_start3A_1432 = tpu.memref_slice %arg11[%add3A_1234, %dma_start3A_1431] : memref<10112x128xf32, #tpu.memory_space<vmem_shared>> -> memref<80x128xf32, #tpu.memory_space<vmem_shared>>
        tpu.enqueue_dma source(%dma_start3A_1432 : memref<80x128xf32, #tpu.memory_space<vmem_shared>>) target(%dma_start3A_1430 : memref<80x128xf32, #tpu.memory_space<vmem>>) target_semaphore(%run_scoped3A_1420 : memref<!tpu.dma_semaphore, #tpu.memory_space<semaphore_mem>>)
        %dma_wait3A_1433 = arith.constant 0 : i32
        %dma_wait3A_1434 = arith.constant 0 : i32
        %dma_wait3A_1435 = tpu.memref_slice %arg10[%run_scoped3A_1235, %dma_wait3A_1433, %dma_wait3A_1434] : memref<4x80x128xf32, #tpu.memory_space<vmem>> -> memref<1x80x128xf32, #tpu.memory_space<vmem>>
        %dma_wait3A_1436 = tpu.memref_squeeze %dma_wait3A_1435 : memref<1x80x128xf32, #tpu.memory_space<vmem>> -> memref<80x128xf32, #tpu.memory_space<vmem>>
        %dma_wait3A_1437 = arith.constant 0 : i32
        %dma_wait3A_1438 = tpu.memref_slice %arg11[%add3A_1234, %dma_wait3A_1437] : memref<10112x128xf32, #tpu.memory_space<vmem_shared>> -> memref<80x128xf32, #tpu.memory_space<vmem_shared>>
        %dma_wait3A_1439 = arith.constant 0 : i32
        %dma_wait3A_1440 = arith.constant 0 : i32
        %dma_wait3A_1441 = tpu.memref_slice %arg10[%run_scoped3A_1235, %dma_wait3A_1439, %dma_wait3A_1440] : memref<4x80x128xf32, #tpu.memory_space<vmem>> -> memref<1x80x128xf32, #tpu.memory_space<vmem>>
        %dma_wait3A_1442 = tpu.memref_squeeze %dma_wait3A_1441 : memref<1x80x128xf32, #tpu.memory_space<vmem>> -> memref<80x128xf32, #tpu.memory_space<vmem>>
        %dma_wait3A_1443 = arith.constant 0 : i32
        %dma_wait3A_1444 = tpu.memref_slice %arg11[%add3A_1234, %dma_wait3A_1443] : memref<10112x128xf32, #tpu.memory_space<vmem_shared>> -> memref<80x128xf32, #tpu.memory_space<vmem_shared>>
        tpu.wait_dma2 semaphore(%run_scoped3A_1420 : memref<!tpu.dma_semaphore, #tpu.memory_space<semaphore_mem>>) src(%dma_wait3A_1444 : memref<80x128xf32, #tpu.memory_space<vmem_shared>>) dst(%dma_wait3A_1442 : memref<80x128xf32, #tpu.memory_space<vmem>>)
        tpu.yield
      }) : () -> ()
      %add3A_1236 = arith.constant 160 : i32
      %add3A_1237 = arith.addi %mul3A_2, %add3A_1236 : i32
      %dma_start3A_1238 = arith.constant 0 : i32
      %dma_start3A_1239 = arith.constant 0 : i32
      %dma_start3A_1240 = arith.constant 0 : i32
      %dma_start3A_1241 = tpu.memref_slice %arg10[%dma_start3A_1238, %dma_start3A_1239, %dma_start3A_1240] : memref<4x80x128xf32, #tpu.memory_space<vmem>> -> memref<1x80x128xf32, #tpu.memory_space<vmem>>
      %dma_start3A_1242 = tpu.memref_squeeze %dma_start3A_1241 : memref<1x80x128xf32, #tpu.memory_space<vmem>> -> memref<80x128xf32, #tpu.memory_space<vmem>>
      %dma_start3A_1243 = tpu.memref_slice %arg5[%add3A_1237, %multiple_of3A] : memref<10000x256xf32, #tpu.memory_space<hbm>> -> memref<80x128xf32, #tpu.memory_space<hbm>>
      %dma_start3A_1244 = tpu.memref_slice %arg5[%add3A_1237, %multiple_of3A] : memref<10000x256xf32, #tpu.memory_space<hbm>> -> memref<80x128xf32, #tpu.memory_space<hbm>>
      %dma_start3A_1245 = arith.constant 0 : i32
      %dma_start3A_1246 = arith.constant 0 : i32
      %dma_start3A_1247 = tpu.memref_slice %arg10[%dma_start3A_1238, %dma_start3A_1245, %dma_start3A_1246] : memref<4x80x128xf32, #tpu.memory_space<vmem>> -> memref<1x80x128xf32, #tpu.memory_space<vmem>>
      %dma_start3A_1248 = tpu.memref_squeeze %dma_start3A_1247 : memref<1x80x128xf32, #tpu.memory_space<vmem>> -> memref<80x128xf32, #tpu.memory_space<vmem>>
      tpu.enqueue_dma source(%dma_start3A_1248 : memref<80x128xf32, #tpu.memory_space<vmem>>) target(%dma_start3A_1244 : memref<80x128xf32, #tpu.memory_space<hbm>>) target_semaphore(%arg13 : memref<!tpu.dma_semaphore, #tpu.memory_space<semaphore_mem>>)
      %add3A_1249 = arith.constant 80 : i32
      %add3A_1250 = arith.addi %mul3A_2, %add3A_1249 : i32
      %dma_wait3A_1251 = arith.constant 1 : i32
      %dma_wait3A_1252 = arith.constant 0 : i32
      %dma_wait3A_1253 = arith.constant 0 : i32
      %dma_wait3A_1254 = tpu.memref_slice %arg10[%dma_wait3A_1251, %dma_wait3A_1252, %dma_wait3A_1253] : memref<4x80x128xf32, #tpu.memory_space<vmem>> -> memref<1x80x128xf32, #tpu.memory_space<vmem>>
      %dma_wait3A_1255 = tpu.memref_squeeze %dma_wait3A_1254 : memref<1x80x128xf32, #tpu.memory_space<vmem>> -> memref<80x128xf32, #tpu.memory_space<vmem>>
      %dma_wait3A_1256 = tpu.memref_slice %arg5[%add3A_1250, %multiple_of3A] : memref<10000x256xf32, #tpu.memory_space<hbm>> -> memref<80x128xf32, #tpu.memory_space<hbm>>
      %dma_wait3A_1257 = tpu.memref_slice %arg5[%add3A_1250, %multiple_of3A] : memref<10000x256xf32, #tpu.memory_space<hbm>> -> memref<80x128xf32, #tpu.memory_space<hbm>>
      %dma_wait3A_1258 = arith.constant 0 : i32
      %dma_wait3A_1259 = arith.constant 0 : i32
      %dma_wait3A_1260 = tpu.memref_slice %arg10[%dma_wait3A_1251, %dma_wait3A_1258, %dma_wait3A_1259] : memref<4x80x128xf32, #tpu.memory_space<vmem>> -> memref<1x80x128xf32, #tpu.memory_space<vmem>>
      %dma_wait3A_1261 = tpu.memref_squeeze %dma_wait3A_1260 : memref<1x80x128xf32, #tpu.memory_space<vmem>> -> memref<80x128xf32, #tpu.memory_space<vmem>>
      tpu.wait_dma2 semaphore(%arg14 : memref<!tpu.dma_semaphore, #tpu.memory_space<semaphore_mem>>) src(%dma_wait3A_1261 : memref<80x128xf32, #tpu.memory_space<vmem>>) dst(%dma_wait3A_1257 : memref<80x128xf32, #tpu.memory_space<hbm>>)
      %add3A_1262 = arith.constant 240 : i32
      %add3A_1263 = arith.addi %mul3A_2, %add3A_1262 : i32
      %run_scoped3A_1264 = arith.constant 1 : i32
      "tpu.region"() ({
        %run_scoped3A_1420 = tpu.sem_alloc : memref<!tpu.dma_semaphore, #tpu.memory_space<semaphore_mem>>
        %dma_start3A_1421 = arith.constant 0 : i32
        %dma_start3A_1422 = arith.constant 0 : i32
        %dma_start3A_1423 = tpu.memref_slice %arg10[%run_scoped3A_1264, %dma_start3A_1421, %dma_start3A_1422] : memref<4x80x128xf32, #tpu.memory_space<vmem>> -> memref<1x80x128xf32, #tpu.memory_space<vmem>>
        %dma_start3A_1424 = tpu.memref_squeeze %dma_start3A_1423 : memref<1x80x128xf32, #tpu.memory_space<vmem>> -> memref<80x128xf32, #tpu.memory_space<vmem>>
        %dma_start3A_1425 = arith.constant 0 : i32
        %dma_start3A_1426 = tpu.memref_slice %arg11[%add3A_1263, %dma_start3A_1425] : memref<10112x128xf32, #tpu.memory_space<vmem_shared>> -> memref<80x128xf32, #tpu.memory_space<vmem_shared>>
        %dma_start3A_1427 = arith.constant 0 : i32
        %dma_start3A_1428 = arith.constant 0 : i32
        %dma_start3A_1429 = tpu.memref_slice %arg10[%run_scoped3A_1264, %dma_start3A_1427, %dma_start3A_1428] : memref<4x80x128xf32, #tpu.memory_space<vmem>> -> memref<1x80x128xf32, #tpu.memory_space<vmem>>
        %dma_start3A_1430 = tpu.memref_squeeze %dma_start3A_1429 : memref<1x80x128xf32, #tpu.memory_space<vmem>> -> memref<80x128xf32, #tpu.memory_space<vmem>>
        %dma_start3A_1431 = arith.constant 0 : i32
        %dma_start3A_1432 = tpu.memref_slice %arg11[%add3A_1263, %dma_start3A_1431] : memref<10112x128xf32, #tpu.memory_space<vmem_shared>> -> memref<80x128xf32, #tpu.memory_space<vmem_shared>>
        tpu.enqueue_dma source(%dma_start3A_1432 : memref<80x128xf32, #tpu.memory_space<vmem_shared>>) target(%dma_start3A_1430 : memref<80x128xf32, #tpu.memory_space<vmem>>) target_semaphore(%run_scoped3A_1420 : memref<!tpu.dma_semaphore, #tpu.memory_space<semaphore_mem>>)
        %dma_wait3A_1433 = arith.constant 0 : i32
        %dma_wait3A_1434 = arith.constant 0 : i32
        %dma_wait3A_1435 = tpu.memref_slice %arg10[%run_scoped3A_1264, %dma_wait3A_1433, %dma_wait3A_1434] : memref<4x80x128xf32, #tpu.memory_space<vmem>> -> memref<1x80x128xf32, #tpu.memory_space<vmem>>
        %dma_wait3A_1436 = tpu.memref_squeeze %dma_wait3A_1435 : memref<1x80x128xf32, #tpu.memory_space<vmem>> -> memref<80x128xf32, #tpu.memory_space<vmem>>
        %dma_wait3A_1437 = arith.constant 0 : i32
        %dma_wait3A_1438 = tpu.memref_slice %arg11[%add3A_1263, %dma_wait3A_1437] : memref<10112x128xf32, #tpu.memory_space<vmem_shared>> -> memref<80x128xf32, #tpu.memory_space<vmem_shared>>
        %dma_wait3A_1439 = arith.constant 0 : i32
        %dma_wait3A_1440 = arith.constant 0 : i32
        %dma_wait3A_1441 = tpu.memref_slice %arg10[%run_scoped3A_1264, %dma_wait3A_1439, %dma_wait3A_1440] : memref<4x80x128xf32, #tpu.memory_space<vmem>> -> memref<1x80x128xf32, #tpu.memory_space<vmem>>
        %dma_wait3A_1442 = tpu.memref_squeeze %dma_wait3A_1441 : memref<1x80x128xf32, #tpu.memory_space<vmem>> -> memref<80x128xf32, #tpu.memory_space<vmem>>
        %dma_wait3A_1443 = arith.constant 0 : i32
        %dma_wait3A_1444 = tpu.memref_slice %arg11[%add3A_1263, %dma_wait3A_1443] : memref<10112x128xf32, #tpu.memory_space<vmem_shared>> -> memref<80x128xf32, #tpu.memory_space<vmem_shared>>
        tpu.wait_dma2 semaphore(%run_scoped3A_1420 : memref<!tpu.dma_semaphore, #tpu.memory_space<semaphore_mem>>) src(%dma_wait3A_1444 : memref<80x128xf32, #tpu.memory_space<vmem_shared>>) dst(%dma_wait3A_1442 : memref<80x128xf32, #tpu.memory_space<vmem>>)
        tpu.yield
      }) : () -> ()
      %add3A_1265 = arith.constant 240 : i32
      %add3A_1266 = arith.addi %mul3A_2, %add3A_1265 : i32
      %dma_start3A_1267 = arith.constant 1 : i32
      %dma_start3A_1268 = arith.constant 0 : i32
      %dma_start3A_1269 = arith.constant 0 : i32
      %dma_start3A_1270 = tpu.memref_slice %arg10[%dma_start3A_1267, %dma_start3A_1268, %dma_start3A_1269] : memref<4x80x128xf32, #tpu.memory_space<vmem>> -> memref<1x80x128xf32, #tpu.memory_space<vmem>>
      %dma_start3A_1271 = tpu.memref_squeeze %dma_start3A_1270 : memref<1x80x128xf32, #tpu.memory_space<vmem>> -> memref<80x128xf32, #tpu.memory_space<vmem>>
      %dma_start3A_1272 = tpu.memref_slice %arg5[%add3A_1266, %multiple_of3A] : memref<10000x256xf32, #tpu.memory_space<hbm>> -> memref<80x128xf32, #tpu.memory_space<hbm>>
      %dma_start3A_1273 = tpu.memref_slice %arg5[%add3A_1266, %multiple_of3A] : memref<10000x256xf32, #tpu.memory_space<hbm>> -> memref<80x128xf32, #tpu.memory_space<hbm>>
      %dma_start3A_1274 = arith.constant 0 : i32
      %dma_start3A_1275 = arith.constant 0 : i32
      %dma_start3A_1276 = tpu.memref_slice %arg10[%dma_start3A_1267, %dma_start3A_1274, %dma_start3A_1275] : memref<4x80x128xf32, #tpu.memory_space<vmem>> -> memref<1x80x128xf32, #tpu.memory_space<vmem>>
      %dma_start3A_1277 = tpu.memref_squeeze %dma_start3A_1276 : memref<1x80x128xf32, #tpu.memory_space<vmem>> -> memref<80x128xf32, #tpu.memory_space<vmem>>
      tpu.enqueue_dma source(%dma_start3A_1277 : memref<80x128xf32, #tpu.memory_space<vmem>>) target(%dma_start3A_1273 : memref<80x128xf32, #tpu.memory_space<hbm>>) target_semaphore(%arg14 : memref<!tpu.dma_semaphore, #tpu.memory_space<semaphore_mem>>)
      %add3A_1278 = arith.constant 160 : i32
      %add3A_1279 = arith.addi %mul3A_2, %add3A_1278 : i32
      %dma_wait3A_1280 = arith.constant 0 : i32
      %dma_wait3A_1281 = arith.constant 0 : i32
      %dma_wait3A_1282 = arith.constant 0 : i32
      %dma_wait3A_1283 = tpu.memref_slice %arg10[%dma_wait3A_1280, %dma_wait3A_1281, %dma_wait3A_1282] : memref<4x80x128xf32, #tpu.memory_space<vmem>> -> memref<1x80x128xf32, #tpu.memory_space<vmem>>
      %dma_wait3A_1284 = tpu.memref_squeeze %dma_wait3A_1283 : memref<1x80x128xf32, #tpu.memory_space<vmem>> -> memref<80x128xf32, #tpu.memory_space<vmem>>
      %dma_wait3A_1285 = tpu.memref_slice %arg5[%add3A_1279, %multiple_of3A] : memref<10000x256xf32, #tpu.memory_space<hbm>> -> memref<80x128xf32, #tpu.memory_space<hbm>>
      %dma_wait3A_1286 = tpu.memref_slice %arg5[%add3A_1279, %multiple_of3A] : memref<10000x256xf32, #tpu.memory_space<hbm>> -> memref<80x128xf32, #tpu.memory_space<hbm>>
      %dma_wait3A_1287 = arith.constant 0 : i32
      %dma_wait3A_1288 = arith.constant 0 : i32
      %dma_wait3A_1289 = tpu.memref_slice %arg10[%dma_wait3A_1280, %dma_wait3A_1287, %dma_wait3A_1288] : memref<4x80x128xf32, #tpu.memory_space<vmem>> -> memref<1x80x128xf32, #tpu.memory_space<vmem>>
      %dma_wait3A_1290 = tpu.memref_squeeze %dma_wait3A_1289 : memref<1x80x128xf32, #tpu.memory_space<vmem>> -> memref<80x128xf32, #tpu.memory_space<vmem>>
      tpu.wait_dma2 semaphore(%arg13 : memref<!tpu.dma_semaphore, #tpu.memory_space<semaphore_mem>>) src(%dma_wait3A_1290 : memref<80x128xf32, #tpu.memory_space<vmem>>) dst(%dma_wait3A_1286 : memref<80x128xf32, #tpu.memory_space<hbm>>)
      %add3A_1291 = arith.constant 320 : i32
      %add3A_1292 = arith.addi %mul3A_2, %add3A_1291 : i32
      %run_scoped3A_1293 = arith.constant 0 : i32
      "tpu.region"() ({
        %run_scoped3A_1420 = tpu.sem_alloc : memref<!tpu.dma_semaphore, #tpu.memory_space<semaphore_mem>>
        %dma_start3A_1421 = arith.constant 0 : i32
        %dma_start3A_1422 = arith.constant 0 : i32
        %dma_start3A_1423 = tpu.memref_slice %arg10[%run_scoped3A_1293, %dma_start3A_1421, %dma_start3A_1422] : memref<4x80x128xf32, #tpu.memory_space<vmem>> -> memref<1x80x128xf32, #tpu.memory_space<vmem>>
        %dma_start3A_1424 = tpu.memref_squeeze %dma_start3A_1423 : memref<1x80x128xf32, #tpu.memory_space<vmem>> -> memref<80x128xf32, #tpu.memory_space<vmem>>
        %dma_start3A_1425 = arith.constant 0 : i32
        %dma_start3A_1426 = tpu.memref_slice %arg11[%add3A_1292, %dma_start3A_1425] : memref<10112x128xf32, #tpu.memory_space<vmem_shared>> -> memref<80x128xf32, #tpu.memory_space<vmem_shared>>
        %dma_start3A_1427 = arith.constant 0 : i32
        %dma_start3A_1428 = arith.constant 0 : i32
        %dma_start3A_1429 = tpu.memref_slice %arg10[%run_scoped3A_1293, %dma_start3A_1427, %dma_start3A_1428] : memref<4x80x128xf32, #tpu.memory_space<vmem>> -> memref<1x80x128xf32, #tpu.memory_space<vmem>>
        %dma_start3A_1430 = tpu.memref_squeeze %dma_start3A_1429 : memref<1x80x128xf32, #tpu.memory_space<vmem>> -> memref<80x128xf32, #tpu.memory_space<vmem>>
        %dma_start3A_1431 = arith.constant 0 : i32
        %dma_start3A_1432 = tpu.memref_slice %arg11[%add3A_1292, %dma_start3A_1431] : memref<10112x128xf32, #tpu.memory_space<vmem_shared>> -> memref<80x128xf32, #tpu.memory_space<vmem_shared>>
        tpu.enqueue_dma source(%dma_start3A_1432 : memref<80x128xf32, #tpu.memory_space<vmem_shared>>) target(%dma_start3A_1430 : memref<80x128xf32, #tpu.memory_space<vmem>>) target_semaphore(%run_scoped3A_1420 : memref<!tpu.dma_semaphore, #tpu.memory_space<semaphore_mem>>)
        %dma_wait3A_1433 = arith.constant 0 : i32
        %dma_wait3A_1434 = arith.constant 0 : i32
        %dma_wait3A_1435 = tpu.memref_slice %arg10[%run_scoped3A_1293, %dma_wait3A_1433, %dma_wait3A_1434] : memref<4x80x128xf32, #tpu.memory_space<vmem>> -> memref<1x80x128xf32, #tpu.memory_space<vmem>>
        %dma_wait3A_1436 = tpu.memref_squeeze %dma_wait3A_1435 : memref<1x80x128xf32, #tpu.memory_space<vmem>> -> memref<80x128xf32, #tpu.memory_space<vmem>>
        %dma_wait3A_1437 = arith.constant 0 : i32
        %dma_wait3A_1438 = tpu.memref_slice %arg11[%add3A_1292, %dma_wait3A_1437] : memref<10112x128xf32, #tpu.memory_space<vmem_shared>> -> memref<80x128xf32, #tpu.memory_space<vmem_shared>>
        %dma_wait3A_1439 = arith.constant 0 : i32
        %dma_wait3A_1440 = arith.constant 0 : i32
        %dma_wait3A_1441 = tpu.memref_slice %arg10[%run_scoped3A_1293, %dma_wait3A_1439, %dma_wait3A_1440] : memref<4x80x128xf32, #tpu.memory_space<vmem>> -> memref<1x80x128xf32, #tpu.memory_space<vmem>>
        %dma_wait3A_1442 = tpu.memref_squeeze %dma_wait3A_1441 : memref<1x80x128xf32, #tpu.memory_space<vmem>> -> memref<80x128xf32, #tpu.memory_space<vmem>>
        %dma_wait3A_1443 = arith.constant 0 : i32
        %dma_wait3A_1444 = tpu.memref_slice %arg11[%add3A_1292, %dma_wait3A_1443] : memref<10112x128xf32, #tpu.memory_space<vmem_shared>> -> memref<80x128xf32, #tpu.memory_space<vmem_shared>>
        tpu.wait_dma2 semaphore(%run_scoped3A_1420 : memref<!tpu.dma_semaphore, #tpu.memory_space<semaphore_mem>>) src(%dma_wait3A_1444 : memref<80x128xf32, #tpu.memory_space<vmem_shared>>) dst(%dma_wait3A_1442 : memref<80x128xf32, #tpu.memory_space<vmem>>)
        tpu.yield
      }) : () -> ()
      %add3A_1294 = arith.constant 320 : i32
      %add3A_1295 = arith.addi %mul3A_2, %add3A_1294 : i32
      %dma_start3A_1296 = arith.constant 0 : i32
      %dma_start3A_1297 = arith.constant 0 : i32
      %dma_start3A_1298 = arith.constant 0 : i32
      %dma_start3A_1299 = tpu.memref_slice %arg10[%dma_start3A_1296, %dma_start3A_1297, %dma_start3A_1298] : memref<4x80x128xf32, #tpu.memory_space<vmem>> -> memref<1x80x128xf32, #tpu.memory_space<vmem>>
      %dma_start3A_1300 = tpu.memref_squeeze %dma_start3A_1299 : memref<1x80x128xf32, #tpu.memory_space<vmem>> -> memref<80x128xf32, #tpu.memory_space<vmem>>
      %dma_start3A_1301 = tpu.memref_slice %arg5[%add3A_1295, %multiple_of3A] : memref<10000x256xf32, #tpu.memory_space<hbm>> -> memref<80x128xf32, #tpu.memory_space<hbm>>
      %dma_start3A_1302 = tpu.memref_slice %arg5[%add3A_1295, %multiple_of3A] : memref<10000x256xf32, #tpu.memory_space<hbm>> -> memref<80x128xf32, #tpu.memory_space<hbm>>
      %dma_start3A_1303 = arith.constant 0 : i32
      %dma_start3A_1304 = arith.constant 0 : i32
      %dma_start3A_1305 = tpu.memref_slice %arg10[%dma_start3A_1296, %dma_start3A_1303, %dma_start3A_1304] : memref<4x80x128xf32, #tpu.memory_space<vmem>> -> memref<1x80x128xf32, #tpu.memory_space<vmem>>
      %dma_start3A_1306 = tpu.memref_squeeze %dma_start3A_1305 : memref<1x80x128xf32, #tpu.memory_space<vmem>> -> memref<80x128xf32, #tpu.memory_space<vmem>>
      tpu.enqueue_dma source(%dma_start3A_1306 : memref<80x128xf32, #tpu.memory_space<vmem>>) target(%dma_start3A_1302 : memref<80x128xf32, #tpu.memory_space<hbm>>) target_semaphore(%arg13 : memref<!tpu.dma_semaphore, #tpu.memory_space<semaphore_mem>>)
      %add3A_1307 = arith.constant 240 : i32
      %add3A_1308 = arith.addi %mul3A_2, %add3A_1307 : i32
      %dma_wait3A_1309 = arith.constant 1 : i32
      %dma_wait3A_1310 = arith.constant 0 : i32
      %dma_wait3A_1311 = arith.constant 0 : i32
      %dma_wait3A_1312 = tpu.memref_slice %arg10[%dma_wait3A_1309, %dma_wait3A_1310, %dma_wait3A_1311] : memref<4x80x128xf32, #tpu.memory_space<vmem>> -> memref<1x80x128xf32, #tpu.memory_space<vmem>>
      %dma_wait3A_1313 = tpu.memref_squeeze %dma_wait3A_1312 : memref<1x80x128xf32, #tpu.memory_space<vmem>> -> memref<80x128xf32, #tpu.memory_space<vmem>>
      %dma_wait3A_1314 = tpu.memref_slice %arg5[%add3A_1308, %multiple_of3A] : memref<10000x256xf32, #tpu.memory_space<hbm>> -> memref<80x128xf32, #tpu.memory_space<hbm>>
      %dma_wait3A_1315 = tpu.memref_slice %arg5[%add3A_1308, %multiple_of3A] : memref<10000x256xf32, #tpu.memory_space<hbm>> -> memref<80x128xf32, #tpu.memory_space<hbm>>
      %dma_wait3A_1316 = arith.constant 0 : i32
      %dma_wait3A_1317 = arith.constant 0 : i32
      %dma_wait3A_1318 = tpu.memref_slice %arg10[%dma_wait3A_1309, %dma_wait3A_1316, %dma_wait3A_1317] : memref<4x80x128xf32, #tpu.memory_space<vmem>> -> memref<1x80x128xf32, #tpu.memory_space<vmem>>
      %dma_wait3A_1319 = tpu.memref_squeeze %dma_wait3A_1318 : memref<1x80x128xf32, #tpu.memory_space<vmem>> -> memref<80x128xf32, #tpu.memory_space<vmem>>
      tpu.wait_dma2 semaphore(%arg14 : memref<!tpu.dma_semaphore, #tpu.memory_space<semaphore_mem>>) src(%dma_wait3A_1319 : memref<80x128xf32, #tpu.memory_space<vmem>>) dst(%dma_wait3A_1315 : memref<80x128xf32, #tpu.memory_space<hbm>>)
      %add3A_1320 = arith.constant 400 : i32
      %add3A_1321 = arith.addi %mul3A_2, %add3A_1320 : i32
      %run_scoped3A_1322 = arith.constant 1 : i32
      "tpu.region"() ({
        %run_scoped3A_1420 = tpu.sem_alloc : memref<!tpu.dma_semaphore, #tpu.memory_space<semaphore_mem>>
        %dma_start3A_1421 = arith.constant 0 : i32
        %dma_start3A_1422 = arith.constant 0 : i32
        %dma_start3A_1423 = tpu.memref_slice %arg10[%run_scoped3A_1322, %dma_start3A_1421, %dma_start3A_1422] : memref<4x80x128xf32, #tpu.memory_space<vmem>> -> memref<1x80x128xf32, #tpu.memory_space<vmem>>
        %dma_start3A_1424 = tpu.memref_squeeze %dma_start3A_1423 : memref<1x80x128xf32, #tpu.memory_space<vmem>> -> memref<80x128xf32, #tpu.memory_space<vmem>>
        %dma_start3A_1425 = arith.constant 0 : i32
        %dma_start3A_1426 = tpu.memref_slice %arg11[%add3A_1321, %dma_start3A_1425] : memref<10112x128xf32, #tpu.memory_space<vmem_shared>> -> memref<80x128xf32, #tpu.memory_space<vmem_shared>>
        %dma_start3A_1427 = arith.constant 0 : i32
        %dma_start3A_1428 = arith.constant 0 : i32
        %dma_start3A_1429 = tpu.memref_slice %arg10[%run_scoped3A_1322, %dma_start3A_1427, %dma_start3A_1428] : memref<4x80x128xf32, #tpu.memory_space<vmem>> -> memref<1x80x128xf32, #tpu.memory_space<vmem>>
        %dma_start3A_1430 = tpu.memref_squeeze %dma_start3A_1429 : memref<1x80x128xf32, #tpu.memory_space<vmem>> -> memref<80x128xf32, #tpu.memory_space<vmem>>
        %dma_start3A_1431 = arith.constant 0 : i32
        %dma_start3A_1432 = tpu.memref_slice %arg11[%add3A_1321, %dma_start3A_1431] : memref<10112x128xf32, #tpu.memory_space<vmem_shared>> -> memref<80x128xf32, #tpu.memory_space<vmem_shared>>
        tpu.enqueue_dma source(%dma_start3A_1432 : memref<80x128xf32, #tpu.memory_space<vmem_shared>>) target(%dma_start3A_1430 : memref<80x128xf32, #tpu.memory_space<vmem>>) target_semaphore(%run_scoped3A_1420 : memref<!tpu.dma_semaphore, #tpu.memory_space<semaphore_mem>>)
        %dma_wait3A_1433 = arith.constant 0 : i32
        %dma_wait3A_1434 = arith.constant 0 : i32
        %dma_wait3A_1435 = tpu.memref_slice %arg10[%run_scoped3A_1322, %dma_wait3A_1433, %dma_wait3A_1434] : memref<4x80x128xf32, #tpu.memory_space<vmem>> -> memref<1x80x128xf32, #tpu.memory_space<vmem>>
        %dma_wait3A_1436 = tpu.memref_squeeze %dma_wait3A_1435 : memref<1x80x128xf32, #tpu.memory_space<vmem>> -> memref<80x128xf32, #tpu.memory_space<vmem>>
        %dma_wait3A_1437 = arith.constant 0 : i32
        %dma_wait3A_1438 = tpu.memref_slice %arg11[%add3A_1321, %dma_wait3A_1437] : memref<10112x128xf32, #tpu.memory_space<vmem_shared>> -> memref<80x128xf32, #tpu.memory_space<vmem_shared>>
        %dma_wait3A_1439 = arith.constant 0 : i32
        %dma_wait3A_1440 = arith.constant 0 : i32
        %dma_wait3A_1441 = tpu.memref_slice %arg10[%run_scoped3A_1322, %dma_wait3A_1439, %dma_wait3A_1440] : memref<4x80x128xf32, #tpu.memory_space<vmem>> -> memref<1x80x128xf32, #tpu.memory_space<vmem>>
        %dma_wait3A_1442 = tpu.memref_squeeze %dma_wait3A_1441 : memref<1x80x128xf32, #tpu.memory_space<vmem>> -> memref<80x128xf32, #tpu.memory_space<vmem>>
        %dma_wait3A_1443 = arith.constant 0 : i32
        %dma_wait3A_1444 = tpu.memref_slice %arg11[%add3A_1321, %dma_wait3A_1443] : memref<10112x128xf32, #tpu.memory_space<vmem_shared>> -> memref<80x128xf32, #tpu.memory_space<vmem_shared>>
        tpu.wait_dma2 semaphore(%run_scoped3A_1420 : memref<!tpu.dma_semaphore, #tpu.memory_space<semaphore_mem>>) src(%dma_wait3A_1444 : memref<80x128xf32, #tpu.memory_space<vmem_shared>>) dst(%dma_wait3A_1442 : memref<80x128xf32, #tpu.memory_space<vmem>>)
        tpu.yield
      }) : () -> ()
      %add3A_1323 = arith.constant 400 : i32
      %add3A_1324 = arith.addi %mul3A_2, %add3A_1323 : i32
      %dma_start3A_1325 = arith.constant 1 : i32
      %dma_start3A_1326 = arith.constant 0 : i32
      %dma_start3A_1327 = arith.constant 0 : i32
      %dma_start3A_1328 = tpu.memref_slice %arg10[%dma_start3A_1325, %dma_start3A_1326, %dma_start3A_1327] : memref<4x80x128xf32, #tpu.memory_space<vmem>> -> memref<1x80x128xf32, #tpu.memory_space<vmem>>
      %dma_start3A_1329 = tpu.memref_squeeze %dma_start3A_1328 : memref<1x80x128xf32, #tpu.memory_space<vmem>> -> memref<80x128xf32, #tpu.memory_space<vmem>>
      %dma_start3A_1330 = tpu.memref_slice %arg5[%add3A_1324, %multiple_of3A] : memref<10000x256xf32, #tpu.memory_space<hbm>> -> memref<80x128xf32, #tpu.memory_space<hbm>>
      %dma_start3A_1331 = tpu.memref_slice %arg5[%add3A_1324, %multiple_of3A] : memref<10000x256xf32, #tpu.memory_space<hbm>> -> memref<80x128xf32, #tpu.memory_space<hbm>>
      %dma_start3A_1332 = arith.constant 0 : i32
      %dma_start3A_1333 = arith.constant 0 : i32
      %dma_start3A_1334 = tpu.memref_slice %arg10[%dma_start3A_1325, %dma_start3A_1332, %dma_start3A_1333] : memref<4x80x128xf32, #tpu.memory_space<vmem>> -> memref<1x80x128xf32, #tpu.memory_space<vmem>>
      %dma_start3A_1335 = tpu.memref_squeeze %dma_start3A_1334 : memref<1x80x128xf32, #tpu.memory_space<vmem>> -> memref<80x128xf32, #tpu.memory_space<vmem>>
      tpu.enqueue_dma source(%dma_start3A_1335 : memref<80x128xf32, #tpu.memory_space<vmem>>) target(%dma_start3A_1331 : memref<80x128xf32, #tpu.memory_space<hbm>>) target_semaphore(%arg14 : memref<!tpu.dma_semaphore, #tpu.memory_space<semaphore_mem>>)
      %add3A_1336 = arith.constant 320 : i32
      %add3A_1337 = arith.addi %mul3A_2, %add3A_1336 : i32
      %dma_wait3A_1338 = arith.constant 0 : i32
      %dma_wait3A_1339 = arith.constant 0 : i32
      %dma_wait3A_1340 = arith.constant 0 : i32
      %dma_wait3A_1341 = tpu.memref_slice %arg10[%dma_wait3A_1338, %dma_wait3A_1339, %dma_wait3A_1340] : memref<4x80x128xf32, #tpu.memory_space<vmem>> -> memref<1x80x128xf32, #tpu.memory_space<vmem>>
      %dma_wait3A_1342 = tpu.memref_squeeze %dma_wait3A_1341 : memref<1x80x128xf32, #tpu.memory_space<vmem>> -> memref<80x128xf32, #tpu.memory_space<vmem>>
      %dma_wait3A_1343 = tpu.memref_slice %arg5[%add3A_1337, %multiple_of3A] : memref<10000x256xf32, #tpu.memory_space<hbm>> -> memref<80x128xf32, #tpu.memory_space<hbm>>
      %dma_wait3A_1344 = tpu.memref_slice %arg5[%add3A_1337, %multiple_of3A] : memref<10000x256xf32, #tpu.memory_space<hbm>> -> memref<80x128xf32, #tpu.memory_space<hbm>>
      %dma_wait3A_1345 = arith.constant 0 : i32
      %dma_wait3A_1346 = arith.constant 0 : i32
      %dma_wait3A_1347 = tpu.memref_slice %arg10[%dma_wait3A_1338, %dma_wait3A_1345, %dma_wait3A_1346] : memref<4x80x128xf32, #tpu.memory_space<vmem>> -> memref<1x80x128xf32, #tpu.memory_space<vmem>>
      %dma_wait3A_1348 = tpu.memref_squeeze %dma_wait3A_1347 : memref<1x80x128xf32, #tpu.memory_space<vmem>> -> memref<80x128xf32, #tpu.memory_space<vmem>>
      tpu.wait_dma2 semaphore(%arg13 : memref<!tpu.dma_semaphore, #tpu.memory_space<semaphore_mem>>) src(%dma_wait3A_1348 : memref<80x128xf32, #tpu.memory_space<vmem>>) dst(%dma_wait3A_1344 : memref<80x128xf32, #tpu.memory_space<hbm>>)
      %add3A_1349 = arith.constant 480 : i32
      %add3A_1350 = arith.addi %mul3A_2, %add3A_1349 : i32
      %run_scoped3A_1351 = arith.constant 0 : i32
      "tpu.region"() ({
        %run_scoped3A_1420 = tpu.sem_alloc : memref<!tpu.dma_semaphore, #tpu.memory_space<semaphore_mem>>
        %dma_start3A_1421 = arith.constant 0 : i32
        %dma_start3A_1422 = arith.constant 0 : i32
        %dma_start3A_1423 = tpu.memref_slice %arg10[%run_scoped3A_1351, %dma_start3A_1421, %dma_start3A_1422] : memref<4x80x128xf32, #tpu.memory_space<vmem>> -> memref<1x80x128xf32, #tpu.memory_space<vmem>>
        %dma_start3A_1424 = tpu.memref_squeeze %dma_start3A_1423 : memref<1x80x128xf32, #tpu.memory_space<vmem>> -> memref<80x128xf32, #tpu.memory_space<vmem>>
        %dma_start3A_1425 = arith.constant 0 : i32
        %dma_start3A_1426 = tpu.memref_slice %arg11[%add3A_1350, %dma_start3A_1425] : memref<10112x128xf32, #tpu.memory_space<vmem_shared>> -> memref<80x128xf32, #tpu.memory_space<vmem_shared>>
        %dma_start3A_1427 = arith.constant 0 : i32
        %dma_start3A_1428 = arith.constant 0 : i32
        %dma_start3A_1429 = tpu.memref_slice %arg10[%run_scoped3A_1351, %dma_start3A_1427, %dma_start3A_1428] : memref<4x80x128xf32, #tpu.memory_space<vmem>> -> memref<1x80x128xf32, #tpu.memory_space<vmem>>
        %dma_start3A_1430 = tpu.memref_squeeze %dma_start3A_1429 : memref<1x80x128xf32, #tpu.memory_space<vmem>> -> memref<80x128xf32, #tpu.memory_space<vmem>>
        %dma_start3A_1431 = arith.constant 0 : i32
        %dma_start3A_1432 = tpu.memref_slice %arg11[%add3A_1350, %dma_start3A_1431] : memref<10112x128xf32, #tpu.memory_space<vmem_shared>> -> memref<80x128xf32, #tpu.memory_space<vmem_shared>>
        tpu.enqueue_dma source(%dma_start3A_1432 : memref<80x128xf32, #tpu.memory_space<vmem_shared>>) target(%dma_start3A_1430 : memref<80x128xf32, #tpu.memory_space<vmem>>) target_semaphore(%run_scoped3A_1420 : memref<!tpu.dma_semaphore, #tpu.memory_space<semaphore_mem>>)
        %dma_wait3A_1433 = arith.constant 0 : i32
        %dma_wait3A_1434 = arith.constant 0 : i32
        %dma_wait3A_1435 = tpu.memref_slice %arg10[%run_scoped3A_1351, %dma_wait3A_1433, %dma_wait3A_1434] : memref<4x80x128xf32, #tpu.memory_space<vmem>> -> memref<1x80x128xf32, #tpu.memory_space<vmem>>
        %dma_wait3A_1436 = tpu.memref_squeeze %dma_wait3A_1435 : memref<1x80x128xf32, #tpu.memory_space<vmem>> -> memref<80x128xf32, #tpu.memory_space<vmem>>
        %dma_wait3A_1437 = arith.constant 0 : i32
        %dma_wait3A_1438 = tpu.memref_slice %arg11[%add3A_1350, %dma_wait3A_1437] : memref<10112x128xf32, #tpu.memory_space<vmem_shared>> -> memref<80x128xf32, #tpu.memory_space<vmem_shared>>
        %dma_wait3A_1439 = arith.constant 0 : i32
        %dma_wait3A_1440 = arith.constant 0 : i32
        %dma_wait3A_1441 = tpu.memref_slice %arg10[%run_scoped3A_1351, %dma_wait3A_1439, %dma_wait3A_1440] : memref<4x80x128xf32, #tpu.memory_space<vmem>> -> memref<1x80x128xf32, #tpu.memory_space<vmem>>
        %dma_wait3A_1442 = tpu.memref_squeeze %dma_wait3A_1441 : memref<1x80x128xf32, #tpu.memory_space<vmem>> -> memref<80x128xf32, #tpu.memory_space<vmem>>
        %dma_wait3A_1443 = arith.constant 0 : i32
        %dma_wait3A_1444 = tpu.memref_slice %arg11[%add3A_1350, %dma_wait3A_1443] : memref<10112x128xf32, #tpu.memory_space<vmem_shared>> -> memref<80x128xf32, #tpu.memory_space<vmem_shared>>
        tpu.wait_dma2 semaphore(%run_scoped3A_1420 : memref<!tpu.dma_semaphore, #tpu.memory_space<semaphore_mem>>) src(%dma_wait3A_1444 : memref<80x128xf32, #tpu.memory_space<vmem_shared>>) dst(%dma_wait3A_1442 : memref<80x128xf32, #tpu.memory_space<vmem>>)
        tpu.yield
      }) : () -> ()
      %add3A_1352 = arith.constant 480 : i32
      %add3A_1353 = arith.addi %mul3A_2, %add3A_1352 : i32
      %dma_start3A_1354 = arith.constant 0 : i32
      %dma_start3A_1355 = arith.constant 0 : i32
      %dma_start3A_1356 = arith.constant 0 : i32
      %dma_start3A_1357 = tpu.memref_slice %arg10[%dma_start3A_1354, %dma_start3A_1355, %dma_start3A_1356] : memref<4x80x128xf32, #tpu.memory_space<vmem>> -> memref<1x80x128xf32, #tpu.memory_space<vmem>>
      %dma_start3A_1358 = tpu.memref_squeeze %dma_start3A_1357 : memref<1x80x128xf32, #tpu.memory_space<vmem>> -> memref<80x128xf32, #tpu.memory_space<vmem>>
      %dma_start3A_1359 = tpu.memref_slice %arg5[%add3A_1353, %multiple_of3A] : memref<10000x256xf32, #tpu.memory_space<hbm>> -> memref<80x128xf32, #tpu.memory_space<hbm>>
      %dma_start3A_1360 = tpu.memref_slice %arg5[%add3A_1353, %multiple_of3A] : memref<10000x256xf32, #tpu.memory_space<hbm>> -> memref<80x128xf32, #tpu.memory_space<hbm>>
      %dma_start3A_1361 = arith.constant 0 : i32
      %dma_start3A_1362 = arith.constant 0 : i32
      %dma_start3A_1363 = tpu.memref_slice %arg10[%dma_start3A_1354, %dma_start3A_1361, %dma_start3A_1362] : memref<4x80x128xf32, #tpu.memory_space<vmem>> -> memref<1x80x128xf32, #tpu.memory_space<vmem>>
      %dma_start3A_1364 = tpu.memref_squeeze %dma_start3A_1363 : memref<1x80x128xf32, #tpu.memory_space<vmem>> -> memref<80x128xf32, #tpu.memory_space<vmem>>
      tpu.enqueue_dma source(%dma_start3A_1364 : memref<80x128xf32, #tpu.memory_space<vmem>>) target(%dma_start3A_1360 : memref<80x128xf32, #tpu.memory_space<hbm>>) target_semaphore(%arg13 : memref<!tpu.dma_semaphore, #tpu.memory_space<semaphore_mem>>)
      %add3A_1365 = arith.constant 400 : i32
      %add3A_1366 = arith.addi %mul3A_2, %add3A_1365 : i32
      %dma_wait3A_1367 = arith.constant 1 : i32
      %dma_wait3A_1368 = arith.constant 0 : i32
      %dma_wait3A_1369 = arith.constant 0 : i32
      %dma_wait3A_1370 = tpu.memref_slice %arg10[%dma_wait3A_1367, %dma_wait3A_1368, %dma_wait3A_1369] : memref<4x80x128xf32, #tpu.memory_space<vmem>> -> memref<1x80x128xf32, #tpu.memory_space<vmem>>
      %dma_wait3A_1371 = tpu.memref_squeeze %dma_wait3A_1370 : memref<1x80x128xf32, #tpu.memory_space<vmem>> -> memref<80x128xf32, #tpu.memory_space<vmem>>
      %dma_wait3A_1372 = tpu.memref_slice %arg5[%add3A_1366, %multiple_of3A] : memref<10000x256xf32, #tpu.memory_space<hbm>> -> memref<80x128xf32, #tpu.memory_space<hbm>>
      %dma_wait3A_1373 = tpu.memref_slice %arg5[%add3A_1366, %multiple_of3A] : memref<10000x256xf32, #tpu.memory_space<hbm>> -> memref<80x128xf32, #tpu.memory_space<hbm>>
      %dma_wait3A_1374 = arith.constant 0 : i32
      %dma_wait3A_1375 = arith.constant 0 : i32
      %dma_wait3A_1376 = tpu.memref_slice %arg10[%dma_wait3A_1367, %dma_wait3A_1374, %dma_wait3A_1375] : memref<4x80x128xf32, #tpu.memory_space<vmem>> -> memref<1x80x128xf32, #tpu.memory_space<vmem>>
      %dma_wait3A_1377 = tpu.memref_squeeze %dma_wait3A_1376 : memref<1x80x128xf32, #tpu.memory_space<vmem>> -> memref<80x128xf32, #tpu.memory_space<vmem>>
      tpu.wait_dma2 semaphore(%arg14 : memref<!tpu.dma_semaphore, #tpu.memory_space<semaphore_mem>>) src(%dma_wait3A_1377 : memref<80x128xf32, #tpu.memory_space<vmem>>) dst(%dma_wait3A_1373 : memref<80x128xf32, #tpu.memory_space<hbm>>)
      %add3A_1378 = arith.constant 560 : i32
      %add3A_1379 = arith.addi %mul3A_2, %add3A_1378 : i32
      %run_scoped3A_1380 = arith.constant 1 : i32
      "tpu.region"() ({
        %run_scoped3A_1420 = tpu.sem_alloc : memref<!tpu.dma_semaphore, #tpu.memory_space<semaphore_mem>>
        %dma_start3A_1421 = arith.constant 0 : i32
        %dma_start3A_1422 = arith.constant 0 : i32
        %dma_start3A_1423 = tpu.memref_slice %arg10[%run_scoped3A_1380, %dma_start3A_1421, %dma_start3A_1422] : memref<4x80x128xf32, #tpu.memory_space<vmem>> -> memref<1x72x128xf32, #tpu.memory_space<vmem>>
        %dma_start3A_1424 = tpu.memref_squeeze %dma_start3A_1423 : memref<1x72x128xf32, #tpu.memory_space<vmem>> -> memref<72x128xf32, #tpu.memory_space<vmem>>
        %dma_start3A_1425 = arith.constant 0 : i32
        %dma_start3A_1426 = tpu.memref_slice %arg11[%add3A_1379, %dma_start3A_1425] : memref<10112x128xf32, #tpu.memory_space<vmem_shared>> -> memref<72x128xf32, #tpu.memory_space<vmem_shared>>
        %dma_start3A_1427 = arith.constant 0 : i32
        %dma_start3A_1428 = arith.constant 0 : i32
        %dma_start3A_1429 = tpu.memref_slice %arg10[%run_scoped3A_1380, %dma_start3A_1427, %dma_start3A_1428] : memref<4x80x128xf32, #tpu.memory_space<vmem>> -> memref<1x72x128xf32, #tpu.memory_space<vmem>>
        %dma_start3A_1430 = tpu.memref_squeeze %dma_start3A_1429 : memref<1x72x128xf32, #tpu.memory_space<vmem>> -> memref<72x128xf32, #tpu.memory_space<vmem>>
        %dma_start3A_1431 = arith.constant 0 : i32
        %dma_start3A_1432 = tpu.memref_slice %arg11[%add3A_1379, %dma_start3A_1431] : memref<10112x128xf32, #tpu.memory_space<vmem_shared>> -> memref<72x128xf32, #tpu.memory_space<vmem_shared>>
        tpu.enqueue_dma source(%dma_start3A_1432 : memref<72x128xf32, #tpu.memory_space<vmem_shared>>) target(%dma_start3A_1430 : memref<72x128xf32, #tpu.memory_space<vmem>>) target_semaphore(%run_scoped3A_1420 : memref<!tpu.dma_semaphore, #tpu.memory_space<semaphore_mem>>)
        %dma_wait3A_1433 = arith.constant 0 : i32
        %dma_wait3A_1434 = arith.constant 0 : i32
        %dma_wait3A_1435 = tpu.memref_slice %arg10[%run_scoped3A_1380, %dma_wait3A_1433, %dma_wait3A_1434] : memref<4x80x128xf32, #tpu.memory_space<vmem>> -> memref<1x72x128xf32, #tpu.memory_space<vmem>>
        %dma_wait3A_1436 = tpu.memref_squeeze %dma_wait3A_1435 : memref<1x72x128xf32, #tpu.memory_space<vmem>> -> memref<72x128xf32, #tpu.memory_space<vmem>>
        %dma_wait3A_1437 = arith.constant 0 : i32
        %dma_wait3A_1438 = tpu.memref_slice %arg11[%add3A_1379, %dma_wait3A_1437] : memref<10112x128xf32, #tpu.memory_space<vmem_shared>> -> memref<72x128xf32, #tpu.memory_space<vmem_shared>>
        %dma_wait3A_1439 = arith.constant 0 : i32
        %dma_wait3A_1440 = arith.constant 0 : i32
        %dma_wait3A_1441 = tpu.memref_slice %arg10[%run_scoped3A_1380, %dma_wait3A_1439, %dma_wait3A_1440] : memref<4x80x128xf32, #tpu.memory_space<vmem>> -> memref<1x72x128xf32, #tpu.memory_space<vmem>>
        %dma_wait3A_1442 = tpu.memref_squeeze %dma_wait3A_1441 : memref<1x72x128xf32, #tpu.memory_space<vmem>> -> memref<72x128xf32, #tpu.memory_space<vmem>>
        %dma_wait3A_1443 = arith.constant 0 : i32
        %dma_wait3A_1444 = tpu.memref_slice %arg11[%add3A_1379, %dma_wait3A_1443] : memref<10112x128xf32, #tpu.memory_space<vmem_shared>> -> memref<72x128xf32, #tpu.memory_space<vmem_shared>>
        tpu.wait_dma2 semaphore(%run_scoped3A_1420 : memref<!tpu.dma_semaphore, #tpu.memory_space<semaphore_mem>>) src(%dma_wait3A_1444 : memref<72x128xf32, #tpu.memory_space<vmem_shared>>) dst(%dma_wait3A_1442 : memref<72x128xf32, #tpu.memory_space<vmem>>)
        tpu.yield
      }) : () -> ()
      %add3A_1381 = arith.constant 560 : i32
      %add3A_1382 = arith.addi %mul3A_2, %add3A_1381 : i32
      %dma_start3A_1383 = arith.constant 1 : i32
      %dma_start3A_1384 = arith.constant 0 : i32
      %dma_start3A_1385 = arith.constant 0 : i32
      %dma_start3A_1386 = tpu.memref_slice %arg10[%dma_start3A_1383, %dma_start3A_1384, %dma_start3A_1385] : memref<4x80x128xf32, #tpu.memory_space<vmem>> -> memref<1x72x128xf32, #tpu.memory_space<vmem>>
      %dma_start3A_1387 = tpu.memref_squeeze %dma_start3A_1386 : memref<1x72x128xf32, #tpu.memory_space<vmem>> -> memref<72x128xf32, #tpu.memory_space<vmem>>
      %dma_start3A_1388 = tpu.memref_slice %arg5[%add3A_1382, %multiple_of3A] : memref<10000x256xf32, #tpu.memory_space<hbm>> -> memref<72x128xf32, #tpu.memory_space<hbm>>
      %dma_start3A_1389 = tpu.memref_slice %arg5[%add3A_1382, %multiple_of3A] : memref<10000x256xf32, #tpu.memory_space<hbm>> -> memref<72x128xf32, #tpu.memory_space<hbm>>
      %dma_start3A_1390 = arith.constant 0 : i32
      %dma_start3A_1391 = arith.constant 0 : i32
      %dma_start3A_1392 = tpu.memref_slice %arg10[%dma_start3A_1383, %dma_start3A_1390, %dma_start3A_1391] : memref<4x80x128xf32, #tpu.memory_space<vmem>> -> memref<1x72x128xf32, #tpu.memory_space<vmem>>
      %dma_start3A_1393 = tpu.memref_squeeze %dma_start3A_1392 : memref<1x72x128xf32, #tpu.memory_space<vmem>> -> memref<72x128xf32, #tpu.memory_space<vmem>>
      tpu.enqueue_dma source(%dma_start3A_1393 : memref<72x128xf32, #tpu.memory_space<vmem>>) target(%dma_start3A_1389 : memref<72x128xf32, #tpu.memory_space<hbm>>) target_semaphore(%arg14 : memref<!tpu.dma_semaphore, #tpu.memory_space<semaphore_mem>>)
      %add3A_1394 = arith.constant 480 : i32
      %add3A_1395 = arith.addi %mul3A_2, %add3A_1394 : i32
      %dma_wait3A_1396 = arith.constant 0 : i32
      %dma_wait3A_1397 = arith.constant 0 : i32
      %dma_wait3A_1398 = arith.constant 0 : i32
      %dma_wait3A_1399 = tpu.memref_slice %arg10[%dma_wait3A_1396, %dma_wait3A_1397, %dma_wait3A_1398] : memref<4x80x128xf32, #tpu.memory_space<vmem>> -> memref<1x80x128xf32, #tpu.memory_space<vmem>>
      %dma_wait3A_1400 = tpu.memref_squeeze %dma_wait3A_1399 : memref<1x80x128xf32, #tpu.memory_space<vmem>> -> memref<80x128xf32, #tpu.memory_space<vmem>>
      %dma_wait3A_1401 = tpu.memref_slice %arg5[%add3A_1395, %multiple_of3A] : memref<10000x256xf32, #tpu.memory_space<hbm>> -> memref<80x128xf32, #tpu.memory_space<hbm>>
      %dma_wait3A_1402 = tpu.memref_slice %arg5[%add3A_1395, %multiple_of3A] : memref<10000x256xf32, #tpu.memory_space<hbm>> -> memref<80x128xf32, #tpu.memory_space<hbm>>
      %dma_wait3A_1403 = arith.constant 0 : i32
      %dma_wait3A_1404 = arith.constant 0 : i32
      %dma_wait3A_1405 = tpu.memref_slice %arg10[%dma_wait3A_1396, %dma_wait3A_1403, %dma_wait3A_1404] : memref<4x80x128xf32, #tpu.memory_space<vmem>> -> memref<1x80x128xf32, #tpu.memory_space<vmem>>
      %dma_wait3A_1406 = tpu.memref_squeeze %dma_wait3A_1405 : memref<1x80x128xf32, #tpu.memory_space<vmem>> -> memref<80x128xf32, #tpu.memory_space<vmem>>
      tpu.wait_dma2 semaphore(%arg13 : memref<!tpu.dma_semaphore, #tpu.memory_space<semaphore_mem>>) src(%dma_wait3A_1406 : memref<80x128xf32, #tpu.memory_space<vmem>>) dst(%dma_wait3A_1402 : memref<80x128xf32, #tpu.memory_space<hbm>>)
      %add3A_1407 = arith.constant 560 : i32
      %add3A_1408 = arith.addi %mul3A_2, %add3A_1407 : i32
      %dma_wait3A_1409 = arith.constant 1 : i32
      %dma_wait3A_1410 = arith.constant 0 : i32
      %dma_wait3A_1411 = arith.constant 0 : i32
      %dma_wait3A_1412 = tpu.memref_slice %arg10[%dma_wait3A_1409, %dma_wait3A_1410, %dma_wait3A_1411] : memref<4x80x128xf32, #tpu.memory_space<vmem>> -> memref<1x72x128xf32, #tpu.memory_space<vmem>>
      %dma_wait3A_1413 = tpu.memref_squeeze %dma_wait3A_1412 : memref<1x72x128xf32, #tpu.memory_space<vmem>> -> memref<72x128xf32, #tpu.memory_space<vmem>>
      %dma_wait3A_1414 = tpu.memref_slice %arg5[%add3A_1408, %multiple_of3A] : memref<10000x256xf32, #tpu.memory_space<hbm>> -> memref<72x128xf32, #tpu.memory_space<hbm>>
      %dma_wait3A_1415 = tpu.memref_slice %arg5[%add3A_1408, %multiple_of3A] : memref<10000x256xf32, #tpu.memory_space<hbm>> -> memref<72x128xf32, #tpu.memory_space<hbm>>
      %dma_wait3A_1416 = arith.constant 0 : i32
      %dma_wait3A_1417 = arith.constant 0 : i32
      %dma_wait3A_1418 = tpu.memref_slice %arg10[%dma_wait3A_1409, %dma_wait3A_1416, %dma_wait3A_1417] : memref<4x80x128xf32, #tpu.memory_space<vmem>> -> memref<1x72x128xf32, #tpu.memory_space<vmem>>
      %dma_wait3A_1419 = tpu.memref_squeeze %dma_wait3A_1418 : memref<1x72x128xf32, #tpu.memory_space<vmem>> -> memref<72x128xf32, #tpu.memory_space<vmem>>
      tpu.wait_dma2 semaphore(%arg14 : memref<!tpu.dma_semaphore, #tpu.memory_space<semaphore_mem>>) src(%dma_wait3A_1419 : memref<72x128xf32, #tpu.memory_space<vmem>>) dst(%dma_wait3A_1415 : memref<72x128xf32, #tpu.memory_space<hbm>>)
    } else {
    }
    %eq3A = arith.constant 15 : i32
    %eq3A_1185 = arith.cmpi eq, %arg1, %eq3A : i32
    %convert_element_type3A_1186 = arith.extui %eq3A_1185 : i1 to i32
    %cond3A_1187 = arith.constant 0 : i32
    %cond3A_1188 = arith.cmpi ne, %convert_element_type3A_1186, %cond3A_1187 : i32
    scf.if %cond3A_1188 {
      %add3A_1189 = arith.constant 0 : i32
      %add3A_1190 = arith.addi %mul3A_2, %add3A_1189 : i32
      %run_scoped3A = arith.constant 0 : i32
      "tpu.region"() ({
        %run_scoped3A_1391 = tpu.sem_alloc : memref<!tpu.dma_semaphore, #tpu.memory_space<semaphore_mem>>
        %dma_start3A_1392 = arith.constant 0 : i32
        %dma_start3A_1393 = arith.constant 0 : i32
        %dma_start3A_1394 = tpu.memref_slice %arg10[%run_scoped3A, %dma_start3A_1392, %dma_start3A_1393] : memref<4x80x128xf32, #tpu.memory_space<vmem>> -> memref<1x80x128xf32, #tpu.memory_space<vmem>>
        %dma_start3A_1395 = tpu.memref_squeeze %dma_start3A_1394 : memref<1x80x128xf32, #tpu.memory_space<vmem>> -> memref<80x128xf32, #tpu.memory_space<vmem>>
        %dma_start3A_1396 = arith.constant 0 : i32
        %dma_start3A_1397 = tpu.memref_slice %arg11[%add3A_1190, %dma_start3A_1396] : memref<10112x128xf32, #tpu.memory_space<vmem_shared>> -> memref<80x128xf32, #tpu.memory_space<vmem_shared>>
        %dma_start3A_1398 = arith.constant 0 : i32
        %dma_start3A_1399 = arith.constant 0 : i32
        %dma_start3A_1400 = tpu.memref_slice %arg10[%run_scoped3A, %dma_start3A_1398, %dma_start3A_1399] : memref<4x80x128xf32, #tpu.memory_space<vmem>> -> memref<1x80x128xf32, #tpu.memory_space<vmem>>
        %dma_start3A_1401 = tpu.memref_squeeze %dma_start3A_1400 : memref<1x80x128xf32, #tpu.memory_space<vmem>> -> memref<80x128xf32, #tpu.memory_space<vmem>>
        %dma_start3A_1402 = arith.constant 0 : i32
        %dma_start3A_1403 = tpu.memref_slice %arg11[%add3A_1190, %dma_start3A_1402] : memref<10112x128xf32, #tpu.memory_space<vmem_shared>> -> memref<80x128xf32, #tpu.memory_space<vmem_shared>>
        tpu.enqueue_dma source(%dma_start3A_1403 : memref<80x128xf32, #tpu.memory_space<vmem_shared>>) target(%dma_start3A_1401 : memref<80x128xf32, #tpu.memory_space<vmem>>) target_semaphore(%run_scoped3A_1391 : memref<!tpu.dma_semaphore, #tpu.memory_space<semaphore_mem>>)
        %dma_wait3A_1404 = arith.constant 0 : i32
        %dma_wait3A_1405 = arith.constant 0 : i32
        %dma_wait3A_1406 = tpu.memref_slice %arg10[%run_scoped3A, %dma_wait3A_1404, %dma_wait3A_1405] : memref<4x80x128xf32, #tpu.memory_space<vmem>> -> memref<1x80x128xf32, #tpu.memory_space<vmem>>
        %dma_wait3A_1407 = tpu.memref_squeeze %dma_wait3A_1406 : memref<1x80x128xf32, #tpu.memory_space<vmem>> -> memref<80x128xf32, #tpu.memory_space<vmem>>
        %dma_wait3A_1408 = arith.constant 0 : i32
        %dma_wait3A_1409 = tpu.memref_slice %arg11[%add3A_1190, %dma_wait3A_1408] : memref<10112x128xf32, #tpu.memory_space<vmem_shared>> -> memref<80x128xf32, #tpu.memory_space<vmem_shared>>
        %dma_wait3A_1410 = arith.constant 0 : i32
        %dma_wait3A_1411 = arith.constant 0 : i32
        %dma_wait3A_1412 = tpu.memref_slice %arg10[%run_scoped3A, %dma_wait3A_1410, %dma_wait3A_1411] : memref<4x80x128xf32, #tpu.memory_space<vmem>> -> memref<1x80x128xf32, #tpu.memory_space<vmem>>
        %dma_wait3A_1413 = tpu.memref_squeeze %dma_wait3A_1412 : memref<1x80x128xf32, #tpu.memory_space<vmem>> -> memref<80x128xf32, #tpu.memory_space<vmem>>
        %dma_wait3A_1414 = arith.constant 0 : i32
        %dma_wait3A_1415 = tpu.memref_slice %arg11[%add3A_1190, %dma_wait3A_1414] : memref<10112x128xf32, #tpu.memory_space<vmem_shared>> -> memref<80x128xf32, #tpu.memory_space<vmem_shared>>
        tpu.wait_dma2 semaphore(%run_scoped3A_1391 : memref<!tpu.dma_semaphore, #tpu.memory_space<semaphore_mem>>) src(%dma_wait3A_1415 : memref<80x128xf32, #tpu.memory_space<vmem_shared>>) dst(%dma_wait3A_1413 : memref<80x128xf32, #tpu.memory_space<vmem>>)
        tpu.yield
      }) : () -> ()
      %add3A_1191 = arith.constant 0 : i32
      %add3A_1192 = arith.addi %mul3A_2, %add3A_1191 : i32
      %dma_start3A_1193 = arith.constant 0 : i32
      %dma_start3A_1194 = arith.constant 0 : i32
      %dma_start3A_1195 = arith.constant 0 : i32
      %dma_start3A_1196 = tpu.memref_slice %arg10[%dma_start3A_1193, %dma_start3A_1194, %dma_start3A_1195] : memref<4x80x128xf32, #tpu.memory_space<vmem>> -> memref<1x80x128xf32, #tpu.memory_space<vmem>>
      %dma_start3A_1197 = tpu.memref_squeeze %dma_start3A_1196 : memref<1x80x128xf32, #tpu.memory_space<vmem>> -> memref<80x128xf32, #tpu.memory_space<vmem>>
      %dma_start3A_1198 = tpu.memref_slice %arg5[%add3A_1192, %multiple_of3A] : memref<10000x256xf32, #tpu.memory_space<hbm>> -> memref<80x128xf32, #tpu.memory_space<hbm>>
      %dma_start3A_1199 = tpu.memref_slice %arg5[%add3A_1192, %multiple_of3A] : memref<10000x256xf32, #tpu.memory_space<hbm>> -> memref<80x128xf32, #tpu.memory_space<hbm>>
      %dma_start3A_1200 = arith.constant 0 : i32
      %dma_start3A_1201 = arith.constant 0 : i32
      %dma_start3A_1202 = tpu.memref_slice %arg10[%dma_start3A_1193, %dma_start3A_1200, %dma_start3A_1201] : memref<4x80x128xf32, #tpu.memory_space<vmem>> -> memref<1x80x128xf32, #tpu.memory_space<vmem>>
      %dma_start3A_1203 = tpu.memref_squeeze %dma_start3A_1202 : memref<1x80x128xf32, #tpu.memory_space<vmem>> -> memref<80x128xf32, #tpu.memory_space<vmem>>
      tpu.enqueue_dma source(%dma_start3A_1203 : memref<80x128xf32, #tpu.memory_space<vmem>>) target(%dma_start3A_1199 : memref<80x128xf32, #tpu.memory_space<hbm>>) target_semaphore(%arg13 : memref<!tpu.dma_semaphore, #tpu.memory_space<semaphore_mem>>)
      %add3A_1204 = arith.constant 80 : i32
      %add3A_1205 = arith.addi %mul3A_2, %add3A_1204 : i32
      %run_scoped3A_1206 = arith.constant 1 : i32
      "tpu.region"() ({
        %run_scoped3A_1391 = tpu.sem_alloc : memref<!tpu.dma_semaphore, #tpu.memory_space<semaphore_mem>>
        %dma_start3A_1392 = arith.constant 0 : i32
        %dma_start3A_1393 = arith.constant 0 : i32
        %dma_start3A_1394 = tpu.memref_slice %arg10[%run_scoped3A_1206, %dma_start3A_1392, %dma_start3A_1393] : memref<4x80x128xf32, #tpu.memory_space<vmem>> -> memref<1x80x128xf32, #tpu.memory_space<vmem>>
        %dma_start3A_1395 = tpu.memref_squeeze %dma_start3A_1394 : memref<1x80x128xf32, #tpu.memory_space<vmem>> -> memref<80x128xf32, #tpu.memory_space<vmem>>
        %dma_start3A_1396 = arith.constant 0 : i32
        %dma_start3A_1397 = tpu.memref_slice %arg11[%add3A_1205, %dma_start3A_1396] : memref<10112x128xf32, #tpu.memory_space<vmem_shared>> -> memref<80x128xf32, #tpu.memory_space<vmem_shared>>
        %dma_start3A_1398 = arith.constant 0 : i32
        %dma_start3A_1399 = arith.constant 0 : i32
        %dma_start3A_1400 = tpu.memref_slice %arg10[%run_scoped3A_1206, %dma_start3A_1398, %dma_start3A_1399] : memref<4x80x128xf32, #tpu.memory_space<vmem>> -> memref<1x80x128xf32, #tpu.memory_space<vmem>>
        %dma_start3A_1401 = tpu.memref_squeeze %dma_start3A_1400 : memref<1x80x128xf32, #tpu.memory_space<vmem>> -> memref<80x128xf32, #tpu.memory_space<vmem>>
        %dma_start3A_1402 = arith.constant 0 : i32
        %dma_start3A_1403 = tpu.memref_slice %arg11[%add3A_1205, %dma_start3A_1402] : memref<10112x128xf32, #tpu.memory_space<vmem_shared>> -> memref<80x128xf32, #tpu.memory_space<vmem_shared>>
        tpu.enqueue_dma source(%dma_start3A_1403 : memref<80x128xf32, #tpu.memory_space<vmem_shared>>) target(%dma_start3A_1401 : memref<80x128xf32, #tpu.memory_space<vmem>>) target_semaphore(%run_scoped3A_1391 : memref<!tpu.dma_semaphore, #tpu.memory_space<semaphore_mem>>)
        %dma_wait3A_1404 = arith.constant 0 : i32
        %dma_wait3A_1405 = arith.constant 0 : i32
        %dma_wait3A_1406 = tpu.memref_slice %arg10[%run_scoped3A_1206, %dma_wait3A_1404, %dma_wait3A_1405] : memref<4x80x128xf32, #tpu.memory_space<vmem>> -> memref<1x80x128xf32, #tpu.memory_space<vmem>>
        %dma_wait3A_1407 = tpu.memref_squeeze %dma_wait3A_1406 : memref<1x80x128xf32, #tpu.memory_space<vmem>> -> memref<80x128xf32, #tpu.memory_space<vmem>>
        %dma_wait3A_1408 = arith.constant 0 : i32
        %dma_wait3A_1409 = tpu.memref_slice %arg11[%add3A_1205, %dma_wait3A_1408] : memref<10112x128xf32, #tpu.memory_space<vmem_shared>> -> memref<80x128xf32, #tpu.memory_space<vmem_shared>>
        %dma_wait3A_1410 = arith.constant 0 : i32
        %dma_wait3A_1411 = arith.constant 0 : i32
        %dma_wait3A_1412 = tpu.memref_slice %arg10[%run_scoped3A_1206, %dma_wait3A_1410, %dma_wait3A_1411] : memref<4x80x128xf32, #tpu.memory_space<vmem>> -> memref<1x80x128xf32, #tpu.memory_space<vmem>>
        %dma_wait3A_1413 = tpu.memref_squeeze %dma_wait3A_1412 : memref<1x80x128xf32, #tpu.memory_space<vmem>> -> memref<80x128xf32, #tpu.memory_space<vmem>>
        %dma_wait3A_1414 = arith.constant 0 : i32
        %dma_wait3A_1415 = tpu.memref_slice %arg11[%add3A_1205, %dma_wait3A_1414] : memref<10112x128xf32, #tpu.memory_space<vmem_shared>> -> memref<80x128xf32, #tpu.memory_space<vmem_shared>>
        tpu.wait_dma2 semaphore(%run_scoped3A_1391 : memref<!tpu.dma_semaphore, #tpu.memory_space<semaphore_mem>>) src(%dma_wait3A_1415 : memref<80x128xf32, #tpu.memory_space<vmem_shared>>) dst(%dma_wait3A_1413 : memref<80x128xf32, #tpu.memory_space<vmem>>)
        tpu.yield
      }) : () -> ()
      %add3A_1207 = arith.constant 80 : i32
      %add3A_1208 = arith.addi %mul3A_2, %add3A_1207 : i32
      %dma_start3A_1209 = arith.constant 1 : i32
      %dma_start3A_1210 = arith.constant 0 : i32
      %dma_start3A_1211 = arith.constant 0 : i32
      %dma_start3A_1212 = tpu.memref_slice %arg10[%dma_start3A_1209, %dma_start3A_1210, %dma_start3A_1211] : memref<4x80x128xf32, #tpu.memory_space<vmem>> -> memref<1x80x128xf32, #tpu.memory_space<vmem>>
      %dma_start3A_1213 = tpu.memref_squeeze %dma_start3A_1212 : memref<1x80x128xf32, #tpu.memory_space<vmem>> -> memref<80x128xf32, #tpu.memory_space<vmem>>
      %dma_start3A_1214 = tpu.memref_slice %arg5[%add3A_1208, %multiple_of3A] : memref<10000x256xf32, #tpu.memory_space<hbm>> -> memref<80x128xf32, #tpu.memory_space<hbm>>
      %dma_start3A_1215 = tpu.memref_slice %arg5[%add3A_1208, %multiple_of3A] : memref<10000x256xf32, #tpu.memory_space<hbm>> -> memref<80x128xf32, #tpu.memory_space<hbm>>
      %dma_start3A_1216 = arith.constant 0 : i32
      %dma_start3A_1217 = arith.constant 0 : i32
      %dma_start3A_1218 = tpu.memref_slice %arg10[%dma_start3A_1209, %dma_start3A_1216, %dma_start3A_1217] : memref<4x80x128xf32, #tpu.memory_space<vmem>> -> memref<1x80x128xf32, #tpu.memory_space<vmem>>
      %dma_start3A_1219 = tpu.memref_squeeze %dma_start3A_1218 : memref<1x80x128xf32, #tpu.memory_space<vmem>> -> memref<80x128xf32, #tpu.memory_space<vmem>>
      tpu.enqueue_dma source(%dma_start3A_1219 : memref<80x128xf32, #tpu.memory_space<vmem>>) target(%dma_start3A_1215 : memref<80x128xf32, #tpu.memory_space<hbm>>) target_semaphore(%arg14 : memref<!tpu.dma_semaphore, #tpu.memory_space<semaphore_mem>>)
      %add3A_1220 = arith.constant 0 : i32
      %add3A_1221 = arith.addi %mul3A_2, %add3A_1220 : i32
      %dma_wait3A_1222 = arith.constant 0 : i32
      %dma_wait3A_1223 = arith.constant 0 : i32
      %dma_wait3A_1224 = arith.constant 0 : i32
      %dma_wait3A_1225 = tpu.memref_slice %arg10[%dma_wait3A_1222, %dma_wait3A_1223, %dma_wait3A_1224] : memref<4x80x128xf32, #tpu.memory_space<vmem>> -> memref<1x80x128xf32, #tpu.memory_space<vmem>>
      %dma_wait3A_1226 = tpu.memref_squeeze %dma_wait3A_1225 : memref<1x80x128xf32, #tpu.memory_space<vmem>> -> memref<80x128xf32, #tpu.memory_space<vmem>>
      %dma_wait3A_1227 = tpu.memref_slice %arg5[%add3A_1221, %multiple_of3A] : memref<10000x256xf32, #tpu.memory_space<hbm>> -> memref<80x128xf32, #tpu.memory_space<hbm>>
      %dma_wait3A_1228 = tpu.memref_slice %arg5[%add3A_1221, %multiple_of3A] : memref<10000x256xf32, #tpu.memory_space<hbm>> -> memref<80x128xf32, #tpu.memory_space<hbm>>
      %dma_wait3A_1229 = arith.constant 0 : i32
      %dma_wait3A_1230 = arith.constant 0 : i32
      %dma_wait3A_1231 = tpu.memref_slice %arg10[%dma_wait3A_1222, %dma_wait3A_1229, %dma_wait3A_1230] : memref<4x80x128xf32, #tpu.memory_space<vmem>> -> memref<1x80x128xf32, #tpu.memory_space<vmem>>
      %dma_wait3A_1232 = tpu.memref_squeeze %dma_wait3A_1231 : memref<1x80x128xf32, #tpu.memory_space<vmem>> -> memref<80x128xf32, #tpu.memory_space<vmem>>
      tpu.wait_dma2 semaphore(%arg13 : memref<!tpu.dma_semaphore, #tpu.memory_space<semaphore_mem>>) src(%dma_wait3A_1232 : memref<80x128xf32, #tpu.memory_space<vmem>>) dst(%dma_wait3A_1228 : memref<80x128xf32, #tpu.memory_space<hbm>>)
      %add3A_1233 = arith.constant 160 : i32
      %add3A_1234 = arith.addi %mul3A_2, %add3A_1233 : i32
      %run_scoped3A_1235 = arith.constant 0 : i32
      "tpu.region"() ({
        %run_scoped3A_1391 = tpu.sem_alloc : memref<!tpu.dma_semaphore, #tpu.memory_space<semaphore_mem>>
        %dma_start3A_1392 = arith.constant 0 : i32
        %dma_start3A_1393 = arith.constant 0 : i32
        %dma_start3A_1394 = tpu.memref_slice %arg10[%run_scoped3A_1235, %dma_start3A_1392, %dma_start3A_1393] : memref<4x80x128xf32, #tpu.memory_space<vmem>> -> memref<1x80x128xf32, #tpu.memory_space<vmem>>
        %dma_start3A_1395 = tpu.memref_squeeze %dma_start3A_1394 : memref<1x80x128xf32, #tpu.memory_space<vmem>> -> memref<80x128xf32, #tpu.memory_space<vmem>>
        %dma_start3A_1396 = arith.constant 0 : i32
        %dma_start3A_1397 = tpu.memref_slice %arg11[%add3A_1234, %dma_start3A_1396] : memref<10112x128xf32, #tpu.memory_space<vmem_shared>> -> memref<80x128xf32, #tpu.memory_space<vmem_shared>>
        %dma_start3A_1398 = arith.constant 0 : i32
        %dma_start3A_1399 = arith.constant 0 : i32
        %dma_start3A_1400 = tpu.memref_slice %arg10[%run_scoped3A_1235, %dma_start3A_1398, %dma_start3A_1399] : memref<4x80x128xf32, #tpu.memory_space<vmem>> -> memref<1x80x128xf32, #tpu.memory_space<vmem>>
        %dma_start3A_1401 = tpu.memref_squeeze %dma_start3A_1400 : memref<1x80x128xf32, #tpu.memory_space<vmem>> -> memref<80x128xf32, #tpu.memory_space<vmem>>
        %dma_start3A_1402 = arith.constant 0 : i32
        %dma_start3A_1403 = tpu.memref_slice %arg11[%add3A_1234, %dma_start3A_1402] : memref<10112x128xf32, #tpu.memory_space<vmem_shared>> -> memref<80x128xf32, #tpu.memory_space<vmem_shared>>
        tpu.enqueue_dma source(%dma_start3A_1403 : memref<80x128xf32, #tpu.memory_space<vmem_shared>>) target(%dma_start3A_1401 : memref<80x128xf32, #tpu.memory_space<vmem>>) target_semaphore(%run_scoped3A_1391 : memref<!tpu.dma_semaphore, #tpu.memory_space<semaphore_mem>>)
        %dma_wait3A_1404 = arith.constant 0 : i32
        %dma_wait3A_1405 = arith.constant 0 : i32
        %dma_wait3A_1406 = tpu.memref_slice %arg10[%run_scoped3A_1235, %dma_wait3A_1404, %dma_wait3A_1405] : memref<4x80x128xf32, #tpu.memory_space<vmem>> -> memref<1x80x128xf32, #tpu.memory_space<vmem>>
        %dma_wait3A_1407 = tpu.memref_squeeze %dma_wait3A_1406 : memref<1x80x128xf32, #tpu.memory_space<vmem>> -> memref<80x128xf32, #tpu.memory_space<vmem>>
        %dma_wait3A_1408 = arith.constant 0 : i32
        %dma_wait3A_1409 = tpu.memref_slice %arg11[%add3A_1234, %dma_wait3A_1408] : memref<10112x128xf32, #tpu.memory_space<vmem_shared>> -> memref<80x128xf32, #tpu.memory_space<vmem_shared>>
        %dma_wait3A_1410 = arith.constant 0 : i32
        %dma_wait3A_1411 = arith.constant 0 : i32
        %dma_wait3A_1412 = tpu.memref_slice %arg10[%run_scoped3A_1235, %dma_wait3A_1410, %dma_wait3A_1411] : memref<4x80x128xf32, #tpu.memory_space<vmem>> -> memref<1x80x128xf32, #tpu.memory_space<vmem>>
        %dma_wait3A_1413 = tpu.memref_squeeze %dma_wait3A_1412 : memref<1x80x128xf32, #tpu.memory_space<vmem>> -> memref<80x128xf32, #tpu.memory_space<vmem>>
        %dma_wait3A_1414 = arith.constant 0 : i32
        %dma_wait3A_1415 = tpu.memref_slice %arg11[%add3A_1234, %dma_wait3A_1414] : memref<10112x128xf32, #tpu.memory_space<vmem_shared>> -> memref<80x128xf32, #tpu.memory_space<vmem_shared>>
        tpu.wait_dma2 semaphore(%run_scoped3A_1391 : memref<!tpu.dma_semaphore, #tpu.memory_space<semaphore_mem>>) src(%dma_wait3A_1415 : memref<80x128xf32, #tpu.memory_space<vmem_shared>>) dst(%dma_wait3A_1413 : memref<80x128xf32, #tpu.memory_space<vmem>>)
        tpu.yield
      }) : () -> ()
      %add3A_1236 = arith.constant 160 : i32
      %add3A_1237 = arith.addi %mul3A_2, %add3A_1236 : i32
      %dma_start3A_1238 = arith.constant 0 : i32
      %dma_start3A_1239 = arith.constant 0 : i32
      %dma_start3A_1240 = arith.constant 0 : i32
      %dma_start3A_1241 = tpu.memref_slice %arg10[%dma_start3A_1238, %dma_start3A_1239, %dma_start3A_1240] : memref<4x80x128xf32, #tpu.memory_space<vmem>> -> memref<1x80x128xf32, #tpu.memory_space<vmem>>
      %dma_start3A_1242 = tpu.memref_squeeze %dma_start3A_1241 : memref<1x80x128xf32, #tpu.memory_space<vmem>> -> memref<80x128xf32, #tpu.memory_space<vmem>>
      %dma_start3A_1243 = tpu.memref_slice %arg5[%add3A_1237, %multiple_of3A] : memref<10000x256xf32, #tpu.memory_space<hbm>> -> memref<80x128xf32, #tpu.memory_space<hbm>>
      %dma_start3A_1244 = tpu.memref_slice %arg5[%add3A_1237, %multiple_of3A] : memref<10000x256xf32, #tpu.memory_space<hbm>> -> memref<80x128xf32, #tpu.memory_space<hbm>>
      %dma_start3A_1245 = arith.constant 0 : i32
      %dma_start3A_1246 = arith.constant 0 : i32
      %dma_start3A_1247 = tpu.memref_slice %arg10[%dma_start3A_1238, %dma_start3A_1245, %dma_start3A_1246] : memref<4x80x128xf32, #tpu.memory_space<vmem>> -> memref<1x80x128xf32, #tpu.memory_space<vmem>>
      %dma_start3A_1248 = tpu.memref_squeeze %dma_start3A_1247 : memref<1x80x128xf32, #tpu.memory_space<vmem>> -> memref<80x128xf32, #tpu.memory_space<vmem>>
      tpu.enqueue_dma source(%dma_start3A_1248 : memref<80x128xf32, #tpu.memory_space<vmem>>) target(%dma_start3A_1244 : memref<80x128xf32, #tpu.memory_space<hbm>>) target_semaphore(%arg13 : memref<!tpu.dma_semaphore, #tpu.memory_space<semaphore_mem>>)
      %add3A_1249 = arith.constant 80 : i32
      %add3A_1250 = arith.addi %mul3A_2, %add3A_1249 : i32
      %dma_wait3A_1251 = arith.constant 1 : i32
      %dma_wait3A_1252 = arith.constant 0 : i32
      %dma_wait3A_1253 = arith.constant 0 : i32
      %dma_wait3A_1254 = tpu.memref_slice %arg10[%dma_wait3A_1251, %dma_wait3A_1252, %dma_wait3A_1253] : memref<4x80x128xf32, #tpu.memory_space<vmem>> -> memref<1x80x128xf32, #tpu.memory_space<vmem>>
      %dma_wait3A_1255 = tpu.memref_squeeze %dma_wait3A_1254 : memref<1x80x128xf32, #tpu.memory_space<vmem>> -> memref<80x128xf32, #tpu.memory_space<vmem>>
      %dma_wait3A_1256 = tpu.memref_slice %arg5[%add3A_1250, %multiple_of3A] : memref<10000x256xf32, #tpu.memory_space<hbm>> -> memref<80x128xf32, #tpu.memory_space<hbm>>
      %dma_wait3A_1257 = tpu.memref_slice %arg5[%add3A_1250, %multiple_of3A] : memref<10000x256xf32, #tpu.memory_space<hbm>> -> memref<80x128xf32, #tpu.memory_space<hbm>>
      %dma_wait3A_1258 = arith.constant 0 : i32
      %dma_wait3A_1259 = arith.constant 0 : i32
      %dma_wait3A_1260 = tpu.memref_slice %arg10[%dma_wait3A_1251, %dma_wait3A_1258, %dma_wait3A_1259] : memref<4x80x128xf32, #tpu.memory_space<vmem>> -> memref<1x80x128xf32, #tpu.memory_space<vmem>>
      %dma_wait3A_1261 = tpu.memref_squeeze %dma_wait3A_1260 : memref<1x80x128xf32, #tpu.memory_space<vmem>> -> memref<80x128xf32, #tpu.memory_space<vmem>>
      tpu.wait_dma2 semaphore(%arg14 : memref<!tpu.dma_semaphore, #tpu.memory_space<semaphore_mem>>) src(%dma_wait3A_1261 : memref<80x128xf32, #tpu.memory_space<vmem>>) dst(%dma_wait3A_1257 : memref<80x128xf32, #tpu.memory_space<hbm>>)
      %add3A_1262 = arith.constant 240 : i32
      %add3A_1263 = arith.addi %mul3A_2, %add3A_1262 : i32
      %run_scoped3A_1264 = arith.constant 1 : i32
      "tpu.region"() ({
        %run_scoped3A_1391 = tpu.sem_alloc : memref<!tpu.dma_semaphore, #tpu.memory_space<semaphore_mem>>
        %dma_start3A_1392 = arith.constant 0 : i32
        %dma_start3A_1393 = arith.constant 0 : i32
        %dma_start3A_1394 = tpu.memref_slice %arg10[%run_scoped3A_1264, %dma_start3A_1392, %dma_start3A_1393] : memref<4x80x128xf32, #tpu.memory_space<vmem>> -> memref<1x80x128xf32, #tpu.memory_space<vmem>>
        %dma_start3A_1395 = tpu.memref_squeeze %dma_start3A_1394 : memref<1x80x128xf32, #tpu.memory_space<vmem>> -> memref<80x128xf32, #tpu.memory_space<vmem>>
        %dma_start3A_1396 = arith.constant 0 : i32
        %dma_start3A_1397 = tpu.memref_slice %arg11[%add3A_1263, %dma_start3A_1396] : memref<10112x128xf32, #tpu.memory_space<vmem_shared>> -> memref<80x128xf32, #tpu.memory_space<vmem_shared>>
        %dma_start3A_1398 = arith.constant 0 : i32
        %dma_start3A_1399 = arith.constant 0 : i32
        %dma_start3A_1400 = tpu.memref_slice %arg10[%run_scoped3A_1264, %dma_start3A_1398, %dma_start3A_1399] : memref<4x80x128xf32, #tpu.memory_space<vmem>> -> memref<1x80x128xf32, #tpu.memory_space<vmem>>
        %dma_start3A_1401 = tpu.memref_squeeze %dma_start3A_1400 : memref<1x80x128xf32, #tpu.memory_space<vmem>> -> memref<80x128xf32, #tpu.memory_space<vmem>>
        %dma_start3A_1402 = arith.constant 0 : i32
        %dma_start3A_1403 = tpu.memref_slice %arg11[%add3A_1263, %dma_start3A_1402] : memref<10112x128xf32, #tpu.memory_space<vmem_shared>> -> memref<80x128xf32, #tpu.memory_space<vmem_shared>>
        tpu.enqueue_dma source(%dma_start3A_1403 : memref<80x128xf32, #tpu.memory_space<vmem_shared>>) target(%dma_start3A_1401 : memref<80x128xf32, #tpu.memory_space<vmem>>) target_semaphore(%run_scoped3A_1391 : memref<!tpu.dma_semaphore, #tpu.memory_space<semaphore_mem>>)
        %dma_wait3A_1404 = arith.constant 0 : i32
        %dma_wait3A_1405 = arith.constant 0 : i32
        %dma_wait3A_1406 = tpu.memref_slice %arg10[%run_scoped3A_1264, %dma_wait3A_1404, %dma_wait3A_1405] : memref<4x80x128xf32, #tpu.memory_space<vmem>> -> memref<1x80x128xf32, #tpu.memory_space<vmem>>
        %dma_wait3A_1407 = tpu.memref_squeeze %dma_wait3A_1406 : memref<1x80x128xf32, #tpu.memory_space<vmem>> -> memref<80x128xf32, #tpu.memory_space<vmem>>
        %dma_wait3A_1408 = arith.constant 0 : i32
        %dma_wait3A_1409 = tpu.memref_slice %arg11[%add3A_1263, %dma_wait3A_1408] : memref<10112x128xf32, #tpu.memory_space<vmem_shared>> -> memref<80x128xf32, #tpu.memory_space<vmem_shared>>
        %dma_wait3A_1410 = arith.constant 0 : i32
        %dma_wait3A_1411 = arith.constant 0 : i32
        %dma_wait3A_1412 = tpu.memref_slice %arg10[%run_scoped3A_1264, %dma_wait3A_1410, %dma_wait3A_1411] : memref<4x80x128xf32, #tpu.memory_space<vmem>> -> memref<1x80x128xf32, #tpu.memory_space<vmem>>
        %dma_wait3A_1413 = tpu.memref_squeeze %dma_wait3A_1412 : memref<1x80x128xf32, #tpu.memory_space<vmem>> -> memref<80x128xf32, #tpu.memory_space<vmem>>
        %dma_wait3A_1414 = arith.constant 0 : i32
        %dma_wait3A_1415 = tpu.memref_slice %arg11[%add3A_1263, %dma_wait3A_1414] : memref<10112x128xf32, #tpu.memory_space<vmem_shared>> -> memref<80x128xf32, #tpu.memory_space<vmem_shared>>
        tpu.wait_dma2 semaphore(%run_scoped3A_1391 : memref<!tpu.dma_semaphore, #tpu.memory_space<semaphore_mem>>) src(%dma_wait3A_1415 : memref<80x128xf32, #tpu.memory_space<vmem_shared>>) dst(%dma_wait3A_1413 : memref<80x128xf32, #tpu.memory_space<vmem>>)
        tpu.yield
      }) : () -> ()
      %add3A_1265 = arith.constant 240 : i32
      %add3A_1266 = arith.addi %mul3A_2, %add3A_1265 : i32
      %dma_start3A_1267 = arith.constant 1 : i32
      %dma_start3A_1268 = arith.constant 0 : i32
      %dma_start3A_1269 = arith.constant 0 : i32
      %dma_start3A_1270 = tpu.memref_slice %arg10[%dma_start3A_1267, %dma_start3A_1268, %dma_start3A_1269] : memref<4x80x128xf32, #tpu.memory_space<vmem>> -> memref<1x80x128xf32, #tpu.memory_space<vmem>>
      %dma_start3A_1271 = tpu.memref_squeeze %dma_start3A_1270 : memref<1x80x128xf32, #tpu.memory_space<vmem>> -> memref<80x128xf32, #tpu.memory_space<vmem>>
      %dma_start3A_1272 = tpu.memref_slice %arg5[%add3A_1266, %multiple_of3A] : memref<10000x256xf32, #tpu.memory_space<hbm>> -> memref<80x128xf32, #tpu.memory_space<hbm>>
      %dma_start3A_1273 = tpu.memref_slice %arg5[%add3A_1266, %multiple_of3A] : memref<10000x256xf32, #tpu.memory_space<hbm>> -> memref<80x128xf32, #tpu.memory_space<hbm>>
      %dma_start3A_1274 = arith.constant 0 : i32
      %dma_start3A_1275 = arith.constant 0 : i32
      %dma_start3A_1276 = tpu.memref_slice %arg10[%dma_start3A_1267, %dma_start3A_1274, %dma_start3A_1275] : memref<4x80x128xf32, #tpu.memory_space<vmem>> -> memref<1x80x128xf32, #tpu.memory_space<vmem>>
      %dma_start3A_1277 = tpu.memref_squeeze %dma_start3A_1276 : memref<1x80x128xf32, #tpu.memory_space<vmem>> -> memref<80x128xf32, #tpu.memory_space<vmem>>
      tpu.enqueue_dma source(%dma_start3A_1277 : memref<80x128xf32, #tpu.memory_space<vmem>>) target(%dma_start3A_1273 : memref<80x128xf32, #tpu.memory_space<hbm>>) target_semaphore(%arg14 : memref<!tpu.dma_semaphore, #tpu.memory_space<semaphore_mem>>)
      %add3A_1278 = arith.constant 160 : i32
      %add3A_1279 = arith.addi %mul3A_2, %add3A_1278 : i32
      %dma_wait3A_1280 = arith.constant 0 : i32
      %dma_wait3A_1281 = arith.constant 0 : i32
      %dma_wait3A_1282 = arith.constant 0 : i32
      %dma_wait3A_1283 = tpu.memref_slice %arg10[%dma_wait3A_1280, %dma_wait3A_1281, %dma_wait3A_1282] : memref<4x80x128xf32, #tpu.memory_space<vmem>> -> memref<1x80x128xf32, #tpu.memory_space<vmem>>
      %dma_wait3A_1284 = tpu.memref_squeeze %dma_wait3A_1283 : memref<1x80x128xf32, #tpu.memory_space<vmem>> -> memref<80x128xf32, #tpu.memory_space<vmem>>
      %dma_wait3A_1285 = tpu.memref_slice %arg5[%add3A_1279, %multiple_of3A] : memref<10000x256xf32, #tpu.memory_space<hbm>> -> memref<80x128xf32, #tpu.memory_space<hbm>>
      %dma_wait3A_1286 = tpu.memref_slice %arg5[%add3A_1279, %multiple_of3A] : memref<10000x256xf32, #tpu.memory_space<hbm>> -> memref<80x128xf32, #tpu.memory_space<hbm>>
      %dma_wait3A_1287 = arith.constant 0 : i32
      %dma_wait3A_1288 = arith.constant 0 : i32
      %dma_wait3A_1289 = tpu.memref_slice %arg10[%dma_wait3A_1280, %dma_wait3A_1287, %dma_wait3A_1288] : memref<4x80x128xf32, #tpu.memory_space<vmem>> -> memref<1x80x128xf32, #tpu.memory_space<vmem>>
      %dma_wait3A_1290 = tpu.memref_squeeze %dma_wait3A_1289 : memref<1x80x128xf32, #tpu.memory_space<vmem>> -> memref<80x128xf32, #tpu.memory_space<vmem>>
      tpu.wait_dma2 semaphore(%arg13 : memref<!tpu.dma_semaphore, #tpu.memory_space<semaphore_mem>>) src(%dma_wait3A_1290 : memref<80x128xf32, #tpu.memory_space<vmem>>) dst(%dma_wait3A_1286 : memref<80x128xf32, #tpu.memory_space<hbm>>)
      %add3A_1291 = arith.constant 320 : i32
      %add3A_1292 = arith.addi %mul3A_2, %add3A_1291 : i32
      %run_scoped3A_1293 = arith.constant 0 : i32
      "tpu.region"() ({
        %run_scoped3A_1391 = tpu.sem_alloc : memref<!tpu.dma_semaphore, #tpu.memory_space<semaphore_mem>>
        %dma_start3A_1392 = arith.constant 0 : i32
        %dma_start3A_1393 = arith.constant 0 : i32
        %dma_start3A_1394 = tpu.memref_slice %arg10[%run_scoped3A_1293, %dma_start3A_1392, %dma_start3A_1393] : memref<4x80x128xf32, #tpu.memory_space<vmem>> -> memref<1x80x128xf32, #tpu.memory_space<vmem>>
        %dma_start3A_1395 = tpu.memref_squeeze %dma_start3A_1394 : memref<1x80x128xf32, #tpu.memory_space<vmem>> -> memref<80x128xf32, #tpu.memory_space<vmem>>
        %dma_start3A_1396 = arith.constant 0 : i32
        %dma_start3A_1397 = tpu.memref_slice %arg11[%add3A_1292, %dma_start3A_1396] : memref<10112x128xf32, #tpu.memory_space<vmem_shared>> -> memref<80x128xf32, #tpu.memory_space<vmem_shared>>
        %dma_start3A_1398 = arith.constant 0 : i32
        %dma_start3A_1399 = arith.constant 0 : i32
        %dma_start3A_1400 = tpu.memref_slice %arg10[%run_scoped3A_1293, %dma_start3A_1398, %dma_start3A_1399] : memref<4x80x128xf32, #tpu.memory_space<vmem>> -> memref<1x80x128xf32, #tpu.memory_space<vmem>>
        %dma_start3A_1401 = tpu.memref_squeeze %dma_start3A_1400 : memref<1x80x128xf32, #tpu.memory_space<vmem>> -> memref<80x128xf32, #tpu.memory_space<vmem>>
        %dma_start3A_1402 = arith.constant 0 : i32
        %dma_start3A_1403 = tpu.memref_slice %arg11[%add3A_1292, %dma_start3A_1402] : memref<10112x128xf32, #tpu.memory_space<vmem_shared>> -> memref<80x128xf32, #tpu.memory_space<vmem_shared>>
        tpu.enqueue_dma source(%dma_start3A_1403 : memref<80x128xf32, #tpu.memory_space<vmem_shared>>) target(%dma_start3A_1401 : memref<80x128xf32, #tpu.memory_space<vmem>>) target_semaphore(%run_scoped3A_1391 : memref<!tpu.dma_semaphore, #tpu.memory_space<semaphore_mem>>)
        %dma_wait3A_1404 = arith.constant 0 : i32
        %dma_wait3A_1405 = arith.constant 0 : i32
        %dma_wait3A_1406 = tpu.memref_slice %arg10[%run_scoped3A_1293, %dma_wait3A_1404, %dma_wait3A_1405] : memref<4x80x128xf32, #tpu.memory_space<vmem>> -> memref<1x80x128xf32, #tpu.memory_space<vmem>>
        %dma_wait3A_1407 = tpu.memref_squeeze %dma_wait3A_1406 : memref<1x80x128xf32, #tpu.memory_space<vmem>> -> memref<80x128xf32, #tpu.memory_space<vmem>>
        %dma_wait3A_1408 = arith.constant 0 : i32
        %dma_wait3A_1409 = tpu.memref_slice %arg11[%add3A_1292, %dma_wait3A_1408] : memref<10112x128xf32, #tpu.memory_space<vmem_shared>> -> memref<80x128xf32, #tpu.memory_space<vmem_shared>>
        %dma_wait3A_1410 = arith.constant 0 : i32
        %dma_wait3A_1411 = arith.constant 0 : i32
        %dma_wait3A_1412 = tpu.memref_slice %arg10[%run_scoped3A_1293, %dma_wait3A_1410, %dma_wait3A_1411] : memref<4x80x128xf32, #tpu.memory_space<vmem>> -> memref<1x80x128xf32, #tpu.memory_space<vmem>>
        %dma_wait3A_1413 = tpu.memref_squeeze %dma_wait3A_1412 : memref<1x80x128xf32, #tpu.memory_space<vmem>> -> memref<80x128xf32, #tpu.memory_space<vmem>>
        %dma_wait3A_1414 = arith.constant 0 : i32
        %dma_wait3A_1415 = tpu.memref_slice %arg11[%add3A_1292, %dma_wait3A_1414] : memref<10112x128xf32, #tpu.memory_space<vmem_shared>> -> memref<80x128xf32, #tpu.memory_space<vmem_shared>>
        tpu.wait_dma2 semaphore(%run_scoped3A_1391 : memref<!tpu.dma_semaphore, #tpu.memory_space<semaphore_mem>>) src(%dma_wait3A_1415 : memref<80x128xf32, #tpu.memory_space<vmem_shared>>) dst(%dma_wait3A_1413 : memref<80x128xf32, #tpu.memory_space<vmem>>)
        tpu.yield
      }) : () -> ()
      %add3A_1294 = arith.constant 320 : i32
      %add3A_1295 = arith.addi %mul3A_2, %add3A_1294 : i32
      %dma_start3A_1296 = arith.constant 0 : i32
      %dma_start3A_1297 = arith.constant 0 : i32
      %dma_start3A_1298 = arith.constant 0 : i32
      %dma_start3A_1299 = tpu.memref_slice %arg10[%dma_start3A_1296, %dma_start3A_1297, %dma_start3A_1298] : memref<4x80x128xf32, #tpu.memory_space<vmem>> -> memref<1x80x128xf32, #tpu.memory_space<vmem>>
      %dma_start3A_1300 = tpu.memref_squeeze %dma_start3A_1299 : memref<1x80x128xf32, #tpu.memory_space<vmem>> -> memref<80x128xf32, #tpu.memory_space<vmem>>
      %dma_start3A_1301 = tpu.memref_slice %arg5[%add3A_1295, %multiple_of3A] : memref<10000x256xf32, #tpu.memory_space<hbm>> -> memref<80x128xf32, #tpu.memory_space<hbm>>
      %dma_start3A_1302 = tpu.memref_slice %arg5[%add3A_1295, %multiple_of3A] : memref<10000x256xf32, #tpu.memory_space<hbm>> -> memref<80x128xf32, #tpu.memory_space<hbm>>
      %dma_start3A_1303 = arith.constant 0 : i32
      %dma_start3A_1304 = arith.constant 0 : i32
      %dma_start3A_1305 = tpu.memref_slice %arg10[%dma_start3A_1296, %dma_start3A_1303, %dma_start3A_1304] : memref<4x80x128xf32, #tpu.memory_space<vmem>> -> memref<1x80x128xf32, #tpu.memory_space<vmem>>
      %dma_start3A_1306 = tpu.memref_squeeze %dma_start3A_1305 : memref<1x80x128xf32, #tpu.memory_space<vmem>> -> memref<80x128xf32, #tpu.memory_space<vmem>>
      tpu.enqueue_dma source(%dma_start3A_1306 : memref<80x128xf32, #tpu.memory_space<vmem>>) target(%dma_start3A_1302 : memref<80x128xf32, #tpu.memory_space<hbm>>) target_semaphore(%arg13 : memref<!tpu.dma_semaphore, #tpu.memory_space<semaphore_mem>>)
      %add3A_1307 = arith.constant 240 : i32
      %add3A_1308 = arith.addi %mul3A_2, %add3A_1307 : i32
      %dma_wait3A_1309 = arith.constant 1 : i32
      %dma_wait3A_1310 = arith.constant 0 : i32
      %dma_wait3A_1311 = arith.constant 0 : i32
      %dma_wait3A_1312 = tpu.memref_slice %arg10[%dma_wait3A_1309, %dma_wait3A_1310, %dma_wait3A_1311] : memref<4x80x128xf32, #tpu.memory_space<vmem>> -> memref<1x80x128xf32, #tpu.memory_space<vmem>>
      %dma_wait3A_1313 = tpu.memref_squeeze %dma_wait3A_1312 : memref<1x80x128xf32, #tpu.memory_space<vmem>> -> memref<80x128xf32, #tpu.memory_space<vmem>>
      %dma_wait3A_1314 = tpu.memref_slice %arg5[%add3A_1308, %multiple_of3A] : memref<10000x256xf32, #tpu.memory_space<hbm>> -> memref<80x128xf32, #tpu.memory_space<hbm>>
      %dma_wait3A_1315 = tpu.memref_slice %arg5[%add3A_1308, %multiple_of3A] : memref<10000x256xf32, #tpu.memory_space<hbm>> -> memref<80x128xf32, #tpu.memory_space<hbm>>
      %dma_wait3A_1316 = arith.constant 0 : i32
      %dma_wait3A_1317 = arith.constant 0 : i32
      %dma_wait3A_1318 = tpu.memref_slice %arg10[%dma_wait3A_1309, %dma_wait3A_1316, %dma_wait3A_1317] : memref<4x80x128xf32, #tpu.memory_space<vmem>> -> memref<1x80x128xf32, #tpu.memory_space<vmem>>
      %dma_wait3A_1319 = tpu.memref_squeeze %dma_wait3A_1318 : memref<1x80x128xf32, #tpu.memory_space<vmem>> -> memref<80x128xf32, #tpu.memory_space<vmem>>
      tpu.wait_dma2 semaphore(%arg14 : memref<!tpu.dma_semaphore, #tpu.memory_space<semaphore_mem>>) src(%dma_wait3A_1319 : memref<80x128xf32, #tpu.memory_space<vmem>>) dst(%dma_wait3A_1315 : memref<80x128xf32, #tpu.memory_space<hbm>>)
      %add3A_1320 = arith.constant 400 : i32
      %add3A_1321 = arith.addi %mul3A_2, %add3A_1320 : i32
      %run_scoped3A_1322 = arith.constant 1 : i32
      "tpu.region"() ({
        %run_scoped3A_1391 = tpu.sem_alloc : memref<!tpu.dma_semaphore, #tpu.memory_space<semaphore_mem>>
        %dma_start3A_1392 = arith.constant 0 : i32
        %dma_start3A_1393 = arith.constant 0 : i32
        %dma_start3A_1394 = tpu.memref_slice %arg10[%run_scoped3A_1322, %dma_start3A_1392, %dma_start3A_1393] : memref<4x80x128xf32, #tpu.memory_space<vmem>> -> memref<1x80x128xf32, #tpu.memory_space<vmem>>
        %dma_start3A_1395 = tpu.memref_squeeze %dma_start3A_1394 : memref<1x80x128xf32, #tpu.memory_space<vmem>> -> memref<80x128xf32, #tpu.memory_space<vmem>>
        %dma_start3A_1396 = arith.constant 0 : i32
        %dma_start3A_1397 = tpu.memref_slice %arg11[%add3A_1321, %dma_start3A_1396] : memref<10112x128xf32, #tpu.memory_space<vmem_shared>> -> memref<80x128xf32, #tpu.memory_space<vmem_shared>>
        %dma_start3A_1398 = arith.constant 0 : i32
        %dma_start3A_1399 = arith.constant 0 : i32
        %dma_start3A_1400 = tpu.memref_slice %arg10[%run_scoped3A_1322, %dma_start3A_1398, %dma_start3A_1399] : memref<4x80x128xf32, #tpu.memory_space<vmem>> -> memref<1x80x128xf32, #tpu.memory_space<vmem>>
        %dma_start3A_1401 = tpu.memref_squeeze %dma_start3A_1400 : memref<1x80x128xf32, #tpu.memory_space<vmem>> -> memref<80x128xf32, #tpu.memory_space<vmem>>
        %dma_start3A_1402 = arith.constant 0 : i32
        %dma_start3A_1403 = tpu.memref_slice %arg11[%add3A_1321, %dma_start3A_1402] : memref<10112x128xf32, #tpu.memory_space<vmem_shared>> -> memref<80x128xf32, #tpu.memory_space<vmem_shared>>
        tpu.enqueue_dma source(%dma_start3A_1403 : memref<80x128xf32, #tpu.memory_space<vmem_shared>>) target(%dma_start3A_1401 : memref<80x128xf32, #tpu.memory_space<vmem>>) target_semaphore(%run_scoped3A_1391 : memref<!tpu.dma_semaphore, #tpu.memory_space<semaphore_mem>>)
        %dma_wait3A_1404 = arith.constant 0 : i32
        %dma_wait3A_1405 = arith.constant 0 : i32
        %dma_wait3A_1406 = tpu.memref_slice %arg10[%run_scoped3A_1322, %dma_wait3A_1404, %dma_wait3A_1405] : memref<4x80x128xf32, #tpu.memory_space<vmem>> -> memref<1x80x128xf32, #tpu.memory_space<vmem>>
        %dma_wait3A_1407 = tpu.memref_squeeze %dma_wait3A_1406 : memref<1x80x128xf32, #tpu.memory_space<vmem>> -> memref<80x128xf32, #tpu.memory_space<vmem>>
        %dma_wait3A_1408 = arith.constant 0 : i32
        %dma_wait3A_1409 = tpu.memref_slice %arg11[%add3A_1321, %dma_wait3A_1408] : memref<10112x128xf32, #tpu.memory_space<vmem_shared>> -> memref<80x128xf32, #tpu.memory_space<vmem_shared>>
        %dma_wait3A_1410 = arith.constant 0 : i32
        %dma_wait3A_1411 = arith.constant 0 : i32
        %dma_wait3A_1412 = tpu.memref_slice %arg10[%run_scoped3A_1322, %dma_wait3A_1410, %dma_wait3A_1411] : memref<4x80x128xf32, #tpu.memory_space<vmem>> -> memref<1x80x128xf32, #tpu.memory_space<vmem>>
        %dma_wait3A_1413 = tpu.memref_squeeze %dma_wait3A_1412 : memref<1x80x128xf32, #tpu.memory_space<vmem>> -> memref<80x128xf32, #tpu.memory_space<vmem>>
        %dma_wait3A_1414 = arith.constant 0 : i32
        %dma_wait3A_1415 = tpu.memref_slice %arg11[%add3A_1321, %dma_wait3A_1414] : memref<10112x128xf32, #tpu.memory_space<vmem_shared>> -> memref<80x128xf32, #tpu.memory_space<vmem_shared>>
        tpu.wait_dma2 semaphore(%run_scoped3A_1391 : memref<!tpu.dma_semaphore, #tpu.memory_space<semaphore_mem>>) src(%dma_wait3A_1415 : memref<80x128xf32, #tpu.memory_space<vmem_shared>>) dst(%dma_wait3A_1413 : memref<80x128xf32, #tpu.memory_space<vmem>>)
        tpu.yield
      }) : () -> ()
      %add3A_1323 = arith.constant 400 : i32
      %add3A_1324 = arith.addi %mul3A_2, %add3A_1323 : i32
      %dma_start3A_1325 = arith.constant 1 : i32
      %dma_start3A_1326 = arith.constant 0 : i32
      %dma_start3A_1327 = arith.constant 0 : i32
      %dma_start3A_1328 = tpu.memref_slice %arg10[%dma_start3A_1325, %dma_start3A_1326, %dma_start3A_1327] : memref<4x80x128xf32, #tpu.memory_space<vmem>> -> memref<1x80x128xf32, #tpu.memory_space<vmem>>
      %dma_start3A_1329 = tpu.memref_squeeze %dma_start3A_1328 : memref<1x80x128xf32, #tpu.memory_space<vmem>> -> memref<80x128xf32, #tpu.memory_space<vmem>>
      %dma_start3A_1330 = tpu.memref_slice %arg5[%add3A_1324, %multiple_of3A] : memref<10000x256xf32, #tpu.memory_space<hbm>> -> memref<80x128xf32, #tpu.memory_space<hbm>>
      %dma_start3A_1331 = tpu.memref_slice %arg5[%add3A_1324, %multiple_of3A] : memref<10000x256xf32, #tpu.memory_space<hbm>> -> memref<80x128xf32, #tpu.memory_space<hbm>>
      %dma_start3A_1332 = arith.constant 0 : i32
      %dma_start3A_1333 = arith.constant 0 : i32
      %dma_start3A_1334 = tpu.memref_slice %arg10[%dma_start3A_1325, %dma_start3A_1332, %dma_start3A_1333] : memref<4x80x128xf32, #tpu.memory_space<vmem>> -> memref<1x80x128xf32, #tpu.memory_space<vmem>>
      %dma_start3A_1335 = tpu.memref_squeeze %dma_start3A_1334 : memref<1x80x128xf32, #tpu.memory_space<vmem>> -> memref<80x128xf32, #tpu.memory_space<vmem>>
      tpu.enqueue_dma source(%dma_start3A_1335 : memref<80x128xf32, #tpu.memory_space<vmem>>) target(%dma_start3A_1331 : memref<80x128xf32, #tpu.memory_space<hbm>>) target_semaphore(%arg14 : memref<!tpu.dma_semaphore, #tpu.memory_space<semaphore_mem>>)
      %add3A_1336 = arith.constant 320 : i32
      %add3A_1337 = arith.addi %mul3A_2, %add3A_1336 : i32
      %dma_wait3A_1338 = arith.constant 0 : i32
      %dma_wait3A_1339 = arith.constant 0 : i32
      %dma_wait3A_1340 = arith.constant 0 : i32
      %dma_wait3A_1341 = tpu.memref_slice %arg10[%dma_wait3A_1338, %dma_wait3A_1339, %dma_wait3A_1340] : memref<4x80x128xf32, #tpu.memory_space<vmem>> -> memref<1x80x128xf32, #tpu.memory_space<vmem>>
      %dma_wait3A_1342 = tpu.memref_squeeze %dma_wait3A_1341 : memref<1x80x128xf32, #tpu.memory_space<vmem>> -> memref<80x128xf32, #tpu.memory_space<vmem>>
      %dma_wait3A_1343 = tpu.memref_slice %arg5[%add3A_1337, %multiple_of3A] : memref<10000x256xf32, #tpu.memory_space<hbm>> -> memref<80x128xf32, #tpu.memory_space<hbm>>
      %dma_wait3A_1344 = tpu.memref_slice %arg5[%add3A_1337, %multiple_of3A] : memref<10000x256xf32, #tpu.memory_space<hbm>> -> memref<80x128xf32, #tpu.memory_space<hbm>>
      %dma_wait3A_1345 = arith.constant 0 : i32
      %dma_wait3A_1346 = arith.constant 0 : i32
      %dma_wait3A_1347 = tpu.memref_slice %arg10[%dma_wait3A_1338, %dma_wait3A_1345, %dma_wait3A_1346] : memref<4x80x128xf32, #tpu.memory_space<vmem>> -> memref<1x80x128xf32, #tpu.memory_space<vmem>>
      %dma_wait3A_1348 = tpu.memref_squeeze %dma_wait3A_1347 : memref<1x80x128xf32, #tpu.memory_space<vmem>> -> memref<80x128xf32, #tpu.memory_space<vmem>>
      tpu.wait_dma2 semaphore(%arg13 : memref<!tpu.dma_semaphore, #tpu.memory_space<semaphore_mem>>) src(%dma_wait3A_1348 : memref<80x128xf32, #tpu.memory_space<vmem>>) dst(%dma_wait3A_1344 : memref<80x128xf32, #tpu.memory_space<hbm>>)
      %add3A_1349 = arith.constant 480 : i32
      %add3A_1350 = arith.addi %mul3A_2, %add3A_1349 : i32
      %run_scoped3A_1351 = arith.constant 0 : i32
      "tpu.region"() ({
        %run_scoped3A_1391 = tpu.sem_alloc : memref<!tpu.dma_semaphore, #tpu.memory_space<semaphore_mem>>
        %dma_start3A_1392 = arith.constant 0 : i32
        %dma_start3A_1393 = arith.constant 0 : i32
        %dma_start3A_1394 = tpu.memref_slice %arg10[%run_scoped3A_1351, %dma_start3A_1392, %dma_start3A_1393] : memref<4x80x128xf32, #tpu.memory_space<vmem>> -> memref<1x40x128xf32, #tpu.memory_space<vmem>>
        %dma_start3A_1395 = tpu.memref_squeeze %dma_start3A_1394 : memref<1x40x128xf32, #tpu.memory_space<vmem>> -> memref<40x128xf32, #tpu.memory_space<vmem>>
        %dma_start3A_1396 = arith.constant 0 : i32
        %dma_start3A_1397 = tpu.memref_slice %arg11[%add3A_1350, %dma_start3A_1396] : memref<10112x128xf32, #tpu.memory_space<vmem_shared>> -> memref<40x128xf32, #tpu.memory_space<vmem_shared>>
        %dma_start3A_1398 = arith.constant 0 : i32
        %dma_start3A_1399 = arith.constant 0 : i32
        %dma_start3A_1400 = tpu.memref_slice %arg10[%run_scoped3A_1351, %dma_start3A_1398, %dma_start3A_1399] : memref<4x80x128xf32, #tpu.memory_space<vmem>> -> memref<1x40x128xf32, #tpu.memory_space<vmem>>
        %dma_start3A_1401 = tpu.memref_squeeze %dma_start3A_1400 : memref<1x40x128xf32, #tpu.memory_space<vmem>> -> memref<40x128xf32, #tpu.memory_space<vmem>>
        %dma_start3A_1402 = arith.constant 0 : i32
        %dma_start3A_1403 = tpu.memref_slice %arg11[%add3A_1350, %dma_start3A_1402] : memref<10112x128xf32, #tpu.memory_space<vmem_shared>> -> memref<40x128xf32, #tpu.memory_space<vmem_shared>>
        tpu.enqueue_dma source(%dma_start3A_1403 : memref<40x128xf32, #tpu.memory_space<vmem_shared>>) target(%dma_start3A_1401 : memref<40x128xf32, #tpu.memory_space<vmem>>) target_semaphore(%run_scoped3A_1391 : memref<!tpu.dma_semaphore, #tpu.memory_space<semaphore_mem>>)
        %dma_wait3A_1404 = arith.constant 0 : i32
        %dma_wait3A_1405 = arith.constant 0 : i32
        %dma_wait3A_1406 = tpu.memref_slice %arg10[%run_scoped3A_1351, %dma_wait3A_1404, %dma_wait3A_1405] : memref<4x80x128xf32, #tpu.memory_space<vmem>> -> memref<1x40x128xf32, #tpu.memory_space<vmem>>
        %dma_wait3A_1407 = tpu.memref_squeeze %dma_wait3A_1406 : memref<1x40x128xf32, #tpu.memory_space<vmem>> -> memref<40x128xf32, #tpu.memory_space<vmem>>
        %dma_wait3A_1408 = arith.constant 0 : i32
        %dma_wait3A_1409 = tpu.memref_slice %arg11[%add3A_1350, %dma_wait3A_1408] : memref<10112x128xf32, #tpu.memory_space<vmem_shared>> -> memref<40x128xf32, #tpu.memory_space<vmem_shared>>
        %dma_wait3A_1410 = arith.constant 0 : i32
        %dma_wait3A_1411 = arith.constant 0 : i32
        %dma_wait3A_1412 = tpu.memref_slice %arg10[%run_scoped3A_1351, %dma_wait3A_1410, %dma_wait3A_1411] : memref<4x80x128xf32, #tpu.memory_space<vmem>> -> memref<1x40x128xf32, #tpu.memory_space<vmem>>
        %dma_wait3A_1413 = tpu.memref_squeeze %dma_wait3A_1412 : memref<1x40x128xf32, #tpu.memory_space<vmem>> -> memref<40x128xf32, #tpu.memory_space<vmem>>
        %dma_wait3A_1414 = arith.constant 0 : i32
        %dma_wait3A_1415 = tpu.memref_slice %arg11[%add3A_1350, %dma_wait3A_1414] : memref<10112x128xf32, #tpu.memory_space<vmem_shared>> -> memref<40x128xf32, #tpu.memory_space<vmem_shared>>
        tpu.wait_dma2 semaphore(%run_scoped3A_1391 : memref<!tpu.dma_semaphore, #tpu.memory_space<semaphore_mem>>) src(%dma_wait3A_1415 : memref<40x128xf32, #tpu.memory_space<vmem_shared>>) dst(%dma_wait3A_1413 : memref<40x128xf32, #tpu.memory_space<vmem>>)
        tpu.yield
      }) : () -> ()
      %add3A_1352 = arith.constant 480 : i32
      %add3A_1353 = arith.addi %mul3A_2, %add3A_1352 : i32
      %dma_start3A_1354 = arith.constant 0 : i32
      %dma_start3A_1355 = arith.constant 0 : i32
      %dma_start3A_1356 = arith.constant 0 : i32
      %dma_start3A_1357 = tpu.memref_slice %arg10[%dma_start3A_1354, %dma_start3A_1355, %dma_start3A_1356] : memref<4x80x128xf32, #tpu.memory_space<vmem>> -> memref<1x40x128xf32, #tpu.memory_space<vmem>>
      %dma_start3A_1358 = tpu.memref_squeeze %dma_start3A_1357 : memref<1x40x128xf32, #tpu.memory_space<vmem>> -> memref<40x128xf32, #tpu.memory_space<vmem>>
      %dma_start3A_1359 = tpu.memref_slice %arg5[%add3A_1353, %multiple_of3A] : memref<10000x256xf32, #tpu.memory_space<hbm>> -> memref<40x128xf32, #tpu.memory_space<hbm>>
      %dma_start3A_1360 = tpu.memref_slice %arg5[%add3A_1353, %multiple_of3A] : memref<10000x256xf32, #tpu.memory_space<hbm>> -> memref<40x128xf32, #tpu.memory_space<hbm>>
      %dma_start3A_1361 = arith.constant 0 : i32
      %dma_start3A_1362 = arith.constant 0 : i32
      %dma_start3A_1363 = tpu.memref_slice %arg10[%dma_start3A_1354, %dma_start3A_1361, %dma_start3A_1362] : memref<4x80x128xf32, #tpu.memory_space<vmem>> -> memref<1x40x128xf32, #tpu.memory_space<vmem>>
      %dma_start3A_1364 = tpu.memref_squeeze %dma_start3A_1363 : memref<1x40x128xf32, #tpu.memory_space<vmem>> -> memref<40x128xf32, #tpu.memory_space<vmem>>
      tpu.enqueue_dma source(%dma_start3A_1364 : memref<40x128xf32, #tpu.memory_space<vmem>>) target(%dma_start3A_1360 : memref<40x128xf32, #tpu.memory_space<hbm>>) target_semaphore(%arg13 : memref<!tpu.dma_semaphore, #tpu.memory_space<semaphore_mem>>)
      %add3A_1365 = arith.constant 400 : i32
      %add3A_1366 = arith.addi %mul3A_2, %add3A_1365 : i32
      %dma_wait3A_1367 = arith.constant 1 : i32
      %dma_wait3A_1368 = arith.constant 0 : i32
      %dma_wait3A_1369 = arith.constant 0 : i32
      %dma_wait3A_1370 = tpu.memref_slice %arg10[%dma_wait3A_1367, %dma_wait3A_1368, %dma_wait3A_1369] : memref<4x80x128xf32, #tpu.memory_space<vmem>> -> memref<1x80x128xf32, #tpu.memory_space<vmem>>
      %dma_wait3A_1371 = tpu.memref_squeeze %dma_wait3A_1370 : memref<1x80x128xf32, #tpu.memory_space<vmem>> -> memref<80x128xf32, #tpu.memory_space<vmem>>
      %dma_wait3A_1372 = tpu.memref_slice %arg5[%add3A_1366, %multiple_of3A] : memref<10000x256xf32, #tpu.memory_space<hbm>> -> memref<80x128xf32, #tpu.memory_space<hbm>>
      %dma_wait3A_1373 = tpu.memref_slice %arg5[%add3A_1366, %multiple_of3A] : memref<10000x256xf32, #tpu.memory_space<hbm>> -> memref<80x128xf32, #tpu.memory_space<hbm>>
      %dma_wait3A_1374 = arith.constant 0 : i32
      %dma_wait3A_1375 = arith.constant 0 : i32
      %dma_wait3A_1376 = tpu.memref_slice %arg10[%dma_wait3A_1367, %dma_wait3A_1374, %dma_wait3A_1375] : memref<4x80x128xf32, #tpu.memory_space<vmem>> -> memref<1x80x128xf32, #tpu.memory_space<vmem>>
      %dma_wait3A_1377 = tpu.memref_squeeze %dma_wait3A_1376 : memref<1x80x128xf32, #tpu.memory_space<vmem>> -> memref<80x128xf32, #tpu.memory_space<vmem>>
      tpu.wait_dma2 semaphore(%arg14 : memref<!tpu.dma_semaphore, #tpu.memory_space<semaphore_mem>>) src(%dma_wait3A_1377 : memref<80x128xf32, #tpu.memory_space<vmem>>) dst(%dma_wait3A_1373 : memref<80x128xf32, #tpu.memory_space<hbm>>)
      %add3A_1378 = arith.constant 480 : i32
      %add3A_1379 = arith.addi %mul3A_2, %add3A_1378 : i32
      %dma_wait3A_1380 = arith.constant 0 : i32
      %dma_wait3A_1381 = arith.constant 0 : i32
      %dma_wait3A_1382 = arith.constant 0 : i32
      %dma_wait3A_1383 = tpu.memref_slice %arg10[%dma_wait3A_1380, %dma_wait3A_1381, %dma_wait3A_1382] : memref<4x80x128xf32, #tpu.memory_space<vmem>> -> memref<1x40x128xf32, #tpu.memory_space<vmem>>
      %dma_wait3A_1384 = tpu.memref_squeeze %dma_wait3A_1383 : memref<1x40x128xf32, #tpu.memory_space<vmem>> -> memref<40x128xf32, #tpu.memory_space<vmem>>
      %dma_wait3A_1385 = tpu.memref_slice %arg5[%add3A_1379, %multiple_of3A] : memref<10000x256xf32, #tpu.memory_space<hbm>> -> memref<40x128xf32, #tpu.memory_space<hbm>>
      %dma_wait3A_1386 = tpu.memref_slice %arg5[%add3A_1379, %multiple_of3A] : memref<10000x256xf32, #tpu.memory_space<hbm>> -> memref<40x128xf32, #tpu.memory_space<hbm>>
      %dma_wait3A_1387 = arith.constant 0 : i32
      %dma_wait3A_1388 = arith.constant 0 : i32
      %dma_wait3A_1389 = tpu.memref_slice %arg10[%dma_wait3A_1380, %dma_wait3A_1387, %dma_wait3A_1388] : memref<4x80x128xf32, #tpu.memory_space<vmem>> -> memref<1x40x128xf32, #tpu.memory_space<vmem>>
      %dma_wait3A_1390 = tpu.memref_squeeze %dma_wait3A_1389 : memref<1x40x128xf32, #tpu.memory_space<vmem>> -> memref<40x128xf32, #tpu.memory_space<vmem>>
      tpu.wait_dma2 semaphore(%arg13 : memref<!tpu.dma_semaphore, #tpu.memory_space<semaphore_mem>>) src(%dma_wait3A_1390 : memref<40x128xf32, #tpu.memory_space<vmem>>) dst(%dma_wait3A_1386 : memref<40x128xf32, #tpu.memory_space<hbm>>)
    } else {
    }
    return
  }
}

</mosaic_0001>

<sc_bundles>
// kernel: kernel.3.cloned.1.call-start
scs
__scs_entry_jumppad:
0x0: {  	(pc) =	sbr.rel $0x88, $3  }
0x1: {  	(tag) =	ssettag $0x0;
	lr =	simm.s32 $0x1  }
0x2: {  	[smem:$0x3F9E] =	sst lr;
	_ =	strace $0xD0000000  }
0x3: {  	_ = 	snop  }
0x4: {  	_ = 	snop  }
0x5: {  	_ = 	snop  }
0x6: {  	_ = 	snop  }
0x7: {  	_ = 	snop  }
__scs_overlays_trampoline_lowered:
0x8: {  	[smem:$0x3FAD] =	sst s0  }
0x9: {  	[smem:$0x3FAE] =	sst s1  }
0xa: {  	[smem:$0x3FAF] =	sst s2  }
0xb: {  	[smem:$0x3FB0] =	sst s3  }
0xc: {  	[smem:$0x3FB1] =	sst s4  }
0xd: {  	[smem:$0x3FB2] =	sst s5  }
0xe: {  	[smem:$0x3FB3] =	sst s6  }
0xf: {  	[smem:$0x3FB4] =	sst s7  }
0x10: {  	[smem:$0x3FB5] =	sst s8  }
0x11: {  	[smem:$0x3FB6] =	sst s9;
	s0 =	simm.s32 @!p0 $0x0  }
0x12: {  	s1 =	sld [smem:$0x3F9C];
	s0 =	simm.s32 @p0 $0x1  }
0x13: {  	[smem:$0x3FB7] =	sst s0;
	s0 =	simm.s32 @!p1 $0x0  }
0x14: {  	s2 =	sld [smem:$0x3F9B];
	s0 =	simm.s32 @p1 $0x1  }
0x15: {  	[smem:$0x3FB8] =	sst s0;
	s0 =	simm.s32 @!p2 $0x0  }
0x16: {  	s3 =	sld [smem:$0x3FDB];
	s0 =	simm.s32 @p2 $0x1  }
0x17: {  	s4 =	simm.s32 $0x1BF5;
	[smem:$0x3FBA] =	sst s0  }
0x18: {  	s0 =	sld [smem:$0x3F9D];
	_ =	swait.ge [sflag:s4], $0x0  }
0x19: {  	s7 =	sld [smem:$0x3F9E]  }
0x1a: {  	s8 =	sadd.s32 $0xFFFFE003, lr  }
0x1b: {  	s9 =	sadd.s32 $0xFFFFFEF7, lr;
	s5 =	simm.s32 $0xFFFFFFFF;
	p2 =	slt.u32 s8, $0xFFFFF086  }
0x1c: {  	p1 =	slt.u32 s9, $0xF7A;
	s5 =	simm.s32 @!p2 $0x0  }
0x1d: {  	s5 =	simm.s32 @p1 $0x1;
	p0 =	seq.s32 s7, s2  }
0x1e: {  	s7 =	smul.u32 @!p0 $0xF7A, s2;
	p2 =	seq.s32 @!p0 s5, $0x0  }
0x1f: {  	s9 =	smul.u32 $0xF7A, s1;
	s8 =	simm.s32 @!p0 $0x1BF5;
	p2 =	por !p2, p0  }
0x20: {  	[sflag:s8] =	ssyncset.s32 @!p0 $0xFFFFF086;
	s6 =	sadd.s32 @!p0 s3, s7;
	s7 =	simm.s32 @!p0 $0x108  }
0x21: {  	s3 =	sadd.s32 s3, s9;
	s6 =	sadd.s32 @!p0 $0x88, s6;
	s7 =	simm.s32 @p2 $0x1082  }
0x22: {  	[simem:s7], [sflag:s8] =	dma.local @!p0 [hbm:s6], $0xF7A  }
0x23: {  	s9 =	sor.u32 $0xD0000000, s2;
	s6 =	simm.s32 $0x108;
	_ =	swait.ge @!p0 [sflag:s8], $0x0  }
0x24: {  	s3 =	sadd.s32 $0x88, s3;
	s6 =	simm.s32 @!p1 $0x1082;
	[sflag:s4] =	ssyncset.s32 $0xFFFFF086  }
0x25: {  	[simem:s6], [sflag:s4] =	dma.local [hbm:s3], $0xF7A  }
0x26: {  	[smem:$0x3F9E] =	sst s1;
	(tag) =	ssettag s2;
	_ =	strace s9  }
0x27: {  	s1 =	sld [smem:$0x3FAE]  }
0x28: {  	s2 =	sld [smem:$0x3FAF]  }
0x29: {  	s4 =	sld [smem:$0x3FB1]  }
0x2a: {  	p0 =	seq.s32 s5, $0x0;
	s5 =	sld [smem:$0x3FB2]  }
0x2b: {  	s6 =	sld [smem:$0x3FB3]  }
0x2c: {  	s7 =	sld [smem:$0x3FB4]  }
0x2d: {  	s3 =	simm.s32 $0x108;
	s8 =	sld [smem:$0x3FB5]  }
0x2e: {  	s3 =	simm.s32 @!p0 $0x1082;
	s9 =	sld [smem:$0x3FB6]  }
0x2f: {  	lr =	sadd.s32 s0, s3;
	s0 =	sld [smem:$0x3FAD]  }
0x30: {  	s3 =	sld [smem:$0x3FB0]  }
0x31: {  	[smem:$0x3FB9] =	sst s10  }
0x32: {  	s10 =	sld [smem:$0x3FB7];
	_ =	sdelay $0x3  }
0x33: {  	p0 =	seq.s32 s10, $0x1;
	s10 =	sld [smem:$0x3FB9];
	_ =	sdelay $0x3  }
0x34: {  	[smem:$0x3FB9] =	sst s10  }
0x35: {  	s10 =	sld [smem:$0x3FB8];
	_ =	sdelay $0x3  }
0x36: {  	p1 =	seq.s32 s10, $0x1;
	s10 =	sld [smem:$0x3FB9];
	_ =	sdelay $0x3  }
0x37: {  	[smem:$0x3FB9] =	sst s10  }
0x38: {  	s10 =	sld [smem:$0x3FBA]  }
0x39: {  	_ = 	snop;
	(pc) =	sbr.ind lr, $3  }
0x3a: {  	_ = 	snop  }
0x3b: {  	_ = 	snop  }
0x3c: {  	p2 =	seq.s32 s10, $0x1;
	s10 =	sld [smem:$0x3FB9]  }
0x3d: {  	_ =	shalt  }
0x3e: {  	_ =	shalt  }
0x3f: {  	_ =	shalt  }
0x40: {  	_ =	shalt  }
0x41: {  	_ =	shalt  }
0x42: {  	_ =	shalt  }
0x43: {  	_ =	shalt  }
0x44: {  	_ =	shalt  }
0x45: {  	_ =	shalt  }
0x46: {  	_ =	shalt  }
0x47: {  	_ =	shalt  }
0x48: {  	_ =	shalt  }
0x49: {  	_ =	shalt  }
0x4a: {  	_ =	shalt  }
0x4b: {  	_ =	shalt  }
0x4c: {  	_ =	shalt  }
0x4d: {  	_ =	shalt  }
0x4e: {  	_ =	shalt  }
0x4f: {  	_ =	shalt  }
0x50: {  	_ =	shalt  }
0x51: {  	_ =	shalt  }
0x52: {  	_ =	shalt  }
0x53: {  	_ =	shalt  }
0x54: {  	_ =	shalt  }
0x55: {  	_ =	shalt  }
0x56: {  	_ =	shalt  }
0x57: {  	_ =	shalt  }
0x58: {  	_ =	shalt  }
0x59: {  	_ =	shalt  }
0x5a: {  	_ =	shalt  }
0x5b: {  	_ =	shalt  }
0x5c: {  	_ =	shalt  }
0x5d: {  	_ =	shalt  }
0x5e: {  	_ =	shalt  }
0x5f: {  	_ =	shalt  }
0x60: {  	_ =	shalt  }
0x61: {  	_ =	shalt  }
0x62: {  	_ =	shalt  }
0x63: {  	_ =	shalt  }
0x64: {  	_ =	shalt  }
0x65: {  	_ =	shalt  }
0x66: {  	_ =	shalt  }
0x67: {  	_ =	shalt  }
0x68: {  	_ =	shalt  }
0x69: {  	_ =	shalt  }
0x6a: {  	_ =	shalt  }
0x6b: {  	_ =	shalt  }
0x6c: {  	_ =	shalt  }
0x6d: {  	_ =	shalt  }
0x6e: {  	_ =	shalt  }
0x6f: {  	_ =	shalt  }
0x70: {  	_ =	shalt  }
0x71: {  	_ =	shalt  }
0x72: {  	_ =	shalt  }
0x73: {  	_ =	shalt  }
0x74: {  	_ =	shalt  }
0x75: {  	_ =	shalt  }
0x76: {  	_ =	shalt  }
0x77: {  	_ =	shalt  }
0x78: {  	_ =	shalt  }
0x79: {  	_ =	shalt  }
0x7a: {  	_ =	shalt  }
0x7b: {  	_ =	shalt  }
0x7c: {  	_ =	shalt  }
0x7d: {  	_ =	shalt  }
0x7e: {  	_ =	shalt  }
0x7f: {  	_ =	shalt  }
0x80: {  	_ =	shalt  }
0x81: {  	_ =	shalt  }
0x82: {  	_ =	shalt  }
0x83: {  	_ =	shalt  }
0x84: {  	_ =	shalt  }
0x85: {  	_ =	shalt  }
0x86: {  	_ =	shalt  }
0x87: {  	_ =	shalt  }
.Lfunc_end0:
.L_simem_size_0:
called_computation_lowered:
.L_overlay_start_0:
0x88: {  	s2 =	sld [smem:$0x3FD9]  }
0x89: {  	s3 =	sld [smem:$0x3FFE];
	_ =	sdelay $0x1  }
0x8a: {  	s1 =	srdreg.scid  }
0x8b: {  	s0 =	sand.u32 $0x1, s1  }
0x8c: {  	s17 =	sshll.u32 s0, $0xA;
	s2 =	sadd.s32 s3, s2  }
0x8d: {  	s2 =	sadd.s32 s2, s17  }
0x8e: {  	[smem:$0x3FC5] =	sst s2  }
0x8f: {  	_ = 	snop  }
0x90: {  	s2 =	sld [smem:$0x3FC9]  }
0x91: {  	s18 =	sld [smem:$0x3FC8]  }
0x92: {  	s4 =	sld [smem:$0x3FD0];
	(tm) =	ssettm $0x1  }
0x93: {  	s5 =	sld [smem:$0x3FFB];
	_ =	sdelay $0x3  }
0x94: {  	_ =	strace s5  }
0x95: {  	s5 =	sld [smem:$0x3FFC];
	_ =	sdelay $0x3  }
0x96: {  	_ =	strace s5  }
0x97: {  	s5 =	sld [smem:$0x3FFD];
	_ =	sdelay $0x3  }
0x98: {  	_ =	strace s5  }
0x99: {  	_ =	strace $0x8FFFFFFF  }
0x9a: {  	s19 =	sld [smem:$0x3FDB];
	_ =	sdelay $0x1  }
0x9b: {  	s6 =	simm.s32 $_scs_section_size  }
0x9c: {  	s7 =	simm.s32 $_size__tile_overlayer_lowered;
	s8 =	simm.s32 $_tile_overlayer_lowered  }
0x9d: {  	s22 =	simm.s32 $0x1BFF;
	s21 =	sshll.u32 s8, $0x1;
	s5 =	sadd.s32 s6, s19  }
0x9e: {  	s9 =	simm.s32 $0x0;
	s20 =	sshll.u32 s7, $0x1;
	s7 =	sadd.s32 s21, s5  }
0x9f: {  	[timem:s9], [sflag:s22] =	dma.local [hbm:s7], s20  }
0xa0: {  	_ =	swait.ge [sflag:s22], s20  }
0xa1: {  	s6 =	ssub.s32 $0x0, s20;
	[sflag:s22] =	ssyncset.done $0x0  }
0xa2: {  	[sflag:s22] =	ssyncadd.s32 s6;
	_ =	sdelay $0x1  }
0xa3: {  	s23 =	simm.s32 $0x1B8B  }
0xa4: {  	_ =	swait.ge [sflag:s23], $0x1  }
0xa5: {  	[sflag:s23] =	ssyncset.done $0x0  }
0xa6: {  	s25 =	simm.s32 $0x1B8E;
	s24 =	sld [smem:$0x3FFE];
	[sflag:s23] =	ssyncadd.s32 $0xFFFFFFFF  }
0xa7: {  	s26 =	simm.s32 $execute0_lowered;
	[smem:$0x3FD2] =	sst s25  }
0xa8: {  	s7 =	sshll.u32 s26, $0x1;
	_ =	strace $0x80000046;
	[dreg:$0x1] =	wrdreg $0xFFFFFFFF  }
0xa9: {  	s28 =	simm.s32 $_size_execute0_lowered;
	s5 =	sadd.s32 s5, s7;
	[dreg:$0x0] =	wrdreg $0x0  }
0xaa: {  	s7 =	sshll.u32 s28, $0x1;
	[dreg:$0x2] =	wrdreg s5  }
0xab: {  	[dreg:$0x3] =	wrdreg s7  }
0xac: {  	[dreg:$0x4] =	wrdreg $0xC0  }
0xad: {  	_ =	task [dreg:s9], $0x5FFFF  }
0xae: {  	[dreg:$0x1] =	wrdreg $0xFFFFFFFF  }
0xaf: {  	[dreg:$0x0] =	wrdreg $0x60  }
0xb0: {  	[dreg:$0x2] =	wrdreg s2  }
0xb1: {  	[dreg:$0x3] =	wrdreg s18  }
0xb2: {  	[dreg:$0x4] =	wrdreg s24  }
0xb3: {  	[dreg:$0x5] =	wrdreg s4  }
0xb4: {  	[dreg:$0x6] =	wrdreg $0xA6000  }
0xb5: {  	[dreg:$0x7] =	wrdreg $0x9  }
0xb6: {  	_ =	task.clear_ibuf [dreg:s9], $0x8FFFF;
	_ =	strace $0x90000046  }
0xb7: {  	s29 =	simm.s32 $0x9;
	_ =	strace $0x80000048  }
0xb8: {  	_ =	swait.ge [sflag:s29], $0x1  }
0xb9: {  	[sflag:s29] =	ssyncadd.s32 $0xFFFFFFFF  }
0xba: {  	_ =	strace $0x90000048  }
0xbb: {  	_ =	sfence  }
0xbc: {  	s30 =	sld [smem:$0x0];
	_ =	sdelay $0x2  }
0xbd: {  	s31 =	sshll.u32 s1, $0xD;
	s1 =	sshrl.u32 s1, $0x2  }
0xbe: {  	s3 =	sand.u32 $0x4000, s31;
	s1 =	sadd.s32 s1, s30  }
0xbf: {  	s0 =	sor.u32 s3, s0;
	s1 =	sshll.u32 s1, $0x11  }
0xc0: {  	s0 =	sor.u32 s1, s0  }
0xc1: {  	s0 =	sadd.s32 $0x8F2B, s0  }
0xc2: {  	[sflag:s0] =	ssyncadd.remote.s32 $0x1  }
0xc3: {  	_ =	sfence.sel $0xFFFF  }
0xc4: {  	[dreg:$0x0] =	wrdreg $0xFFFFFFFF;
	(pc) =	sbr.abs _section_cstart, $3  }
0xc5: {  	[dreg:$0x1] =	wrdreg $0xFFFFFFFF  }
0xc6: {  	_ =	task.clear_ibuf [dreg:s9], $0x2FFFF;
	_ =	strace $0x9FFFFFFF  }
0xc7: {  	(tm) =	ssettm $0x7FFFFFFF  }
tec
execute0_lowered:
.L_overlay_start_1:
0x0: {  	(tag) =	ssettag $0x1  }
0x1: {  	s0 =	srdreg.scid  }
0x2: {  	s2 =	rddreg [dreg:$0x0];
	s26 =	stileid.u32  }
0x3: {  	s12 =	rddreg [dreg:$0x2];
	s13 =	smul.u32 $0x2710, s26  }
0x4: {  	s14 =	rddreg [dreg:$0x3];
	s4 =	smul.u32 $0x278, s26  }
0x5: {  	s1 =	simm.s32 $0x0;
	s28 =	simm.s32 $0x800;
	s23 =	smul.u32 $0x271000, s26  }
0x6: {  	s30 =	simm.s32 $0xB;
	s11 =	sand.u32 $0x1, s0;
	s18 =	smul.u32 $0x27800, s26  }
0x7: {  	[smem:$0x7FF] =	sst s1;
	s12 =	sadd.s32 $0x400, s12;
	s0 =	ssub.s32 $0x2, s11  }
0x8: {  	s16 =	sshll.u32 s11, $0xA;
	s11 =	sshll.u32 s11, $0x7;
	s3 =	sshrl.u32 s0, $0x1  }
0x9: {  	s15 =	sadd.s32 $0x50, s13;
	s17 =	sadd.s32 $0x50, s4;
	s9 =	sadd.s32 $0xA0, s4  }
0xa: {  	s10 =	sadd.s32 $0xF0, s4;
	s6 =	sadd.s32 $0x140, s4;
	s5 =	sadd.s32 $0x190, s4  }
0xb: {  	s7 =	sadd.s32 $0x1E0, s4;
	s8 =	sadd.s32 $0x230, s4;
	s18 =	sor.u32 s16, s18  }
0xc: {  	s13 =	sshrl.u32 s13, $0x3;
	s2 =	sadd.s32 s2, s11;
	s11 =	sadd.s32 s11, s14  }
0xd: {  	s0 =	ssub.s32 s0, s3;
	s3 =	sor.u32 s16, s23;
	s24 =	sshll.u32 s15, $0x8  }
0xe: {  	s19 =	sshll.u32 s17, $0x8;
	s20 =	sshll.u32 s9, $0x8;
	s21 =	sshll.u32 s10, $0x8  }
0xf: {  	s22 =	sshll.u32 s6, $0x8;
	s23 =	sshll.u32 s5, $0x8;
	s25 =	sshll.u32 s8, $0x8  }
0x10: {  	s18 =	sshrl.u32 s18, $0x3;
	s15 =	sshrl.u32 s15, $0x3;
	s13 =	sadd.s32 s12, s13  }
0x11: {  	s4 =	sor.u32 s16, s24;
	s19 =	sor.u32 s16, s19;
	s20 =	sor.u32 s16, s20  }
0x12: {  	s21 =	sor.u32 s16, s21;
	s22 =	sor.u32 s16, s22;
	s24 =	sshll.u32 s7, $0x8  }
0x13: {  	s23 =	sor.u32 s16, s23;
	s18 =	sadd.s32 s14, s18;
	s15 =	sadd.s32 s12, s15  }
0x14: {  	s24 =	sor.u32 s16, s24;
	s16 =	sor.u32 s16, s25;
	[dreg:$0x6] =	wrdreg s18  }
0x15: {  	s25 =	sshrl.u32 s19, $0x3;
	s19 =	sshrl.u32 s20, $0x3;
	[dreg:$0xf] =	wrdreg s15  }
0x16: {  	s20 =	sshrl.u32 s21, $0x3;
	s15 =	rddreg [dreg:$0x4];
	s18 =	sadd.s32 s14, s25  }
0x17: {  	s9 =	sshll.u32 s9, $0x7;
	s21 =	sadd.s32 s14, s20;
	[dreg:$0x7] =	wrdreg s18  }
0x18: {  	s20 =	sshrl.u32 s24, $0x3;
	s18 =	sadd.s32 s14, s19;
	[dreg:$0x9] =	wrdreg s21  }
0x19: {  	s16 =	sshrl.u32 s16, $0x3;
	s21 =	sadd.s32 s14, s20;
	[dreg:$0x8] =	wrdreg s18  }
0x1a: {  	s25 =	sshrl.u32 s22, $0x3;
	s16 =	sadd.s32 s14, s16;
	[dreg:$0xc] =	wrdreg s21  }
0x1b: {  	s19 =	sshrl.u32 s23, $0x3;
	s18 =	sadd.s32 s14, s25;
	[dreg:$0xd] =	wrdreg s16  }
0x1c: {  	s10 =	sshll.u32 s10, $0x7;
	[dreg:$0xa] =	wrdreg s18;
	s18 =	sadd.s32 s14, s19  }
0x1d: {  	s6 =	sshll.u32 s6, $0x7;
	s5 =	sshll.u32 s5, $0x7;
	[dreg:$0xb] =	wrdreg s18  }
0x1e: {  	s9 =	sadd.s32 s9, s15;
	s10 =	sadd.s32 s10, s15;
	s18 =	rddreg [dreg:$0x1]  }
0x1f: {  	s23 =	smul.u32 $0x4E2, s26;
	_ =	strace $0x80000047;
	[dreg:$0x12] =	wrdreg s9  }
0x20: {  	s6 =	sadd.s32 s6, s15;
	s5 =	sadd.s32 s5, s15;
	[dreg:$0x13] =	wrdreg s10  }
0x21: {  	s16 =	sadd.s32 s23, s12;
	s12 =	sshll.u32 s7, $0x7;
	[dreg:$0x14] =	wrdreg s6  }
0x22: {  	s25 =	sshll.u32 s17, $0x7;
	s17 =	sadd.s32 s12, s15;
	[dreg:$0x15] =	wrdreg s5  }
0x23: {  	s23 =	sadd.s32 s25, s15;
	s25 =	sadd.s32 $0x4A100, s11;
	[dreg:$0x16] =	wrdreg s17  }
0x24: {  	s22 =	smul.u32 $0x4F000, s26;
	s7 =	sadd.s32 $0x4BF00, s11;
	[dreg:$0x1b] =	wrdreg s25  }
0x25: {  	s19 =	sshll.u32 s8, $0x7;
	s8 =	sadd.s32 $0x4C900, s11;
	[dreg:$0x1e] =	wrdreg s7  }
0x26: {  	s0 =	smax.u32 s0, $0x1;
	s12 =	sadd.s32 $0x4DD00, s11;
	[dreg:$0x1f] =	wrdreg s8  }
0x27: {  	s24 =	sshrl.u32 s22, $0x2;
	s21 =	sadd.s32 $0x26C000, s3;
	[smem:$0x7F4] =	sst s12  }
0x28: {  	s22 =	sshrl.u32 s21, $0x3;
	s21 =	sadd.s32 $0x4E2A, s13;
	[smem:$0x7F5] =	sst s0  }
0x29: {  	s29 =	simm.s32 $0x600;
	s31 =	simm.s32 $0x7D00;
	[smem:$0x7F9] =	sst s21  }
0x2a: {  	p0 =	seq.s32 s26, $0xF;
	s26 =	sadd.s32 $0x4E3E, s13;
	[dreg:$0xe] =	wrdreg s13  }
0x2b: {  	s4 =	sshrl.u32 s4, $0x3;
	s14 =	sadd.s32 s24, s15;
	[smem:$0x7FD] =	sst s26  }
0x2c: {  	s20 =	sshrl.u32 s3, $0x3;
	s5 =	sadd.s32 s19, s15;
	[dreg:$0x10] =	wrdreg s14  }
0x2d: {  	s4 =	sadd.s32 s18, s4;
	s24 =	sadd.s32 s18, s22;
	[dreg:$0x11] =	wrdreg s23  }
0x2e: {  	s6 =	sadd.s32 $0x4B500, s11;
	s9 =	sadd.s32 $0x4D300, s11;
	[dreg:$0x17] =	wrdreg s5  }
0x2f: {  	s10 =	sadd.s32 $0xF000, s3;
	s19 =	sadd.s32 $0xA000, s3;
	[dreg:$0x19] =	wrdreg s4  }
0x30: {  	s22 =	sadd.s32 $0x14, s13;
	s25 =	sadd.s32 $0x1E, s13;
	[dreg:$0x1a] =	wrdreg s24  }
0x31: {  	s7 =	simm.s32 $0x100;
	s12 =	simm.s32 $0x2;
	[dreg:$0x1d] =	wrdreg s6  }
0x32: {  	s3 =	simm.s32 $0x3;
	s26 =	simm.s32 $0x6;
	[smem:$0x7F3] =	sst s9  }
0x33: {  	s21 =	simm.s32 $0x5;
	s8 =	simm.s32 $0x8;
	[smem:$0x7F7] =	sst s19  }
0x34: {  	s5 =	sadd.s32 s18, s20;
	s17 =	sshrl.u32 s10, $0x3;
	[smem:$0x7FA] =	sst s22  }
0x35: {  	s20 =	sadd.s32 $0x4E20, s13;
	s24 =	sadd.s32 $0x4E34, s13;
	[smem:$0x7FC] =	sst s25  }
0x36: {  	v0 =	vimm.f32 $0.0e+00;
	v1 =	vimm.s32 $0x7;
	s4 =	simm.s32 $0x600;
	s10 =	simm.s32 $0x400;
	s19 =	simm.s32 $0x2E00  }
0x37: {  	v2 =	vimm.s32 $0x1;
	v3 =	vimm.s32 $0x0;
	v4 =	vlaneseq.u32;
	s25 =	simm.s32 $0x4;
	s22 =	simm.s32 $0x9;
	s9 =	simm.s32 $0x0  }
.Ltmp0:
0x38: {  	vm0 =	vmmov $0x1;
	v5 =	vimm.s32 $0x2;
	v6 =	vimm.s32 $0x3;
	[dreg:$0x18] =	wrdreg s5;
	s5 =	sadd.s32 $0x4AB00, s11;
	(pc) =	sbr.rel .LBB2_1-.Ltmp0, $4  }
0x39: {  	v7 =	vimm.s32 $0x4;
	v8 =	vimm.s32 $0x5;
	v9 =	vimm.s32 $0x6;
	s11 =	smov.u32 s18;
	s0 =	sadd.s32 s17, s18;
	[smem:$0x7F8] =	sst s20  }
0x3a: {  	v10 =	vimm.s32 $0x8;
	v11 =	vimm.s32 $0x9;
	v12 =	vimm.s32 $0xA;
	[smem:$0x7FB] =	sst s24;
	s18 =	simm.s32 $0x80;
	s24 =	simm.s32 $0x50  }
0x3b: {  	v13 =	vimm.s32 $0xB;
	v14 =	vimm.s32 $0xC;
	v15 =	vimm.s32 $0xD;
	s17 =	simm.s32 $0x7;
	s20 =	simm.s32 $0x7E00;
	[dreg:$0x1c] =	wrdreg s5  }
0x3c: {  	v16 =	vimm.s32 $0xE;
	v17 =	vimm.s32 $0xF;
	v4 =	vmul.u32 $0x8, v4;
	[smem:$0x7F6] =	sst s0;
	s0 =	simm.s32 $0xA;
	s5 =	simm.s32 $0x5600  }
.LBB2_7:
0x3d: {  	s6 =	rddreg [dreg:$0x1b]  }
0x3e: {  	[hbm4b:s6+s10] =	stream.strided.scatter [tilespmem:s4], [sflag:$0x2], $0x2800, s28, s10, $0x38;
	[tilespmem:$0x1E200] =	vst v63  }
0x3f: {  	s23 =	rddreg [dreg:$0x11]  }
0x40: {  	[tilespmem:s19], [sflag:$0xC] =	stream.linear.gather [spmem:s23], $0x2800, $0x38;
	[tilespmem:$0x1E200] =	vst v63  }
0x41: {  	_ =	swait.ge [sflag:s5], $0x2800  }
0x42: {  	[sflag:s5] =	ssyncset.done $0x0  }
0x43: {  	s13 =	rddreg [dreg:$0x1c];
	[sflag:s5] =	ssyncadd.s32 $0xFFFFD800  }
0x44: {  	[hbm4b:s13+s10] =	stream.strided.scatter [tilespmem:s19], [sflag:$0x3], $0x2800, s28, s10, $0x38;
	[tilespmem:$0x1E200] =	vst v63  }
0x45: {  	_ =	swait.ge [sflag:s12], $0x2800  }
0x46: {  	[sflag:s12] =	ssyncset.done $0x0  }
0x47: {  	s18 =	rddreg [dreg:$0x12];
	[sflag:s12] =	ssyncadd.s32 $0xFFFFD800  }
0x48: {  	[tilespmem:s4], [sflag:$0xC] =	stream.linear.gather [spmem:s18], $0x2800, $0x38;
	[tilespmem:$0x1E200] =	vst v63  }
0x49: {  	_ =	swait.ge [sflag:s5], $0x2800  }
0x4a: {  	[sflag:s5] =	ssyncset.done $0x0  }
0x4b: {  	s9 =	rddreg [dreg:$0x1d];
	[sflag:s5] =	ssyncadd.s32 $0xFFFFD800  }
0x4c: {  	[hbm4b:s9+s10] =	stream.strided.scatter [tilespmem:s4], [sflag:$0x2], $0x2800, s28, s10, $0x38;
	[tilespmem:$0x1E200] =	vst v63  }
0x4d: {  	_ =	swait.ge [sflag:s3], $0x2800  }
0x4e: {  	[sflag:s3] =	ssyncset.done $0x0  }
0x4f: {  	s13 =	rddreg [dreg:$0x13];
	[sflag:s3] =	ssyncadd.s32 $0xFFFFD800  }
0x50: {  	[tilespmem:s19], [sflag:$0xC] =	stream.linear.gather [spmem:s13], $0x2800, $0x38;
	[tilespmem:$0x1E200] =	vst v63  }
0x51: {  	_ =	swait.ge [sflag:s5], $0x2800  }
0x52: {  	[sflag:s5] =	ssyncset.done $0x0  }
0x53: {  	s18 =	rddreg [dreg:$0x1e];
	[sflag:s5] =	ssyncadd.s32 $0xFFFFD800  }
0x54: {  	[hbm4b:s18+s10] =	stream.strided.scatter [tilespmem:s19], [sflag:$0x3], $0x2800, s28, s10, $0x38;
	[tilespmem:$0x1E200] =	vst v63  }
0x55: {  	_ =	swait.ge [sflag:s12], $0x2800  }
0x56: {  	[sflag:s12] =	ssyncset.done $0x0  }
0x57: {  	s9 =	rddreg [dreg:$0x14];
	[sflag:s12] =	ssyncadd.s32 $0xFFFFD800  }
0x58: {  	[tilespmem:s4], [sflag:$0xC] =	stream.linear.gather [spmem:s9], $0x2800, $0x38;
	[tilespmem:$0x1E200] =	vst v63  }
0x59: {  	_ =	swait.ge [sflag:s5], $0x2800  }
0x5a: {  	[sflag:s5] =	ssyncset.done $0x0  }
0x5b: {  	s13 =	rddreg [dreg:$0x1f];
	[sflag:s5] =	ssyncadd.s32 $0xFFFFD800  }
0x5c: {  	[hbm4b:s13+s10] =	stream.strided.scatter [tilespmem:s4], [sflag:$0x2], $0x2800, s28, s10, $0x38;
	[tilespmem:$0x1E200] =	vst v63  }
0x5d: {  	_ =	swait.ge [sflag:s3], $0x2800  }
0x5e: {  	[sflag:s3] =	ssyncset.done $0x0  }
0x5f: {  	s18 =	rddreg [dreg:$0x15];
	[sflag:s3] =	ssyncadd.s32 $0xFFFFD800  }
0x60: {  	[tilespmem:s19], [sflag:$0xC] =	stream.linear.gather [spmem:s18], $0x2800, $0x38;
	[tilespmem:$0x1E200] =	vst v63  }
0x61: {  	_ =	swait.ge [sflag:s5], $0x2800  }
0x62: {  	s9 =	sld [smem:$0x7F3]  }
0x63: {  	[sflag:s5] =	ssyncset.done $0x0  }
0x64: {  	[sflag:s5] =	ssyncadd.s32 $0xFFFFD800  }
0x65: {  	[hbm4b:s9+s10] =	stream.strided.scatter [tilespmem:s19], [sflag:$0x3], $0x2800, s28, s10, $0x38;
	[tilespmem:$0x1E200] =	vst v63  }
0x66: {  	_ =	swait.ge [sflag:s12], $0x2800  }
0x67: {  	[sflag:s12] =	ssyncset.done $0x0  }
0x68: {  	s13 =	rddreg [dreg:$0x16];
	[sflag:s12] =	ssyncadd.s32 $0xFFFFD800  }
0x69: {  	[tilespmem:s4], [sflag:$0xC] =	stream.linear.gather [spmem:s13], $0x1400, $0x38;
	[tilespmem:$0x1E200] =	vst v63  }
0x6a: {  	_ =	swait.ge [sflag:s5], $0x1400  }
0x6b: {  	s18 =	sld [smem:$0x7F4]  }
0x6c: {  	[sflag:s5] =	ssyncset.done $0x0  }
0x6d: {  	[sflag:s5] =	ssyncadd.s32 $0xFFFFEC00  }
0x6e: {  	[hbm4b:s18+s10] =	stream.strided.scatter [tilespmem:s4], [sflag:$0x2], $0x1400, s28, s10, $0x38;
	[tilespmem:$0x1E200] =	vst v63  }
0x6f: {  	_ =	swait.ge [sflag:s3], $0x2800  }
0x70: {  	[sflag:s3] =	ssyncset.done $0x0  }
0x71: {  	[sflag:s3] =	ssyncadd.s32 $0xFFFFD800  }
0x72: {  	_ =	swait.ge [sflag:s12], $0x1400  }
0x73: {  	[sflag:s12] =	ssyncset.done $0x0  }
0x74: {  	s5 =	simm.s32 $0x5600;
	s9 =	sld [smem:$0x7F2];
	[sflag:s12] =	ssyncadd.s32 $0xFFFFEC00  }
.LBB2_8:
0x75: {  	s6 =	sld [smem:$0x7F5];
	_ =	sdelay $0x1  }
0x76: {  	s9 =	sadd.s32 $0x1, s9  }
0x77: {  	p1 =	sne.s32 s9, s6  }
.Ltmp1:
0x78: {  	_ = 	snop;
	(pc) =	sbr.rel @!p1 .LBB2_9-.Ltmp1, $2  }
0x79: {  	_ =	sdelay $0x2  }
0x7a: {  	s18 =	simm.s32 $0x80  }
.LBB2_1:
0x7b: {  	[smem:$0x7F2] =	sst s9  }
0x7c: {  	s6 =	rddreg [dreg:$0xe]  }
0x7d: {  	s9 =	sld [smem:$0x7F8]  }
0x7e: {  	[tilespmem:s1], [sflag:$0xA] =	stream.linear.gather [hbm4b:s6+s1], $0x50, $0x38;
	[tilespmem:$0x1E200] =	vst v63  }
0x7f: {  	s13 =	rddreg [dreg:$0xf]  }
0x80: {  	[tilespmem:s7], [sflag:$0xA] =	stream.linear.gather [hbm4b:s9+s1], $0x50, $0x38;
	[tilespmem:$0x1E200] =	vst v63  }
0x81: {  	s9 =	sld [smem:$0x7F9]  }
0x82: {  	[tilespmem:s18], [sflag:$0xB] =	stream.linear.gather [hbm4b:s13+s1], $0x50, $0x38;
	[tilespmem:$0x1E200] =	vst v63  }
0x83: {  	s13 =	simm.s32 $0x180  }
0x84: {  	[tilespmem:s13], [sflag:$0xB] =	stream.linear.gather [hbm4b:s9+s1], $0x50, $0x38;
	[tilespmem:$0x1E200] =	vst v63  }
0x85: {  	s9 =	simm.s32 $0x0;
	s13 =	simm.s32 $0x200  }
.LBB2_2:
0x86: {  	p1 =	sne.s32 s13, $0x9E00;
	[tilespmem:s9+$0x670] =	vst v0  }
0x87: {  	[tilespmem:s9+$0x600] =	vst v0  }
0x88: {  	[tilespmem:s9+$0x610] =	vst v0  }
.Ltmp2:
0x89: {  	[tilespmem:s9+$0x620] =	vst v0;
	(pc) =	sbr.rel @p1 .LBB2_2-.Ltmp2, $4  }
0x8a: {  	[tilespmem:s9+$0x630] =	vst v0  }
0x8b: {  	[tilespmem:s9+$0x640] =	vst v0  }
0x8c: {  	[tilespmem:s9+$0x650] =	vst v0  }
0x8d: {  	[tilespmem:s9+$0x660] =	vst v0;
	s9 =	sshra.s32 s13, $0x2;
	s13 =	sadd.s32 $0x200, s13  }
0x8e: {  	[tilespmem:s9+$0x670] =	vst v0  }
0x8f: {  	[tilespmem:s9+$0x600] =	vst v0  }
0x90: {  	[tilespmem:s9+$0x610] =	vst v0  }
0x91: {  	[tilespmem:s9+$0x620] =	vst v0  }
0x92: {  	[tilespmem:s9+$0x630] =	vst v0  }
0x93: {  	[tilespmem:s9+$0x640] =	vst v0  }
0x94: {  	[tilespmem:s9+$0x650] =	vst v0  }
0x95: {  	[tilespmem:s9+$0x660] =	vst v0  }
0x96: {  	[spmem:s14] =	stream.linear.scatter [tilespmem:s4], [sflag:$0x1], $0x2800, $0x38;
	[tilespmem:$0x1E200] =	vst v63  }
0x97: {  	_ = 	snop  }
0x98: {  	[spmem:s23] =	stream.linear.scatter [tilespmem:s4], [sflag:$0x1], $0x2800, $0x38;
	[tilespmem:$0x1E200] =	vst v63  }
0x99: {  	s6 =	rddreg [dreg:$0x12]  }
0x9a: {  	[spmem:s6] =	stream.linear.scatter [tilespmem:s4], [sflag:$0x1], $0x2800, $0x38;
	[tilespmem:$0x1E200] =	vst v63  }
0x9b: {  	s13 =	rddreg [dreg:$0x13]  }
0x9c: {  	[spmem:s13] =	stream.linear.scatter [tilespmem:s4], [sflag:$0x1], $0x2800, $0x38;
	[tilespmem:$0x1E200] =	vst v63  }
0x9d: {  	s14 =	rddreg [dreg:$0x14]  }
0x9e: {  	[spmem:s14] =	stream.linear.scatter [tilespmem:s4], [sflag:$0x1], $0x2800, $0x38;
	[tilespmem:$0x1E200] =	vst v63  }
0x9f: {  	s23 =	rddreg [dreg:$0x15]  }
0xa0: {  	[spmem:s23] =	stream.linear.scatter [tilespmem:s4], [sflag:$0x1], $0x2800, $0x38;
	[tilespmem:$0x1E200] =	vst v63  }
0xa1: {  	s9 =	rddreg [dreg:$0x16]  }
0xa2: {  	[spmem:s9] =	stream.linear.scatter [tilespmem:s4], [sflag:$0x1], $0x2800, $0x38;
	[tilespmem:$0x1E200] =	vst v63  }
0xa3: {  	s13 =	rddreg [dreg:$0x17];
	s14 =	simm.s32 $0x1  }
0xa4: {  	[spmem:s13] =	stream.linear.scatter [tilespmem:s4], [sflag:$0x1], $0x2400, $0x38;
	[tilespmem:$0x1E200] =	vst v63  }
0xa5: {  	_ =	swait.ge [sflag:s14], $0x2800  }
0xa6: {  	[sflag:s14] =	ssyncset.done $0x0  }
0xa7: {  	[sflag:s14] =	ssyncadd.s32 $0xFFFFD800  }
0xa8: {  	_ =	swait.ge [sflag:s14], $0x2800  }
0xa9: {  	[sflag:s14] =	ssyncset.done $0x0  }
0xaa: {  	[sflag:s14] =	ssyncadd.s32 $0xFFFFD800  }
0xab: {  	_ =	swait.ge [sflag:s14], $0x2800  }
0xac: {  	[sflag:s14] =	ssyncset.done $0x0  }
0xad: {  	[sflag:s14] =	ssyncadd.s32 $0xFFFFD800  }
0xae: {  	_ =	swait.ge [sflag:s14], $0x2800  }
0xaf: {  	[sflag:s14] =	ssyncset.done $0x0  }
0xb0: {  	[sflag:s14] =	ssyncadd.s32 $0xFFFFD800  }
0xb1: {  	_ =	swait.ge [sflag:s14], $0x2800  }
0xb2: {  	[sflag:s14] =	ssyncset.done $0x0  }
0xb3: {  	[sflag:s14] =	ssyncadd.s32 $0xFFFFD800  }
0xb4: {  	_ =	swait.ge [sflag:s14], $0x2800  }
0xb5: {  	[sflag:s14] =	ssyncset.done $0x0  }
0xb6: {  	[sflag:s14] =	ssyncadd.s32 $0xFFFFD800  }
0xb7: {  	_ =	swait.ge [sflag:s14], $0x2800  }
0xb8: {  	[sflag:s14] =	ssyncset.done $0x0  }
0xb9: {  	[sflag:s14] =	ssyncadd.s32 $0xFFFFD800  }
0xba: {  	_ =	swait.ge [sflag:s14], $0x2400  }
0xbb: {  	[sflag:s14] =	ssyncset.done $0x0  }
0xbc: {  	[sflag:s14] =	ssyncadd.s32 $0xFFFFDC00  }
0xbd: {  	_ =	swait.ge [sflag:s0], $0x50  }
0xbe: {  	[sflag:s0] =	ssyncset.done $0x0  }
0xbf: {  	[sflag:s0] =	ssyncadd.s32 $0xFFFFFFB0  }
0xc0: {  	_ =	swait.ge [sflag:s0], $0x50  }
0xc1: {  	[sflag:s0] =	ssyncset.done $0x0  }
0xc2: {  	[sflag:s0] =	ssyncadd.s32 $0xFFFFFFB0  }
0xc3: {  	v18 =	vld [tilespmem:$0x0];
	_ =	sdelay $0x4  }
0xc4: {  	[tilespmem:$0x200] =	vst v18  }
0xc5: {  	v18 =	vld [tilespmem:$0x200]  }
0xc6: {  	v19 =	vld [tilespmem:$0x100]  }
0xc7: {  	v20 =	vld [tilespmem:$0x110]  }
0xc8: {  	v21 =	vld [tilespmem:$0x10]  }
0xc9: {  	v22 =	vld [tilespmem:$0x120]  }
0xca: {  	v23 =	vld [tilespmem:$0x20];
	v24 =	vshll.u32 v18, $0x1  }
0xcb: {  	v63 =	vld [tilespmem:$0x30];
	[tilespmem:$0x400] =	vst v19;
	v18 =	vand.u32 $0x7, v18;
	v24 =	vand.u32 $0xFFFFFFF0, v24  }
0xcc: {  	v19 =	vld [tilespmem:$0x130];
	[tilespmem:$0x410] =	vst v20;
	v18 =	vor.u32 v18, v24  }
0xcd: {  	v28 =	vld [tilespmem:$0x140];
	[tilespmem:$0x210] =	vst v21;
	v24 =	vperm.xlane v18, v3  }
0xce: {  	v29 =	vld [tilespmem:$0x40];
	[tilespmem:$0x420] =	vst v22  }
0xcf: {  	[tilespmem:$0x220] =	vst v23;
	v31 =	vperm.xlane v18, v2;
	v30 =	vadd.s32 v4, v24  }
0xd0: {  	[tilespmem:$0x230] =	vst v63  }
0xd1: {  	[tilespmem:$0x430] =	vst v19;
	v32 =	vperm.xlane v18, v5;
	v19 =	vadd.s32 v4, v31  }
0xd2: {  	[tilespmem:$0x440] =	vst v28  }
0xd3: {  	s9 =	simm.s32 $0x0;
	[tilespmem:$0x240] =	vst v29;
	v33 =	vperm.xlane v18, v6;
	v20 =	vadd.s32 v4, v32  }
0xd4: {  	[tilespmem:s4], [sflag:$0x2] =	stream.indirect_vreg.gather [hbm4b:s2+s9], $0x80, v30, vm0, $0xb8;
	[tilespmem:$0x1E200] =	vst v63  }
0xd5: {  	s14 =	simm.s32 $0x680;
	v34 =	vperm.xlane v18, v7;
	v21 =	vadd.s32 v4, v33  }
0xd6: {  	[tilespmem:s14], [sflag:$0x2] =	stream.indirect_vreg.gather [hbm4b:s2+s9], $0x80, v19, vm0, $0xb8;
	[tilespmem:$0x1E200] =	vst v63  }
0xd7: {  	s23 =	simm.s32 $0x700;
	v35 =	vperm.xlane v18, v8;
	v19 =	vadd.s32 v4, v34  }
0xd8: {  	[tilespmem:s23], [sflag:$0x2] =	stream.indirect_vreg.gather [hbm4b:s2+s9], $0x80, v20, vm0, $0xb8;
	[tilespmem:$0x1E200] =	vst v63  }
0xd9: {  	s6 =	simm.s32 $0x780;
	v37 =	vperm.xlane v18, v9;
	v36 =	vadd.s32 v4, v35  }
0xda: {  	[tilespmem:s6], [sflag:$0x2] =	stream.indirect_vreg.gather [hbm4b:s2+s9], $0x80, v21, vm0, $0xb8;
	[tilespmem:$0x1E200] =	vst v63  }
0xdb: {  	v39 =	vperm.xlane v18, v1;
	v38 =	vadd.s32 v4, v37  }
0xdc: {  	[tilespmem:s28], [sflag:$0x2] =	stream.indirect_vreg.gather [hbm4b:s2+s9], $0x80, v19, vm0, $0xb8;
	[tilespmem:$0x1E200] =	vst v63  }
0xdd: {  	s13 =	simm.s32 $0x880;
	v40 =	vperm.xlane v18, v10;
	v19 =	vadd.s32 v4, v39  }
0xde: {  	[tilespmem:s13], [sflag:$0x2] =	stream.indirect_vreg.gather [hbm4b:s2+s9], $0x80, v36, vm0, $0xb8;
	[tilespmem:$0x1E200] =	vst v63  }
0xdf: {  	v42 =	vperm.xlane v18, v11;
	v41 =	vadd.s32 v4, v40;
	s23 =	simm.s32 $0x900  }
0xe0: {  	[tilespmem:s23], [sflag:$0x2] =	stream.indirect_vreg.gather [hbm4b:s2+s9], $0x80, v38, vm0, $0xb8;
	[tilespmem:$0x1E200] =	vst v63  }
0xe1: {  	v44 =	vperm.xlane v18, v12;
	v43 =	vadd.s32 v4, v42;
	s6 =	simm.s32 $0x980  }
0xe2: {  	[tilespmem:s6], [sflag:$0x2] =	stream.indirect_vreg.gather [hbm4b:s2+s9], $0x80, v19, vm0, $0xb8;
	[tilespmem:$0x1E200] =	vst v63  }
0xe3: {  	v45 =	vperm.xlane v18, v13;
	s13 =	simm.s32 $0xA00;
	v19 =	vadd.s32 v4, v44  }
0xe4: {  	[tilespmem:s13], [sflag:$0x2] =	stream.indirect_vreg.gather [hbm4b:s2+s9], $0x80, v41, vm0, $0xb8;
	[tilespmem:$0x1E200] =	vst v63  }
0xe5: {  	v47 =	vperm.xlane v18, v14;
	v46 =	vadd.s32 v4, v45;
	s23 =	simm.s32 $0xA80  }
0xe6: {  	[tilespmem:s23], [sflag:$0x2] =	stream.indirect_vreg.gather [hbm4b:s2+s9], $0x80, v43, vm0, $0xb8;
	[tilespmem:$0x1E200] =	vst v63  }
0xe7: {  	v49 =	vperm.xlane v18, v15;
	v48 =	vadd.s32 v4, v47;
	s6 =	simm.s32 $0xB00  }
0xe8: {  	[tilespmem:s6], [sflag:$0x2] =	stream.indirect_vreg.gather [hbm4b:s2+s9], $0x80, v19, vm0, $0xb8;
	[tilespmem:$0x1E200] =	vst v63  }
0xe9: {  	v50 =	vperm.xlane v18, v16;
	s13 =	simm.s32 $0xB80;
	v19 =	vadd.s32 v4, v49  }
0xea: {  	[tilespmem:s13], [sflag:$0x2] =	stream.indirect_vreg.gather [hbm4b:s2+s9], $0x80, v46, vm0, $0xb8;
	[tilespmem:$0x1E200] =	vst v63  }
0xeb: {  	v18 =	vperm.xlane v18, v17;
	v51 =	vadd.s32 v4, v50;
	s23 =	simm.s32 $0xC00  }
0xec: {  	[tilespmem:s23], [sflag:$0x2] =	stream.indirect_vreg.gather [hbm4b:s2+s9], $0x80, v48, vm0, $0xb8;
	[tilespmem:$0x1E200] =	vst v63  }
0xed: {  	v18 =	vadd.s32 v4, v18;
	s6 =	simm.s32 $0xC80  }
0xee: {  	[tilespmem:s6], [sflag:$0x2] =	stream.indirect_vreg.gather [hbm4b:s2+s9], $0x80, v19, vm0, $0xb8;
	[tilespmem:$0x1E200] =	vst v63  }
0xef: {  	s13 =	simm.s32 $0xD00  }
0xf0: {  	[tilespmem:s13], [sflag:$0x2] =	stream.indirect_vreg.gather [hbm4b:s2+s9], $0x80, v51, vm0, $0xb8;
	[tilespmem:$0x1E200] =	vst v63  }
0xf1: {  	s23 =	simm.s32 $0xD80  }
0xf2: {  	[tilespmem:s23], [sflag:$0x2] =	stream.indirect_vreg.gather [hbm4b:s2+s9], $0x80, v18, vm0, $0xb8;
	[tilespmem:$0x1E200] =	vst v63  }
0xf3: {  	v18 =	vld [tilespmem:$0x210];
	_ =	sdelay $0x4  }
0xf4: {  	v19 =	vshll.u32 v18, $0x1  }
0xf5: {  	v18 =	vand.u32 $0x7, v18;
	v19 =	vand.u32 $0xFFFFFFF0, v19  }
0xf6: {  	v18 =	vor.u32 v18, v19  }
0xf7: {  	v19 =	vperm.xlane v18, v3;
	_ =	sdelay $0x1  }
0xf8: {  	v52 =	vperm.xlane v18, v2;
	v19 =	vadd.s32 v4, v19;
	_ =	sdelay $0x1  }
0xf9: {  	v53 =	vperm.xlane v18, v5;
	v20 =	vadd.s32 v4, v52;
	_ =	sdelay $0x1  }
0xfa: {  	s6 =	simm.s32 $0xE00;
	v54 =	vperm.xlane v18, v6;
	v21 =	vadd.s32 v4, v53  }
0xfb: {  	[tilespmem:s6], [sflag:$0x2] =	stream.indirect_vreg.gather [hbm4b:s2+s9], $0x80, v19, vm0, $0xb8;
	[tilespmem:$0x1E200] =	vst v63  }
0xfc: {  	s13 =	simm.s32 $0xE80;
	v55 =	vperm.xlane v18, v7;
	v19 =	vadd.s32 v4, v54  }
0xfd: {  	[tilespmem:s13], [sflag:$0x2] =	stream.indirect_vreg.gather [hbm4b:s2+s9], $0x80, v20, vm0, $0xb8;
	[tilespmem:$0x1E200] =	vst v63  }
0xfe: {  	s23 =	simm.s32 $0xF00;
	v57 =	vperm.xlane v18, v8;
	v56 =	vadd.s32 v4, v55  }
0xff: {  	[tilespmem:s23], [sflag:$0x2] =	stream.indirect_vreg.gather [hbm4b:s2+s9], $0x80, v21, vm0, $0xb8;
	[tilespmem:$0x1E200] =	vst v63  }
0x100: {  	v59 =	vperm.xlane v18, v9;
	v58 =	vadd.s32 v4, v57;
	s6 =	simm.s32 $0xF80  }
0x101: {  	[tilespmem:s6], [sflag:$0x2] =	stream.indirect_vreg.gather [hbm4b:s2+s9], $0x80, v19, vm0, $0xb8;
	[tilespmem:$0x1E200] =	vst v63  }
0x102: {  	v60 =	vperm.xlane v18, v1;
	s13 =	simm.s32 $0x1000;
	v19 =	vadd.s32 v4, v59  }
0x103: {  	[tilespmem:s13], [sflag:$0x2] =	stream.indirect_vreg.gather [hbm4b:s2+s9], $0x80, v56, vm0, $0xb8;
	[tilespmem:$0x1E200] =	vst v63  }
0x104: {  	v62 =	vperm.xlane v18, v10;
	v61 =	vadd.s32 v4, v60;
	s23 =	simm.s32 $0x1080  }
0x105: {  	[tilespmem:s23], [sflag:$0x2] =	stream.indirect_vreg.gather [hbm4b:s2+s9], $0x80, v58, vm0, $0xb8;
	[tilespmem:$0x1E200] =	vst v63  }
0x106: {  	v24 =	vperm.xlane v18, v11;
	v63 =	vadd.s32 v4, v62;
	s6 =	simm.s32 $0x1100  }
0x107: {  	[tilespmem:s6], [sflag:$0x2] =	stream.indirect_vreg.gather [hbm4b:s2+s9], $0x80, v19, vm0, $0xb8;
	[tilespmem:$0x1E200] =	vst v63  }
0x108: {  	v25 =	vperm.xlane v18, v12;
	s13 =	simm.s32 $0x1180;
	v19 =	vadd.s32 v4, v24  }
0x109: {  	[tilespmem:s13], [sflag:$0x2] =	stream.indirect_vreg.gather [hbm4b:s2+s9], $0x80, v61, vm0, $0xb8;
	[tilespmem:$0x1E200] =	vst v63  }
0x10a: {  	v27 =	vperm.xlane v18, v13;
	v26 =	vadd.s32 v4, v25;
	s23 =	simm.s32 $0x1200  }
0x10b: {  	[tilespmem:s23], [sflag:$0x2] =	stream.indirect_vreg.gather [hbm4b:s2+s9], $0x80, v63, vm0, $0xb8;
	[tilespmem:$0x1E200] =	vst v63  }
0x10c: {  	v29 =	vperm.xlane v18, v14;
	v28 =	vadd.s32 v4, v27;
	s6 =	simm.s32 $0x1280  }
0x10d: {  	[tilespmem:s6], [sflag:$0x2] =	stream.indirect_vreg.gather [hbm4b:s2+s9], $0x80, v19, vm0, $0xb8;
	[tilespmem:$0x1E200] =	vst v63  }
0x10e: {  	v30 =	vperm.xlane v18, v15;
	s13 =	simm.s32 $0x1300;
	v19 =	vadd.s32 v4, v29  }
0x10f: {  	[tilespmem:s13], [sflag:$0x2] =	stream.indirect_vreg.gather [hbm4b:s2+s9], $0x80, v26, vm0, $0xb8;
	[tilespmem:$0x1E200] =	vst v63  }
0x110: {  	v32 =	vperm.xlane v18, v16;
	v31 =	vadd.s32 v4, v30;
	s23 =	simm.s32 $0x1380  }
0x111: {  	[tilespmem:s23], [sflag:$0x2] =	stream.indirect_vreg.gather [hbm4b:s2+s9], $0x80, v28, vm0, $0xb8;
	[tilespmem:$0x1E200] =	vst v63  }
0x112: {  	v18 =	vperm.xlane v18, v17;
	v33 =	vadd.s32 v4, v32;
	s6 =	simm.s32 $0x1400  }
0x113: {  	[tilespmem:s6], [sflag:$0x2] =	stream.indirect_vreg.gather [hbm4b:s2+s9], $0x80, v19, vm0, $0xb8;
	[tilespmem:$0x1E200] =	vst v63  }
0x114: {  	v18 =	vadd.s32 v4, v18;
	s13 =	simm.s32 $0x1480  }
0x115: {  	[tilespmem:s13], [sflag:$0x2] =	stream.indirect_vreg.gather [hbm4b:s2+s9], $0x80, v31, vm0, $0xb8;
	[tilespmem:$0x1E200] =	vst v63  }
0x116: {  	s23 =	simm.s32 $0x1500  }
0x117: {  	[tilespmem:s23], [sflag:$0x2] =	stream.indirect_vreg.gather [hbm4b:s2+s9], $0x80, v33, vm0, $0xb8;
	[tilespmem:$0x1E200] =	vst v63  }
0x118: {  	s6 =	simm.s32 $0x1580  }
0x119: {  	[tilespmem:s6], [sflag:$0x2] =	stream.indirect_vreg.gather [hbm4b:s2+s9], $0x80, v18, vm0, $0xb8;
	[tilespmem:$0x1E200] =	vst v63  }
0x11a: {  	v18 =	vld [tilespmem:$0x220];
	_ =	sdelay $0x4  }
0x11b: {  	v19 =	vshll.u32 v18, $0x1  }
0x11c: {  	v18 =	vand.u32 $0x7, v18;
	v19 =	vand.u32 $0xFFFFFFF0, v19  }
0x11d: {  	v18 =	vor.u32 v18, v19  }
0x11e: {  	v19 =	vperm.xlane v18, v3;
	_ =	sdelay $0x1  }
0x11f: {  	v34 =	vperm.xlane v18, v2;
	v19 =	vadd.s32 v4, v19;
	_ =	sdelay $0x1  }
0x120: {  	v35 =	vperm.xlane v18, v5;
	v20 =	vadd.s32 v4, v34;
	_ =	sdelay $0x1  }
0x121: {  	s13 =	simm.s32 $0x1600;
	v36 =	vperm.xlane v18, v6;
	v21 =	vadd.s32 v4, v35  }
0x122: {  	[tilespmem:s13], [sflag:$0x2] =	stream.indirect_vreg.gather [hbm4b:s2+s9], $0x80, v19, vm0, $0xb8;
	[tilespmem:$0x1E200] =	vst v63  }
0x123: {  	s23 =	simm.s32 $0x1680;
	v37 =	vperm.xlane v18, v7;
	v19 =	vadd.s32 v4, v36  }
0x124: {  	[tilespmem:s23], [sflag:$0x2] =	stream.indirect_vreg.gather [hbm4b:s2+s9], $0x80, v20, vm0, $0xb8;
	[tilespmem:$0x1E200] =	vst v63  }
0x125: {  	s6 =	simm.s32 $0x1700;
	v39 =	vperm.xlane v18, v8;
	v38 =	vadd.s32 v4, v37  }
0x126: {  	[tilespmem:s6], [sflag:$0x2] =	stream.indirect_vreg.gather [hbm4b:s2+s9], $0x80, v21, vm0, $0xb8;
	[tilespmem:$0x1E200] =	vst v63  }
0x127: {  	v41 =	vperm.xlane v18, v9;
	v40 =	vadd.s32 v4, v39;
	s13 =	simm.s32 $0x1780  }
0x128: {  	[tilespmem:s13], [sflag:$0x2] =	stream.indirect_vreg.gather [hbm4b:s2+s9], $0x80, v19, vm0, $0xb8;
	[tilespmem:$0x1E200] =	vst v63  }
0x129: {  	v42 =	vperm.xlane v18, v1;
	s23 =	simm.s32 $0x1800;
	v19 =	vadd.s32 v4, v41  }
0x12a: {  	[tilespmem:s23], [sflag:$0x2] =	stream.indirect_vreg.gather [hbm4b:s2+s9], $0x80, v38, vm0, $0xb8;
	[tilespmem:$0x1E200] =	vst v63  }
0x12b: {  	v44 =	vperm.xlane v18, v10;
	v43 =	vadd.s32 v4, v42;
	s6 =	simm.s32 $0x1880  }
0x12c: {  	[tilespmem:s6], [sflag:$0x2] =	stream.indirect_vreg.gather [hbm4b:s2+s9], $0x80, v40, vm0, $0xb8;
	[tilespmem:$0x1E200] =	vst v63  }
0x12d: {  	v46 =	vperm.xlane v18, v11;
	v45 =	vadd.s32 v4, v44;
	s13 =	simm.s32 $0x1900  }
0x12e: {  	[tilespmem:s13], [sflag:$0x2] =	stream.indirect_vreg.gather [hbm4b:s2+s9], $0x80, v19, vm0, $0xb8;
	[tilespmem:$0x1E200] =	vst v63  }
0x12f: {  	v47 =	vperm.xlane v18, v12;
	s23 =	simm.s32 $0x1980;
	v19 =	vadd.s32 v4, v46  }
0x130: {  	[tilespmem:s23], [sflag:$0x2] =	stream.indirect_vreg.gather [hbm4b:s2+s9], $0x80, v43, vm0, $0xb8;
	[tilespmem:$0x1E200] =	vst v63  }
0x131: {  	v49 =	vperm.xlane v18, v13;
	v48 =	vadd.s32 v4, v47;
	s6 =	simm.s32 $0x1A00  }
0x132: {  	[tilespmem:s6], [sflag:$0x2] =	stream.indirect_vreg.gather [hbm4b:s2+s9], $0x80, v45, vm0, $0xb8;
	[tilespmem:$0x1E200] =	vst v63  }
0x133: {  	v51 =	vperm.xlane v18, v14;
	v50 =	vadd.s32 v4, v49;
	s13 =	simm.s32 $0x1A80  }
0x134: {  	[tilespmem:s13], [sflag:$0x2] =	stream.indirect_vreg.gather [hbm4b:s2+s9], $0x80, v19, vm0, $0xb8;
	[tilespmem:$0x1E200] =	vst v63  }
0x135: {  	v52 =	vperm.xlane v18, v15;
	s23 =	simm.s32 $0x1B00;
	v19 =	vadd.s32 v4, v51  }
0x136: {  	[tilespmem:s23], [sflag:$0x2] =	stream.indirect_vreg.gather [hbm4b:s2+s9], $0x80, v48, vm0, $0xb8;
	[tilespmem:$0x1E200] =	vst v63  }
0x137: {  	v54 =	vperm.xlane v18, v16;
	v53 =	vadd.s32 v4, v52;
	s6 =	simm.s32 $0x1B80  }
0x138: {  	[tilespmem:s6], [sflag:$0x2] =	stream.indirect_vreg.gather [hbm4b:s2+s9], $0x80, v50, vm0, $0xb8;
	[tilespmem:$0x1E200] =	vst v63  }
0x139: {  	v18 =	vperm.xlane v18, v17;
	v55 =	vadd.s32 v4, v54;
	s13 =	simm.s32 $0x1C00  }
0x13a: {  	[tilespmem:s13], [sflag:$0x2] =	stream.indirect_vreg.gather [hbm4b:s2+s9], $0x80, v19, vm0, $0xb8;
	[tilespmem:$0x1E200] =	vst v63  }
0x13b: {  	v18 =	vadd.s32 v4, v18;
	s23 =	simm.s32 $0x1C80  }
0x13c: {  	[tilespmem:s23], [sflag:$0x2] =	stream.indirect_vreg.gather [hbm4b:s2+s9], $0x80, v53, vm0, $0xb8;
	[tilespmem:$0x1E200] =	vst v63  }
0x13d: {  	s6 =	simm.s32 $0x1D00  }
0x13e: {  	[tilespmem:s6], [sflag:$0x2] =	stream.indirect_vreg.gather [hbm4b:s2+s9], $0x80, v55, vm0, $0xb8;
	[tilespmem:$0x1E200] =	vst v63  }
0x13f: {  	s13 =	simm.s32 $0x1D80  }
0x140: {  	[tilespmem:s13], [sflag:$0x2] =	stream.indirect_vreg.gather [hbm4b:s2+s9], $0x80, v18, vm0, $0xb8;
	[tilespmem:$0x1E200] =	vst v63  }
0x141: {  	v18 =	vld [tilespmem:$0x230];
	_ =	sdelay $0x4  }
0x142: {  	v19 =	vshll.u32 v18, $0x1  }
0x143: {  	v18 =	vand.u32 $0x7, v18;
	v19 =	vand.u32 $0xFFFFFFF0, v19  }
0x144: {  	v18 =	vor.u32 v18, v19  }
0x145: {  	v19 =	vperm.xlane v18, v3;
	_ =	sdelay $0x1  }
0x146: {  	v56 =	vperm.xlane v18, v2;
	v19 =	vadd.s32 v4, v19;
	_ =	sdelay $0x1  }
0x147: {  	v57 =	vperm.xlane v18, v5;
	v20 =	vadd.s32 v4, v56;
	_ =	sdelay $0x1  }
0x148: {  	s23 =	simm.s32 $0x1E00;
	v58 =	vperm.xlane v18, v6;
	v21 =	vadd.s32 v4, v57  }
0x149: {  	[tilespmem:s23], [sflag:$0x2] =	stream.indirect_vreg.gather [hbm4b:s2+s9], $0x80, v19, vm0, $0xb8;
	[tilespmem:$0x1E200] =	vst v63  }
0x14a: {  	s6 =	simm.s32 $0x1E80;
	v59 =	vperm.xlane v18, v7;
	v19 =	vadd.s32 v4, v58  }
0x14b: {  	[tilespmem:s6], [sflag:$0x2] =	stream.indirect_vreg.gather [hbm4b:s2+s9], $0x80, v20, vm0, $0xb8;
	[tilespmem:$0x1E200] =	vst v63  }
0x14c: {  	s13 =	simm.s32 $0x1F00;
	v61 =	vperm.xlane v18, v8;
	v60 =	vadd.s32 v4, v59  }
0x14d: {  	[tilespmem:s13], [sflag:$0x2] =	stream.indirect_vreg.gather [hbm4b:s2+s9], $0x80, v21, vm0, $0xb8;
	[tilespmem:$0x1E200] =	vst v63  }
0x14e: {  	v63 =	vperm.xlane v18, v9;
	v62 =	vadd.s32 v4, v61;
	s23 =	simm.s32 $0x1F80  }
0x14f: {  	[tilespmem:s23], [sflag:$0x2] =	stream.indirect_vreg.gather [hbm4b:s2+s9], $0x80, v19, vm0, $0xb8;
	[tilespmem:$0x1E200] =	vst v63  }
0x150: {  	v24 =	vperm.xlane v18, v1;
	s6 =	simm.s32 $0x2000;
	v19 =	vadd.s32 v4, v63  }
0x151: {  	[tilespmem:s6], [sflag:$0x2] =	stream.indirect_vreg.gather [hbm4b:s2+s9], $0x80, v60, vm0, $0xb8;
	[tilespmem:$0x1E200] =	vst v63  }
0x152: {  	v26 =	vperm.xlane v18, v10;
	v25 =	vadd.s32 v4, v24;
	s13 =	simm.s32 $0x2080  }
0x153: {  	[tilespmem:s13], [sflag:$0x2] =	stream.indirect_vreg.gather [hbm4b:s2+s9], $0x80, v62, vm0, $0xb8;
	[tilespmem:$0x1E200] =	vst v63  }
0x154: {  	v28 =	vperm.xlane v18, v11;
	v27 =	vadd.s32 v4, v26;
	s23 =	simm.s32 $0x2100  }
0x155: {  	[tilespmem:s23], [sflag:$0x2] =	stream.indirect_vreg.gather [hbm4b:s2+s9], $0x80, v19, vm0, $0xb8;
	[tilespmem:$0x1E200] =	vst v63  }
0x156: {  	v29 =	vperm.xlane v18, v12;
	s6 =	simm.s32 $0x2180;
	v19 =	vadd.s32 v4, v28  }
0x157: {  	[tilespmem:s6], [sflag:$0x2] =	stream.indirect_vreg.gather [hbm4b:s2+s9], $0x80, v25, vm0, $0xb8;
	[tilespmem:$0x1E200] =	vst v63  }
0x158: {  	v31 =	vperm.xlane v18, v13;
	v30 =	vadd.s32 v4, v29;
	s13 =	simm.s32 $0x2200  }
0x159: {  	[tilespmem:s13], [sflag:$0x2] =	stream.indirect_vreg.gather [hbm4b:s2+s9], $0x80, v27, vm0, $0xb8;
	[tilespmem:$0x1E200] =	vst v63  }
0x15a: {  	v33 =	vperm.xlane v18, v14;
	v32 =	vadd.s32 v4, v31;
	s23 =	simm.s32 $0x2280  }
0x15b: {  	[tilespmem:s23], [sflag:$0x2] =	stream.indirect_vreg.gather [hbm4b:s2+s9], $0x80, v19, vm0, $0xb8;
	[tilespmem:$0x1E200] =	vst v63  }
0x15c: {  	v34 =	vperm.xlane v18, v15;
	s6 =	simm.s32 $0x2300;
	v19 =	vadd.s32 v4, v33  }
0x15d: {  	[tilespmem:s6], [sflag:$0x2] =	stream.indirect_vreg.gather [hbm4b:s2+s9], $0x80, v30, vm0, $0xb8;
	[tilespmem:$0x1E200] =	vst v63  }
0x15e: {  	v36 =	vperm.xlane v18, v16;
	v35 =	vadd.s32 v4, v34;
	s13 =	simm.s32 $0x2380  }
0x15f: {  	[tilespmem:s13], [sflag:$0x2] =	stream.indirect_vreg.gather [hbm4b:s2+s9], $0x80, v32, vm0, $0xb8;
	[tilespmem:$0x1E200] =	vst v63  }
0x160: {  	v18 =	vperm.xlane v18, v17;
	v37 =	vadd.s32 v4, v36;
	s23 =	simm.s32 $0x2400  }
0x161: {  	[tilespmem:s23], [sflag:$0x2] =	stream.indirect_vreg.gather [hbm4b:s2+s9], $0x80, v19, vm0, $0xb8;
	[tilespmem:$0x1E200] =	vst v63  }
0x162: {  	v18 =	vadd.s32 v4, v18;
	s6 =	simm.s32 $0x2480  }
0x163: {  	[tilespmem:s6], [sflag:$0x2] =	stream.indirect_vreg.gather [hbm4b:s2+s9], $0x80, v35, vm0, $0xb8;
	[tilespmem:$0x1E200] =	vst v63  }
0x164: {  	s13 =	simm.s32 $0x2500  }
0x165: {  	[tilespmem:s13], [sflag:$0x2] =	stream.indirect_vreg.gather [hbm4b:s2+s9], $0x80, v37, vm0, $0xb8;
	[tilespmem:$0x1E200] =	vst v63  }
0x166: {  	s23 =	simm.s32 $0x2580  }
0x167: {  	[tilespmem:s23], [sflag:$0x2] =	stream.indirect_vreg.gather [hbm4b:s2+s9], $0x80, v18, vm0, $0xb8;
	[tilespmem:$0x1E200] =	vst v63  }
0x168: {  	v18 =	vld [tilespmem:$0x240];
	_ =	sdelay $0x4  }
0x169: {  	v19 =	vshll.u32 v18, $0x1  }
0x16a: {  	v18 =	vand.u32 $0x7, v18;
	v19 =	vand.u32 $0xFFFFFFF0, v19  }
0x16b: {  	v18 =	vor.u32 v18, v19  }
0x16c: {  	v19 =	vperm.xlane v18, v3;
	_ =	sdelay $0x1  }
0x16d: {  	v38 =	vperm.xlane v18, v2;
	v19 =	vadd.s32 v4, v19;
	_ =	sdelay $0x1  }
0x16e: {  	v39 =	vperm.xlane v18, v5;
	v20 =	vadd.s32 v4, v38;
	_ =	sdelay $0x1  }
0x16f: {  	s6 =	simm.s32 $0x2600;
	v40 =	vperm.xlane v18, v6;
	v21 =	vadd.s32 v4, v39  }
0x170: {  	[tilespmem:s6], [sflag:$0x2] =	stream.indirect_vreg.gather [hbm4b:s2+s9], $0x80, v19, vm0, $0xb8;
	[tilespmem:$0x1E200] =	vst v63  }
0x171: {  	s13 =	simm.s32 $0x2680;
	v41 =	vperm.xlane v18, v7;
	v19 =	vadd.s32 v4, v40  }
0x172: {  	[tilespmem:s13], [sflag:$0x2] =	stream.indirect_vreg.gather [hbm4b:s2+s9], $0x80, v20, vm0, $0xb8;
	[tilespmem:$0x1E200] =	vst v63  }
0x173: {  	s23 =	simm.s32 $0x2700;
	v43 =	vperm.xlane v18, v8;
	v42 =	vadd.s32 v4, v41  }
0x174: {  	[tilespmem:s23], [sflag:$0x2] =	stream.indirect_vreg.gather [hbm4b:s2+s9], $0x80, v21, vm0, $0xb8;
	[tilespmem:$0x1E200] =	vst v63  }
0x175: {  	v45 =	vperm.xlane v18, v9;
	v44 =	vadd.s32 v4, v43;
	s6 =	simm.s32 $0x2780  }
0x176: {  	[tilespmem:s6], [sflag:$0x2] =	stream.indirect_vreg.gather [hbm4b:s2+s9], $0x80, v19, vm0, $0xb8;
	[tilespmem:$0x1E200] =	vst v63  }
0x177: {  	v46 =	vperm.xlane v18, v1;
	s13 =	simm.s32 $0x2800;
	v19 =	vadd.s32 v4, v45  }
0x178: {  	[tilespmem:s13], [sflag:$0x2] =	stream.indirect_vreg.gather [hbm4b:s2+s9], $0x80, v42, vm0, $0xb8;
	[tilespmem:$0x1E200] =	vst v63  }
0x179: {  	v48 =	vperm.xlane v18, v10;
	v47 =	vadd.s32 v4, v46;
	s23 =	simm.s32 $0x2880  }
0x17a: {  	[tilespmem:s23], [sflag:$0x2] =	stream.indirect_vreg.gather [hbm4b:s2+s9], $0x80, v44, vm0, $0xb8;
	[tilespmem:$0x1E200] =	vst v63  }
0x17b: {  	v50 =	vperm.xlane v18, v11;
	v49 =	vadd.s32 v4, v48;
	s6 =	simm.s32 $0x2900  }
0x17c: {  	[tilespmem:s6], [sflag:$0x2] =	stream.indirect_vreg.gather [hbm4b:s2+s9], $0x80, v19, vm0, $0xb8;
	[tilespmem:$0x1E200] =	vst v63  }
0x17d: {  	v51 =	vperm.xlane v18, v12;
	s13 =	simm.s32 $0x2980;
	v19 =	vadd.s32 v4, v50  }
0x17e: {  	[tilespmem:s13], [sflag:$0x2] =	stream.indirect_vreg.gather [hbm4b:s2+s9], $0x80, v47, vm0, $0xb8;
	[tilespmem:$0x1E200] =	vst v63  }
0x17f: {  	v53 =	vperm.xlane v18, v13;
	v52 =	vadd.s32 v4, v51;
	s23 =	simm.s32 $0x2A00  }
0x180: {  	[tilespmem:s23], [sflag:$0x2] =	stream.indirect_vreg.gather [hbm4b:s2+s9], $0x80, v49, vm0, $0xb8;
	[tilespmem:$0x1E200] =	vst v63  }
0x181: {  	v55 =	vperm.xlane v18, v14;
	v54 =	vadd.s32 v4, v53;
	s6 =	simm.s32 $0x2A80  }
0x182: {  	[tilespmem:s6], [sflag:$0x2] =	stream.indirect_vreg.gather [hbm4b:s2+s9], $0x80, v19, vm0, $0xb8;
	[tilespmem:$0x1E200] =	vst v63  }
0x183: {  	v56 =	vperm.xlane v18, v15;
	s13 =	simm.s32 $0x2B00;
	v19 =	vadd.s32 v4, v55  }
0x184: {  	[tilespmem:s13], [sflag:$0x2] =	stream.indirect_vreg.gather [hbm4b:s2+s9], $0x80, v52, vm0, $0xb8;
	[tilespmem:$0x1E200] =	vst v63  }
0x185: {  	v58 =	vperm.xlane v18, v16;
	v57 =	vadd.s32 v4, v56;
	s23 =	simm.s32 $0x2B80  }
0x186: {  	[tilespmem:s23], [sflag:$0x2] =	stream.indirect_vreg.gather [hbm4b:s2+s9], $0x80, v54, vm0, $0xb8;
	[tilespmem:$0x1E200] =	vst v63  }
0x187: {  	v18 =	vperm.xlane v18, v17;
	v59 =	vadd.s32 v4, v58;
	s6 =	simm.s32 $0x2C00  }
0x188: {  	[tilespmem:s6], [sflag:$0x2] =	stream.indirect_vreg.gather [hbm4b:s2+s9], $0x80, v19, vm0, $0xb8;
	[tilespmem:$0x1E200] =	vst v63  }
0x189: {  	v18 =	vadd.s32 v4, v18;
	s13 =	simm.s32 $0x2C80  }
0x18a: {  	[tilespmem:s13], [sflag:$0x2] =	stream.indirect_vreg.gather [hbm4b:s2+s9], $0x80, v57, vm0, $0xb8;
	[tilespmem:$0x1E200] =	vst v63  }
0x18b: {  	s23 =	simm.s32 $0x2D00  }
0x18c: {  	[tilespmem:s23], [sflag:$0x2] =	stream.indirect_vreg.gather [hbm4b:s2+s9], $0x80, v59, vm0, $0xb8;
	[tilespmem:$0x1E200] =	vst v63  }
0x18d: {  	s6 =	simm.s32 $0x2D80  }
0x18e: {  	[tilespmem:s6], [sflag:$0x2] =	stream.indirect_vreg.gather [hbm4b:s2+s9], $0x80, v18, vm0, $0xb8;
	[tilespmem:$0x1E200] =	vst v63  }
0x18f: {  	v18 =	vld [tilespmem:$0x100]  }
0x190: {  	v19 =	vld [tilespmem:$0x110]  }
0x191: {  	v20 =	vld [tilespmem:$0x120]  }
0x192: {  	v21 =	vld [tilespmem:$0x130]  }
0x193: {  	v60 =	vld [tilespmem:$0x140]  }
0x194: {  	[tilespmem:$0x480] =	vst v18  }
0x195: {  	[tilespmem:$0x490] =	vst v19  }
0x196: {  	[tilespmem:$0x4A0] =	vst v20  }
0x197: {  	s13 =	rddreg [dreg:$0x18];
	[tilespmem:$0x4B0] =	vst v21  }
0x198: {  	s23 =	sld [smem:$0x7FA];
	[tilespmem:$0x4C0] =	vst v60  }
0x199: {  	[tilespmem:s19], [sflag:$0x3] =	stream.strided.gather [hbm4b:s13+s10], $0x2800, s28, s10, $0x38;
	[tilespmem:$0x1E200] =	vst v63  }
0x19a: {  	s4 =	sld [smem:$0x7FB]  }
0x19b: {  	[tilespmem:s9], [sflag:$0xA] =	stream.linear.gather [hbm4b:s23+s9], $0x50, $0x38;
	[tilespmem:$0x1E200] =	vst v63  }
0x19c: {  	_ = 	snop  }
0x19d: {  	[tilespmem:s7], [sflag:$0xA] =	stream.linear.gather [hbm4b:s4+s9], $0x50, $0x38;
	[tilespmem:$0x1E200] =	vst v63  }
0x19e: {  	_ =	swait.ge [sflag:s30], $0x50  }
0x19f: {  	[sflag:s30] =	ssyncset.done $0x0  }
0x1a0: {  	[sflag:s30] =	ssyncadd.s32 $0xFFFFFFB0  }
0x1a1: {  	_ =	swait.ge [sflag:s30], $0x50  }
0x1a2: {  	[sflag:s30] =	ssyncset.done $0x0  }
0x1a3: {  	[sflag:s30] =	ssyncadd.s32 $0xFFFFFFB0  }
0x1a4: {  	v18 =	vld [tilespmem:$0x80];
	_ =	sdelay $0x4  }
0x1a5: {  	[tilespmem:$0x300] =	vst v18  }
0x1a6: {  	v18 =	vld [tilespmem:$0x300]  }
0x1a7: {  	v19 =	vld [tilespmem:$0x180]  }
0x1a8: {  	v61 =	vld [tilespmem:$0x190]  }
0x1a9: {  	v62 =	vld [tilespmem:$0x90]  }
0x1aa: {  	v63 =	vld [tilespmem:$0x1A0]  }
0x1ab: {  	v28 =	vld [tilespmem:$0xA0];
	v29 =	vshll.u32 v18, $0x1  }
0x1ac: {  	v30 =	vld [tilespmem:$0xB0];
	[tilespmem:$0x500] =	vst v19;
	v18 =	vand.u32 $0x7, v18;
	v24 =	vand.u32 $0xFFFFFFF0, v29  }
0x1ad: {  	v19 =	vld [tilespmem:$0x1B0];
	[tilespmem:$0x510] =	vst v61;
	v18 =	vor.u32 v18, v24  }
0x1ae: {  	v31 =	vld [tilespmem:$0x1C0];
	[tilespmem:$0x310] =	vst v62;
	v24 =	vperm.xlane v18, v3  }
0x1af: {  	v32 =	vld [tilespmem:$0xC0];
	[tilespmem:$0x520] =	vst v63  }
0x1b0: {  	[tilespmem:$0x320] =	vst v28;
	v34 =	vperm.xlane v18, v2;
	v33 =	vadd.s32 v4, v24  }
0x1b1: {  	[tilespmem:$0x330] =	vst v30  }
0x1b2: {  	[tilespmem:$0x530] =	vst v19;
	v35 =	vperm.xlane v18, v5;
	v19 =	vadd.s32 v4, v34  }
0x1b3: {  	[tilespmem:$0x540] =	vst v31  }
0x1b4: {  	[tilespmem:$0x340] =	vst v32;
	v36 =	vperm.xlane v18, v6;
	v20 =	vadd.s32 v4, v35  }
0x1b5: {  	[tilespmem:s5], [sflag:$0x4] =	stream.indirect_vreg.gather [hbm4b:s2+s9], $0x80, v33, vm0, $0xb8;
	[tilespmem:$0x1E200] =	vst v63  }
0x1b6: {  	s6 =	simm.s32 $0x5680;
	v37 =	vperm.xlane v18, v7;
	v21 =	vadd.s32 v4, v36  }
0x1b7: {  	[tilespmem:s6], [sflag:$0x4] =	stream.indirect_vreg.gather [hbm4b:s2+s9], $0x80, v19, vm0, $0xb8;
	[tilespmem:$0x1E200] =	vst v63  }
0x1b8: {  	s13 =	simm.s32 $0x5700;
	v38 =	vperm.xlane v18, v8;
	v19 =	vadd.s32 v4, v37  }
0x1b9: {  	[tilespmem:s13], [sflag:$0x4] =	stream.indirect_vreg.gather [hbm4b:s2+s9], $0x80, v20, vm0, $0xb8;
	[tilespmem:$0x1E200] =	vst v63  }
0x1ba: {  	s19 =	simm.s32 $0x5780;
	v40 =	vperm.xlane v18, v9;
	v39 =	vadd.s32 v4, v38  }
0x1bb: {  	[tilespmem:s19], [sflag:$0x4] =	stream.indirect_vreg.gather [hbm4b:s2+s9], $0x80, v21, vm0, $0xb8;
	[tilespmem:$0x1E200] =	vst v63  }
0x1bc: {  	s23 =	simm.s32 $0x5800;
	v42 =	vperm.xlane v18, v1;
	v41 =	vadd.s32 v4, v40  }
0x1bd: {  	[tilespmem:s23], [sflag:$0x4] =	stream.indirect_vreg.gather [hbm4b:s2+s9], $0x80, v19, vm0, $0xb8;
	[tilespmem:$0x1E200] =	vst v63  }
0x1be: {  	v43 =	vperm.xlane v18, v10;
	s6 =	simm.s32 $0x5880;
	v19 =	vadd.s32 v4, v42  }
0x1bf: {  	[tilespmem:s6], [sflag:$0x4] =	stream.indirect_vreg.gather [hbm4b:s2+s9], $0x80, v39, vm0, $0xb8;
	[tilespmem:$0x1E200] =	vst v63  }
0x1c0: {  	v45 =	vperm.xlane v18, v11;
	v44 =	vadd.s32 v4, v43;
	s13 =	simm.s32 $0x5900  }
0x1c1: {  	[tilespmem:s13], [sflag:$0x4] =	stream.indirect_vreg.gather [hbm4b:s2+s9], $0x80, v41, vm0, $0xb8;
	[tilespmem:$0x1E200] =	vst v63  }
0x1c2: {  	v47 =	vperm.xlane v18, v12;
	v46 =	vadd.s32 v4, v45;
	s19 =	simm.s32 $0x5980  }
0x1c3: {  	[tilespmem:s19], [sflag:$0x4] =	stream.indirect_vreg.gather [hbm4b:s2+s9], $0x80, v19, vm0, $0xb8;
	[tilespmem:$0x1E200] =	vst v63  }
0x1c4: {  	v48 =	vperm.xlane v18, v13;
	s23 =	simm.s32 $0x5A00;
	v19 =	vadd.s32 v4, v47  }
0x1c5: {  	[tilespmem:s23], [sflag:$0x4] =	stream.indirect_vreg.gather [hbm4b:s2+s9], $0x80, v44, vm0, $0xb8;
	[tilespmem:$0x1E200] =	vst v63  }
0x1c6: {  	v50 =	vperm.xlane v18, v14;
	v49 =	vadd.s32 v4, v48;
	s6 =	simm.s32 $0x5A80  }
0x1c7: {  	[tilespmem:s6], [sflag:$0x4] =	stream.indirect_vreg.gather [hbm4b:s2+s9], $0x80, v46, vm0, $0xb8;
	[tilespmem:$0x1E200] =	vst v63  }
0x1c8: {  	v52 =	vperm.xlane v18, v15;
	v51 =	vadd.s32 v4, v50;
	s13 =	simm.s32 $0x5B00  }
0x1c9: {  	[tilespmem:s13], [sflag:$0x4] =	stream.indirect_vreg.gather [hbm4b:s2+s9], $0x80, v19, vm0, $0xb8;
	[tilespmem:$0x1E200] =	vst v63  }
0x1ca: {  	v53 =	vperm.xlane v18, v16;
	s19 =	simm.s32 $0x5B80;
	v19 =	vadd.s32 v4, v52  }
0x1cb: {  	[tilespmem:s19], [sflag:$0x4] =	stream.indirect_vreg.gather [hbm4b:s2+s9], $0x80, v49, vm0, $0xb8;
	[tilespmem:$0x1E200] =	vst v63  }
0x1cc: {  	v18 =	vperm.xlane v18, v17;
	v54 =	vadd.s32 v4, v53;
	s23 =	simm.s32 $0x5C00  }
0x1cd: {  	[tilespmem:s23], [sflag:$0x4] =	stream.indirect_vreg.gather [hbm4b:s2+s9], $0x80, v51, vm0, $0xb8;
	[tilespmem:$0x1E200] =	vst v63  }
0x1ce: {  	v18 =	vadd.s32 v4, v18;
	s6 =	simm.s32 $0x5C80  }
0x1cf: {  	[tilespmem:s6], [sflag:$0x4] =	stream.indirect_vreg.gather [hbm4b:s2+s9], $0x80, v19, vm0, $0xb8;
	[tilespmem:$0x1E200] =	vst v63  }
0x1d0: {  	s13 =	simm.s32 $0x5D00  }
0x1d1: {  	[tilespmem:s13], [sflag:$0x4] =	stream.indirect_vreg.gather [hbm4b:s2+s9], $0x80, v54, vm0, $0xb8;
	[tilespmem:$0x1E200] =	vst v63  }
0x1d2: {  	s19 =	simm.s32 $0x5D80  }
0x1d3: {  	[tilespmem:s19], [sflag:$0x4] =	stream.indirect_vreg.gather [hbm4b:s2+s9], $0x80, v18, vm0, $0xb8;
	[tilespmem:$0x1E200] =	vst v63  }
0x1d4: {  	v18 =	vld [tilespmem:$0x310];
	_ =	sdelay $0x4  }
0x1d5: {  	v19 =	vshll.u32 v18, $0x1  }
0x1d6: {  	v18 =	vand.u32 $0x7, v18;
	v19 =	vand.u32 $0xFFFFFFF0, v19  }
0x1d7: {  	v18 =	vor.u32 v18, v19  }
0x1d8: {  	v19 =	vperm.xlane v18, v3;
	_ =	sdelay $0x1  }
0x1d9: {  	v55 =	vperm.xlane v18, v2;
	v19 =	vadd.s32 v4, v19;
	_ =	sdelay $0x1  }
0x1da: {  	v56 =	vperm.xlane v18, v5;
	v20 =	vadd.s32 v4, v55;
	_ =	sdelay $0x1  }
0x1db: {  	s23 =	simm.s32 $0x5E00;
	v57 =	vperm.xlane v18, v6;
	v21 =	vadd.s32 v4, v56  }
0x1dc: {  	[tilespmem:s23], [sflag:$0x4] =	stream.indirect_vreg.gather [hbm4b:s2+s9], $0x80, v19, vm0, $0xb8;
	[tilespmem:$0x1E200] =	vst v63  }
0x1dd: {  	s6 =	simm.s32 $0x5E80;
	v58 =	vperm.xlane v18, v7;
	v19 =	vadd.s32 v4, v57  }
0x1de: {  	[tilespmem:s6], [sflag:$0x4] =	stream.indirect_vreg.gather [hbm4b:s2+s9], $0x80, v20, vm0, $0xb8;
	[tilespmem:$0x1E200] =	vst v63  }
0x1df: {  	s13 =	simm.s32 $0x5F00;
	v60 =	vperm.xlane v18, v8;
	v59 =	vadd.s32 v4, v58  }
0x1e0: {  	[tilespmem:s13], [sflag:$0x4] =	stream.indirect_vreg.gather [hbm4b:s2+s9], $0x80, v21, vm0, $0xb8;
	[tilespmem:$0x1E200] =	vst v63  }
0x1e1: {  	s19 =	simm.s32 $0x5F80;
	v62 =	vperm.xlane v18, v9;
	v61 =	vadd.s32 v4, v60  }
0x1e2: {  	[tilespmem:s19], [sflag:$0x4] =	stream.indirect_vreg.gather [hbm4b:s2+s9], $0x80, v19, vm0, $0xb8;
	[tilespmem:$0x1E200] =	vst v63  }
0x1e3: {  	v63 =	vperm.xlane v18, v1;
	s23 =	simm.s32 $0x6000;
	v19 =	vadd.s32 v4, v62  }
0x1e4: {  	[tilespmem:s23], [sflag:$0x4] =	stream.indirect_vreg.gather [hbm4b:s2+s9], $0x80, v59, vm0, $0xb8;
	[tilespmem:$0x1E200] =	vst v63  }
0x1e5: {  	v25 =	vperm.xlane v18, v10;
	v24 =	vadd.s32 v4, v63;
	s6 =	simm.s32 $0x6080  }
0x1e6: {  	[tilespmem:s6], [sflag:$0x4] =	stream.indirect_vreg.gather [hbm4b:s2+s9], $0x80, v61, vm0, $0xb8;
	[tilespmem:$0x1E200] =	vst v63  }
0x1e7: {  	v27 =	vperm.xlane v18, v11;
	v26 =	vadd.s32 v4, v25;
	s13 =	simm.s32 $0x6100  }
0x1e8: {  	[tilespmem:s13], [sflag:$0x4] =	stream.indirect_vreg.gather [hbm4b:s2+s9], $0x80, v19, vm0, $0xb8;
	[tilespmem:$0x1E200] =	vst v63  }
0x1e9: {  	v28 =	vperm.xlane v18, v12;
	s19 =	simm.s32 $0x6180;
	v19 =	vadd.s32 v4, v27  }
0x1ea: {  	[tilespmem:s19], [sflag:$0x4] =	stream.indirect_vreg.gather [hbm4b:s2+s9], $0x80, v24, vm0, $0xb8;
	[tilespmem:$0x1E200] =	vst v63  }
0x1eb: {  	v30 =	vperm.xlane v18, v13;
	v29 =	vadd.s32 v4, v28;
	s23 =	simm.s32 $0x6200  }
0x1ec: {  	[tilespmem:s23], [sflag:$0x4] =	stream.indirect_vreg.gather [hbm4b:s2+s9], $0x80, v26, vm0, $0xb8;
	[tilespmem:$0x1E200] =	vst v63  }
0x1ed: {  	v32 =	vperm.xlane v18, v14;
	v31 =	vadd.s32 v4, v30;
	s6 =	simm.s32 $0x6280  }
0x1ee: {  	[tilespmem:s6], [sflag:$0x4] =	stream.indirect_vreg.gather [hbm4b:s2+s9], $0x80, v19, vm0, $0xb8;
	[tilespmem:$0x1E200] =	vst v63  }
0x1ef: {  	v33 =	vperm.xlane v18, v15;
	s13 =	simm.s32 $0x6300;
	v19 =	vadd.s32 v4, v32  }
0x1f0: {  	[tilespmem:s13], [sflag:$0x4] =	stream.indirect_vreg.gather [hbm4b:s2+s9], $0x80, v29, vm0, $0xb8;
	[tilespmem:$0x1E200] =	vst v63  }
0x1f1: {  	v35 =	vperm.xlane v18, v16;
	v34 =	vadd.s32 v4, v33;
	s23 =	simm.s32 $0x6380  }
0x1f2: {  	[tilespmem:s23], [sflag:$0x4] =	stream.indirect_vreg.gather [hbm4b:s2+s9], $0x80, v31, vm0, $0xb8;
	[tilespmem:$0x1E200] =	vst v63  }
0x1f3: {  	v18 =	vperm.xlane v18, v17;
	v36 =	vadd.s32 v4, v35;
	s6 =	simm.s32 $0x6400  }
0x1f4: {  	[tilespmem:s6], [sflag:$0x4] =	stream.indirect_vreg.gather [hbm4b:s2+s9], $0x80, v19, vm0, $0xb8;
	[tilespmem:$0x1E200] =	vst v63  }
0x1f5: {  	v18 =	vadd.s32 v4, v18;
	s13 =	simm.s32 $0x6480  }
0x1f6: {  	[tilespmem:s13], [sflag:$0x4] =	stream.indirect_vreg.gather [hbm4b:s2+s9], $0x80, v34, vm0, $0xb8;
	[tilespmem:$0x1E200] =	vst v63  }
0x1f7: {  	s23 =	simm.s32 $0x6500  }
0x1f8: {  	[tilespmem:s23], [sflag:$0x4] =	stream.indirect_vreg.gather [hbm4b:s2+s9], $0x80, v36, vm0, $0xb8;
	[tilespmem:$0x1E200] =	vst v63  }
0x1f9: {  	s6 =	simm.s32 $0x6580  }
0x1fa: {  	[tilespmem:s6], [sflag:$0x4] =	stream.indirect_vreg.gather [hbm4b:s2+s9], $0x80, v18, vm0, $0xb8;
	[tilespmem:$0x1E200] =	vst v63  }
0x1fb: {  	v18 =	vld [tilespmem:$0x320];
	_ =	sdelay $0x4  }
0x1fc: {  	v19 =	vshll.u32 v18, $0x1  }
0x1fd: {  	v18 =	vand.u32 $0x7, v18;
	v19 =	vand.u32 $0xFFFFFFF0, v19  }
0x1fe: {  	v18 =	vor.u32 v18, v19  }
0x1ff: {  	v19 =	vperm.xlane v18, v3;
	_ =	sdelay $0x1  }
0x200: {  	v37 =	vperm.xlane v18, v2;
	v19 =	vadd.s32 v4, v19;
	_ =	sdelay $0x1  }
0x201: {  	v38 =	vperm.xlane v18, v5;
	v20 =	vadd.s32 v4, v37;
	_ =	sdelay $0x1  }
0x202: {  	s13 =	simm.s32 $0x6600;
	v39 =	vperm.xlane v18, v6;
	v21 =	vadd.s32 v4, v38  }
0x203: {  	[tilespmem:s13], [sflag:$0x4] =	stream.indirect_vreg.gather [hbm4b:s2+s9], $0x80, v19, vm0, $0xb8;
	[tilespmem:$0x1E200] =	vst v63  }
0x204: {  	s23 =	simm.s32 $0x6680;
	v40 =	vperm.xlane v18, v7;
	v19 =	vadd.s32 v4, v39  }
0x205: {  	[tilespmem:s23], [sflag:$0x4] =	stream.indirect_vreg.gather [hbm4b:s2+s9], $0x80, v20, vm0, $0xb8;
	[tilespmem:$0x1E200] =	vst v63  }
0x206: {  	s6 =	simm.s32 $0x6700;
	v42 =	vperm.xlane v18, v8;
	v41 =	vadd.s32 v4, v40  }
0x207: {  	[tilespmem:s6], [sflag:$0x4] =	stream.indirect_vreg.gather [hbm4b:s2+s9], $0x80, v21, vm0, $0xb8;
	[tilespmem:$0x1E200] =	vst v63  }
0x208: {  	v44 =	vperm.xlane v18, v9;
	v43 =	vadd.s32 v4, v42;
	s13 =	simm.s32 $0x6780  }
0x209: {  	[tilespmem:s13], [sflag:$0x4] =	stream.indirect_vreg.gather [hbm4b:s2+s9], $0x80, v19, vm0, $0xb8;
	[tilespmem:$0x1E200] =	vst v63  }
0x20a: {  	v45 =	vperm.xlane v18, v1;
	s23 =	simm.s32 $0x6800;
	v19 =	vadd.s32 v4, v44  }
0x20b: {  	[tilespmem:s23], [sflag:$0x4] =	stream.indirect_vreg.gather [hbm4b:s2+s9], $0x80, v41, vm0, $0xb8;
	[tilespmem:$0x1E200] =	vst v63  }
0x20c: {  	v47 =	vperm.xlane v18, v10;
	v46 =	vadd.s32 v4, v45;
	s6 =	simm.s32 $0x6880  }
0x20d: {  	[tilespmem:s6], [sflag:$0x4] =	stream.indirect_vreg.gather [hbm4b:s2+s9], $0x80, v43, vm0, $0xb8;
	[tilespmem:$0x1E200] =	vst v63  }
0x20e: {  	v49 =	vperm.xlane v18, v11;
	v48 =	vadd.s32 v4, v47;
	s13 =	simm.s32 $0x6900  }
0x20f: {  	[tilespmem:s13], [sflag:$0x4] =	stream.indirect_vreg.gather [hbm4b:s2+s9], $0x80, v19, vm0, $0xb8;
	[tilespmem:$0x1E200] =	vst v63  }
0x210: {  	v50 =	vperm.xlane v18, v12;
	s23 =	simm.s32 $0x6980;
	v19 =	vadd.s32 v4, v49  }
0x211: {  	[tilespmem:s23], [sflag:$0x4] =	stream.indirect_vreg.gather [hbm4b:s2+s9], $0x80, v46, vm0, $0xb8;
	[tilespmem:$0x1E200] =	vst v63  }
0x212: {  	v52 =	vperm.xlane v18, v13;
	v51 =	vadd.s32 v4, v50;
	s6 =	simm.s32 $0x6A00  }
0x213: {  	[tilespmem:s6], [sflag:$0x4] =	stream.indirect_vreg.gather [hbm4b:s2+s9], $0x80, v48, vm0, $0xb8;
	[tilespmem:$0x1E200] =	vst v63  }
0x214: {  	v54 =	vperm.xlane v18, v14;
	v53 =	vadd.s32 v4, v52;
	s13 =	simm.s32 $0x6A80  }
0x215: {  	[tilespmem:s13], [sflag:$0x4] =	stream.indirect_vreg.gather [hbm4b:s2+s9], $0x80, v19, vm0, $0xb8;
	[tilespmem:$0x1E200] =	vst v63  }
0x216: {  	v55 =	vperm.xlane v18, v15;
	s23 =	simm.s32 $0x6B00;
	v19 =	vadd.s32 v4, v54  }
0x217: {  	[tilespmem:s23], [sflag:$0x4] =	stream.indirect_vreg.gather [hbm4b:s2+s9], $0x80, v51, vm0, $0xb8;
	[tilespmem:$0x1E200] =	vst v63  }
0x218: {  	v57 =	vperm.xlane v18, v16;
	v56 =	vadd.s32 v4, v55;
	s6 =	simm.s32 $0x6B80  }
0x219: {  	[tilespmem:s6], [sflag:$0x4] =	stream.indirect_vreg.gather [hbm4b:s2+s9], $0x80, v53, vm0, $0xb8;
	[tilespmem:$0x1E200] =	vst v63  }
0x21a: {  	v18 =	vperm.xlane v18, v17;
	v58 =	vadd.s32 v4, v57;
	s13 =	simm.s32 $0x6C00  }
0x21b: {  	[tilespmem:s13], [sflag:$0x4] =	stream.indirect_vreg.gather [hbm4b:s2+s9], $0x80, v19, vm0, $0xb8;
	[tilespmem:$0x1E200] =	vst v63  }
0x21c: {  	v18 =	vadd.s32 v4, v18;
	s23 =	simm.s32 $0x6C80  }
0x21d: {  	[tilespmem:s23], [sflag:$0x4] =	stream.indirect_vreg.gather [hbm4b:s2+s9], $0x80, v56, vm0, $0xb8;
	[tilespmem:$0x1E200] =	vst v63  }
0x21e: {  	s6 =	simm.s32 $0x6D00  }
0x21f: {  	[tilespmem:s6], [sflag:$0x4] =	stream.indirect_vreg.gather [hbm4b:s2+s9], $0x80, v58, vm0, $0xb8;
	[tilespmem:$0x1E200] =	vst v63  }
0x220: {  	s13 =	simm.s32 $0x6D80  }
0x221: {  	[tilespmem:s13], [sflag:$0x4] =	stream.indirect_vreg.gather [hbm4b:s2+s9], $0x80, v18, vm0, $0xb8;
	[tilespmem:$0x1E200] =	vst v63  }
0x222: {  	v18 =	vld [tilespmem:$0x330];
	_ =	sdelay $0x4  }
0x223: {  	v19 =	vshll.u32 v18, $0x1  }
0x224: {  	v18 =	vand.u32 $0x7, v18;
	v19 =	vand.u32 $0xFFFFFFF0, v19  }
0x225: {  	v18 =	vor.u32 v18, v19  }
0x226: {  	v19 =	vperm.xlane v18, v3;
	_ =	sdelay $0x1  }
0x227: {  	v59 =	vperm.xlane v18, v2;
	v19 =	vadd.s32 v4, v19;
	_ =	sdelay $0x1  }
0x228: {  	v60 =	vperm.xlane v18, v5;
	v20 =	vadd.s32 v4, v59;
	_ =	sdelay $0x1  }
0x229: {  	s23 =	simm.s32 $0x6E00;
	v61 =	vperm.xlane v18, v6;
	v21 =	vadd.s32 v4, v60  }
0x22a: {  	[tilespmem:s23], [sflag:$0x4] =	stream.indirect_vreg.gather [hbm4b:s2+s9], $0x80, v19, vm0, $0xb8;
	[tilespmem:$0x1E200] =	vst v63  }
0x22b: {  	s6 =	simm.s32 $0x6E80;
	v62 =	vperm.xlane v18, v7;
	v19 =	vadd.s32 v4, v61  }
0x22c: {  	[tilespmem:s6], [sflag:$0x4] =	stream.indirect_vreg.gather [hbm4b:s2+s9], $0x80, v20, vm0, $0xb8;
	[tilespmem:$0x1E200] =	vst v63  }
0x22d: {  	s13 =	simm.s32 $0x6F00;
	v24 =	vperm.xlane v18, v8;
	v63 =	vadd.s32 v4, v62  }
0x22e: {  	[tilespmem:s13], [sflag:$0x4] =	stream.indirect_vreg.gather [hbm4b:s2+s9], $0x80, v21, vm0, $0xb8;
	[tilespmem:$0x1E200] =	vst v63  }
0x22f: {  	v26 =	vperm.xlane v18, v9;
	v25 =	vadd.s32 v4, v24;
	s23 =	simm.s32 $0x6F80  }
0x230: {  	[tilespmem:s23], [sflag:$0x4] =	stream.indirect_vreg.gather [hbm4b:s2+s9], $0x80, v19, vm0, $0xb8;
	[tilespmem:$0x1E200] =	vst v63  }
0x231: {  	v27 =	vperm.xlane v18, v1;
	s6 =	simm.s32 $0x7000;
	v19 =	vadd.s32 v4, v26  }
0x232: {  	[tilespmem:s6], [sflag:$0x4] =	stream.indirect_vreg.gather [hbm4b:s2+s9], $0x80, v63, vm0, $0xb8;
	[tilespmem:$0x1E200] =	vst v63  }
0x233: {  	v29 =	vperm.xlane v18, v10;
	v28 =	vadd.s32 v4, v27;
	s13 =	simm.s32 $0x7080  }
0x234: {  	[tilespmem:s13], [sflag:$0x4] =	stream.indirect_vreg.gather [hbm4b:s2+s9], $0x80, v25, vm0, $0xb8;
	[tilespmem:$0x1E200] =	vst v63  }
0x235: {  	v31 =	vperm.xlane v18, v11;
	v30 =	vadd.s32 v4, v29;
	s23 =	simm.s32 $0x7100  }
0x236: {  	[tilespmem:s23], [sflag:$0x4] =	stream.indirect_vreg.gather [hbm4b:s2+s9], $0x80, v19, vm0, $0xb8;
	[tilespmem:$0x1E200] =	vst v63  }
0x237: {  	v32 =	vperm.xlane v18, v12;
	s6 =	simm.s32 $0x7180;
	v19 =	vadd.s32 v4, v31  }
0x238: {  	[tilespmem:s6], [sflag:$0x4] =	stream.indirect_vreg.gather [hbm4b:s2+s9], $0x80, v28, vm0, $0xb8;
	[tilespmem:$0x1E200] =	vst v63  }
0x239: {  	v34 =	vperm.xlane v18, v13;
	v33 =	vadd.s32 v4, v32;
	s13 =	simm.s32 $0x7200  }
0x23a: {  	[tilespmem:s13], [sflag:$0x4] =	stream.indirect_vreg.gather [hbm4b:s2+s9], $0x80, v30, vm0, $0xb8;
	[tilespmem:$0x1E200] =	vst v63  }
0x23b: {  	v36 =	vperm.xlane v18, v14;
	v35 =	vadd.s32 v4, v34;
	s23 =	simm.s32 $0x7280  }
0x23c: {  	[tilespmem:s23], [sflag:$0x4] =	stream.indirect_vreg.gather [hbm4b:s2+s9], $0x80, v19, vm0, $0xb8;
	[tilespmem:$0x1E200] =	vst v63  }
0x23d: {  	v37 =	vperm.xlane v18, v15;
	s6 =	simm.s32 $0x7300;
	v19 =	vadd.s32 v4, v36  }
0x23e: {  	[tilespmem:s6], [sflag:$0x4] =	stream.indirect_vreg.gather [hbm4b:s2+s9], $0x80, v33, vm0, $0xb8;
	[tilespmem:$0x1E200] =	vst v63  }
0x23f: {  	v39 =	vperm.xlane v18, v16;
	v38 =	vadd.s32 v4, v37;
	s13 =	simm.s32 $0x7380  }
0x240: {  	[tilespmem:s13], [sflag:$0x4] =	stream.indirect_vreg.gather [hbm4b:s2+s9], $0x80, v35, vm0, $0xb8;
	[tilespmem:$0x1E200] =	vst v63  }
0x241: {  	v18 =	vperm.xlane v18, v17;
	v40 =	vadd.s32 v4, v39;
	s23 =	simm.s32 $0x7400  }
0x242: {  	[tilespmem:s23], [sflag:$0x4] =	stream.indirect_vreg.gather [hbm4b:s2+s9], $0x80, v19, vm0, $0xb8;
	[tilespmem:$0x1E200] =	vst v63  }
0x243: {  	v18 =	vadd.s32 v4, v18;
	s6 =	simm.s32 $0x7480  }
0x244: {  	[tilespmem:s6], [sflag:$0x4] =	stream.indirect_vreg.gather [hbm4b:s2+s9], $0x80, v38, vm0, $0xb8;
	[tilespmem:$0x1E200] =	vst v63  }
0x245: {  	s13 =	simm.s32 $0x7500  }
0x246: {  	[tilespmem:s13], [sflag:$0x4] =	stream.indirect_vreg.gather [hbm4b:s2+s9], $0x80, v40, vm0, $0xb8;
	[tilespmem:$0x1E200] =	vst v63  }
0x247: {  	s23 =	simm.s32 $0x7580  }
0x248: {  	[tilespmem:s23], [sflag:$0x4] =	stream.indirect_vreg.gather [hbm4b:s2+s9], $0x80, v18, vm0, $0xb8;
	[tilespmem:$0x1E200] =	vst v63  }
0x249: {  	v18 =	vld [tilespmem:$0x340];
	_ =	sdelay $0x4  }
0x24a: {  	v19 =	vshll.u32 v18, $0x1  }
0x24b: {  	v18 =	vand.u32 $0x7, v18;
	v19 =	vand.u32 $0xFFFFFFF0, v19  }
0x24c: {  	v18 =	vor.u32 v18, v19  }
0x24d: {  	v19 =	vperm.xlane v18, v3;
	_ =	sdelay $0x1  }
0x24e: {  	v41 =	vperm.xlane v18, v2;
	v19 =	vadd.s32 v4, v19;
	_ =	sdelay $0x1  }
0x24f: {  	v42 =	vperm.xlane v18, v5;
	v20 =	vadd.s32 v4, v41;
	_ =	sdelay $0x1  }
0x250: {  	s6 =	simm.s32 $0x7600;
	v43 =	vperm.xlane v18, v6;
	v21 =	vadd.s32 v4, v42  }
0x251: {  	[tilespmem:s6], [sflag:$0x4] =	stream.indirect_vreg.gather [hbm4b:s2+s9], $0x80, v19, vm0, $0xb8;
	[tilespmem:$0x1E200] =	vst v63  }
0x252: {  	s13 =	simm.s32 $0x7680;
	v44 =	vperm.xlane v18, v7;
	v19 =	vadd.s32 v4, v43  }
0x253: {  	[tilespmem:s13], [sflag:$0x4] =	stream.indirect_vreg.gather [hbm4b:s2+s9], $0x80, v20, vm0, $0xb8;
	[tilespmem:$0x1E200] =	vst v63  }
0x254: {  	s23 =	simm.s32 $0x7700;
	v46 =	vperm.xlane v18, v8;
	v45 =	vadd.s32 v4, v44  }
0x255: {  	[tilespmem:s23], [sflag:$0x4] =	stream.indirect_vreg.gather [hbm4b:s2+s9], $0x80, v21, vm0, $0xb8;
	[tilespmem:$0x1E200] =	vst v63  }
0x256: {  	v48 =	vperm.xlane v18, v9;
	v47 =	vadd.s32 v4, v46;
	s6 =	simm.s32 $0x7780  }
0x257: {  	[tilespmem:s6], [sflag:$0x4] =	stream.indirect_vreg.gather [hbm4b:s2+s9], $0x80, v19, vm0, $0xb8;
	[tilespmem:$0x1E200] =	vst v63  }
0x258: {  	v49 =	vperm.xlane v18, v1;
	s13 =	simm.s32 $0x7800;
	v19 =	vadd.s32 v4, v48  }
0x259: {  	[tilespmem:s13], [sflag:$0x4] =	stream.indirect_vreg.gather [hbm4b:s2+s9], $0x80, v45, vm0, $0xb8;
	[tilespmem:$0x1E200] =	vst v63  }
0x25a: {  	v51 =	vperm.xlane v18, v10;
	v50 =	vadd.s32 v4, v49;
	s23 =	simm.s32 $0x7880  }
0x25b: {  	[tilespmem:s23], [sflag:$0x4] =	stream.indirect_vreg.gather [hbm4b:s2+s9], $0x80, v47, vm0, $0xb8;
	[tilespmem:$0x1E200] =	vst v63  }
0x25c: {  	v53 =	vperm.xlane v18, v11;
	v52 =	vadd.s32 v4, v51;
	s6 =	simm.s32 $0x7900  }
0x25d: {  	[tilespmem:s6], [sflag:$0x4] =	stream.indirect_vreg.gather [hbm4b:s2+s9], $0x80, v19, vm0, $0xb8;
	[tilespmem:$0x1E200] =	vst v63  }
0x25e: {  	v54 =	vperm.xlane v18, v12;
	s13 =	simm.s32 $0x7980;
	v19 =	vadd.s32 v4, v53  }
0x25f: {  	[tilespmem:s13], [sflag:$0x4] =	stream.indirect_vreg.gather [hbm4b:s2+s9], $0x80, v50, vm0, $0xb8;
	[tilespmem:$0x1E200] =	vst v63  }
0x260: {  	v56 =	vperm.xlane v18, v13;
	v55 =	vadd.s32 v4, v54;
	s23 =	simm.s32 $0x7A00  }
0x261: {  	[tilespmem:s23], [sflag:$0x4] =	stream.indirect_vreg.gather [hbm4b:s2+s9], $0x80, v52, vm0, $0xb8;
	[tilespmem:$0x1E200] =	vst v63  }
0x262: {  	v58 =	vperm.xlane v18, v14;
	v57 =	vadd.s32 v4, v56;
	s6 =	simm.s32 $0x7A80  }
0x263: {  	[tilespmem:s6], [sflag:$0x4] =	stream.indirect_vreg.gather [hbm4b:s2+s9], $0x80, v19, vm0, $0xb8;
	[tilespmem:$0x1E200] =	vst v63  }
0x264: {  	v59 =	vperm.xlane v18, v15;
	s13 =	simm.s32 $0x7B00;
	v19 =	vadd.s32 v4, v58  }
0x265: {  	[tilespmem:s13], [sflag:$0x4] =	stream.indirect_vreg.gather [hbm4b:s2+s9], $0x80, v55, vm0, $0xb8;
	[tilespmem:$0x1E200] =	vst v63  }
0x266: {  	v61 =	vperm.xlane v18, v16;
	v60 =	vadd.s32 v4, v59;
	s23 =	simm.s32 $0x7B80  }
0x267: {  	[tilespmem:s23], [sflag:$0x4] =	stream.indirect_vreg.gather [hbm4b:s2+s9], $0x80, v57, vm0, $0xb8;
	[tilespmem:$0x1E200] =	vst v63  }
0x268: {  	v18 =	vperm.xlane v18, v17;
	v62 =	vadd.s32 v4, v61;
	s6 =	simm.s32 $0x7C00  }
0x269: {  	[tilespmem:s6], [sflag:$0x4] =	stream.indirect_vreg.gather [hbm4b:s2+s9], $0x80, v19, vm0, $0xb8;
	[tilespmem:$0x1E200] =	vst v63  }
0x26a: {  	v18 =	vadd.s32 v4, v18;
	s13 =	simm.s32 $0x7C80  }
0x26b: {  	[tilespmem:s13], [sflag:$0x4] =	stream.indirect_vreg.gather [hbm4b:s2+s9], $0x80, v60, vm0, $0xb8;
	[tilespmem:$0x1E200] =	vst v63  }
0x26c: {  	_ = 	snop  }
0x26d: {  	[tilespmem:s31], [sflag:$0x4] =	stream.indirect_vreg.gather [hbm4b:s2+s9], $0x80, v62, vm0, $0xb8;
	[tilespmem:$0x1E200] =	vst v63  }
0x26e: {  	s4 =	simm.s32 $0x7D80  }
0x26f: {  	[tilespmem:s4], [sflag:$0x4] =	stream.indirect_vreg.gather [hbm4b:s2+s9], $0x80, v18, vm0, $0xb8;
	[tilespmem:$0x1E200] =	vst v63  }
0x270: {  	v18 =	vld [tilespmem:$0x180]  }
0x271: {  	v19 =	vld [tilespmem:$0x190]  }
0x272: {  	v20 =	vld [tilespmem:$0x1A0]  }
0x273: {  	v21 =	vld [tilespmem:$0x1B0]  }
0x274: {  	v63 =	vld [tilespmem:$0x1C0]  }
0x275: {  	[tilespmem:$0x580] =	vst v18  }
0x276: {  	[tilespmem:$0x590] =	vst v19  }
0x277: {  	[tilespmem:$0x5A0] =	vst v20  }
0x278: {  	s23 =	rddreg [dreg:$0x19];
	[tilespmem:$0x5B0] =	vst v21  }
0x279: {  	s13 =	sld [smem:$0x7FC];
	[tilespmem:$0x5C0] =	vst v63  }
0x27a: {  	[tilespmem:s20], [sflag:$0x5] =	stream.strided.gather [hbm4b:s23+s10], $0x2800, s28, s10, $0x38;
	[tilespmem:$0x1E200] =	vst v63  }
0x27b: {  	s23 =	sld [smem:$0x7FD]  }
0x27c: {  	[tilespmem:s18], [sflag:$0xB] =	stream.linear.gather [hbm4b:s13+s9], $0x50, $0x38;
	[tilespmem:$0x1E200] =	vst v63  }
0x27d: {  	s13 =	simm.s32 $0x180  }
0x27e: {  	[tilespmem:s13], [sflag:$0xB] =	stream.linear.gather [hbm4b:s23+s9], $0x50, $0x38;
	[tilespmem:$0x1E200] =	vst v63  }
0x27f: {  	[bflag:$0x0] =	sbarrier.arrive $0xFFFF  }
0x280: {  	_ =	swait.ge [sflag:s12], $0x2800  }
0x281: {  	[sflag:s12] =	ssyncset.done $0x0  }
0x282: {  	[sflag:s12] =	ssyncadd.s32 $0xFFFFD800  }
0x283: {  	[spmem:s15] =	stream.indirect.scatter.add.f32 [tilespmem:s29], [sflag:$0x6], $0x80, s10, s24, $0xb8;
	[tilespmem:$0x1E200] =	vst v63  }
0x284: {  	_ =	swait.ge [sflag:s3], $0x2800  }
0x285: {  	[sflag:s3] =	ssyncset.done $0x0  }
0x286: {  	s19 =	simm.s32 $0x2E00;
	s18 =	simm.s32 $0x480;
	[sflag:s3] =	ssyncadd.s32 $0xFFFFD800  }
0x287: {  	[spmem:s15] =	stream.indirect.scatter.add.f32 [tilespmem:s19], [sflag:$0x7], $0x80, s18, s24, $0xb8;
	[tilespmem:$0x1E200] =	vst v63  }
0x288: {  	_ =	swait.ge [sflag:s25], $0x2800  }
0x289: {  	s5 =	simm.s32 $0x5600;
	[sflag:s25] =	ssyncset.done $0x0  }
0x28a: {  	s23 =	simm.s32 $0x500;
	s13 =	sld [smem:$0x7F7];
	[sflag:s25] =	ssyncadd.s32 $0xFFFFD800  }
0x28b: {  	[spmem:s15] =	stream.indirect.scatter.add.f32 [tilespmem:s5], [sflag:$0x8], $0x80, s23, s24, $0xb8;
	[tilespmem:$0x1E200] =	vst v63  }
0x28c: {  	s23 =	sld [smem:$0x7F6]  }
.LBB2_4:
0x28d: {  	_ =	swait.ge [sflag:s26], $0x2800  }
0x28e: {  	[sflag:s26] =	ssyncset.done $0x0  }
0x28f: {  	[sflag:s26] =	ssyncadd.s32 $0xFFFFD800  }
0x290: {  	_ =	swait.ge [sflag:s0], $0x50  }
0x291: {  	[sflag:s0] =	ssyncset.done $0x0  }
0x292: {  	[sflag:s0] =	ssyncadd.s32 $0xFFFFFFB0  }
0x293: {  	_ =	swait.ge [sflag:s0], $0x50  }
0x294: {  	[sflag:s0] =	ssyncset.done $0x0  }
0x295: {  	[sflag:s0] =	ssyncadd.s32 $0xFFFFFFB0  }
0x296: {  	v18 =	vld [tilespmem:$0x0];
	_ =	sdelay $0x4  }
0x297: {  	[tilespmem:$0x200] =	vst v18  }
0x298: {  	v18 =	vld [tilespmem:$0x200]  }
0x299: {  	v19 =	vld [tilespmem:$0x100]  }
0x29a: {  	v20 =	vld [tilespmem:$0x110]  }
0x29b: {  	v21 =	vld [tilespmem:$0x10]  }
0x29c: {  	v22 =	vld [tilespmem:$0x120]  }
0x29d: {  	v23 =	vld [tilespmem:$0x20];
	v24 =	vshll.u32 v18, $0x1  }
0x29e: {  	v59 =	vld [tilespmem:$0x30];
	[tilespmem:$0x400] =	vst v19;
	v18 =	vand.u32 $0x7, v18;
	v24 =	vand.u32 $0xFFFFFFF0, v24  }
0x29f: {  	v19 =	vld [tilespmem:$0x130];
	[tilespmem:$0x410] =	vst v20;
	v18 =	vor.u32 v18, v24  }
0x2a0: {  	v60 =	vld [tilespmem:$0x140];
	[tilespmem:$0x210] =	vst v21;
	v24 =	vperm.xlane v18, v3  }
0x2a1: {  	v61 =	vld [tilespmem:$0x40];
	[tilespmem:$0x420] =	vst v22  }
0x2a2: {  	[tilespmem:$0x220] =	vst v23;
	v63 =	vperm.xlane v18, v2;
	v62 =	vadd.s32 v4, v24  }
0x2a3: {  	[tilespmem:$0x230] =	vst v59  }
0x2a4: {  	[tilespmem:$0x430] =	vst v19;
	v28 =	vperm.xlane v18, v5;
	v19 =	vadd.s32 v4, v63  }
0x2a5: {  	[tilespmem:$0x440] =	vst v60  }
0x2a6: {  	[tilespmem:$0x240] =	vst v61;
	v29 =	vperm.xlane v18, v6;
	v20 =	vadd.s32 v4, v28  }
0x2a7: {  	[tilespmem:s29], [sflag:$0x2] =	stream.indirect_vreg.gather [hbm4b:s2+s1], $0x80, v62, vm0, $0xb8;
	[tilespmem:$0x1E200] =	vst v63  }
0x2a8: {  	v30 =	vperm.xlane v18, v7;
	v21 =	vadd.s32 v4, v29  }
0x2a9: {  	[tilespmem:s14], [sflag:$0x2] =	stream.indirect_vreg.gather [hbm4b:s2+s1], $0x80, v19, vm0, $0xb8;
	[tilespmem:$0x1E200] =	vst v63  }
0x2aa: {  	s6 =	simm.s32 $0x700;
	v31 =	vperm.xlane v18, v8;
	v19 =	vadd.s32 v4, v30  }
0x2ab: {  	[tilespmem:s6], [sflag:$0x2] =	stream.indirect_vreg.gather [hbm4b:s2+s1], $0x80, v20, vm0, $0xb8;
	[tilespmem:$0x1E200] =	vst v63  }
0x2ac: {  	s18 =	simm.s32 $0x780;
	v33 =	vperm.xlane v18, v9;
	v32 =	vadd.s32 v4, v31  }
0x2ad: {  	[tilespmem:s18], [sflag:$0x2] =	stream.indirect_vreg.gather [hbm4b:s2+s1], $0x80, v21, vm0, $0xb8;
	[tilespmem:$0x1E200] =	vst v63  }
0x2ae: {  	v35 =	vperm.xlane v18, v1;
	v34 =	vadd.s32 v4, v33  }
0x2af: {  	[tilespmem:s28], [sflag:$0x2] =	stream.indirect_vreg.gather [hbm4b:s2+s1], $0x80, v19, vm0, $0xb8;
	[tilespmem:$0x1E200] =	vst v63  }
0x2b0: {  	v36 =	vperm.xlane v18, v10;
	s14 =	simm.s32 $0x880;
	v19 =	vadd.s32 v4, v35  }
0x2b1: {  	[tilespmem:s14], [sflag:$0x2] =	stream.indirect_vreg.gather [hbm4b:s2+s1], $0x80, v32, vm0, $0xb8;
	[tilespmem:$0x1E200] =	vst v63  }
0x2b2: {  	v38 =	vperm.xlane v18, v11;
	v37 =	vadd.s32 v4, v36;
	s18 =	simm.s32 $0x900  }
0x2b3: {  	[tilespmem:s18], [sflag:$0x2] =	stream.indirect_vreg.gather [hbm4b:s2+s1], $0x80, v34, vm0, $0xb8;
	[tilespmem:$0x1E200] =	vst v63  }
0x2b4: {  	v40 =	vperm.xlane v18, v12;
	v39 =	vadd.s32 v4, v38;
	s14 =	simm.s32 $0x980  }
0x2b5: {  	[tilespmem:s14], [sflag:$0x2] =	stream.indirect_vreg.gather [hbm4b:s2+s1], $0x80, v19, vm0, $0xb8;
	[tilespmem:$0x1E200] =	vst v63  }
0x2b6: {  	v41 =	vperm.xlane v18, v13;
	s18 =	simm.s32 $0xA00;
	v19 =	vadd.s32 v4, v40  }
0x2b7: {  	[tilespmem:s18], [sflag:$0x2] =	stream.indirect_vreg.gather [hbm4b:s2+s1], $0x80, v37, vm0, $0xb8;
	[tilespmem:$0x1E200] =	vst v63  }
0x2b8: {  	v43 =	vperm.xlane v18, v14;
	v42 =	vadd.s32 v4, v41;
	s14 =	simm.s32 $0xA80  }
0x2b9: {  	[tilespmem:s14], [sflag:$0x2] =	stream.indirect_vreg.gather [hbm4b:s2+s1], $0x80, v39, vm0, $0xb8;
	[tilespmem:$0x1E200] =	vst v63  }
0x2ba: {  	v45 =	vperm.xlane v18, v15;
	v44 =	vadd.s32 v4, v43;
	s18 =	simm.s32 $0xB00  }
0x2bb: {  	[tilespmem:s18], [sflag:$0x2] =	stream.indirect_vreg.gather [hbm4b:s2+s1], $0x80, v19, vm0, $0xb8;
	[tilespmem:$0x1E200] =	vst v63  }
0x2bc: {  	v46 =	vperm.xlane v18, v16;
	s14 =	simm.s32 $0xB80;
	v19 =	vadd.s32 v4, v45  }
0x2bd: {  	[tilespmem:s14], [sflag:$0x2] =	stream.indirect_vreg.gather [hbm4b:s2+s1], $0x80, v42, vm0, $0xb8;
	[tilespmem:$0x1E200] =	vst v63  }
0x2be: {  	v18 =	vperm.xlane v18, v17;
	v47 =	vadd.s32 v4, v46;
	s18 =	simm.s32 $0xC00  }
0x2bf: {  	[tilespmem:s18], [sflag:$0x2] =	stream.indirect_vreg.gather [hbm4b:s2+s1], $0x80, v44, vm0, $0xb8;
	[tilespmem:$0x1E200] =	vst v63  }
0x2c0: {  	v18 =	vadd.s32 v4, v18;
	s14 =	simm.s32 $0xC80  }
0x2c1: {  	[tilespmem:s14], [sflag:$0x2] =	stream.indirect_vreg.gather [hbm4b:s2+s1], $0x80, v19, vm0, $0xb8;
	[tilespmem:$0x1E200] =	vst v63  }
0x2c2: {  	s18 =	simm.s32 $0xD00  }
0x2c3: {  	[tilespmem:s18], [sflag:$0x2] =	stream.indirect_vreg.gather [hbm4b:s2+s1], $0x80, v47, vm0, $0xb8;
	[tilespmem:$0x1E200] =	vst v63  }
0x2c4: {  	s14 =	simm.s32 $0xD80  }
0x2c5: {  	[tilespmem:s14], [sflag:$0x2] =	stream.indirect_vreg.gather [hbm4b:s2+s1], $0x80, v18, vm0, $0xb8;
	[tilespmem:$0x1E200] =	vst v63  }
0x2c6: {  	v18 =	vld [tilespmem:$0x210];
	_ =	sdelay $0x4  }
0x2c7: {  	v19 =	vshll.u32 v18, $0x1  }
0x2c8: {  	v18 =	vand.u32 $0x7, v18;
	v19 =	vand.u32 $0xFFFFFFF0, v19  }
0x2c9: {  	v18 =	vor.u32 v18, v19  }
0x2ca: {  	v19 =	vperm.xlane v18, v3;
	_ =	sdelay $0x1  }
0x2cb: {  	v48 =	vperm.xlane v18, v2;
	v19 =	vadd.s32 v4, v19;
	_ =	sdelay $0x1  }
0x2cc: {  	v49 =	vperm.xlane v18, v5;
	v20 =	vadd.s32 v4, v48;
	_ =	sdelay $0x1  }
0x2cd: {  	s18 =	simm.s32 $0xE00;
	v50 =	vperm.xlane v18, v6;
	v21 =	vadd.s32 v4, v49  }
0x2ce: {  	[tilespmem:s18], [sflag:$0x2] =	stream.indirect_vreg.gather [hbm4b:s2+s1], $0x80, v19, vm0, $0xb8;
	[tilespmem:$0x1E200] =	vst v63  }
0x2cf: {  	s14 =	simm.s32 $0xE80;
	v51 =	vperm.xlane v18, v7;
	v19 =	vadd.s32 v4, v50  }
0x2d0: {  	[tilespmem:s14], [sflag:$0x2] =	stream.indirect_vreg.gather [hbm4b:s2+s1], $0x80, v20, vm0, $0xb8;
	[tilespmem:$0x1E200] =	vst v63  }
0x2d1: {  	v53 =	vperm.xlane v18, v8;
	v52 =	vadd.s32 v4, v51;
	s18 =	simm.s32 $0xF00  }
0x2d2: {  	[tilespmem:s18], [sflag:$0x2] =	stream.indirect_vreg.gather [hbm4b:s2+s1], $0x80, v21, vm0, $0xb8;
	[tilespmem:$0x1E200] =	vst v63  }
0x2d3: {  	v55 =	vperm.xlane v18, v9;
	v54 =	vadd.s32 v4, v53;
	s14 =	simm.s32 $0xF80  }
0x2d4: {  	[tilespmem:s14], [sflag:$0x2] =	stream.indirect_vreg.gather [hbm4b:s2+s1], $0x80, v19, vm0, $0xb8;
	[tilespmem:$0x1E200] =	vst v63  }
0x2d5: {  	v56 =	vperm.xlane v18, v1;
	s18 =	simm.s32 $0x1000;
	v19 =	vadd.s32 v4, v55  }
0x2d6: {  	[tilespmem:s18], [sflag:$0x2] =	stream.indirect_vreg.gather [hbm4b:s2+s1], $0x80, v52, vm0, $0xb8;
	[tilespmem:$0x1E200] =	vst v63  }
0x2d7: {  	v58 =	vperm.xlane v18, v10;
	v57 =	vadd.s32 v4, v56;
	s14 =	simm.s32 $0x1080  }
0x2d8: {  	[tilespmem:s14], [sflag:$0x2] =	stream.indirect_vreg.gather [hbm4b:s2+s1], $0x80, v54, vm0, $0xb8;
	[tilespmem:$0x1E200] =	vst v63  }
0x2d9: {  	v60 =	vperm.xlane v18, v11;
	v59 =	vadd.s32 v4, v58;
	s18 =	simm.s32 $0x1100  }
0x2da: {  	[tilespmem:s18], [sflag:$0x2] =	stream.indirect_vreg.gather [hbm4b:s2+s1], $0x80, v19, vm0, $0xb8;
	[tilespmem:$0x1E200] =	vst v63  }
0x2db: {  	v61 =	vperm.xlane v18, v12;
	s14 =	simm.s32 $0x1180;
	v19 =	vadd.s32 v4, v60  }
0x2dc: {  	[tilespmem:s14], [sflag:$0x2] =	stream.indirect_vreg.gather [hbm4b:s2+s1], $0x80, v57, vm0, $0xb8;
	[tilespmem:$0x1E200] =	vst v63  }
0x2dd: {  	v63 =	vperm.xlane v18, v13;
	v62 =	vadd.s32 v4, v61;
	s18 =	simm.s32 $0x1200  }
0x2de: {  	[tilespmem:s18], [sflag:$0x2] =	stream.indirect_vreg.gather [hbm4b:s2+s1], $0x80, v59, vm0, $0xb8;
	[tilespmem:$0x1E200] =	vst v63  }
0x2df: {  	v25 =	vperm.xlane v18, v14;
	v24 =	vadd.s32 v4, v63;
	s14 =	simm.s32 $0x1280  }
0x2e0: {  	[tilespmem:s14], [sflag:$0x2] =	stream.indirect_vreg.gather [hbm4b:s2+s1], $0x80, v19, vm0, $0xb8;
	[tilespmem:$0x1E200] =	vst v63  }
0x2e1: {  	v26 =	vperm.xlane v18, v15;
	s18 =	simm.s32 $0x1300;
	v19 =	vadd.s32 v4, v25  }
0x2e2: {  	[tilespmem:s18], [sflag:$0x2] =	stream.indirect_vreg.gather [hbm4b:s2+s1], $0x80, v62, vm0, $0xb8;
	[tilespmem:$0x1E200] =	vst v63  }
0x2e3: {  	v28 =	vperm.xlane v18, v16;
	v27 =	vadd.s32 v4, v26;
	s14 =	simm.s32 $0x1380  }
0x2e4: {  	[tilespmem:s14], [sflag:$0x2] =	stream.indirect_vreg.gather [hbm4b:s2+s1], $0x80, v24, vm0, $0xb8;
	[tilespmem:$0x1E200] =	vst v63  }
0x2e5: {  	v18 =	vperm.xlane v18, v17;
	v29 =	vadd.s32 v4, v28;
	s18 =	simm.s32 $0x1400  }
0x2e6: {  	[tilespmem:s18], [sflag:$0x2] =	stream.indirect_vreg.gather [hbm4b:s2+s1], $0x80, v19, vm0, $0xb8;
	[tilespmem:$0x1E200] =	vst v63  }
0x2e7: {  	v18 =	vadd.s32 v4, v18;
	s14 =	simm.s32 $0x1480  }
0x2e8: {  	[tilespmem:s14], [sflag:$0x2] =	stream.indirect_vreg.gather [hbm4b:s2+s1], $0x80, v27, vm0, $0xb8;
	[tilespmem:$0x1E200] =	vst v63  }
0x2e9: {  	s18 =	simm.s32 $0x1500  }
0x2ea: {  	[tilespmem:s18], [sflag:$0x2] =	stream.indirect_vreg.gather [hbm4b:s2+s1], $0x80, v29, vm0, $0xb8;
	[tilespmem:$0x1E200] =	vst v63  }
0x2eb: {  	s14 =	simm.s32 $0x1580  }
0x2ec: {  	[tilespmem:s14], [sflag:$0x2] =	stream.indirect_vreg.gather [hbm4b:s2+s1], $0x80, v18, vm0, $0xb8;
	[tilespmem:$0x1E200] =	vst v63  }
0x2ed: {  	v18 =	vld [tilespmem:$0x220];
	_ =	sdelay $0x4  }
0x2ee: {  	v19 =	vshll.u32 v18, $0x1  }
0x2ef: {  	v18 =	vand.u32 $0x7, v18;
	v19 =	vand.u32 $0xFFFFFFF0, v19  }
0x2f0: {  	v18 =	vor.u32 v18, v19  }
0x2f1: {  	v19 =	vperm.xlane v18, v3;
	_ =	sdelay $0x1  }
0x2f2: {  	v30 =	vperm.xlane v18, v2;
	v19 =	vadd.s32 v4, v19;
	_ =	sdelay $0x1  }
0x2f3: {  	v31 =	vperm.xlane v18, v5;
	v20 =	vadd.s32 v4, v30;
	_ =	sdelay $0x1  }
0x2f4: {  	s18 =	simm.s32 $0x1600;
	v32 =	vperm.xlane v18, v6;
	v21 =	vadd.s32 v4, v31  }
0x2f5: {  	[tilespmem:s18], [sflag:$0x2] =	stream.indirect_vreg.gather [hbm4b:s2+s1], $0x80, v19, vm0, $0xb8;
	[tilespmem:$0x1E200] =	vst v63  }
0x2f6: {  	s14 =	simm.s32 $0x1680;
	v33 =	vperm.xlane v18, v7;
	v19 =	vadd.s32 v4, v32  }
0x2f7: {  	[tilespmem:s14], [sflag:$0x2] =	stream.indirect_vreg.gather [hbm4b:s2+s1], $0x80, v20, vm0, $0xb8;
	[tilespmem:$0x1E200] =	vst v63  }
0x2f8: {  	v35 =	vperm.xlane v18, v8;
	v34 =	vadd.s32 v4, v33;
	s18 =	simm.s32 $0x1700  }
0x2f9: {  	[tilespmem:s18], [sflag:$0x2] =	stream.indirect_vreg.gather [hbm4b:s2+s1], $0x80, v21, vm0, $0xb8;
	[tilespmem:$0x1E200] =	vst v63  }
0x2fa: {  	v37 =	vperm.xlane v18, v9;
	v36 =	vadd.s32 v4, v35;
	s14 =	simm.s32 $0x1780  }
0x2fb: {  	[tilespmem:s14], [sflag:$0x2] =	stream.indirect_vreg.gather [hbm4b:s2+s1], $0x80, v19, vm0, $0xb8;
	[tilespmem:$0x1E200] =	vst v63  }
0x2fc: {  	v38 =	vperm.xlane v18, v1;
	s18 =	simm.s32 $0x1800;
	v19 =	vadd.s32 v4, v37  }
0x2fd: {  	[tilespmem:s18], [sflag:$0x2] =	stream.indirect_vreg.gather [hbm4b:s2+s1], $0x80, v34, vm0, $0xb8;
	[tilespmem:$0x1E200] =	vst v63  }
0x2fe: {  	v40 =	vperm.xlane v18, v10;
	v39 =	vadd.s32 v4, v38;
	s14 =	simm.s32 $0x1880  }
0x2ff: {  	[tilespmem:s14], [sflag:$0x2] =	stream.indirect_vreg.gather [hbm4b:s2+s1], $0x80, v36, vm0, $0xb8;
	[tilespmem:$0x1E200] =	vst v63  }
0x300: {  	v42 =	vperm.xlane v18, v11;
	v41 =	vadd.s32 v4, v40;
	s18 =	simm.s32 $0x1900  }
0x301: {  	[tilespmem:s18], [sflag:$0x2] =	stream.indirect_vreg.gather [hbm4b:s2+s1], $0x80, v19, vm0, $0xb8;
	[tilespmem:$0x1E200] =	vst v63  }
0x302: {  	v43 =	vperm.xlane v18, v12;
	s14 =	simm.s32 $0x1980;
	v19 =	vadd.s32 v4, v42  }
0x303: {  	[tilespmem:s14], [sflag:$0x2] =	stream.indirect_vreg.gather [hbm4b:s2+s1], $0x80, v39, vm0, $0xb8;
	[tilespmem:$0x1E200] =	vst v63  }
0x304: {  	v45 =	vperm.xlane v18, v13;
	v44 =	vadd.s32 v4, v43;
	s18 =	simm.s32 $0x1A00  }
0x305: {  	[tilespmem:s18], [sflag:$0x2] =	stream.indirect_vreg.gather [hbm4b:s2+s1], $0x80, v41, vm0, $0xb8;
	[tilespmem:$0x1E200] =	vst v63  }
0x306: {  	v47 =	vperm.xlane v18, v14;
	v46 =	vadd.s32 v4, v45;
	s14 =	simm.s32 $0x1A80  }
0x307: {  	[tilespmem:s14], [sflag:$0x2] =	stream.indirect_vreg.gather [hbm4b:s2+s1], $0x80, v19, vm0, $0xb8;
	[tilespmem:$0x1E200] =	vst v63  }
0x308: {  	v48 =	vperm.xlane v18, v15;
	s18 =	simm.s32 $0x1B00;
	v19 =	vadd.s32 v4, v47  }
0x309: {  	[tilespmem:s18], [sflag:$0x2] =	stream.indirect_vreg.gather [hbm4b:s2+s1], $0x80, v44, vm0, $0xb8;
	[tilespmem:$0x1E200] =	vst v63  }
0x30a: {  	v50 =	vperm.xlane v18, v16;
	v49 =	vadd.s32 v4, v48;
	s14 =	simm.s32 $0x1B80  }
0x30b: {  	[tilespmem:s14], [sflag:$0x2] =	stream.indirect_vreg.gather [hbm4b:s2+s1], $0x80, v46, vm0, $0xb8;
	[tilespmem:$0x1E200] =	vst v63  }
0x30c: {  	v18 =	vperm.xlane v18, v17;
	v51 =	vadd.s32 v4, v50;
	s18 =	simm.s32 $0x1C00  }
0x30d: {  	[tilespmem:s18], [sflag:$0x2] =	stream.indirect_vreg.gather [hbm4b:s2+s1], $0x80, v19, vm0, $0xb8;
	[tilespmem:$0x1E200] =	vst v63  }
0x30e: {  	v18 =	vadd.s32 v4, v18;
	s14 =	simm.s32 $0x1C80  }
0x30f: {  	[tilespmem:s14], [sflag:$0x2] =	stream.indirect_vreg.gather [hbm4b:s2+s1], $0x80, v49, vm0, $0xb8;
	[tilespmem:$0x1E200] =	vst v63  }
0x310: {  	s18 =	simm.s32 $0x1D00  }
0x311: {  	[tilespmem:s18], [sflag:$0x2] =	stream.indirect_vreg.gather [hbm4b:s2+s1], $0x80, v51, vm0, $0xb8;
	[tilespmem:$0x1E200] =	vst v63  }
0x312: {  	s14 =	simm.s32 $0x1D80  }
0x313: {  	[tilespmem:s14], [sflag:$0x2] =	stream.indirect_vreg.gather [hbm4b:s2+s1], $0x80, v18, vm0, $0xb8;
	[tilespmem:$0x1E200] =	vst v63  }
0x314: {  	v18 =	vld [tilespmem:$0x230];
	_ =	sdelay $0x4  }
0x315: {  	v19 =	vshll.u32 v18, $0x1  }
0x316: {  	v18 =	vand.u32 $0x7, v18;
	v19 =	vand.u32 $0xFFFFFFF0, v19  }
0x317: {  	v18 =	vor.u32 v18, v19  }
0x318: {  	v19 =	vperm.xlane v18, v3;
	_ =	sdelay $0x1  }
0x319: {  	v52 =	vperm.xlane v18, v2;
	v19 =	vadd.s32 v4, v19;
	_ =	sdelay $0x1  }
0x31a: {  	v53 =	vperm.xlane v18, v5;
	v20 =	vadd.s32 v4, v52;
	_ =	sdelay $0x1  }
0x31b: {  	s18 =	simm.s32 $0x1E00;
	v54 =	vperm.xlane v18, v6;
	v21 =	vadd.s32 v4, v53  }
0x31c: {  	[tilespmem:s18], [sflag:$0x2] =	stream.indirect_vreg.gather [hbm4b:s2+s1], $0x80, v19, vm0, $0xb8;
	[tilespmem:$0x1E200] =	vst v63  }
0x31d: {  	s14 =	simm.s32 $0x1E80;
	v55 =	vperm.xlane v18, v7;
	v19 =	vadd.s32 v4, v54  }
0x31e: {  	[tilespmem:s14], [sflag:$0x2] =	stream.indirect_vreg.gather [hbm4b:s2+s1], $0x80, v20, vm0, $0xb8;
	[tilespmem:$0x1E200] =	vst v63  }
0x31f: {  	v57 =	vperm.xlane v18, v8;
	v56 =	vadd.s32 v4, v55;
	s18 =	simm.s32 $0x1F00  }
0x320: {  	[tilespmem:s18], [sflag:$0x2] =	stream.indirect_vreg.gather [hbm4b:s2+s1], $0x80, v21, vm0, $0xb8;
	[tilespmem:$0x1E200] =	vst v63  }
0x321: {  	v59 =	vperm.xlane v18, v9;
	v58 =	vadd.s32 v4, v57;
	s14 =	simm.s32 $0x1F80  }
0x322: {  	[tilespmem:s14], [sflag:$0x2] =	stream.indirect_vreg.gather [hbm4b:s2+s1], $0x80, v19, vm0, $0xb8;
	[tilespmem:$0x1E200] =	vst v63  }
0x323: {  	v60 =	vperm.xlane v18, v1;
	s18 =	simm.s32 $0x2000;
	v19 =	vadd.s32 v4, v59  }
0x324: {  	[tilespmem:s18], [sflag:$0x2] =	stream.indirect_vreg.gather [hbm4b:s2+s1], $0x80, v56, vm0, $0xb8;
	[tilespmem:$0x1E200] =	vst v63  }
0x325: {  	v62 =	vperm.xlane v18, v10;
	v61 =	vadd.s32 v4, v60;
	s14 =	simm.s32 $0x2080  }
0x326: {  	[tilespmem:s14], [sflag:$0x2] =	stream.indirect_vreg.gather [hbm4b:s2+s1], $0x80, v58, vm0, $0xb8;
	[tilespmem:$0x1E200] =	vst v63  }
0x327: {  	v24 =	vperm.xlane v18, v11;
	v63 =	vadd.s32 v4, v62;
	s18 =	simm.s32 $0x2100  }
0x328: {  	[tilespmem:s18], [sflag:$0x2] =	stream.indirect_vreg.gather [hbm4b:s2+s1], $0x80, v19, vm0, $0xb8;
	[tilespmem:$0x1E200] =	vst v63  }
0x329: {  	v25 =	vperm.xlane v18, v12;
	s14 =	simm.s32 $0x2180;
	v19 =	vadd.s32 v4, v24  }
0x32a: {  	[tilespmem:s14], [sflag:$0x2] =	stream.indirect_vreg.gather [hbm4b:s2+s1], $0x80, v61, vm0, $0xb8;
	[tilespmem:$0x1E200] =	vst v63  }
0x32b: {  	v27 =	vperm.xlane v18, v13;
	v26 =	vadd.s32 v4, v25;
	s18 =	simm.s32 $0x2200  }
0x32c: {  	[tilespmem:s18], [sflag:$0x2] =	stream.indirect_vreg.gather [hbm4b:s2+s1], $0x80, v63, vm0, $0xb8;
	[tilespmem:$0x1E200] =	vst v63  }
0x32d: {  	v29 =	vperm.xlane v18, v14;
	v28 =	vadd.s32 v4, v27;
	s14 =	simm.s32 $0x2280  }
0x32e: {  	[tilespmem:s14], [sflag:$0x2] =	stream.indirect_vreg.gather [hbm4b:s2+s1], $0x80, v19, vm0, $0xb8;
	[tilespmem:$0x1E200] =	vst v63  }
0x32f: {  	v30 =	vperm.xlane v18, v15;
	s18 =	simm.s32 $0x2300;
	v19 =	vadd.s32 v4, v29  }
0x330: {  	[tilespmem:s18], [sflag:$0x2] =	stream.indirect_vreg.gather [hbm4b:s2+s1], $0x80, v26, vm0, $0xb8;
	[tilespmem:$0x1E200] =	vst v63  }
0x331: {  	v32 =	vperm.xlane v18, v16;
	v31 =	vadd.s32 v4, v30;
	s14 =	simm.s32 $0x2380  }
0x332: {  	[tilespmem:s14], [sflag:$0x2] =	stream.indirect_vreg.gather [hbm4b:s2+s1], $0x80, v28, vm0, $0xb8;
	[tilespmem:$0x1E200] =	vst v63  }
0x333: {  	v18 =	vperm.xlane v18, v17;
	v33 =	vadd.s32 v4, v32;
	s18 =	simm.s32 $0x2400  }
0x334: {  	[tilespmem:s18], [sflag:$0x2] =	stream.indirect_vreg.gather [hbm4b:s2+s1], $0x80, v19, vm0, $0xb8;
	[tilespmem:$0x1E200] =	vst v63  }
0x335: {  	v18 =	vadd.s32 v4, v18;
	s14 =	simm.s32 $0x2480  }
0x336: {  	[tilespmem:s14], [sflag:$0x2] =	stream.indirect_vreg.gather [hbm4b:s2+s1], $0x80, v31, vm0, $0xb8;
	[tilespmem:$0x1E200] =	vst v63  }
0x337: {  	s18 =	simm.s32 $0x2500  }
0x338: {  	[tilespmem:s18], [sflag:$0x2] =	stream.indirect_vreg.gather [hbm4b:s2+s1], $0x80, v33, vm0, $0xb8;
	[tilespmem:$0x1E200] =	vst v63  }
0x339: {  	s14 =	simm.s32 $0x2580  }
0x33a: {  	[tilespmem:s14], [sflag:$0x2] =	stream.indirect_vreg.gather [hbm4b:s2+s1], $0x80, v18, vm0, $0xb8;
	[tilespmem:$0x1E200] =	vst v63  }
0x33b: {  	v18 =	vld [tilespmem:$0x240];
	_ =	sdelay $0x4  }
0x33c: {  	v19 =	vshll.u32 v18, $0x1  }
0x33d: {  	v18 =	vand.u32 $0x7, v18;
	v19 =	vand.u32 $0xFFFFFFF0, v19  }
0x33e: {  	v18 =	vor.u32 v18, v19  }
0x33f: {  	v19 =	vperm.xlane v18, v3;
	_ =	sdelay $0x1  }
0x340: {  	v34 =	vperm.xlane v18, v2;
	v19 =	vadd.s32 v4, v19;
	_ =	sdelay $0x1  }
0x341: {  	v35 =	vperm.xlane v18, v5;
	v20 =	vadd.s32 v4, v34;
	_ =	sdelay $0x1  }
0x342: {  	s18 =	simm.s32 $0x2600;
	v36 =	vperm.xlane v18, v6;
	v21 =	vadd.s32 v4, v35  }
0x343: {  	[tilespmem:s18], [sflag:$0x2] =	stream.indirect_vreg.gather [hbm4b:s2+s1], $0x80, v19, vm0, $0xb8;
	[tilespmem:$0x1E200] =	vst v63  }
0x344: {  	s14 =	simm.s32 $0x2680;
	v37 =	vperm.xlane v18, v7;
	v19 =	vadd.s32 v4, v36  }
0x345: {  	[tilespmem:s14], [sflag:$0x2] =	stream.indirect_vreg.gather [hbm4b:s2+s1], $0x80, v20, vm0, $0xb8;
	[tilespmem:$0x1E200] =	vst v63  }
0x346: {  	v39 =	vperm.xlane v18, v8;
	v38 =	vadd.s32 v4, v37;
	s18 =	simm.s32 $0x2700  }
0x347: {  	[tilespmem:s18], [sflag:$0x2] =	stream.indirect_vreg.gather [hbm4b:s2+s1], $0x80, v21, vm0, $0xb8;
	[tilespmem:$0x1E200] =	vst v63  }
0x348: {  	v41 =	vperm.xlane v18, v9;
	v40 =	vadd.s32 v4, v39;
	s14 =	simm.s32 $0x2780  }
0x349: {  	[tilespmem:s14], [sflag:$0x2] =	stream.indirect_vreg.gather [hbm4b:s2+s1], $0x80, v19, vm0, $0xb8;
	[tilespmem:$0x1E200] =	vst v63  }
0x34a: {  	v42 =	vperm.xlane v18, v1;
	s18 =	simm.s32 $0x2800;
	v19 =	vadd.s32 v4, v41  }
0x34b: {  	[tilespmem:s18], [sflag:$0x2] =	stream.indirect_vreg.gather [hbm4b:s2+s1], $0x80, v38, vm0, $0xb8;
	[tilespmem:$0x1E200] =	vst v63  }
0x34c: {  	v44 =	vperm.xlane v18, v10;
	v43 =	vadd.s32 v4, v42;
	s14 =	simm.s32 $0x2880  }
0x34d: {  	[tilespmem:s14], [sflag:$0x2] =	stream.indirect_vreg.gather [hbm4b:s2+s1], $0x80, v40, vm0, $0xb8;
	[tilespmem:$0x1E200] =	vst v63  }
0x34e: {  	v46 =	vperm.xlane v18, v11;
	v45 =	vadd.s32 v4, v44;
	s18 =	simm.s32 $0x2900  }
0x34f: {  	[tilespmem:s18], [sflag:$0x2] =	stream.indirect_vreg.gather [hbm4b:s2+s1], $0x80, v19, vm0, $0xb8;
	[tilespmem:$0x1E200] =	vst v63  }
0x350: {  	v47 =	vperm.xlane v18, v12;
	s14 =	simm.s32 $0x2980;
	v19 =	vadd.s32 v4, v46  }
0x351: {  	[tilespmem:s14], [sflag:$0x2] =	stream.indirect_vreg.gather [hbm4b:s2+s1], $0x80, v43, vm0, $0xb8;
	[tilespmem:$0x1E200] =	vst v63  }
0x352: {  	v49 =	vperm.xlane v18, v13;
	v48 =	vadd.s32 v4, v47;
	s18 =	simm.s32 $0x2A00  }
0x353: {  	[tilespmem:s18], [sflag:$0x2] =	stream.indirect_vreg.gather [hbm4b:s2+s1], $0x80, v45, vm0, $0xb8;
	[tilespmem:$0x1E200] =	vst v63  }
0x354: {  	v51 =	vperm.xlane v18, v14;
	v50 =	vadd.s32 v4, v49;
	s14 =	simm.s32 $0x2A80  }
0x355: {  	[tilespmem:s14], [sflag:$0x2] =	stream.indirect_vreg.gather [hbm4b:s2+s1], $0x80, v19, vm0, $0xb8;
	[tilespmem:$0x1E200] =	vst v63  }
0x356: {  	v52 =	vperm.xlane v18, v15;
	s18 =	simm.s32 $0x2B00;
	v19 =	vadd.s32 v4, v51  }
0x357: {  	[tilespmem:s18], [sflag:$0x2] =	stream.indirect_vreg.gather [hbm4b:s2+s1], $0x80, v48, vm0, $0xb8;
	[tilespmem:$0x1E200] =	vst v63  }
0x358: {  	v54 =	vperm.xlane v18, v16;
	v53 =	vadd.s32 v4, v52;
	s14 =	simm.s32 $0x2B80  }
0x359: {  	[tilespmem:s14], [sflag:$0x2] =	stream.indirect_vreg.gather [hbm4b:s2+s1], $0x80, v50, vm0, $0xb8;
	[tilespmem:$0x1E200] =	vst v63  }
0x35a: {  	v18 =	vperm.xlane v18, v17;
	v55 =	vadd.s32 v4, v54;
	s18 =	simm.s32 $0x2C00  }
0x35b: {  	[tilespmem:s18], [sflag:$0x2] =	stream.indirect_vreg.gather [hbm4b:s2+s1], $0x80, v19, vm0, $0xb8;
	[tilespmem:$0x1E200] =	vst v63  }
0x35c: {  	v18 =	vadd.s32 v4, v18;
	s14 =	simm.s32 $0x2C80  }
0x35d: {  	[tilespmem:s14], [sflag:$0x2] =	stream.indirect_vreg.gather [hbm4b:s2+s1], $0x80, v53, vm0, $0xb8;
	[tilespmem:$0x1E200] =	vst v63  }
0x35e: {  	s18 =	simm.s32 $0x2D00  }
0x35f: {  	[tilespmem:s18], [sflag:$0x2] =	stream.indirect_vreg.gather [hbm4b:s2+s1], $0x80, v55, vm0, $0xb8;
	[tilespmem:$0x1E200] =	vst v63  }
0x360: {  	s14 =	simm.s32 $0x2D80  }
0x361: {  	[tilespmem:s14], [sflag:$0x2] =	stream.indirect_vreg.gather [hbm4b:s2+s1], $0x80, v18, vm0, $0xb8;
	[tilespmem:$0x1E200] =	vst v63  }
0x362: {  	_ =	swait.ge [sflag:s21], $0x2800  }
0x363: {  	[sflag:s21] =	ssyncset.done $0x0  }
0x364: {  	s18 =	simm.s32 $0x580;
	[sflag:s21] =	ssyncadd.s32 $0xFFFFD800  }
0x365: {  	[spmem:s15] =	stream.indirect.scatter.add.f32 [tilespmem:s20], [sflag:$0x9], $0x80, s18, s24, $0xb8;
	[tilespmem:$0x1E200] =	vst v63  }
0x366: {  	_ =	swait.ge [sflag:s17], $0x2800  }
0x367: {  	[sflag:s17] =	ssyncset.done $0x0  }
0x368: {  	[sflag:s17] =	ssyncadd.s32 $0xFFFFD800  }
0x369: {  	v18 =	vld [tilespmem:$0x100]  }
0x36a: {  	v19 =	vld [tilespmem:$0x110]  }
0x36b: {  	v56 =	vld [tilespmem:$0x120]  }
0x36c: {  	v57 =	vld [tilespmem:$0x130]  }
0x36d: {  	v58 =	vld [tilespmem:$0x140]  }
0x36e: {  	[tilespmem:$0x480] =	vst v18  }
0x36f: {  	[tilespmem:$0x490] =	vst v19  }
0x370: {  	[tilespmem:$0x4A0] =	vst v56  }
0x371: {  	s18 =	sshrl.u32 s13, $0x3;
	[tilespmem:$0x4B0] =	vst v57  }
0x372: {  	s18 =	sadd.s32 s11, s18;
	[tilespmem:$0x4C0] =	vst v58  }
0x373: {  	[tilespmem:s19], [sflag:$0x3] =	stream.strided.gather [hbm4b:s18+s10], $0x2800, s28, s10, $0x38;
	[tilespmem:$0x1E200] =	vst v63  }
0x374: {  	s18 =	sadd.s32 s9, s16  }
0x375: {  	s6 =	sadd.s32 $0x28, s18  }
0x376: {  	[tilespmem:s1], [sflag:$0xA] =	stream.linear.gather [hbm4b:s6+s1], $0x50, $0x38;
	[tilespmem:$0x1E200] =	vst v63  }
0x377: {  	s6 =	sadd.s32 $0x4E48, s18  }
0x378: {  	[tilespmem:s7], [sflag:$0xA] =	stream.linear.gather [hbm4b:s6+s1], $0x50, $0x38;
	[tilespmem:$0x1E200] =	vst v63  }
0x379: {  	_ =	swait.ge [sflag:s12], $0x2800  }
0x37a: {  	[sflag:s12] =	ssyncset.done $0x0  }
0x37b: {  	[sflag:s12] =	ssyncadd.s32 $0xFFFFD800  }
0x37c: {  	[spmem:s15] =	stream.indirect.scatter.add.f32 [tilespmem:s29], [sflag:$0x6], $0x80, s10, s24, $0xb8;
	[tilespmem:$0x1E200] =	vst v63  }
0x37d: {  	_ =	swait.ge [sflag:s8], $0x2800  }
0x37e: {  	[sflag:s8] =	ssyncset.done $0x0  }
0x37f: {  	[sflag:s8] =	ssyncadd.s32 $0xFFFFD800  }
0x380: {  	_ =	swait.ge [sflag:s30], $0x50  }
0x381: {  	[sflag:s30] =	ssyncset.done $0x0  }
0x382: {  	[sflag:s30] =	ssyncadd.s32 $0xFFFFFFB0  }
0x383: {  	_ =	swait.ge [sflag:s30], $0x50  }
0x384: {  	[sflag:s30] =	ssyncset.done $0x0  }
0x385: {  	[sflag:s30] =	ssyncadd.s32 $0xFFFFFFB0  }
0x386: {  	v18 =	vld [tilespmem:$0x80];
	_ =	sdelay $0x4  }
0x387: {  	[tilespmem:$0x300] =	vst v18  }
0x388: {  	v18 =	vld [tilespmem:$0x300]  }
0x389: {  	v19 =	vld [tilespmem:$0x180]  }
0x38a: {  	v59 =	vld [tilespmem:$0x190]  }
0x38b: {  	v60 =	vld [tilespmem:$0x90]  }
0x38c: {  	v61 =	vld [tilespmem:$0x1A0]  }
0x38d: {  	v62 =	vld [tilespmem:$0xA0];
	v63 =	vshll.u32 v18, $0x1  }
0x38e: {  	v28 =	vld [tilespmem:$0xB0];
	[tilespmem:$0x500] =	vst v19;
	v18 =	vand.u32 $0x7, v18;
	v24 =	vand.u32 $0xFFFFFFF0, v63  }
0x38f: {  	v19 =	vld [tilespmem:$0x1B0];
	[tilespmem:$0x510] =	vst v59;
	v18 =	vor.u32 v18, v24  }
0x390: {  	v29 =	vld [tilespmem:$0x1C0];
	[tilespmem:$0x310] =	vst v60;
	v24 =	vperm.xlane v18, v3  }
0x391: {  	v30 =	vld [tilespmem:$0xC0];
	[tilespmem:$0x520] =	vst v61  }
0x392: {  	[tilespmem:$0x320] =	vst v62;
	v32 =	vperm.xlane v18, v2;
	v31 =	vadd.s32 v4, v24  }
0x393: {  	[tilespmem:$0x330] =	vst v28  }
0x394: {  	[tilespmem:$0x530] =	vst v19;
	v33 =	vperm.xlane v18, v5;
	v19 =	vadd.s32 v4, v32  }
0x395: {  	[tilespmem:$0x540] =	vst v29  }
0x396: {  	[tilespmem:$0x340] =	vst v30;
	v34 =	vperm.xlane v18, v6;
	v20 =	vadd.s32 v4, v33  }
0x397: {  	[tilespmem:s5], [sflag:$0x4] =	stream.indirect_vreg.gather [hbm4b:s2+s1], $0x80, v31, vm0, $0xb8;
	[tilespmem:$0x1E200] =	vst v63  }
0x398: {  	s7 =	simm.s32 $0x5680;
	v35 =	vperm.xlane v18, v7;
	v21 =	vadd.s32 v4, v34  }
0x399: {  	[tilespmem:s7], [sflag:$0x4] =	stream.indirect_vreg.gather [hbm4b:s2+s1], $0x80, v19, vm0, $0xb8;
	[tilespmem:$0x1E200] =	vst v63  }
0x39a: {  	s14 =	simm.s32 $0x5700;
	v36 =	vperm.xlane v18, v8;
	v19 =	vadd.s32 v4, v35  }
0x39b: {  	[tilespmem:s14], [sflag:$0x4] =	stream.indirect_vreg.gather [hbm4b:s2+s1], $0x80, v20, vm0, $0xb8;
	[tilespmem:$0x1E200] =	vst v63  }
0x39c: {  	s18 =	simm.s32 $0x5780;
	v38 =	vperm.xlane v18, v9;
	v37 =	vadd.s32 v4, v36  }
0x39d: {  	[tilespmem:s18], [sflag:$0x4] =	stream.indirect_vreg.gather [hbm4b:s2+s1], $0x80, v21, vm0, $0xb8;
	[tilespmem:$0x1E200] =	vst v63  }
0x39e: {  	v40 =	vperm.xlane v18, v1;
	v39 =	vadd.s32 v4, v38;
	s7 =	simm.s32 $0x5800  }
0x39f: {  	[tilespmem:s7], [sflag:$0x4] =	stream.indirect_vreg.gather [hbm4b:s2+s1], $0x80, v19, vm0, $0xb8;
	[tilespmem:$0x1E200] =	vst v63  }
0x3a0: {  	v41 =	vperm.xlane v18, v10;
	s14 =	simm.s32 $0x5880;
	v19 =	vadd.s32 v4, v40  }
0x3a1: {  	[tilespmem:s14], [sflag:$0x4] =	stream.indirect_vreg.gather [hbm4b:s2+s1], $0x80, v37, vm0, $0xb8;
	[tilespmem:$0x1E200] =	vst v63  }
0x3a2: {  	v43 =	vperm.xlane v18, v11;
	v42 =	vadd.s32 v4, v41;
	s18 =	simm.s32 $0x5900  }
0x3a3: {  	[tilespmem:s18], [sflag:$0x4] =	stream.indirect_vreg.gather [hbm4b:s2+s1], $0x80, v39, vm0, $0xb8;
	[tilespmem:$0x1E200] =	vst v63  }
0x3a4: {  	v45 =	vperm.xlane v18, v12;
	v44 =	vadd.s32 v4, v43;
	s7 =	simm.s32 $0x5980  }
0x3a5: {  	[tilespmem:s7], [sflag:$0x4] =	stream.indirect_vreg.gather [hbm4b:s2+s1], $0x80, v19, vm0, $0xb8;
	[tilespmem:$0x1E200] =	vst v63  }
0x3a6: {  	v46 =	vperm.xlane v18, v13;
	s14 =	simm.s32 $0x5A00;
	v19 =	vadd.s32 v4, v45  }
0x3a7: {  	[tilespmem:s14], [sflag:$0x4] =	stream.indirect_vreg.gather [hbm4b:s2+s1], $0x80, v42, vm0, $0xb8;
	[tilespmem:$0x1E200] =	vst v63  }
0x3a8: {  	v48 =	vperm.xlane v18, v14;
	v47 =	vadd.s32 v4, v46;
	s18 =	simm.s32 $0x5A80  }
0x3a9: {  	[tilespmem:s18], [sflag:$0x4] =	stream.indirect_vreg.gather [hbm4b:s2+s1], $0x80, v44, vm0, $0xb8;
	[tilespmem:$0x1E200] =	vst v63  }
0x3aa: {  	v50 =	vperm.xlane v18, v15;
	v49 =	vadd.s32 v4, v48;
	s7 =	simm.s32 $0x5B00  }
0x3ab: {  	[tilespmem:s7], [sflag:$0x4] =	stream.indirect_vreg.gather [hbm4b:s2+s1], $0x80, v19, vm0, $0xb8;
	[tilespmem:$0x1E200] =	vst v63  }
0x3ac: {  	v51 =	vperm.xlane v18, v16;
	s14 =	simm.s32 $0x5B80;
	v19 =	vadd.s32 v4, v50  }
0x3ad: {  	[tilespmem:s14], [sflag:$0x4] =	stream.indirect_vreg.gather [hbm4b:s2+s1], $0x80, v47, vm0, $0xb8;
	[tilespmem:$0x1E200] =	vst v63  }
0x3ae: {  	v18 =	vperm.xlane v18, v17;
	v52 =	vadd.s32 v4, v51;
	s18 =	simm.s32 $0x5C00  }
0x3af: {  	[tilespmem:s18], [sflag:$0x4] =	stream.indirect_vreg.gather [hbm4b:s2+s1], $0x80, v49, vm0, $0xb8;
	[tilespmem:$0x1E200] =	vst v63  }
0x3b0: {  	v18 =	vadd.s32 v4, v18;
	s7 =	simm.s32 $0x5C80  }
0x3b1: {  	[tilespmem:s7], [sflag:$0x4] =	stream.indirect_vreg.gather [hbm4b:s2+s1], $0x80, v19, vm0, $0xb8;
	[tilespmem:$0x1E200] =	vst v63  }
0x3b2: {  	s14 =	simm.s32 $0x5D00  }
0x3b3: {  	[tilespmem:s14], [sflag:$0x4] =	stream.indirect_vreg.gather [hbm4b:s2+s1], $0x80, v52, vm0, $0xb8;
	[tilespmem:$0x1E200] =	vst v63  }
0x3b4: {  	s18 =	simm.s32 $0x5D80  }
0x3b5: {  	[tilespmem:s18], [sflag:$0x4] =	stream.indirect_vreg.gather [hbm4b:s2+s1], $0x80, v18, vm0, $0xb8;
	[tilespmem:$0x1E200] =	vst v63  }
0x3b6: {  	v18 =	vld [tilespmem:$0x310];
	_ =	sdelay $0x4  }
0x3b7: {  	v19 =	vshll.u32 v18, $0x1  }
0x3b8: {  	v18 =	vand.u32 $0x7, v18;
	v19 =	vand.u32 $0xFFFFFFF0, v19  }
0x3b9: {  	v18 =	vor.u32 v18, v19  }
0x3ba: {  	v19 =	vperm.xlane v18, v3;
	_ =	sdelay $0x1  }
0x3bb: {  	v53 =	vperm.xlane v18, v2;
	v19 =	vadd.s32 v4, v19;
	_ =	sdelay $0x1  }
0x3bc: {  	v54 =	vperm.xlane v18, v5;
	v20 =	vadd.s32 v4, v53;
	_ =	sdelay $0x1  }
0x3bd: {  	s7 =	simm.s32 $0x5E00;
	v55 =	vperm.xlane v18, v6;
	v21 =	vadd.s32 v4, v54  }
0x3be: {  	[tilespmem:s7], [sflag:$0x4] =	stream.indirect_vreg.gather [hbm4b:s2+s1], $0x80, v19, vm0, $0xb8;
	[tilespmem:$0x1E200] =	vst v63  }
0x3bf: {  	s14 =	simm.s32 $0x5E80;
	v56 =	vperm.xlane v18, v7;
	v19 =	vadd.s32 v4, v55  }
0x3c0: {  	[tilespmem:s14], [sflag:$0x4] =	stream.indirect_vreg.gather [hbm4b:s2+s1], $0x80, v20, vm0, $0xb8;
	[tilespmem:$0x1E200] =	vst v63  }
0x3c1: {  	s18 =	simm.s32 $0x5F00;
	v58 =	vperm.xlane v18, v8;
	v57 =	vadd.s32 v4, v56  }
0x3c2: {  	[tilespmem:s18], [sflag:$0x4] =	stream.indirect_vreg.gather [hbm4b:s2+s1], $0x80, v21, vm0, $0xb8;
	[tilespmem:$0x1E200] =	vst v63  }
0x3c3: {  	v60 =	vperm.xlane v18, v9;
	v59 =	vadd.s32 v4, v58;
	s7 =	simm.s32 $0x5F80  }
0x3c4: {  	[tilespmem:s7], [sflag:$0x4] =	stream.indirect_vreg.gather [hbm4b:s2+s1], $0x80, v19, vm0, $0xb8;
	[tilespmem:$0x1E200] =	vst v63  }
0x3c5: {  	v61 =	vperm.xlane v18, v1;
	s14 =	simm.s32 $0x6000;
	v19 =	vadd.s32 v4, v60  }
0x3c6: {  	[tilespmem:s14], [sflag:$0x4] =	stream.indirect_vreg.gather [hbm4b:s2+s1], $0x80, v57, vm0, $0xb8;
	[tilespmem:$0x1E200] =	vst v63  }
0x3c7: {  	v63 =	vperm.xlane v18, v10;
	v62 =	vadd.s32 v4, v61;
	s18 =	simm.s32 $0x6080  }
0x3c8: {  	[tilespmem:s18], [sflag:$0x4] =	stream.indirect_vreg.gather [hbm4b:s2+s1], $0x80, v59, vm0, $0xb8;
	[tilespmem:$0x1E200] =	vst v63  }
0x3c9: {  	v25 =	vperm.xlane v18, v11;
	v24 =	vadd.s32 v4, v63;
	s7 =	simm.s32 $0x6100  }
0x3ca: {  	[tilespmem:s7], [sflag:$0x4] =	stream.indirect_vreg.gather [hbm4b:s2+s1], $0x80, v19, vm0, $0xb8;
	[tilespmem:$0x1E200] =	vst v63  }
0x3cb: {  	v26 =	vperm.xlane v18, v12;
	s14 =	simm.s32 $0x6180;
	v19 =	vadd.s32 v4, v25  }
0x3cc: {  	[tilespmem:s14], [sflag:$0x4] =	stream.indirect_vreg.gather [hbm4b:s2+s1], $0x80, v62, vm0, $0xb8;
	[tilespmem:$0x1E200] =	vst v63  }
0x3cd: {  	v28 =	vperm.xlane v18, v13;
	v27 =	vadd.s32 v4, v26;
	s18 =	simm.s32 $0x6200  }
0x3ce: {  	[tilespmem:s18], [sflag:$0x4] =	stream.indirect_vreg.gather [hbm4b:s2+s1], $0x80, v24, vm0, $0xb8;
	[tilespmem:$0x1E200] =	vst v63  }
0x3cf: {  	v30 =	vperm.xlane v18, v14;
	v29 =	vadd.s32 v4, v28;
	s7 =	simm.s32 $0x6280  }
0x3d0: {  	[tilespmem:s7], [sflag:$0x4] =	stream.indirect_vreg.gather [hbm4b:s2+s1], $0x80, v19, vm0, $0xb8;
	[tilespmem:$0x1E200] =	vst v63  }
0x3d1: {  	v31 =	vperm.xlane v18, v15;
	s14 =	simm.s32 $0x6300;
	v19 =	vadd.s32 v4, v30  }
0x3d2: {  	[tilespmem:s14], [sflag:$0x4] =	stream.indirect_vreg.gather [hbm4b:s2+s1], $0x80, v27, vm0, $0xb8;
	[tilespmem:$0x1E200] =	vst v63  }
0x3d3: {  	v33 =	vperm.xlane v18, v16;
	v32 =	vadd.s32 v4, v31;
	s18 =	simm.s32 $0x6380  }
0x3d4: {  	[tilespmem:s18], [sflag:$0x4] =	stream.indirect_vreg.gather [hbm4b:s2+s1], $0x80, v29, vm0, $0xb8;
	[tilespmem:$0x1E200] =	vst v63  }
0x3d5: {  	v18 =	vperm.xlane v18, v17;
	v34 =	vadd.s32 v4, v33;
	s7 =	simm.s32 $0x6400  }
0x3d6: {  	[tilespmem:s7], [sflag:$0x4] =	stream.indirect_vreg.gather [hbm4b:s2+s1], $0x80, v19, vm0, $0xb8;
	[tilespmem:$0x1E200] =	vst v63  }
0x3d7: {  	v18 =	vadd.s32 v4, v18;
	s14 =	simm.s32 $0x6480  }
0x3d8: {  	[tilespmem:s14], [sflag:$0x4] =	stream.indirect_vreg.gather [hbm4b:s2+s1], $0x80, v32, vm0, $0xb8;
	[tilespmem:$0x1E200] =	vst v63  }
0x3d9: {  	s18 =	simm.s32 $0x6500  }
0x3da: {  	[tilespmem:s18], [sflag:$0x4] =	stream.indirect_vreg.gather [hbm4b:s2+s1], $0x80, v34, vm0, $0xb8;
	[tilespmem:$0x1E200] =	vst v63  }
0x3db: {  	s7 =	simm.s32 $0x6580  }
0x3dc: {  	[tilespmem:s7], [sflag:$0x4] =	stream.indirect_vreg.gather [hbm4b:s2+s1], $0x80, v18, vm0, $0xb8;
	[tilespmem:$0x1E200] =	vst v63  }
0x3dd: {  	v18 =	vld [tilespmem:$0x320];
	_ =	sdelay $0x4  }
0x3de: {  	v19 =	vshll.u32 v18, $0x1  }
0x3df: {  	v18 =	vand.u32 $0x7, v18;
	v19 =	vand.u32 $0xFFFFFFF0, v19  }
0x3e0: {  	v18 =	vor.u32 v18, v19  }
0x3e1: {  	v19 =	vperm.xlane v18, v3;
	_ =	sdelay $0x1  }
0x3e2: {  	v35 =	vperm.xlane v18, v2;
	v19 =	vadd.s32 v4, v19;
	_ =	sdelay $0x1  }
0x3e3: {  	v36 =	vperm.xlane v18, v5;
	v20 =	vadd.s32 v4, v35;
	_ =	sdelay $0x1  }
0x3e4: {  	s14 =	simm.s32 $0x6600;
	v37 =	vperm.xlane v18, v6;
	v21 =	vadd.s32 v4, v36  }
0x3e5: {  	[tilespmem:s14], [sflag:$0x4] =	stream.indirect_vreg.gather [hbm4b:s2+s1], $0x80, v19, vm0, $0xb8;
	[tilespmem:$0x1E200] =	vst v63  }
0x3e6: {  	s18 =	simm.s32 $0x6680;
	v38 =	vperm.xlane v18, v7;
	v19 =	vadd.s32 v4, v37  }
0x3e7: {  	[tilespmem:s18], [sflag:$0x4] =	stream.indirect_vreg.gather [hbm4b:s2+s1], $0x80, v20, vm0, $0xb8;
	[tilespmem:$0x1E200] =	vst v63  }
0x3e8: {  	s7 =	simm.s32 $0x6700;
	v40 =	vperm.xlane v18, v8;
	v39 =	vadd.s32 v4, v38  }
0x3e9: {  	[tilespmem:s7], [sflag:$0x4] =	stream.indirect_vreg.gather [hbm4b:s2+s1], $0x80, v21, vm0, $0xb8;
	[tilespmem:$0x1E200] =	vst v63  }
0x3ea: {  	v42 =	vperm.xlane v18, v9;
	v41 =	vadd.s32 v4, v40;
	s14 =	simm.s32 $0x6780  }
0x3eb: {  	[tilespmem:s14], [sflag:$0x4] =	stream.indirect_vreg.gather [hbm4b:s2+s1], $0x80, v19, vm0, $0xb8;
	[tilespmem:$0x1E200] =	vst v63  }
0x3ec: {  	v43 =	vperm.xlane v18, v1;
	s18 =	simm.s32 $0x6800;
	v19 =	vadd.s32 v4, v42  }
0x3ed: {  	[tilespmem:s18], [sflag:$0x4] =	stream.indirect_vreg.gather [hbm4b:s2+s1], $0x80, v39, vm0, $0xb8;
	[tilespmem:$0x1E200] =	vst v63  }
0x3ee: {  	v45 =	vperm.xlane v18, v10;
	v44 =	vadd.s32 v4, v43;
	s7 =	simm.s32 $0x6880  }
0x3ef: {  	[tilespmem:s7], [sflag:$0x4] =	stream.indirect_vreg.gather [hbm4b:s2+s1], $0x80, v41, vm0, $0xb8;
	[tilespmem:$0x1E200] =	vst v63  }
0x3f0: {  	v47 =	vperm.xlane v18, v11;
	v46 =	vadd.s32 v4, v45;
	s14 =	simm.s32 $0x6900  }
0x3f1: {  	[tilespmem:s14], [sflag:$0x4] =	stream.indirect_vreg.gather [hbm4b:s2+s1], $0x80, v19, vm0, $0xb8;
	[tilespmem:$0x1E200] =	vst v63  }
0x3f2: {  	v48 =	vperm.xlane v18, v12;
	s18 =	simm.s32 $0x6980;
	v19 =	vadd.s32 v4, v47  }
0x3f3: {  	[tilespmem:s18], [sflag:$0x4] =	stream.indirect_vreg.gather [hbm4b:s2+s1], $0x80, v44, vm0, $0xb8;
	[tilespmem:$0x1E200] =	vst v63  }
0x3f4: {  	v50 =	vperm.xlane v18, v13;
	v49 =	vadd.s32 v4, v48;
	s7 =	simm.s32 $0x6A00  }
0x3f5: {  	[tilespmem:s7], [sflag:$0x4] =	stream.indirect_vreg.gather [hbm4b:s2+s1], $0x80, v46, vm0, $0xb8;
	[tilespmem:$0x1E200] =	vst v63  }
0x3f6: {  	v52 =	vperm.xlane v18, v14;
	v51 =	vadd.s32 v4, v50;
	s14 =	simm.s32 $0x6A80  }
0x3f7: {  	[tilespmem:s14], [sflag:$0x4] =	stream.indirect_vreg.gather [hbm4b:s2+s1], $0x80, v19, vm0, $0xb8;
	[tilespmem:$0x1E200] =	vst v63  }
0x3f8: {  	v53 =	vperm.xlane v18, v15;
	s18 =	simm.s32 $0x6B00;
	v19 =	vadd.s32 v4, v52  }
0x3f9: {  	[tilespmem:s18], [sflag:$0x4] =	stream.indirect_vreg.gather [hbm4b:s2+s1], $0x80, v49, vm0, $0xb8;
	[tilespmem:$0x1E200] =	vst v63  }
0x3fa: {  	v55 =	vperm.xlane v18, v16;
	v54 =	vadd.s32 v4, v53;
	s7 =	simm.s32 $0x6B80  }
0x3fb: {  	[tilespmem:s7], [sflag:$0x4] =	stream.indirect_vreg.gather [hbm4b:s2+s1], $0x80, v51, vm0, $0xb8;
	[tilespmem:$0x1E200] =	vst v63  }
0x3fc: {  	v18 =	vperm.xlane v18, v17;
	v56 =	vadd.s32 v4, v55;
	s14 =	simm.s32 $0x6C00  }
0x3fd: {  	[tilespmem:s14], [sflag:$0x4] =	stream.indirect_vreg.gather [hbm4b:s2+s1], $0x80, v19, vm0, $0xb8;
	[tilespmem:$0x1E200] =	vst v63  }
0x3fe: {  	v18 =	vadd.s32 v4, v18;
	s18 =	simm.s32 $0x6C80  }
0x3ff: {  	[tilespmem:s18], [sflag:$0x4] =	stream.indirect_vreg.gather [hbm4b:s2+s1], $0x80, v54, vm0, $0xb8;
	[tilespmem:$0x1E200] =	vst v63  }
0x400: {  	s7 =	simm.s32 $0x6D00  }
0x401: {  	[tilespmem:s7], [sflag:$0x4] =	stream.indirect_vreg.gather [hbm4b:s2+s1], $0x80, v56, vm0, $0xb8;
	[tilespmem:$0x1E200] =	vst v63  }
0x402: {  	s14 =	simm.s32 $0x6D80  }
0x403: {  	[tilespmem:s14], [sflag:$0x4] =	stream.indirect_vreg.gather [hbm4b:s2+s1], $0x80, v18, vm0, $0xb8;
	[tilespmem:$0x1E200] =	vst v63  }
0x404: {  	v18 =	vld [tilespmem:$0x330];
	_ =	sdelay $0x4  }
0x405: {  	v19 =	vshll.u32 v18, $0x1  }
0x406: {  	v18 =	vand.u32 $0x7, v18;
	v19 =	vand.u32 $0xFFFFFFF0, v19  }
0x407: {  	v18 =	vor.u32 v18, v19  }
0x408: {  	v19 =	vperm.xlane v18, v3;
	_ =	sdelay $0x1  }
0x409: {  	v57 =	vperm.xlane v18, v2;
	v19 =	vadd.s32 v4, v19;
	_ =	sdelay $0x1  }
0x40a: {  	v58 =	vperm.xlane v18, v5;
	v20 =	vadd.s32 v4, v57;
	_ =	sdelay $0x1  }
0x40b: {  	s18 =	simm.s32 $0x6E00;
	v59 =	vperm.xlane v18, v6;
	v21 =	vadd.s32 v4, v58  }
0x40c: {  	[tilespmem:s18], [sflag:$0x4] =	stream.indirect_vreg.gather [hbm4b:s2+s1], $0x80, v19, vm0, $0xb8;
	[tilespmem:$0x1E200] =	vst v63  }
0x40d: {  	s7 =	simm.s32 $0x6E80;
	v60 =	vperm.xlane v18, v7;
	v19 =	vadd.s32 v4, v59  }
0x40e: {  	[tilespmem:s7], [sflag:$0x4] =	stream.indirect_vreg.gather [hbm4b:s2+s1], $0x80, v20, vm0, $0xb8;
	[tilespmem:$0x1E200] =	vst v63  }
0x40f: {  	s14 =	simm.s32 $0x6F00;
	v62 =	vperm.xlane v18, v8;
	v61 =	vadd.s32 v4, v60  }
0x410: {  	[tilespmem:s14], [sflag:$0x4] =	stream.indirect_vreg.gather [hbm4b:s2+s1], $0x80, v21, vm0, $0xb8;
	[tilespmem:$0x1E200] =	vst v63  }
0x411: {  	v24 =	vperm.xlane v18, v9;
	v63 =	vadd.s32 v4, v62;
	s18 =	simm.s32 $0x6F80  }
0x412: {  	[tilespmem:s18], [sflag:$0x4] =	stream.indirect_vreg.gather [hbm4b:s2+s1], $0x80, v19, vm0, $0xb8;
	[tilespmem:$0x1E200] =	vst v63  }
0x413: {  	v25 =	vperm.xlane v18, v1;
	s7 =	simm.s32 $0x7000;
	v19 =	vadd.s32 v4, v24  }
0x414: {  	[tilespmem:s7], [sflag:$0x4] =	stream.indirect_vreg.gather [hbm4b:s2+s1], $0x80, v61, vm0, $0xb8;
	[tilespmem:$0x1E200] =	vst v63  }
0x415: {  	v27 =	vperm.xlane v18, v10;
	v26 =	vadd.s32 v4, v25;
	s14 =	simm.s32 $0x7080  }
0x416: {  	[tilespmem:s14], [sflag:$0x4] =	stream.indirect_vreg.gather [hbm4b:s2+s1], $0x80, v63, vm0, $0xb8;
	[tilespmem:$0x1E200] =	vst v63  }
0x417: {  	v29 =	vperm.xlane v18, v11;
	v28 =	vadd.s32 v4, v27;
	s18 =	simm.s32 $0x7100  }
0x418: {  	[tilespmem:s18], [sflag:$0x4] =	stream.indirect_vreg.gather [hbm4b:s2+s1], $0x80, v19, vm0, $0xb8;
	[tilespmem:$0x1E200] =	vst v63  }
0x419: {  	v30 =	vperm.xlane v18, v12;
	s7 =	simm.s32 $0x7180;
	v19 =	vadd.s32 v4, v29  }
0x41a: {  	[tilespmem:s7], [sflag:$0x4] =	stream.indirect_vreg.gather [hbm4b:s2+s1], $0x80, v26, vm0, $0xb8;
	[tilespmem:$0x1E200] =	vst v63  }
0x41b: {  	v32 =	vperm.xlane v18, v13;
	v31 =	vadd.s32 v4, v30;
	s14 =	simm.s32 $0x7200  }
0x41c: {  	[tilespmem:s14], [sflag:$0x4] =	stream.indirect_vreg.gather [hbm4b:s2+s1], $0x80, v28, vm0, $0xb8;
	[tilespmem:$0x1E200] =	vst v63  }
0x41d: {  	v34 =	vperm.xlane v18, v14;
	v33 =	vadd.s32 v4, v32;
	s18 =	simm.s32 $0x7280  }
0x41e: {  	[tilespmem:s18], [sflag:$0x4] =	stream.indirect_vreg.gather [hbm4b:s2+s1], $0x80, v19, vm0, $0xb8;
	[tilespmem:$0x1E200] =	vst v63  }
0x41f: {  	v35 =	vperm.xlane v18, v15;
	s7 =	simm.s32 $0x7300;
	v19 =	vadd.s32 v4, v34  }
0x420: {  	[tilespmem:s7], [sflag:$0x4] =	stream.indirect_vreg.gather [hbm4b:s2+s1], $0x80, v31, vm0, $0xb8;
	[tilespmem:$0x1E200] =	vst v63  }
0x421: {  	v37 =	vperm.xlane v18, v16;
	v36 =	vadd.s32 v4, v35;
	s14 =	simm.s32 $0x7380  }
0x422: {  	[tilespmem:s14], [sflag:$0x4] =	stream.indirect_vreg.gather [hbm4b:s2+s1], $0x80, v33, vm0, $0xb8;
	[tilespmem:$0x1E200] =	vst v63  }
0x423: {  	v18 =	vperm.xlane v18, v17;
	v38 =	vadd.s32 v4, v37;
	s18 =	simm.s32 $0x7400  }
0x424: {  	[tilespmem:s18], [sflag:$0x4] =	stream.indirect_vreg.gather [hbm4b:s2+s1], $0x80, v19, vm0, $0xb8;
	[tilespmem:$0x1E200] =	vst v63  }
0x425: {  	v18 =	vadd.s32 v4, v18;
	s7 =	simm.s32 $0x7480  }
0x426: {  	[tilespmem:s7], [sflag:$0x4] =	stream.indirect_vreg.gather [hbm4b:s2+s1], $0x80, v36, vm0, $0xb8;
	[tilespmem:$0x1E200] =	vst v63  }
0x427: {  	s14 =	simm.s32 $0x7500  }
0x428: {  	[tilespmem:s14], [sflag:$0x4] =	stream.indirect_vreg.gather [hbm4b:s2+s1], $0x80, v38, vm0, $0xb8;
	[tilespmem:$0x1E200] =	vst v63  }
0x429: {  	s18 =	simm.s32 $0x7580  }
0x42a: {  	[tilespmem:s18], [sflag:$0x4] =	stream.indirect_vreg.gather [hbm4b:s2+s1], $0x80, v18, vm0, $0xb8;
	[tilespmem:$0x1E200] =	vst v63  }
0x42b: {  	v18 =	vld [tilespmem:$0x340];
	_ =	sdelay $0x4  }
0x42c: {  	v19 =	vshll.u32 v18, $0x1  }
0x42d: {  	v18 =	vand.u32 $0x7, v18;
	v19 =	vand.u32 $0xFFFFFFF0, v19  }
0x42e: {  	v18 =	vor.u32 v18, v19  }
0x42f: {  	v19 =	vperm.xlane v18, v3;
	_ =	sdelay $0x1  }
0x430: {  	v39 =	vperm.xlane v18, v2;
	v19 =	vadd.s32 v4, v19;
	_ =	sdelay $0x1  }
0x431: {  	v40 =	vperm.xlane v18, v5;
	v20 =	vadd.s32 v4, v39;
	_ =	sdelay $0x1  }
0x432: {  	s7 =	simm.s32 $0x7600;
	v41 =	vperm.xlane v18, v6;
	v21 =	vadd.s32 v4, v40  }
0x433: {  	[tilespmem:s7], [sflag:$0x4] =	stream.indirect_vreg.gather [hbm4b:s2+s1], $0x80, v19, vm0, $0xb8;
	[tilespmem:$0x1E200] =	vst v63  }
0x434: {  	s14 =	simm.s32 $0x7680;
	v42 =	vperm.xlane v18, v7;
	v19 =	vadd.s32 v4, v41  }
0x435: {  	[tilespmem:s14], [sflag:$0x4] =	stream.indirect_vreg.gather [hbm4b:s2+s1], $0x80, v20, vm0, $0xb8;
	[tilespmem:$0x1E200] =	vst v63  }
0x436: {  	s18 =	simm.s32 $0x7700;
	v44 =	vperm.xlane v18, v8;
	v43 =	vadd.s32 v4, v42  }
0x437: {  	[tilespmem:s18], [sflag:$0x4] =	stream.indirect_vreg.gather [hbm4b:s2+s1], $0x80, v21, vm0, $0xb8;
	[tilespmem:$0x1E200] =	vst v63  }
0x438: {  	v46 =	vperm.xlane v18, v9;
	v45 =	vadd.s32 v4, v44;
	s7 =	simm.s32 $0x7780  }
0x439: {  	[tilespmem:s7], [sflag:$0x4] =	stream.indirect_vreg.gather [hbm4b:s2+s1], $0x80, v19, vm0, $0xb8;
	[tilespmem:$0x1E200] =	vst v63  }
0x43a: {  	v47 =	vperm.xlane v18, v1;
	s14 =	simm.s32 $0x7800;
	v19 =	vadd.s32 v4, v46  }
0x43b: {  	[tilespmem:s14], [sflag:$0x4] =	stream.indirect_vreg.gather [hbm4b:s2+s1], $0x80, v43, vm0, $0xb8;
	[tilespmem:$0x1E200] =	vst v63  }
0x43c: {  	v49 =	vperm.xlane v18, v10;
	v48 =	vadd.s32 v4, v47;
	s18 =	simm.s32 $0x7880  }
0x43d: {  	[tilespmem:s18], [sflag:$0x4] =	stream.indirect_vreg.gather [hbm4b:s2+s1], $0x80, v45, vm0, $0xb8;
	[tilespmem:$0x1E200] =	vst v63  }
0x43e: {  	v51 =	vperm.xlane v18, v11;
	v50 =	vadd.s32 v4, v49;
	s7 =	simm.s32 $0x7900  }
0x43f: {  	[tilespmem:s7], [sflag:$0x4] =	stream.indirect_vreg.gather [hbm4b:s2+s1], $0x80, v19, vm0, $0xb8;
	[tilespmem:$0x1E200] =	vst v63  }
0x440: {  	v52 =	vperm.xlane v18, v12;
	s14 =	simm.s32 $0x7980;
	v19 =	vadd.s32 v4, v51  }
0x441: {  	[tilespmem:s14], [sflag:$0x4] =	stream.indirect_vreg.gather [hbm4b:s2+s1], $0x80, v48, vm0, $0xb8;
	[tilespmem:$0x1E200] =	vst v63  }
0x442: {  	v54 =	vperm.xlane v18, v13;
	v53 =	vadd.s32 v4, v52;
	s18 =	simm.s32 $0x7A00  }
0x443: {  	[tilespmem:s18], [sflag:$0x4] =	stream.indirect_vreg.gather [hbm4b:s2+s1], $0x80, v50, vm0, $0xb8;
	[tilespmem:$0x1E200] =	vst v63  }
0x444: {  	v56 =	vperm.xlane v18, v14;
	v55 =	vadd.s32 v4, v54;
	s7 =	simm.s32 $0x7A80  }
0x445: {  	[tilespmem:s7], [sflag:$0x4] =	stream.indirect_vreg.gather [hbm4b:s2+s1], $0x80, v19, vm0, $0xb8;
	[tilespmem:$0x1E200] =	vst v63  }
0x446: {  	v57 =	vperm.xlane v18, v15;
	s14 =	simm.s32 $0x7B00;
	v19 =	vadd.s32 v4, v56  }
0x447: {  	[tilespmem:s14], [sflag:$0x4] =	stream.indirect_vreg.gather [hbm4b:s2+s1], $0x80, v53, vm0, $0xb8;
	[tilespmem:$0x1E200] =	vst v63  }
0x448: {  	v59 =	vperm.xlane v18, v16;
	v58 =	vadd.s32 v4, v57;
	s18 =	simm.s32 $0x7B80  }
0x449: {  	[tilespmem:s18], [sflag:$0x4] =	stream.indirect_vreg.gather [hbm4b:s2+s1], $0x80, v55, vm0, $0xb8;
	[tilespmem:$0x1E200] =	vst v63  }
0x44a: {  	v18 =	vperm.xlane v18, v17;
	v60 =	vadd.s32 v4, v59;
	s7 =	simm.s32 $0x7C00  }
0x44b: {  	[tilespmem:s7], [sflag:$0x4] =	stream.indirect_vreg.gather [hbm4b:s2+s1], $0x80, v19, vm0, $0xb8;
	[tilespmem:$0x1E200] =	vst v63  }
0x44c: {  	v18 =	vadd.s32 v4, v18;
	s14 =	simm.s32 $0x7C80  }
0x44d: {  	[tilespmem:s14], [sflag:$0x4] =	stream.indirect_vreg.gather [hbm4b:s2+s1], $0x80, v58, vm0, $0xb8;
	[tilespmem:$0x1E200] =	vst v63  }
0x44e: {  	_ = 	snop  }
0x44f: {  	[tilespmem:s31], [sflag:$0x4] =	stream.indirect_vreg.gather [hbm4b:s2+s1], $0x80, v60, vm0, $0xb8;
	[tilespmem:$0x1E200] =	vst v63  }
0x450: {  	_ = 	snop  }
0x451: {  	[tilespmem:s4], [sflag:$0x4] =	stream.indirect_vreg.gather [hbm4b:s2+s1], $0x80, v18, vm0, $0xb8;
	[tilespmem:$0x1E200] =	vst v63  }
0x452: {  	_ =	swait.ge [sflag:s3], $0x2800  }
0x453: {  	[sflag:s3] =	ssyncset.done $0x0  }
0x454: {  	s18 =	simm.s32 $0x480;
	[sflag:s3] =	ssyncadd.s32 $0xFFFFD800  }
0x455: {  	[spmem:s15] =	stream.indirect.scatter.add.f32 [tilespmem:s19], [sflag:$0x7], $0x80, s18, s24, $0xb8;
	[tilespmem:$0x1E200] =	vst v63  }
0x456: {  	_ =	swait.ge [sflag:s22], $0x2800  }
0x457: {  	[sflag:s22] =	ssyncset.done $0x0  }
0x458: {  	[sflag:s22] =	ssyncadd.s32 $0xFFFFD800  }
0x459: {  	v18 =	vld [tilespmem:$0x180]  }
0x45a: {  	v19 =	vld [tilespmem:$0x190]  }
0x45b: {  	v61 =	vld [tilespmem:$0x1A0]  }
0x45c: {  	v62 =	vld [tilespmem:$0x1B0]  }
0x45d: {  	v63 =	vld [tilespmem:$0x1C0]  }
0x45e: {  	[tilespmem:$0x580] =	vst v18  }
0x45f: {  	[tilespmem:$0x590] =	vst v19  }
0x460: {  	[tilespmem:$0x5A0] =	vst v61  }
0x461: {  	p1 =	seq.s32 s9, $0x4B0;
	[tilespmem:$0x5B0] =	vst v62  }
0x462: {  	s6 =	smov.u32 s11;
	s14 =	sadd.s32 @!p1 s9, s16;
	[tilespmem:$0x5C0] =	vst v63  }
0x463: {  	[tilespmem:s20], [sflag:$0x5] =	stream.strided.gather [hbm4b:s23+s10], $0x2800, s28, s10, $0x38;
	[tilespmem:$0x1E200] =	vst v63  }
0x464: {  	s11 =	simm.s32 @!p1 $0x80;
	s7 =	simm.s32 @!p1 $0x0;
	s18 =	sadd.s32 @!p1 $0x32, s14  }
0x465: {  	[tilespmem:s11], [sflag:$0xB] =	stream.linear.gather @!p1 [hbm4b:s18+s7], $0x50, $0x38;
	[tilespmem:$0x1E200] =	vst v63  }
0x466: {  	s9 =	sadd.s32 $0x14, s9;
	s11 =	sadd.s32 @!p1 $0x4E52, s14;
	s14 =	simm.s32 @!p1 $0x180  }
0x467: {  	[tilespmem:s14], [sflag:$0xB] =	stream.linear.gather @!p1 [hbm4b:s11+s7], $0x50, $0x38;
	[tilespmem:$0x1E200] =	vst v63  }
0x468: {  	p1 =	sne.s32 s9, $0x4C4  }
.Ltmp3:
0x469: {  	_ = 	snop;
	(pc) =	sbr.rel @p1 .LBB2_4-.Ltmp3, $4  }
0x46a: {  	s13 =	sadd.s32 $0xA000, s13;
	s23 =	sadd.s32 $0x1400, s23;
	_ =	swait.ge [sflag:s25], $0x2800  }
0x46b: {  	s18 =	simm.s32 $0x500;
	s14 =	simm.s32 $0x680;
	[sflag:s25] =	ssyncset.done $0x0  }
0x46c: {  	s7 =	simm.s32 $0x100;
	s11 =	smov.u32 s6;
	[sflag:s25] =	ssyncadd.s32 $0xFFFFD800  }
0x46d: {  	[spmem:s15] =	stream.indirect.scatter.add.f32 [tilespmem:s5], [sflag:$0x8], $0x80, s18, s24, $0xb8;
	[tilespmem:$0x1E200] =	vst v63  }
0x46e: {  	_ =	swait.ge [sflag:s26], $0x2800  }
0x46f: {  	[sflag:s26] =	ssyncset.done $0x0  }
0x470: {  	[sflag:s26] =	ssyncadd.s32 $0xFFFFD800  }
0x471: {  	_ =	swait.ge [sflag:s0], $0x50  }
0x472: {  	[sflag:s0] =	ssyncset.done $0x0  }
0x473: {  	[sflag:s0] =	ssyncadd.s32 $0xFFFFFFB0  }
0x474: {  	_ =	swait.ge [sflag:s0], $0x50  }
0x475: {  	[sflag:s0] =	ssyncset.done $0x0  }
0x476: {  	[sflag:s0] =	ssyncadd.s32 $0xFFFFFFB0  }
0x477: {  	v18 =	vld [tilespmem:$0x0];
	_ =	sdelay $0x4  }
0x478: {  	[tilespmem:$0x200] =	vst v18  }
0x479: {  	v18 =	vld [tilespmem:$0x200]  }
0x47a: {  	v19 =	vld [tilespmem:$0x100]  }
0x47b: {  	v20 =	vld [tilespmem:$0x110]  }
0x47c: {  	v21 =	vld [tilespmem:$0x10]  }
0x47d: {  	v22 =	vld [tilespmem:$0x120]  }
0x47e: {  	v23 =	vld [tilespmem:$0x20];
	v24 =	vshll.u32 v18, $0x1  }
0x47f: {  	v28 =	vld [tilespmem:$0x30];
	[tilespmem:$0x400] =	vst v19;
	v18 =	vand.u32 $0x7, v18;
	v24 =	vand.u32 $0xFFFFFFF0, v24  }
0x480: {  	v19 =	vld [tilespmem:$0x130];
	[tilespmem:$0x410] =	vst v20;
	v18 =	vor.u32 v18, v24  }
0x481: {  	v29 =	vld [tilespmem:$0x140];
	[tilespmem:$0x210] =	vst v21;
	v24 =	vperm.xlane v18, v3  }
0x482: {  	v30 =	vld [tilespmem:$0x40];
	[tilespmem:$0x420] =	vst v22  }
0x483: {  	[tilespmem:$0x220] =	vst v23;
	v32 =	vperm.xlane v18, v2;
	v31 =	vadd.s32 v4, v24  }
0x484: {  	[tilespmem:$0x230] =	vst v28  }
0x485: {  	[tilespmem:$0x430] =	vst v19;
	v33 =	vperm.xlane v18, v5;
	v19 =	vadd.s32 v4, v32  }
0x486: {  	[tilespmem:$0x440] =	vst v29  }
0x487: {  	[tilespmem:$0x240] =	vst v30;
	v34 =	vperm.xlane v18, v6;
	v20 =	vadd.s32 v4, v33  }
0x488: {  	[tilespmem:s29], [sflag:$0x2] =	stream.indirect_vreg.gather [hbm4b:s2+s1], $0x80, v31, vm0, $0xb8;
	[tilespmem:$0x1E200] =	vst v63  }
0x489: {  	v35 =	vperm.xlane v18, v7;
	v21 =	vadd.s32 v4, v34  }
0x48a: {  	[tilespmem:s14], [sflag:$0x2] =	stream.indirect_vreg.gather [hbm4b:s2+s1], $0x80, v19, vm0, $0xb8;
	[tilespmem:$0x1E200] =	vst v63  }
0x48b: {  	s4 =	simm.s32 $0x700;
	v36 =	vperm.xlane v18, v8;
	v19 =	vadd.s32 v4, v35  }
0x48c: {  	[tilespmem:s4], [sflag:$0x2] =	stream.indirect_vreg.gather [hbm4b:s2+s1], $0x80, v20, vm0, $0xb8;
	[tilespmem:$0x1E200] =	vst v63  }
0x48d: {  	s23 =	simm.s32 $0x780;
	v38 =	vperm.xlane v18, v9;
	v37 =	vadd.s32 v4, v36  }
0x48e: {  	[tilespmem:s23], [sflag:$0x2] =	stream.indirect_vreg.gather [hbm4b:s2+s1], $0x80, v21, vm0, $0xb8;
	[tilespmem:$0x1E200] =	vst v63  }
0x48f: {  	v40 =	vperm.xlane v18, v1;
	v39 =	vadd.s32 v4, v38  }
0x490: {  	[tilespmem:s28], [sflag:$0x2] =	stream.indirect_vreg.gather [hbm4b:s2+s1], $0x80, v19, vm0, $0xb8;
	[tilespmem:$0x1E200] =	vst v63  }
0x491: {  	s5 =	simm.s32 $0x880;
	v41 =	vperm.xlane v18, v10;
	v19 =	vadd.s32 v4, v40  }
0x492: {  	[tilespmem:s5], [sflag:$0x2] =	stream.indirect_vreg.gather [hbm4b:s2+s1], $0x80, v37, vm0, $0xb8;
	[tilespmem:$0x1E200] =	vst v63  }
0x493: {  	s6 =	simm.s32 $0x900;
	v43 =	vperm.xlane v18, v11;
	v42 =	vadd.s32 v4, v41  }
0x494: {  	[tilespmem:s6], [sflag:$0x2] =	stream.indirect_vreg.gather [hbm4b:s2+s1], $0x80, v39, vm0, $0xb8;
	[tilespmem:$0x1E200] =	vst v63  }
0x495: {  	s9 =	simm.s32 $0x980;
	v45 =	vperm.xlane v18, v12;
	v44 =	vadd.s32 v4, v43  }
0x496: {  	[tilespmem:s9], [sflag:$0x2] =	stream.indirect_vreg.gather [hbm4b:s2+s1], $0x80, v19, vm0, $0xb8;
	[tilespmem:$0x1E200] =	vst v63  }
0x497: {  	s13 =	simm.s32 $0xA00;
	v46 =	vperm.xlane v18, v13;
	v19 =	vadd.s32 v4, v45  }
0x498: {  	[tilespmem:s13], [sflag:$0x2] =	stream.indirect_vreg.gather [hbm4b:s2+s1], $0x80, v42, vm0, $0xb8;
	[tilespmem:$0x1E200] =	vst v63  }
0x499: {  	v48 =	vperm.xlane v18, v14;
	v47 =	vadd.s32 v4, v46;
	s14 =	simm.s32 $0xA80  }
0x49a: {  	[tilespmem:s14], [sflag:$0x2] =	stream.indirect_vreg.gather [hbm4b:s2+s1], $0x80, v44, vm0, $0xb8;
	[tilespmem:$0x1E200] =	vst v63  }
0x49b: {  	s18 =	simm.s32 $0xB00;
	v50 =	vperm.xlane v18, v15;
	v49 =	vadd.s32 v4, v48  }
0x49c: {  	[tilespmem:s18], [sflag:$0x2] =	stream.indirect_vreg.gather [hbm4b:s2+s1], $0x80, v19, vm0, $0xb8;
	[tilespmem:$0x1E200] =	vst v63  }
0x49d: {  	v51 =	vperm.xlane v18, v16;
	s23 =	simm.s32 $0xB80;
	v19 =	vadd.s32 v4, v50  }
0x49e: {  	[tilespmem:s23], [sflag:$0x2] =	stream.indirect_vreg.gather [hbm4b:s2+s1], $0x80, v47, vm0, $0xb8;
	[tilespmem:$0x1E200] =	vst v63  }
0x49f: {  	v18 =	vperm.xlane v18, v17;
	v52 =	vadd.s32 v4, v51;
	s5 =	simm.s32 $0xC00  }
0x4a0: {  	[tilespmem:s5], [sflag:$0x2] =	stream.indirect_vreg.gather [hbm4b:s2+s1], $0x80, v49, vm0, $0xb8;
	[tilespmem:$0x1E200] =	vst v63  }
0x4a1: {  	v18 =	vadd.s32 v4, v18;
	s6 =	simm.s32 $0xC80  }
0x4a2: {  	[tilespmem:s6], [sflag:$0x2] =	stream.indirect_vreg.gather [hbm4b:s2+s1], $0x80, v19, vm0, $0xb8;
	[tilespmem:$0x1E200] =	vst v63  }
0x4a3: {  	s9 =	simm.s32 $0xD00  }
0x4a4: {  	[tilespmem:s9], [sflag:$0x2] =	stream.indirect_vreg.gather [hbm4b:s2+s1], $0x80, v52, vm0, $0xb8;
	[tilespmem:$0x1E200] =	vst v63  }
0x4a5: {  	s13 =	simm.s32 $0xD80  }
0x4a6: {  	[tilespmem:s13], [sflag:$0x2] =	stream.indirect_vreg.gather [hbm4b:s2+s1], $0x80, v18, vm0, $0xb8;
	[tilespmem:$0x1E200] =	vst v63  }
0x4a7: {  	v18 =	vld [tilespmem:$0x210];
	_ =	sdelay $0x4  }
0x4a8: {  	v19 =	vshll.u32 v18, $0x1  }
0x4a9: {  	v18 =	vand.u32 $0x7, v18;
	v19 =	vand.u32 $0xFFFFFFF0, v19  }
0x4aa: {  	v18 =	vor.u32 v18, v19  }
0x4ab: {  	v19 =	vperm.xlane v18, v3;
	_ =	sdelay $0x1  }
0x4ac: {  	v53 =	vperm.xlane v18, v2;
	v19 =	vadd.s32 v4, v19;
	_ =	sdelay $0x1  }
0x4ad: {  	v54 =	vperm.xlane v18, v5;
	v20 =	vadd.s32 v4, v53;
	_ =	sdelay $0x1  }
0x4ae: {  	s14 =	simm.s32 $0xE00;
	v55 =	vperm.xlane v18, v6;
	v21 =	vadd.s32 v4, v54  }
0x4af: {  	[tilespmem:s14], [sflag:$0x2] =	stream.indirect_vreg.gather [hbm4b:s2+s1], $0x80, v19, vm0, $0xb8;
	[tilespmem:$0x1E200] =	vst v63  }
0x4b0: {  	s18 =	simm.s32 $0xE80;
	v56 =	vperm.xlane v18, v7;
	v19 =	vadd.s32 v4, v55  }
0x4b1: {  	[tilespmem:s18], [sflag:$0x2] =	stream.indirect_vreg.gather [hbm4b:s2+s1], $0x80, v20, vm0, $0xb8;
	[tilespmem:$0x1E200] =	vst v63  }
0x4b2: {  	s23 =	simm.s32 $0xF00;
	v58 =	vperm.xlane v18, v8;
	v57 =	vadd.s32 v4, v56  }
0x4b3: {  	[tilespmem:s23], [sflag:$0x2] =	stream.indirect_vreg.gather [hbm4b:s2+s1], $0x80, v21, vm0, $0xb8;
	[tilespmem:$0x1E200] =	vst v63  }
0x4b4: {  	s5 =	simm.s32 $0xF80;
	v60 =	vperm.xlane v18, v9;
	v59 =	vadd.s32 v4, v58  }
0x4b5: {  	[tilespmem:s5], [sflag:$0x2] =	stream.indirect_vreg.gather [hbm4b:s2+s1], $0x80, v19, vm0, $0xb8;
	[tilespmem:$0x1E200] =	vst v63  }
0x4b6: {  	s6 =	simm.s32 $0x1000;
	v61 =	vperm.xlane v18, v1;
	v19 =	vadd.s32 v4, v60  }
0x4b7: {  	[tilespmem:s6], [sflag:$0x2] =	stream.indirect_vreg.gather [hbm4b:s2+s1], $0x80, v57, vm0, $0xb8;
	[tilespmem:$0x1E200] =	vst v63  }
0x4b8: {  	s9 =	simm.s32 $0x1080;
	v63 =	vperm.xlane v18, v10;
	v62 =	vadd.s32 v4, v61  }
0x4b9: {  	[tilespmem:s9], [sflag:$0x2] =	stream.indirect_vreg.gather [hbm4b:s2+s1], $0x80, v59, vm0, $0xb8;
	[tilespmem:$0x1E200] =	vst v63  }
0x4ba: {  	s13 =	simm.s32 $0x1100;
	v25 =	vperm.xlane v18, v11;
	v24 =	vadd.s32 v4, v63  }
0x4bb: {  	[tilespmem:s13], [sflag:$0x2] =	stream.indirect_vreg.gather [hbm4b:s2+s1], $0x80, v19, vm0, $0xb8;
	[tilespmem:$0x1E200] =	vst v63  }
0x4bc: {  	v26 =	vperm.xlane v18, v12;
	s14 =	simm.s32 $0x1180;
	v19 =	vadd.s32 v4, v25  }
0x4bd: {  	[tilespmem:s14], [sflag:$0x2] =	stream.indirect_vreg.gather [hbm4b:s2+s1], $0x80, v62, vm0, $0xb8;
	[tilespmem:$0x1E200] =	vst v63  }
0x4be: {  	v28 =	vperm.xlane v18, v13;
	v27 =	vadd.s32 v4, v26;
	s18 =	simm.s32 $0x1200  }
0x4bf: {  	[tilespmem:s18], [sflag:$0x2] =	stream.indirect_vreg.gather [hbm4b:s2+s1], $0x80, v24, vm0, $0xb8;
	[tilespmem:$0x1E200] =	vst v63  }
0x4c0: {  	v30 =	vperm.xlane v18, v14;
	v29 =	vadd.s32 v4, v28;
	s23 =	simm.s32 $0x1280  }
0x4c1: {  	[tilespmem:s23], [sflag:$0x2] =	stream.indirect_vreg.gather [hbm4b:s2+s1], $0x80, v19, vm0, $0xb8;
	[tilespmem:$0x1E200] =	vst v63  }
0x4c2: {  	v31 =	vperm.xlane v18, v15;
	s5 =	simm.s32 $0x1300;
	v19 =	vadd.s32 v4, v30  }
0x4c3: {  	[tilespmem:s5], [sflag:$0x2] =	stream.indirect_vreg.gather [hbm4b:s2+s1], $0x80, v27, vm0, $0xb8;
	[tilespmem:$0x1E200] =	vst v63  }
0x4c4: {  	v33 =	vperm.xlane v18, v16;
	v32 =	vadd.s32 v4, v31;
	s6 =	simm.s32 $0x1380  }
0x4c5: {  	[tilespmem:s6], [sflag:$0x2] =	stream.indirect_vreg.gather [hbm4b:s2+s1], $0x80, v29, vm0, $0xb8;
	[tilespmem:$0x1E200] =	vst v63  }
0x4c6: {  	v18 =	vperm.xlane v18, v17;
	v34 =	vadd.s32 v4, v33;
	s9 =	simm.s32 $0x1400  }
0x4c7: {  	[tilespmem:s9], [sflag:$0x2] =	stream.indirect_vreg.gather [hbm4b:s2+s1], $0x80, v19, vm0, $0xb8;
	[tilespmem:$0x1E200] =	vst v63  }
0x4c8: {  	v18 =	vadd.s32 v4, v18;
	s13 =	simm.s32 $0x1480  }
0x4c9: {  	[tilespmem:s13], [sflag:$0x2] =	stream.indirect_vreg.gather [hbm4b:s2+s1], $0x80, v32, vm0, $0xb8;
	[tilespmem:$0x1E200] =	vst v63  }
0x4ca: {  	s14 =	simm.s32 $0x1500  }
0x4cb: {  	[tilespmem:s14], [sflag:$0x2] =	stream.indirect_vreg.gather [hbm4b:s2+s1], $0x80, v34, vm0, $0xb8;
	[tilespmem:$0x1E200] =	vst v63  }
0x4cc: {  	s18 =	simm.s32 $0x1580  }
0x4cd: {  	[tilespmem:s18], [sflag:$0x2] =	stream.indirect_vreg.gather [hbm4b:s2+s1], $0x80, v18, vm0, $0xb8;
	[tilespmem:$0x1E200] =	vst v63  }
0x4ce: {  	v18 =	vld [tilespmem:$0x220];
	_ =	sdelay $0x4  }
0x4cf: {  	v19 =	vshll.u32 v18, $0x1  }
0x4d0: {  	v18 =	vand.u32 $0x7, v18;
	v19 =	vand.u32 $0xFFFFFFF0, v19  }
0x4d1: {  	v18 =	vor.u32 v18, v19  }
0x4d2: {  	v19 =	vperm.xlane v18, v3;
	_ =	sdelay $0x1  }
0x4d3: {  	v35 =	vperm.xlane v18, v2;
	v19 =	vadd.s32 v4, v19;
	_ =	sdelay $0x1  }
0x4d4: {  	v36 =	vperm.xlane v18, v5;
	v20 =	vadd.s32 v4, v35;
	_ =	sdelay $0x1  }
0x4d5: {  	s23 =	simm.s32 $0x1600;
	v37 =	vperm.xlane v18, v6;
	v21 =	vadd.s32 v4, v36  }
0x4d6: {  	[tilespmem:s23], [sflag:$0x2] =	stream.indirect_vreg.gather [hbm4b:s2+s1], $0x80, v19, vm0, $0xb8;
	[tilespmem:$0x1E200] =	vst v63  }
0x4d7: {  	s5 =	simm.s32 $0x1680;
	v38 =	vperm.xlane v18, v7;
	v19 =	vadd.s32 v4, v37  }
0x4d8: {  	[tilespmem:s5], [sflag:$0x2] =	stream.indirect_vreg.gather [hbm4b:s2+s1], $0x80, v20, vm0, $0xb8;
	[tilespmem:$0x1E200] =	vst v63  }
0x4d9: {  	s6 =	simm.s32 $0x1700;
	v40 =	vperm.xlane v18, v8;
	v39 =	vadd.s32 v4, v38  }
0x4da: {  	[tilespmem:s6], [sflag:$0x2] =	stream.indirect_vreg.gather [hbm4b:s2+s1], $0x80, v21, vm0, $0xb8;
	[tilespmem:$0x1E200] =	vst v63  }
0x4db: {  	s9 =	simm.s32 $0x1780;
	v42 =	vperm.xlane v18, v9;
	v41 =	vadd.s32 v4, v40  }
0x4dc: {  	[tilespmem:s9], [sflag:$0x2] =	stream.indirect_vreg.gather [hbm4b:s2+s1], $0x80, v19, vm0, $0xb8;
	[tilespmem:$0x1E200] =	vst v63  }
0x4dd: {  	s13 =	simm.s32 $0x1800;
	v43 =	vperm.xlane v18, v1;
	v19 =	vadd.s32 v4, v42  }
0x4de: {  	[tilespmem:s13], [sflag:$0x2] =	stream.indirect_vreg.gather [hbm4b:s2+s1], $0x80, v39, vm0, $0xb8;
	[tilespmem:$0x1E200] =	vst v63  }
0x4df: {  	s14 =	simm.s32 $0x1880;
	v45 =	vperm.xlane v18, v10;
	v44 =	vadd.s32 v4, v43  }
0x4e0: {  	[tilespmem:s14], [sflag:$0x2] =	stream.indirect_vreg.gather [hbm4b:s2+s1], $0x80, v41, vm0, $0xb8;
	[tilespmem:$0x1E200] =	vst v63  }
0x4e1: {  	s18 =	simm.s32 $0x1900;
	v47 =	vperm.xlane v18, v11;
	v46 =	vadd.s32 v4, v45  }
0x4e2: {  	[tilespmem:s18], [sflag:$0x2] =	stream.indirect_vreg.gather [hbm4b:s2+s1], $0x80, v19, vm0, $0xb8;
	[tilespmem:$0x1E200] =	vst v63  }
0x4e3: {  	v48 =	vperm.xlane v18, v12;
	s23 =	simm.s32 $0x1980;
	v19 =	vadd.s32 v4, v47  }
0x4e4: {  	[tilespmem:s23], [sflag:$0x2] =	stream.indirect_vreg.gather [hbm4b:s2+s1], $0x80, v44, vm0, $0xb8;
	[tilespmem:$0x1E200] =	vst v63  }
0x4e5: {  	v50 =	vperm.xlane v18, v13;
	v49 =	vadd.s32 v4, v48;
	s5 =	simm.s32 $0x1A00  }
0x4e6: {  	[tilespmem:s5], [sflag:$0x2] =	stream.indirect_vreg.gather [hbm4b:s2+s1], $0x80, v46, vm0, $0xb8;
	[tilespmem:$0x1E200] =	vst v63  }
0x4e7: {  	v52 =	vperm.xlane v18, v14;
	v51 =	vadd.s32 v4, v50;
	s6 =	simm.s32 $0x1A80  }
0x4e8: {  	[tilespmem:s6], [sflag:$0x2] =	stream.indirect_vreg.gather [hbm4b:s2+s1], $0x80, v19, vm0, $0xb8;
	[tilespmem:$0x1E200] =	vst v63  }
0x4e9: {  	v53 =	vperm.xlane v18, v15;
	s9 =	simm.s32 $0x1B00;
	v19 =	vadd.s32 v4, v52  }
0x4ea: {  	[tilespmem:s9], [sflag:$0x2] =	stream.indirect_vreg.gather [hbm4b:s2+s1], $0x80, v49, vm0, $0xb8;
	[tilespmem:$0x1E200] =	vst v63  }
0x4eb: {  	v55 =	vperm.xlane v18, v16;
	v54 =	vadd.s32 v4, v53;
	s13 =	simm.s32 $0x1B80  }
0x4ec: {  	[tilespmem:s13], [sflag:$0x2] =	stream.indirect_vreg.gather [hbm4b:s2+s1], $0x80, v51, vm0, $0xb8;
	[tilespmem:$0x1E200] =	vst v63  }
0x4ed: {  	v18 =	vperm.xlane v18, v17;
	v56 =	vadd.s32 v4, v55;
	s14 =	simm.s32 $0x1C00  }
0x4ee: {  	[tilespmem:s14], [sflag:$0x2] =	stream.indirect_vreg.gather [hbm4b:s2+s1], $0x80, v19, vm0, $0xb8;
	[tilespmem:$0x1E200] =	vst v63  }
0x4ef: {  	v18 =	vadd.s32 v4, v18;
	s18 =	simm.s32 $0x1C80  }
0x4f0: {  	[tilespmem:s18], [sflag:$0x2] =	stream.indirect_vreg.gather [hbm4b:s2+s1], $0x80, v54, vm0, $0xb8;
	[tilespmem:$0x1E200] =	vst v63  }
0x4f1: {  	s23 =	simm.s32 $0x1D00  }
0x4f2: {  	[tilespmem:s23], [sflag:$0x2] =	stream.indirect_vreg.gather [hbm4b:s2+s1], $0x80, v56, vm0, $0xb8;
	[tilespmem:$0x1E200] =	vst v63  }
0x4f3: {  	s5 =	simm.s32 $0x1D80  }
0x4f4: {  	[tilespmem:s5], [sflag:$0x2] =	stream.indirect_vreg.gather [hbm4b:s2+s1], $0x80, v18, vm0, $0xb8;
	[tilespmem:$0x1E200] =	vst v63  }
0x4f5: {  	v18 =	vld [tilespmem:$0x230];
	_ =	sdelay $0x4  }
0x4f6: {  	v19 =	vshll.u32 v18, $0x1  }
0x4f7: {  	v18 =	vand.u32 $0x7, v18;
	v19 =	vand.u32 $0xFFFFFFF0, v19  }
0x4f8: {  	v18 =	vor.u32 v18, v19  }
0x4f9: {  	v19 =	vperm.xlane v18, v3;
	_ =	sdelay $0x1  }
0x4fa: {  	v57 =	vperm.xlane v18, v2;
	v19 =	vadd.s32 v4, v19;
	_ =	sdelay $0x1  }
0x4fb: {  	v58 =	vperm.xlane v18, v5;
	v20 =	vadd.s32 v4, v57;
	_ =	sdelay $0x1  }
0x4fc: {  	s6 =	simm.s32 $0x1E00;
	v59 =	vperm.xlane v18, v6;
	v21 =	vadd.s32 v4, v58  }
0x4fd: {  	[tilespmem:s6], [sflag:$0x2] =	stream.indirect_vreg.gather [hbm4b:s2+s1], $0x80, v19, vm0, $0xb8;
	[tilespmem:$0x1E200] =	vst v63  }
0x4fe: {  	s9 =	simm.s32 $0x1E80;
	v60 =	vperm.xlane v18, v7;
	v19 =	vadd.s32 v4, v59  }
0x4ff: {  	[tilespmem:s9], [sflag:$0x2] =	stream.indirect_vreg.gather [hbm4b:s2+s1], $0x80, v20, vm0, $0xb8;
	[tilespmem:$0x1E200] =	vst v63  }
0x500: {  	s13 =	simm.s32 $0x1F00;
	v62 =	vperm.xlane v18, v8;
	v61 =	vadd.s32 v4, v60  }
0x501: {  	[tilespmem:s13], [sflag:$0x2] =	stream.indirect_vreg.gather [hbm4b:s2+s1], $0x80, v21, vm0, $0xb8;
	[tilespmem:$0x1E200] =	vst v63  }
0x502: {  	s14 =	simm.s32 $0x1F80;
	v24 =	vperm.xlane v18, v9;
	v63 =	vadd.s32 v4, v62  }
0x503: {  	[tilespmem:s14], [sflag:$0x2] =	stream.indirect_vreg.gather [hbm4b:s2+s1], $0x80, v19, vm0, $0xb8;
	[tilespmem:$0x1E200] =	vst v63  }
0x504: {  	s18 =	simm.s32 $0x2000;
	v25 =	vperm.xlane v18, v1;
	v19 =	vadd.s32 v4, v24  }
0x505: {  	[tilespmem:s18], [sflag:$0x2] =	stream.indirect_vreg.gather [hbm4b:s2+s1], $0x80, v61, vm0, $0xb8;
	[tilespmem:$0x1E200] =	vst v63  }
0x506: {  	s23 =	simm.s32 $0x2080;
	v27 =	vperm.xlane v18, v10;
	v26 =	vadd.s32 v4, v25  }
0x507: {  	[tilespmem:s23], [sflag:$0x2] =	stream.indirect_vreg.gather [hbm4b:s2+s1], $0x80, v63, vm0, $0xb8;
	[tilespmem:$0x1E200] =	vst v63  }
0x508: {  	s5 =	simm.s32 $0x2100;
	v29 =	vperm.xlane v18, v11;
	v28 =	vadd.s32 v4, v27  }
0x509: {  	[tilespmem:s5], [sflag:$0x2] =	stream.indirect_vreg.gather [hbm4b:s2+s1], $0x80, v19, vm0, $0xb8;
	[tilespmem:$0x1E200] =	vst v63  }
0x50a: {  	v30 =	vperm.xlane v18, v12;
	s6 =	simm.s32 $0x2180;
	v19 =	vadd.s32 v4, v29  }
0x50b: {  	[tilespmem:s6], [sflag:$0x2] =	stream.indirect_vreg.gather [hbm4b:s2+s1], $0x80, v26, vm0, $0xb8;
	[tilespmem:$0x1E200] =	vst v63  }
0x50c: {  	v32 =	vperm.xlane v18, v13;
	v31 =	vadd.s32 v4, v30;
	s9 =	simm.s32 $0x2200  }
0x50d: {  	[tilespmem:s9], [sflag:$0x2] =	stream.indirect_vreg.gather [hbm4b:s2+s1], $0x80, v28, vm0, $0xb8;
	[tilespmem:$0x1E200] =	vst v63  }
0x50e: {  	v34 =	vperm.xlane v18, v14;
	v33 =	vadd.s32 v4, v32;
	s13 =	simm.s32 $0x2280  }
0x50f: {  	[tilespmem:s13], [sflag:$0x2] =	stream.indirect_vreg.gather [hbm4b:s2+s1], $0x80, v19, vm0, $0xb8;
	[tilespmem:$0x1E200] =	vst v63  }
0x510: {  	v35 =	vperm.xlane v18, v15;
	s14 =	simm.s32 $0x2300;
	v19 =	vadd.s32 v4, v34  }
0x511: {  	[tilespmem:s14], [sflag:$0x2] =	stream.indirect_vreg.gather [hbm4b:s2+s1], $0x80, v31, vm0, $0xb8;
	[tilespmem:$0x1E200] =	vst v63  }
0x512: {  	v37 =	vperm.xlane v18, v16;
	v36 =	vadd.s32 v4, v35;
	s18 =	simm.s32 $0x2380  }
0x513: {  	[tilespmem:s18], [sflag:$0x2] =	stream.indirect_vreg.gather [hbm4b:s2+s1], $0x80, v33, vm0, $0xb8;
	[tilespmem:$0x1E200] =	vst v63  }
0x514: {  	v18 =	vperm.xlane v18, v17;
	v38 =	vadd.s32 v4, v37;
	s23 =	simm.s32 $0x2400  }
0x515: {  	[tilespmem:s23], [sflag:$0x2] =	stream.indirect_vreg.gather [hbm4b:s2+s1], $0x80, v19, vm0, $0xb8;
	[tilespmem:$0x1E200] =	vst v63  }
0x516: {  	v18 =	vadd.s32 v4, v18;
	s5 =	simm.s32 $0x2480  }
0x517: {  	[tilespmem:s5], [sflag:$0x2] =	stream.indirect_vreg.gather [hbm4b:s2+s1], $0x80, v36, vm0, $0xb8;
	[tilespmem:$0x1E200] =	vst v63  }
0x518: {  	s6 =	simm.s32 $0x2500  }
0x519: {  	[tilespmem:s6], [sflag:$0x2] =	stream.indirect_vreg.gather [hbm4b:s2+s1], $0x80, v38, vm0, $0xb8;
	[tilespmem:$0x1E200] =	vst v63  }
0x51a: {  	s9 =	simm.s32 $0x2580  }
0x51b: {  	[tilespmem:s9], [sflag:$0x2] =	stream.indirect_vreg.gather [hbm4b:s2+s1], $0x80, v18, vm0, $0xb8;
	[tilespmem:$0x1E200] =	vst v63  }
0x51c: {  	v18 =	vld [tilespmem:$0x240];
	_ =	sdelay $0x4  }
0x51d: {  	v19 =	vshll.u32 v18, $0x1  }
0x51e: {  	v18 =	vand.u32 $0x7, v18;
	v19 =	vand.u32 $0xFFFFFFF0, v19  }
0x51f: {  	v18 =	vor.u32 v18, v19  }
0x520: {  	v19 =	vperm.xlane v18, v3;
	_ =	sdelay $0x1  }
0x521: {  	v39 =	vperm.xlane v18, v2;
	v19 =	vadd.s32 v4, v19;
	_ =	sdelay $0x1  }
0x522: {  	v40 =	vperm.xlane v18, v5;
	v20 =	vadd.s32 v4, v39;
	_ =	sdelay $0x1  }
0x523: {  	s13 =	simm.s32 $0x2600;
	v41 =	vperm.xlane v18, v6;
	v21 =	vadd.s32 v4, v40  }
0x524: {  	[tilespmem:s13], [sflag:$0x2] =	stream.indirect_vreg.gather [hbm4b:s2+s1], $0x80, v19, vm0, $0xb8;
	[tilespmem:$0x1E200] =	vst v63  }
0x525: {  	s14 =	simm.s32 $0x2680;
	v42 =	vperm.xlane v18, v7;
	v19 =	vadd.s32 v4, v41  }
0x526: {  	[tilespmem:s14], [sflag:$0x2] =	stream.indirect_vreg.gather [hbm4b:s2+s1], $0x80, v20, vm0, $0xb8;
	[tilespmem:$0x1E200] =	vst v63  }
0x527: {  	s18 =	simm.s32 $0x2700;
	v44 =	vperm.xlane v18, v8;
	v43 =	vadd.s32 v4, v42  }
0x528: {  	[tilespmem:s18], [sflag:$0x2] =	stream.indirect_vreg.gather [hbm4b:s2+s1], $0x80, v21, vm0, $0xb8;
	[tilespmem:$0x1E200] =	vst v63  }
0x529: {  	s23 =	simm.s32 $0x2780;
	v46 =	vperm.xlane v18, v9;
	v45 =	vadd.s32 v4, v44  }
0x52a: {  	[tilespmem:s23], [sflag:$0x2] =	stream.indirect_vreg.gather [hbm4b:s2+s1], $0x80, v19, vm0, $0xb8;
	[tilespmem:$0x1E200] =	vst v63  }
0x52b: {  	s5 =	simm.s32 $0x2800;
	v47 =	vperm.xlane v18, v1;
	v19 =	vadd.s32 v4, v46  }
0x52c: {  	[tilespmem:s5], [sflag:$0x2] =	stream.indirect_vreg.gather [hbm4b:s2+s1], $0x80, v43, vm0, $0xb8;
	[tilespmem:$0x1E200] =	vst v63  }
0x52d: {  	s6 =	simm.s32 $0x2880;
	v49 =	vperm.xlane v18, v10;
	v48 =	vadd.s32 v4, v47  }
0x52e: {  	[tilespmem:s6], [sflag:$0x2] =	stream.indirect_vreg.gather [hbm4b:s2+s1], $0x80, v45, vm0, $0xb8;
	[tilespmem:$0x1E200] =	vst v63  }
0x52f: {  	s9 =	simm.s32 $0x2900;
	v51 =	vperm.xlane v18, v11;
	v50 =	vadd.s32 v4, v49  }
0x530: {  	[tilespmem:s9], [sflag:$0x2] =	stream.indirect_vreg.gather [hbm4b:s2+s1], $0x80, v19, vm0, $0xb8;
	[tilespmem:$0x1E200] =	vst v63  }
0x531: {  	v52 =	vperm.xlane v18, v12;
	s13 =	simm.s32 $0x2980;
	v19 =	vadd.s32 v4, v51  }
0x532: {  	[tilespmem:s13], [sflag:$0x2] =	stream.indirect_vreg.gather [hbm4b:s2+s1], $0x80, v48, vm0, $0xb8;
	[tilespmem:$0x1E200] =	vst v63  }
0x533: {  	v54 =	vperm.xlane v18, v13;
	v53 =	vadd.s32 v4, v52;
	s14 =	simm.s32 $0x2A00  }
0x534: {  	[tilespmem:s14], [sflag:$0x2] =	stream.indirect_vreg.gather [hbm4b:s2+s1], $0x80, v50, vm0, $0xb8;
	[tilespmem:$0x1E200] =	vst v63  }
0x535: {  	v56 =	vperm.xlane v18, v14;
	v55 =	vadd.s32 v4, v54;
	s18 =	simm.s32 $0x2A80  }
0x536: {  	[tilespmem:s18], [sflag:$0x2] =	stream.indirect_vreg.gather [hbm4b:s2+s1], $0x80, v19, vm0, $0xb8;
	[tilespmem:$0x1E200] =	vst v63  }
0x537: {  	v57 =	vperm.xlane v18, v15;
	s23 =	simm.s32 $0x2B00;
	v19 =	vadd.s32 v4, v56  }
0x538: {  	[tilespmem:s23], [sflag:$0x2] =	stream.indirect_vreg.gather [hbm4b:s2+s1], $0x80, v53, vm0, $0xb8;
	[tilespmem:$0x1E200] =	vst v63  }
0x539: {  	v59 =	vperm.xlane v18, v16;
	v58 =	vadd.s32 v4, v57;
	s5 =	simm.s32 $0x2B80  }
0x53a: {  	[tilespmem:s5], [sflag:$0x2] =	stream.indirect_vreg.gather [hbm4b:s2+s1], $0x80, v55, vm0, $0xb8;
	[tilespmem:$0x1E200] =	vst v63  }
0x53b: {  	v18 =	vperm.xlane v18, v17;
	v60 =	vadd.s32 v4, v59;
	s6 =	simm.s32 $0x2C00  }
0x53c: {  	[tilespmem:s6], [sflag:$0x2] =	stream.indirect_vreg.gather [hbm4b:s2+s1], $0x80, v19, vm0, $0xb8;
	[tilespmem:$0x1E200] =	vst v63  }
0x53d: {  	v18 =	vadd.s32 v4, v18;
	s9 =	simm.s32 $0x2C80  }
0x53e: {  	[tilespmem:s9], [sflag:$0x2] =	stream.indirect_vreg.gather [hbm4b:s2+s1], $0x80, v58, vm0, $0xb8;
	[tilespmem:$0x1E200] =	vst v63  }
0x53f: {  	s13 =	simm.s32 $0x2D00  }
0x540: {  	[tilespmem:s13], [sflag:$0x2] =	stream.indirect_vreg.gather [hbm4b:s2+s1], $0x80, v60, vm0, $0xb8;
	[tilespmem:$0x1E200] =	vst v63  }
0x541: {  	s14 =	simm.s32 $0x2D80  }
0x542: {  	[tilespmem:s14], [sflag:$0x2] =	stream.indirect_vreg.gather [hbm4b:s2+s1], $0x80, v18, vm0, $0xb8;
	[tilespmem:$0x1E200] =	vst v63  }
0x543: {  	_ =	swait.ge [sflag:s21], $0x2800  }
0x544: {  	[sflag:s21] =	ssyncset.done $0x0  }
0x545: {  	s18 =	simm.s32 $0x580;
	[sflag:s21] =	ssyncadd.s32 $0xFFFFD800  }
0x546: {  	[spmem:s15] =	stream.indirect.scatter.add.f32 [tilespmem:s20], [sflag:$0x9], $0x80, s18, s24, $0xb8;
	[tilespmem:$0x1E200] =	vst v63  }
0x547: {  	_ =	swait.ge [sflag:s17], $0x2800  }
0x548: {  	[sflag:s17] =	ssyncset.done $0x0  }
0x549: {  	[sflag:s17] =	ssyncadd.s32 $0xFFFFD800  }
0x54a: {  	v18 =	vld [tilespmem:$0x100]  }
0x54b: {  	v19 =	vld [tilespmem:$0x110]  }
0x54c: {  	v61 =	vld [tilespmem:$0x120]  }
0x54d: {  	v62 =	vld [tilespmem:$0x130]  }
0x54e: {  	v63 =	vld [tilespmem:$0x140]  }
0x54f: {  	[tilespmem:$0x480] =	vst v18  }
0x550: {  	[tilespmem:$0x490] =	vst v19  }
0x551: {  	[tilespmem:$0x4A0] =	vst v61  }
0x552: {  	[tilespmem:$0x4B0] =	vst v62  }
0x553: {  	s6 =	rddreg [dreg:$0x1a];
	[tilespmem:$0x4C0] =	vst v63  }
0x554: {  	[tilespmem:s19], [sflag:$0x3] =	stream.strided.gather [hbm4b:s6+s10], $0x2800, s28, s10, $0x38;
	[tilespmem:$0x1E200] =	vst v63  }
0x555: {  	_ =	swait.ge [sflag:s12], $0x2800  }
0x556: {  	[sflag:s12] =	ssyncset.done $0x0  }
0x557: {  	[sflag:s12] =	ssyncadd.s32 $0xFFFFD800  }
0x558: {  	[spmem:s15] =	stream.indirect.scatter.add.f32 [tilespmem:s29], [sflag:$0x6], $0x80, s10, s24, $0xb8;
	[tilespmem:$0x1E200] =	vst v63  }
0x559: {  	_ =	swait.ge [sflag:s3], $0x2800  }
0x55a: {  	[sflag:s3] =	ssyncset.done $0x0  }
0x55b: {  	s23 =	simm.s32 $0x480;
	[sflag:s3] =	ssyncadd.s32 $0xFFFFD800  }
0x55c: {  	[spmem:s15] =	stream.indirect.scatter.add.f32 [tilespmem:s19], [sflag:$0x7], $0x80, s23, s24, $0xb8;
	[tilespmem:$0x1E200] =	vst v63  }
0x55d: {  	_ =	swait.ge [sflag:s8], $0x2800  }
0x55e: {  	[sflag:s8] =	ssyncset.done $0x0  }
0x55f: {  	[sflag:s8] =	ssyncadd.s32 $0xFFFFD800  }
0x560: {  	_ =	swait.ge [sflag:s22], $0x2800  }
0x561: {  	[sflag:s22] =	ssyncset.done $0x0  }
0x562: {  	[sflag:s22] =	ssyncadd.s32 $0xFFFFD800  }
0x563: {  	_ =	swait.ge [sflag:s26], $0x2800  }
0x564: {  	[sflag:s26] =	ssyncset.done $0x0  }
0x565: {  	[sflag:s26] =	ssyncadd.s32 $0xFFFFD800  }
0x566: {  	_ =	swait.ge [sflag:s17], $0x2800  }
0x567: {  	[sflag:s17] =	ssyncset.done $0x0  }
0x568: {  	[sflag:s17] =	ssyncadd.s32 $0xFFFFD800  }
0x569: {  	[bflag:$0x0] =	sbarrier.arrive $0xFFFF  }
.Ltmp4:
0x56a: {  	s5 =	simm.s32 $0xC;
	s14 =	rddreg [dreg:$0x10];
	(pc) =	sbr.rel @p0 .LBB2_7-.Ltmp4, $4  }
0x56b: {  	[tilespmem:s29], [sflag:$0xC] =	stream.linear.gather [spmem:s14], $0x2800, $0x38;
	[tilespmem:$0x1E200] =	vst v63  }
0x56c: {  	_ =	swait.ge [sflag:s5], $0x2800  }
0x56d: {  	[sflag:s5] =	ssyncset.done $0x0  }
0x56e: {  	s4 =	simm.s32 $0x600;
	s19 =	simm.s32 $0x2E00;
	[sflag:s5] =	ssyncadd.s32 $0xFFFFD800  }
0x56f: {  	s7 =	rddreg [dreg:$0x6]  }
0x570: {  	[hbm4b:s7+s10] =	stream.strided.scatter [tilespmem:s4], [sflag:$0x2], $0x2800, s28, s10, $0x38;
	[tilespmem:$0x1E200] =	vst v63  }
0x571: {  	s23 =	rddreg [dreg:$0x11]  }
0x572: {  	[tilespmem:s19], [sflag:$0xC] =	stream.linear.gather [spmem:s23], $0x2800, $0x38;
	[tilespmem:$0x1E200] =	vst v63  }
0x573: {  	_ =	swait.ge [sflag:s5], $0x2800  }
0x574: {  	[sflag:s5] =	ssyncset.done $0x0  }
0x575: {  	s9 =	rddreg [dreg:$0x7];
	[sflag:s5] =	ssyncadd.s32 $0xFFFFD800  }
0x576: {  	[hbm4b:s9+s10] =	stream.strided.scatter [tilespmem:s19], [sflag:$0x3], $0x2800, s28, s10, $0x38;
	[tilespmem:$0x1E200] =	vst v63  }
0x577: {  	_ =	swait.ge [sflag:s12], $0x2800  }
0x578: {  	[sflag:s12] =	ssyncset.done $0x0  }
0x579: {  	s6 =	rddreg [dreg:$0x12];
	[sflag:s12] =	ssyncadd.s32 $0xFFFFD800  }
0x57a: {  	[tilespmem:s4], [sflag:$0xC] =	stream.linear.gather [spmem:s6], $0x2800, $0x38;
	[tilespmem:$0x1E200] =	vst v63  }
0x57b: {  	_ =	swait.ge [sflag:s5], $0x2800  }
0x57c: {  	[sflag:s5] =	ssyncset.done $0x0  }
0x57d: {  	s13 =	rddreg [dreg:$0x8];
	[sflag:s5] =	ssyncadd.s32 $0xFFFFD800  }
0x57e: {  	[hbm4b:s13+s10] =	stream.strided.scatter [tilespmem:s4], [sflag:$0x2], $0x2800, s28, s10, $0x38;
	[tilespmem:$0x1E200] =	vst v63  }
0x57f: {  	_ =	swait.ge [sflag:s3], $0x2800  }
0x580: {  	[sflag:s3] =	ssyncset.done $0x0  }
0x581: {  	s18 =	rddreg [dreg:$0x13];
	[sflag:s3] =	ssyncadd.s32 $0xFFFFD800  }
0x582: {  	[tilespmem:s19], [sflag:$0xC] =	stream.linear.gather [spmem:s18], $0x2800, $0x38;
	[tilespmem:$0x1E200] =	vst v63  }
0x583: {  	_ =	swait.ge [sflag:s5], $0x2800  }
0x584: {  	[sflag:s5] =	ssyncset.done $0x0  }
0x585: {  	s6 =	rddreg [dreg:$0x9];
	[sflag:s5] =	ssyncadd.s32 $0xFFFFD800  }
0x586: {  	[hbm4b:s6+s10] =	stream.strided.scatter [tilespmem:s19], [sflag:$0x3], $0x2800, s28, s10, $0x38;
	[tilespmem:$0x1E200] =	vst v63  }
0x587: {  	_ =	swait.ge [sflag:s12], $0x2800  }
0x588: {  	[sflag:s12] =	ssyncset.done $0x0  }
0x589: {  	s9 =	rddreg [dreg:$0x14];
	[sflag:s12] =	ssyncadd.s32 $0xFFFFD800  }
0x58a: {  	[tilespmem:s4], [sflag:$0xC] =	stream.linear.gather [spmem:s9], $0x2800, $0x38;
	[tilespmem:$0x1E200] =	vst v63  }
0x58b: {  	_ =	swait.ge [sflag:s5], $0x2800  }
0x58c: {  	[sflag:s5] =	ssyncset.done $0x0  }
0x58d: {  	s13 =	rddreg [dreg:$0xa];
	[sflag:s5] =	ssyncadd.s32 $0xFFFFD800  }
0x58e: {  	[hbm4b:s13+s10] =	stream.strided.scatter [tilespmem:s4], [sflag:$0x2], $0x2800, s28, s10, $0x38;
	[tilespmem:$0x1E200] =	vst v63  }
0x58f: {  	_ =	swait.ge [sflag:s3], $0x2800  }
0x590: {  	[sflag:s3] =	ssyncset.done $0x0  }
0x591: {  	s18 =	rddreg [dreg:$0x15];
	[sflag:s3] =	ssyncadd.s32 $0xFFFFD800  }
0x592: {  	[tilespmem:s19], [sflag:$0xC] =	stream.linear.gather [spmem:s18], $0x2800, $0x38;
	[tilespmem:$0x1E200] =	vst v63  }
0x593: {  	_ =	swait.ge [sflag:s5], $0x2800  }
0x594: {  	[sflag:s5] =	ssyncset.done $0x0  }
0x595: {  	s6 =	rddreg [dreg:$0xb];
	[sflag:s5] =	ssyncadd.s32 $0xFFFFD800  }
0x596: {  	[hbm4b:s6+s10] =	stream.strided.scatter [tilespmem:s19], [sflag:$0x3], $0x2800, s28, s10, $0x38;
	[tilespmem:$0x1E200] =	vst v63  }
0x597: {  	_ =	swait.ge [sflag:s12], $0x2800  }
0x598: {  	[sflag:s12] =	ssyncset.done $0x0  }
0x599: {  	s7 =	rddreg [dreg:$0x16];
	[sflag:s12] =	ssyncadd.s32 $0xFFFFD800  }
0x59a: {  	[tilespmem:s4], [sflag:$0xC] =	stream.linear.gather [spmem:s7], $0x2800, $0x38;
	[tilespmem:$0x1E200] =	vst v63  }
0x59b: {  	_ =	swait.ge [sflag:s5], $0x2800  }
0x59c: {  	[sflag:s5] =	ssyncset.done $0x0  }
0x59d: {  	s9 =	rddreg [dreg:$0xc];
	[sflag:s5] =	ssyncadd.s32 $0xFFFFD800  }
0x59e: {  	[hbm4b:s9+s10] =	stream.strided.scatter [tilespmem:s4], [sflag:$0x2], $0x2800, s28, s10, $0x38;
	[tilespmem:$0x1E200] =	vst v63  }
0x59f: {  	_ =	swait.ge [sflag:s3], $0x2800  }
0x5a0: {  	[sflag:s3] =	ssyncset.done $0x0  }
0x5a1: {  	s13 =	rddreg [dreg:$0x17];
	[sflag:s3] =	ssyncadd.s32 $0xFFFFD800  }
0x5a2: {  	[tilespmem:s19], [sflag:$0xC] =	stream.linear.gather [spmem:s13], $0x2400, $0x38;
	[tilespmem:$0x1E200] =	vst v63  }
0x5a3: {  	_ =	swait.ge [sflag:s5], $0x2400  }
0x5a4: {  	[sflag:s5] =	ssyncset.done $0x0  }
0x5a5: {  	s18 =	rddreg [dreg:$0xd];
	[sflag:s5] =	ssyncadd.s32 $0xFFFFDC00  }
0x5a6: {  	[hbm4b:s18+s10] =	stream.strided.scatter [tilespmem:s19], [sflag:$0x3], $0x2400, s28, s10, $0x38;
	[tilespmem:$0x1E200] =	vst v63  }
0x5a7: {  	_ =	swait.ge [sflag:s12], $0x2800  }
.Ltmp5:
0x5a8: {  	[sflag:s12] =	ssyncset.done $0x0;
	(pc) =	sbr.rel .LBB2_8-.Ltmp5, $4  }
0x5a9: {  	[sflag:s12] =	ssyncadd.s32 $0xFFFFD800  }
0x5aa: {  	_ =	swait.ge [sflag:s3], $0x2400  }
0x5ab: {  	s7 =	simm.s32 $0x100;
	[sflag:s3] =	ssyncset.done $0x0  }
0x5ac: {  	s5 =	simm.s32 $0x5600;
	s9 =	sld [smem:$0x7F2];
	[sflag:s3] =	ssyncadd.s32 $0xFFFFDC00  }
.LBB2_9:
0x5ad: {  	_ =	sfence.sel $0x180000  }
0x5ae: {  	[bflag:$0x0] =	sbarrier.arrive $0xFFFF  }
0x5af: {  	_ =	strace $0x90000047  }
0x5b0: {  	s0 =	stileid.u32;
	[bflag:$0x2] =	sbarrier.arrive $0xFFFF  }
0x5b1: {  	p0 =	sne.s32 s0, $0x0;
	s0 =	rddreg [dreg:$0x5]  }
0x5b2: {  	s0 =	sadd.s32 @!p0 $0x100000, s0  }
0x5b3: {  	[sflag:s0] =	ssyncadd.tile.s32 @!p0 $0x1;
	_ =	shalt  }
.Lfunc_end2:
_tile_overlayer_lowered:
.L_overlay_start_2:
0x5b4: {  	(tag) =	ssettag $0x2  }
0x5b5: {  	s0 =	rddreg [dreg:$0x0];
	s2 =	stileid.u32  }
0x5b6: {  	s1 =	rddreg [dreg:$0x1];
	p0 =	sne.s32 s2, $0x0  }
0x5b7: {  	s3 =	rddreg [dreg:$0x2];
	[bflag:$0x3] =	sbarrier.arrive $0xFFFF;
	s2 =	simm.s32 @!p0 $0x1C0C  }
0x5b8: {  	[timem:s3], [sflag:s2] =	dma.local @!p0 [hbm:s0], s1  }
0x5b9: {  	s0 =	simm.s32 @!p0 $0xC  }
0x5ba: {  	_ =	swait.ge @!p0 [sflag:s0], s1  }
0x5bb: {  	s1 =	ssub.s32 @!p0 $0x0, s1;
	[sflag:s0] =	ssyncset.done @!p0 $0x0  }
0x5bc: {  	[sflag:s0] =	ssyncadd.s32 @!p0 s1  }
0x5bd: {  	[bflag:$0x3] =	sbarrier.arrive $0xFFFF  }
0x5be: {  	_ =	shalt  }

</sc_bundles>
